<compile_context>
chip_gen: v7x
topology: tpu7x:2x2x1
jax: 0.10.2.dev20260603
libtpu: 0.0.44.dev20260713+nightly
codegen_flags: <defaults>
</compile_context>

<pallas_src>
import functools

import jax
import jax.numpy as jnp
from jax import lax
from jax.experimental import pallas as pl
from jax.experimental.pallas import tpu as pltpu
from jax.experimental.pallas import tpu_sc as plsc

NUM_CLASSES = 1000000
FEAT_DIM = 32
BATCH = 16384

NC = 2
NS = 16
NW = NC * NS
B_PER_W = BATCH // NW
RING = 16
N_GROUPS = B_PER_W // RING

_mesh = plsc.VectorSubcoreMesh(core_axis_name="c", subcore_axis_name="s")


@functools.partial(
    pl.kernel,
    mesh=_mesh,
    compiler_params=pltpu.CompilerParams(needs_layout_passes=False),
    out_type=jax.ShapeDtypeStruct((NW, 8, 128), jnp.float32),
    scratch_types=[
        pltpu.VMEM((4, 128), jnp.int32),
        pltpu.VMEM((FEAT_DIM, B_PER_W), jnp.float32),
        pltpu.VMEM((RING, FEAT_DIM, 128), jnp.float32),
        pltpu.VMEM((8, 128), jnp.float32),
        [pltpu.SemaphoreType.DMA] * RING,
    ],
)
def _center_loss_kernel(xt_hbm, labels_hbm, ct_hbm, out_hbm,
                        idx_v, x_v, blk_v, acc_v, sems):
    wid = lax.axis_index("s") * NC + lax.axis_index("c")
    base = pl.multiple_of(wid * B_PER_W, 128)

    pltpu.sync_copy(labels_hbm.at[wid], idx_v)
    pltpu.sync_copy(xt_hbm.at[:, pl.ds(base, B_PER_W)], x_v)

    iota16 = lax.iota(jnp.int32, 16)
    f_lo = iota16
    f_hi = iota16 + 16
    zeros16 = jnp.zeros((16,), jnp.float32)

    def group_labels(g):
        return idx_v[g // 8, pl.ds((g % 8) * 16, 16)]

    def fire(tv, k):
        t = pl.multiple_of((tv[k] >> 7) << 7, 128)
        for i in range(4):
            pltpu.async_copy(ct_hbm.at[pl.ds(i * 8, 8), pl.ds(t, 128)],
                             blk_v.at[k, pl.ds(i * 8, 8)], sems[k])

    lv0 = group_labels(0)
    for k in range(RING):
        fire(lv0, k)

    def group(g, carry):
        acc, lv = carry
        rem = lax.rem(lv, 128)
        lv_next = group_labels(jnp.minimum(g + 1, N_GROUPS - 1))
        for k in range(RING):
            for i in range(4):
                pltpu.make_async_copy(
                    ct_hbm.at[pl.ds(0, 8), pl.ds(0, 128)],
                    blk_v.at[k, pl.ds(0, 8)], sems[k]).wait()
            lane16 = jnp.full((16,), rem[k], jnp.int32)
            k16 = jnp.full((16,), k, jnp.int32)
            i16 = jnp.full((16,), g * RING + k, jnp.int32)
            c_lo = plsc.load_gather(blk_v, [k16, f_lo, lane16])
            c_hi = plsc.load_gather(blk_v, [k16, f_hi, lane16])
            x_lo = plsc.load_gather(x_v, [f_lo, i16])
            x_hi = plsc.load_gather(x_v, [f_hi, i16])
            d_lo = x_lo - c_lo
            d_hi = x_hi - c_hi
            acc = acc + d_lo * d_lo + d_hi * d_hi

            @pl.when(g < N_GROUPS - 1)
            def _():
                fire(lv_next, k)
        return acc, lv_next

    acc, _ = lax.fori_loop(
        0, N_GROUPS, group, (jnp.zeros((16,), jnp.float32), lv0))

    for r in range(8):
        for c in range(0, 128, 16):
            if r == 0 and c == 0:
                continue
            acc_v[r, pl.ds(c, 16)] = zeros16
    acc_v[0, pl.ds(0, 16)] = acc
    pltpu.sync_copy(acc_v, out_hbm.at[wid])


def kernel(x, labels, centers):
    labels3 = labels.astype(jnp.int32).reshape(NW, 4, 128)
    partials = _center_loss_kernel(x.T, labels3, centers.T)
    return jnp.sum(partials)

# --- scband reference (transcript-rebuilt; emitter-appended) ---
"""Pipeline reference for scband-center-loss-7507602833890 (READ-ONLY COPY).

The authoritative reference and input builder live on the scoring server;
editing this copy changes nothing except your own understanding.
"""

import jax, jax.numpy as jnp
import numpy as np

NUM_CLASSES = 1000000
FEAT_DIM = 32
BATCH = 16384

def setup_inputs(seed: int = 0) -> dict:
    key = jax.random.key(seed)
    k_x, k_lab, k_c = jax.random.split(key, 3)
    x = jax.random.normal(k_x, (BATCH, FEAT_DIM), dtype=jnp.float32)
    labels = jax.random.randint(k_lab, (BATCH,), 0, NUM_CLASSES, dtype=jnp.int64)
    centers = jax.random.normal(k_c, (NUM_CLASSES, FEAT_DIM), dtype=jnp.float32)
    return {"x": x, "labels": labels, "centers": centers}

def reference(x, labels, centers):
    # centers_batch = self.centers[labels]  (gather)
    centers_batch = jnp.take(centers, labels, axis=0)
    # F.mse_loss(x, centers_batch, reduction='none') -> elementwise squared error
    loss = (x - centers_batch) ** 2
    # reduction == 'sum'
    return loss.sum()

if __name__ == "__main__":
    import jax
    _d = setup_inputs()
    print(jax.jit(kernel)(*tuple(_d.values())))

</pallas_src>

<mosaic_0001>
#map = affine_map<(d0, d1) -> (0, 0)>
#map1 = affine_map<(d0, d1) -> (0, 0, 0)>
module attributes {stable_mosaic.version = 14 : i64} {
  func.func @_center_loss_kernel(%arg0: i32, %arg1: i32, %arg2: memref<32x16384xf32, #tpu.memory_space<hbm>>, %arg3: memref<32x4x128xi32, #tpu.memory_space<hbm>>, %arg4: memref<32x1000000xf32, #tpu.memory_space<hbm>>, %arg5: memref<32x8x128xf32, #tpu.memory_space<hbm>>, %arg6: memref<4x128xi32, #tpu.memory_space<vmem>>, %arg7: memref<32x512xf32, #tpu.memory_space<vmem>>, %arg8: memref<16x32x128xf32, #tpu.memory_space<vmem>>, %arg9: memref<8x128xf32, #tpu.memory_space<vmem>>, %arg10: memref<!tpu.dma_semaphore, #tpu.memory_space<semaphore_mem>>, %arg11: memref<!tpu.dma_semaphore, #tpu.memory_space<semaphore_mem>>, %arg12: memref<!tpu.dma_semaphore, #tpu.memory_space<semaphore_mem>>, %arg13: memref<!tpu.dma_semaphore, #tpu.memory_space<semaphore_mem>>, %arg14: memref<!tpu.dma_semaphore, #tpu.memory_space<semaphore_mem>>, %arg15: memref<!tpu.dma_semaphore, #tpu.memory_space<semaphore_mem>>, %arg16: memref<!tpu.dma_semaphore, #tpu.memory_space<semaphore_mem>>, %arg17: memref<!tpu.dma_semaphore, #tpu.memory_space<semaphore_mem>>, %arg18: memref<!tpu.dma_semaphore, #tpu.memory_space<semaphore_mem>>, %arg19: memref<!tpu.dma_semaphore, #tpu.memory_space<semaphore_mem>>, %arg20: memref<!tpu.dma_semaphore, #tpu.memory_space<semaphore_mem>>, %arg21: memref<!tpu.dma_semaphore, #tpu.memory_space<semaphore_mem>>, %arg22: memref<!tpu.dma_semaphore, #tpu.memory_space<semaphore_mem>>, %arg23: memref<!tpu.dma_semaphore, #tpu.memory_space<semaphore_mem>>, %arg24: memref<!tpu.dma_semaphore, #tpu.memory_space<semaphore_mem>>, %arg25: memref<!tpu.dma_semaphore, #tpu.memory_space<semaphore_mem>>) attributes {dimension_semantics = [#tpu.dimension_semantics<core_parallel>, #tpu.dimension_semantics<subcore_parallel>], iteration_bounds = array<i64: 2, 16>, scalar_prefetch = 0 : i64, scratch_operands = 20 : i64, tpu.core_type = #tpu.core_type<sc_vector_subcore>, window_params = [{transform_indices = #map}, {transform_indices = #map1}, {transform_indices = #map}, {transform_indices = #map1}]} {
    %mul3A = arith.constant 2 : i32
    %mul3A_0 = arith.muli %arg1, %mul3A : i32
    %add3A = arith.addi %mul3A_0, %arg0 : i32
    %mul3A_1 = arith.constant 512 : i32
    %mul3A_2 = arith.muli %add3A, %mul3A_1 : i32
    %multiple_of3A = tpu.assume_multiple %mul3A_2, 128 : i32
    "tpu.region"() ({
      %run_scoped3A = tpu.sem_alloc : memref<!tpu.dma_semaphore, #tpu.memory_space<semaphore_mem>>
      %dma_start3A_1211 = arith.constant 0 : i32
      %dma_start3A_1212 = arith.constant 0 : i32
      %dma_start3A_1213 = tpu.memref_slice %arg3[%add3A, %dma_start3A_1211, %dma_start3A_1212] : memref<32x4x128xi32, #tpu.memory_space<hbm>> -> memref<1x4x128xi32, #tpu.memory_space<hbm>>
      %dma_start3A_1214 = tpu.memref_squeeze %dma_start3A_1213 : memref<1x4x128xi32, #tpu.memory_space<hbm>> -> memref<4x128xi32, #tpu.memory_space<hbm>>
      %dma_start3A_1215 = arith.constant 0 : i32
      %dma_start3A_1216 = arith.constant 0 : i32
      %dma_start3A_1217 = tpu.memref_slice %arg3[%add3A, %dma_start3A_1215, %dma_start3A_1216] : memref<32x4x128xi32, #tpu.memory_space<hbm>> -> memref<1x4x128xi32, #tpu.memory_space<hbm>>
      %dma_start3A_1218 = tpu.memref_squeeze %dma_start3A_1217 : memref<1x4x128xi32, #tpu.memory_space<hbm>> -> memref<4x128xi32, #tpu.memory_space<hbm>>
      tpu.enqueue_dma source(%dma_start3A_1218 : memref<4x128xi32, #tpu.memory_space<hbm>>) target(%arg6 : memref<4x128xi32, #tpu.memory_space<vmem>>) target_semaphore(%run_scoped3A : memref<!tpu.dma_semaphore, #tpu.memory_space<semaphore_mem>>)
      %dma_wait3A = arith.constant 0 : i32
      %dma_wait3A_1219 = arith.constant 0 : i32
      %dma_wait3A_1220 = tpu.memref_slice %arg3[%add3A, %dma_wait3A, %dma_wait3A_1219] : memref<32x4x128xi32, #tpu.memory_space<hbm>> -> memref<1x4x128xi32, #tpu.memory_space<hbm>>
      %dma_wait3A_1221 = tpu.memref_squeeze %dma_wait3A_1220 : memref<1x4x128xi32, #tpu.memory_space<hbm>> -> memref<4x128xi32, #tpu.memory_space<hbm>>
      %dma_wait3A_1222 = arith.constant 0 : i32
      %dma_wait3A_1223 = arith.constant 0 : i32
      %dma_wait3A_1224 = tpu.memref_slice %arg3[%add3A, %dma_wait3A_1222, %dma_wait3A_1223] : memref<32x4x128xi32, #tpu.memory_space<hbm>> -> memref<1x4x128xi32, #tpu.memory_space<hbm>>
      %dma_wait3A_1225 = tpu.memref_squeeze %dma_wait3A_1224 : memref<1x4x128xi32, #tpu.memory_space<hbm>> -> memref<4x128xi32, #tpu.memory_space<hbm>>
      tpu.wait_dma2 semaphore(%run_scoped3A : memref<!tpu.dma_semaphore, #tpu.memory_space<semaphore_mem>>) src(%dma_wait3A_1225 : memref<4x128xi32, #tpu.memory_space<hbm>>) dst(%arg6 : memref<4x128xi32, #tpu.memory_space<vmem>>)
      tpu.yield
    }) : () -> ()
    "tpu.region"() ({
      %run_scoped3A = tpu.sem_alloc : memref<!tpu.dma_semaphore, #tpu.memory_space<semaphore_mem>>
      %dma_start3A_1211 = arith.constant 0 : i32
      %dma_start3A_1212 = tpu.memref_slice %arg2[%dma_start3A_1211, %multiple_of3A] : memref<32x16384xf32, #tpu.memory_space<hbm>> -> memref<32x512xf32, #tpu.memory_space<hbm>>
      %dma_start3A_1213 = arith.constant 0 : i32
      %dma_start3A_1214 = tpu.memref_slice %arg2[%dma_start3A_1213, %multiple_of3A] : memref<32x16384xf32, #tpu.memory_space<hbm>> -> memref<32x512xf32, #tpu.memory_space<hbm>>
      tpu.enqueue_dma source(%dma_start3A_1214 : memref<32x512xf32, #tpu.memory_space<hbm>>) target(%arg7 : memref<32x512xf32, #tpu.memory_space<vmem>>) target_semaphore(%run_scoped3A : memref<!tpu.dma_semaphore, #tpu.memory_space<semaphore_mem>>)
      %dma_wait3A = arith.constant 0 : i32
      %dma_wait3A_1215 = tpu.memref_slice %arg2[%dma_wait3A, %multiple_of3A] : memref<32x16384xf32, #tpu.memory_space<hbm>> -> memref<32x512xf32, #tpu.memory_space<hbm>>
      %dma_wait3A_1216 = arith.constant 0 : i32
      %dma_wait3A_1217 = tpu.memref_slice %arg2[%dma_wait3A_1216, %multiple_of3A] : memref<32x16384xf32, #tpu.memory_space<hbm>> -> memref<32x512xf32, #tpu.memory_space<hbm>>
      tpu.wait_dma2 semaphore(%run_scoped3A : memref<!tpu.dma_semaphore, #tpu.memory_space<semaphore_mem>>) src(%dma_wait3A_1217 : memref<32x512xf32, #tpu.memory_space<hbm>>) dst(%arg7 : memref<32x512xf32, #tpu.memory_space<vmem>>)
      tpu.yield
    }) : () -> ()
    %iota3A = tpu.iota {dimensions = array<i32: 0>} : vector<16xi32>
    %add3A_3 = arith.constant 16 : i32
    %add3A_4 = vector.broadcast %add3A_3 : i32 to vector<16xi32>
    %add3A_5 = arith.addi %iota3A, %add3A_4 : vector<16xi32>
    %broadcast_in_dim3A = arith.constant 0.000000e+00 : f32
    %broadcast_in_dim3A_6 = vector.broadcast %broadcast_in_dim3A : f32 to vector<16xf32>
    %get3A = arith.constant 0 : i32
    %get3A_7 = arith.index_cast %get3A : i32 to index
    %get3A_8 = arith.constant 0 : index
    %get3A_9 = tpu.vector_load %arg6[%get3A_7, %get3A_8] {strides = array<i32>} : memref<4x128xi32, #tpu.memory_space<vmem>>, vector<16xi32>,
    %slice3A = vector.extract_strided_slice %get3A_9 {offsets = [0], sizes = [1], strides = [1]} : vector<16xi32> to vector<1xi32>
    %squeeze3A = vector.extract %slice3A[0] : i32 from vector<1xi32>
    %shift_right_arithmetic3A = arith.constant 7 : i32
    %shift_right_arithmetic3A_10 = arith.shrsi %squeeze3A, %shift_right_arithmetic3A : i32
    %shift_left3A = arith.constant 7 : i32
    %shift_left3A_11 = arith.shli %shift_right_arithmetic3A_10, %shift_left3A : i32
    %multiple_of3A_12 = tpu.assume_multiple %shift_left3A_11, 128 : i32
    %dma_start3A = arith.constant 0 : i32
    %dma_start3A_13 = arith.constant 0 : i32
    %dma_start3A_14 = arith.constant 0 : i32
    %dma_start3A_15 = tpu.memref_slice %arg8[%dma_start3A, %dma_start3A_13, %dma_start3A_14] : memref<16x32x128xf32, #tpu.memory_space<vmem>> -> memref<1x8x128xf32, #tpu.memory_space<vmem>>
    %dma_start3A_16 = tpu.memref_squeeze %dma_start3A_15 : memref<1x8x128xf32, #tpu.memory_space<vmem>> -> memref<8x128xf32, #tpu.memory_space<vmem>>
    %dma_start3A_17 = arith.constant 0 : i32
    %dma_start3A_18 = tpu.memref_slice %arg4[%dma_start3A_17, %multiple_of3A_12] : memref<32x1000000xf32, #tpu.memory_space<hbm>> -> memref<8x128xf32, #tpu.memory_space<hbm>>
    %dma_start3A_19 = arith.constant 0 : i32
    %dma_start3A_20 = arith.constant 0 : i32
    %dma_start3A_21 = tpu.memref_slice %arg8[%dma_start3A, %dma_start3A_19, %dma_start3A_20] : memref<16x32x128xf32, #tpu.memory_space<vmem>> -> memref<1x8x128xf32, #tpu.memory_space<vmem>>
    %dma_start3A_22 = tpu.memref_squeeze %dma_start3A_21 : memref<1x8x128xf32, #tpu.memory_space<vmem>> -> memref<8x128xf32, #tpu.memory_space<vmem>>
    %dma_start3A_23 = arith.constant 0 : i32
    %dma_start3A_24 = tpu.memref_slice %arg4[%dma_start3A_23, %multiple_of3A_12] : memref<32x1000000xf32, #tpu.memory_space<hbm>> -> memref<8x128xf32, #tpu.memory_space<hbm>>
    tpu.enqueue_dma source(%dma_start3A_24 : memref<8x128xf32, #tpu.memory_space<hbm>>) target(%dma_start3A_22 : memref<8x128xf32, #tpu.memory_space<vmem>>) target_semaphore(%arg10 : memref<!tpu.dma_semaphore, #tpu.memory_space<semaphore_mem>>)
    %dma_start3A_25 = arith.constant 0 : i32
    %dma_start3A_26 = arith.constant 8 : i32
    %dma_start3A_27 = arith.constant 0 : i32
    %dma_start3A_28 = tpu.memref_slice %arg8[%dma_start3A_25, %dma_start3A_26, %dma_start3A_27] : memref<16x32x128xf32, #tpu.memory_space<vmem>> -> memref<1x8x128xf32, #tpu.memory_space<vmem>>
    %dma_start3A_29 = tpu.memref_squeeze %dma_start3A_28 : memref<1x8x128xf32, #tpu.memory_space<vmem>> -> memref<8x128xf32, #tpu.memory_space<vmem>>
    %dma_start3A_30 = arith.constant 8 : i32
    %dma_start3A_31 = tpu.memref_slice %arg4[%dma_start3A_30, %multiple_of3A_12] : memref<32x1000000xf32, #tpu.memory_space<hbm>> -> memref<8x128xf32, #tpu.memory_space<hbm>>
    %dma_start3A_32 = arith.constant 8 : i32
    %dma_start3A_33 = arith.constant 0 : i32
    %dma_start3A_34 = tpu.memref_slice %arg8[%dma_start3A_25, %dma_start3A_32, %dma_start3A_33] : memref<16x32x128xf32, #tpu.memory_space<vmem>> -> memref<1x8x128xf32, #tpu.memory_space<vmem>>
    %dma_start3A_35 = tpu.memref_squeeze %dma_start3A_34 : memref<1x8x128xf32, #tpu.memory_space<vmem>> -> memref<8x128xf32, #tpu.memory_space<vmem>>
    %dma_start3A_36 = arith.constant 8 : i32
    %dma_start3A_37 = tpu.memref_slice %arg4[%dma_start3A_36, %multiple_of3A_12] : memref<32x1000000xf32, #tpu.memory_space<hbm>> -> memref<8x128xf32, #tpu.memory_space<hbm>>
    tpu.enqueue_dma source(%dma_start3A_37 : memref<8x128xf32, #tpu.memory_space<hbm>>) target(%dma_start3A_35 : memref<8x128xf32, #tpu.memory_space<vmem>>) target_semaphore(%arg10 : memref<!tpu.dma_semaphore, #tpu.memory_space<semaphore_mem>>)
    %dma_start3A_38 = arith.constant 0 : i32
    %dma_start3A_39 = arith.constant 16 : i32
    %dma_start3A_40 = arith.constant 0 : i32
    %dma_start3A_41 = tpu.memref_slice %arg8[%dma_start3A_38, %dma_start3A_39, %dma_start3A_40] : memref<16x32x128xf32, #tpu.memory_space<vmem>> -> memref<1x8x128xf32, #tpu.memory_space<vmem>>
    %dma_start3A_42 = tpu.memref_squeeze %dma_start3A_41 : memref<1x8x128xf32, #tpu.memory_space<vmem>> -> memref<8x128xf32, #tpu.memory_space<vmem>>
    %dma_start3A_43 = arith.constant 16 : i32
    %dma_start3A_44 = tpu.memref_slice %arg4[%dma_start3A_43, %multiple_of3A_12] : memref<32x1000000xf32, #tpu.memory_space<hbm>> -> memref<8x128xf32, #tpu.memory_space<hbm>>
    %dma_start3A_45 = arith.constant 16 : i32
    %dma_start3A_46 = arith.constant 0 : i32
    %dma_start3A_47 = tpu.memref_slice %arg8[%dma_start3A_38, %dma_start3A_45, %dma_start3A_46] : memref<16x32x128xf32, #tpu.memory_space<vmem>> -> memref<1x8x128xf32, #tpu.memory_space<vmem>>
    %dma_start3A_48 = tpu.memref_squeeze %dma_start3A_47 : memref<1x8x128xf32, #tpu.memory_space<vmem>> -> memref<8x128xf32, #tpu.memory_space<vmem>>
    %dma_start3A_49 = arith.constant 16 : i32
    %dma_start3A_50 = tpu.memref_slice %arg4[%dma_start3A_49, %multiple_of3A_12] : memref<32x1000000xf32, #tpu.memory_space<hbm>> -> memref<8x128xf32, #tpu.memory_space<hbm>>
    tpu.enqueue_dma source(%dma_start3A_50 : memref<8x128xf32, #tpu.memory_space<hbm>>) target(%dma_start3A_48 : memref<8x128xf32, #tpu.memory_space<vmem>>) target_semaphore(%arg10 : memref<!tpu.dma_semaphore, #tpu.memory_space<semaphore_mem>>)
    %dma_start3A_51 = arith.constant 0 : i32
    %dma_start3A_52 = arith.constant 24 : i32
    %dma_start3A_53 = arith.constant 0 : i32
    %dma_start3A_54 = tpu.memref_slice %arg8[%dma_start3A_51, %dma_start3A_52, %dma_start3A_53] : memref<16x32x128xf32, #tpu.memory_space<vmem>> -> memref<1x8x128xf32, #tpu.memory_space<vmem>>
    %dma_start3A_55 = tpu.memref_squeeze %dma_start3A_54 : memref<1x8x128xf32, #tpu.memory_space<vmem>> -> memref<8x128xf32, #tpu.memory_space<vmem>>
    %dma_start3A_56 = arith.constant 24 : i32
    %dma_start3A_57 = tpu.memref_slice %arg4[%dma_start3A_56, %multiple_of3A_12] : memref<32x1000000xf32, #tpu.memory_space<hbm>> -> memref<8x128xf32, #tpu.memory_space<hbm>>
    %dma_start3A_58 = arith.constant 24 : i32
    %dma_start3A_59 = arith.constant 0 : i32
    %dma_start3A_60 = tpu.memref_slice %arg8[%dma_start3A_51, %dma_start3A_58, %dma_start3A_59] : memref<16x32x128xf32, #tpu.memory_space<vmem>> -> memref<1x8x128xf32, #tpu.memory_space<vmem>>
    %dma_start3A_61 = tpu.memref_squeeze %dma_start3A_60 : memref<1x8x128xf32, #tpu.memory_space<vmem>> -> memref<8x128xf32, #tpu.memory_space<vmem>>
    %dma_start3A_62 = arith.constant 24 : i32
    %dma_start3A_63 = tpu.memref_slice %arg4[%dma_start3A_62, %multiple_of3A_12] : memref<32x1000000xf32, #tpu.memory_space<hbm>> -> memref<8x128xf32, #tpu.memory_space<hbm>>
    tpu.enqueue_dma source(%dma_start3A_63 : memref<8x128xf32, #tpu.memory_space<hbm>>) target(%dma_start3A_61 : memref<8x128xf32, #tpu.memory_space<vmem>>) target_semaphore(%arg10 : memref<!tpu.dma_semaphore, #tpu.memory_space<semaphore_mem>>)
    %slice3A_64 = vector.extract_strided_slice %get3A_9 {offsets = [1], sizes = [1], strides = [1]} : vector<16xi32> to vector<1xi32>
    %squeeze3A_65 = vector.extract %slice3A_64[0] : i32 from vector<1xi32>
    %shift_right_arithmetic3A_66 = arith.constant 7 : i32
    %shift_right_arithmetic3A_67 = arith.shrsi %squeeze3A_65, %shift_right_arithmetic3A_66 : i32
    %shift_left3A_68 = arith.constant 7 : i32
    %shift_left3A_69 = arith.shli %shift_right_arithmetic3A_67, %shift_left3A_68 : i32
    %multiple_of3A_70 = tpu.assume_multiple %shift_left3A_69, 128 : i32
    %dma_start3A_71 = arith.constant 1 : i32
    %dma_start3A_72 = arith.constant 0 : i32
    %dma_start3A_73 = arith.constant 0 : i32
    %dma_start3A_74 = tpu.memref_slice %arg8[%dma_start3A_71, %dma_start3A_72, %dma_start3A_73] : memref<16x32x128xf32, #tpu.memory_space<vmem>> -> memref<1x8x128xf32, #tpu.memory_space<vmem>>
    %dma_start3A_75 = tpu.memref_squeeze %dma_start3A_74 : memref<1x8x128xf32, #tpu.memory_space<vmem>> -> memref<8x128xf32, #tpu.memory_space<vmem>>
    %dma_start3A_76 = arith.constant 0 : i32
    %dma_start3A_77 = tpu.memref_slice %arg4[%dma_start3A_76, %multiple_of3A_70] : memref<32x1000000xf32, #tpu.memory_space<hbm>> -> memref<8x128xf32, #tpu.memory_space<hbm>>
    %dma_start3A_78 = arith.constant 0 : i32
    %dma_start3A_79 = arith.constant 0 : i32
    %dma_start3A_80 = tpu.memref_slice %arg8[%dma_start3A_71, %dma_start3A_78, %dma_start3A_79] : memref<16x32x128xf32, #tpu.memory_space<vmem>> -> memref<1x8x128xf32, #tpu.memory_space<vmem>>
    %dma_start3A_81 = tpu.memref_squeeze %dma_start3A_80 : memref<1x8x128xf32, #tpu.memory_space<vmem>> -> memref<8x128xf32, #tpu.memory_space<vmem>>
    %dma_start3A_82 = arith.constant 0 : i32
    %dma_start3A_83 = tpu.memref_slice %arg4[%dma_start3A_82, %multiple_of3A_70] : memref<32x1000000xf32, #tpu.memory_space<hbm>> -> memref<8x128xf32, #tpu.memory_space<hbm>>
    tpu.enqueue_dma source(%dma_start3A_83 : memref<8x128xf32, #tpu.memory_space<hbm>>) target(%dma_start3A_81 : memref<8x128xf32, #tpu.memory_space<vmem>>) target_semaphore(%arg11 : memref<!tpu.dma_semaphore, #tpu.memory_space<semaphore_mem>>)
    %dma_start3A_84 = arith.constant 1 : i32
    %dma_start3A_85 = arith.constant 8 : i32
    %dma_start3A_86 = arith.constant 0 : i32
    %dma_start3A_87 = tpu.memref_slice %arg8[%dma_start3A_84, %dma_start3A_85, %dma_start3A_86] : memref<16x32x128xf32, #tpu.memory_space<vmem>> -> memref<1x8x128xf32, #tpu.memory_space<vmem>>
    %dma_start3A_88 = tpu.memref_squeeze %dma_start3A_87 : memref<1x8x128xf32, #tpu.memory_space<vmem>> -> memref<8x128xf32, #tpu.memory_space<vmem>>
    %dma_start3A_89 = arith.constant 8 : i32
    %dma_start3A_90 = tpu.memref_slice %arg4[%dma_start3A_89, %multiple_of3A_70] : memref<32x1000000xf32, #tpu.memory_space<hbm>> -> memref<8x128xf32, #tpu.memory_space<hbm>>
    %dma_start3A_91 = arith.constant 8 : i32
    %dma_start3A_92 = arith.constant 0 : i32
    %dma_start3A_93 = tpu.memref_slice %arg8[%dma_start3A_84, %dma_start3A_91, %dma_start3A_92] : memref<16x32x128xf32, #tpu.memory_space<vmem>> -> memref<1x8x128xf32, #tpu.memory_space<vmem>>
    %dma_start3A_94 = tpu.memref_squeeze %dma_start3A_93 : memref<1x8x128xf32, #tpu.memory_space<vmem>> -> memref<8x128xf32, #tpu.memory_space<vmem>>
    %dma_start3A_95 = arith.constant 8 : i32
    %dma_start3A_96 = tpu.memref_slice %arg4[%dma_start3A_95, %multiple_of3A_70] : memref<32x1000000xf32, #tpu.memory_space<hbm>> -> memref<8x128xf32, #tpu.memory_space<hbm>>
    tpu.enqueue_dma source(%dma_start3A_96 : memref<8x128xf32, #tpu.memory_space<hbm>>) target(%dma_start3A_94 : memref<8x128xf32, #tpu.memory_space<vmem>>) target_semaphore(%arg11 : memref<!tpu.dma_semaphore, #tpu.memory_space<semaphore_mem>>)
    %dma_start3A_97 = arith.constant 1 : i32
    %dma_start3A_98 = arith.constant 16 : i32
    %dma_start3A_99 = arith.constant 0 : i32
    %dma_start3A_100 = tpu.memref_slice %arg8[%dma_start3A_97, %dma_start3A_98, %dma_start3A_99] : memref<16x32x128xf32, #tpu.memory_space<vmem>> -> memref<1x8x128xf32, #tpu.memory_space<vmem>>
    %dma_start3A_101 = tpu.memref_squeeze %dma_start3A_100 : memref<1x8x128xf32, #tpu.memory_space<vmem>> -> memref<8x128xf32, #tpu.memory_space<vmem>>
    %dma_start3A_102 = arith.constant 16 : i32
    %dma_start3A_103 = tpu.memref_slice %arg4[%dma_start3A_102, %multiple_of3A_70] : memref<32x1000000xf32, #tpu.memory_space<hbm>> -> memref<8x128xf32, #tpu.memory_space<hbm>>
    %dma_start3A_104 = arith.constant 16 : i32
    %dma_start3A_105 = arith.constant 0 : i32
    %dma_start3A_106 = tpu.memref_slice %arg8[%dma_start3A_97, %dma_start3A_104, %dma_start3A_105] : memref<16x32x128xf32, #tpu.memory_space<vmem>> -> memref<1x8x128xf32, #tpu.memory_space<vmem>>
    %dma_start3A_107 = tpu.memref_squeeze %dma_start3A_106 : memref<1x8x128xf32, #tpu.memory_space<vmem>> -> memref<8x128xf32, #tpu.memory_space<vmem>>
    %dma_start3A_108 = arith.constant 16 : i32
    %dma_start3A_109 = tpu.memref_slice %arg4[%dma_start3A_108, %multiple_of3A_70] : memref<32x1000000xf32, #tpu.memory_space<hbm>> -> memref<8x128xf32, #tpu.memory_space<hbm>>
    tpu.enqueue_dma source(%dma_start3A_109 : memref<8x128xf32, #tpu.memory_space<hbm>>) target(%dma_start3A_107 : memref<8x128xf32, #tpu.memory_space<vmem>>) target_semaphore(%arg11 : memref<!tpu.dma_semaphore, #tpu.memory_space<semaphore_mem>>)
    %dma_start3A_110 = arith.constant 1 : i32
    %dma_start3A_111 = arith.constant 24 : i32
    %dma_start3A_112 = arith.constant 0 : i32
    %dma_start3A_113 = tpu.memref_slice %arg8[%dma_start3A_110, %dma_start3A_111, %dma_start3A_112] : memref<16x32x128xf32, #tpu.memory_space<vmem>> -> memref<1x8x128xf32, #tpu.memory_space<vmem>>
    %dma_start3A_114 = tpu.memref_squeeze %dma_start3A_113 : memref<1x8x128xf32, #tpu.memory_space<vmem>> -> memref<8x128xf32, #tpu.memory_space<vmem>>
    %dma_start3A_115 = arith.constant 24 : i32
    %dma_start3A_116 = tpu.memref_slice %arg4[%dma_start3A_115, %multiple_of3A_70] : memref<32x1000000xf32, #tpu.memory_space<hbm>> -> memref<8x128xf32, #tpu.memory_space<hbm>>
    %dma_start3A_117 = arith.constant 24 : i32
    %dma_start3A_118 = arith.constant 0 : i32
    %dma_start3A_119 = tpu.memref_slice %arg8[%dma_start3A_110, %dma_start3A_117, %dma_start3A_118] : memref<16x32x128xf32, #tpu.memory_space<vmem>> -> memref<1x8x128xf32, #tpu.memory_space<vmem>>
    %dma_start3A_120 = tpu.memref_squeeze %dma_start3A_119 : memref<1x8x128xf32, #tpu.memory_space<vmem>> -> memref<8x128xf32, #tpu.memory_space<vmem>>
    %dma_start3A_121 = arith.constant 24 : i32
    %dma_start3A_122 = tpu.memref_slice %arg4[%dma_start3A_121, %multiple_of3A_70] : memref<32x1000000xf32, #tpu.memory_space<hbm>> -> memref<8x128xf32, #tpu.memory_space<hbm>>
    tpu.enqueue_dma source(%dma_start3A_122 : memref<8x128xf32, #tpu.memory_space<hbm>>) target(%dma_start3A_120 : memref<8x128xf32, #tpu.memory_space<vmem>>) target_semaphore(%arg11 : memref<!tpu.dma_semaphore, #tpu.memory_space<semaphore_mem>>)
    %slice3A_123 = vector.extract_strided_slice %get3A_9 {offsets = [2], sizes = [1], strides = [1]} : vector<16xi32> to vector<1xi32>
    %squeeze3A_124 = vector.extract %slice3A_123[0] : i32 from vector<1xi32>
    %shift_right_arithmetic3A_125 = arith.constant 7 : i32
    %shift_right_arithmetic3A_126 = arith.shrsi %squeeze3A_124, %shift_right_arithmetic3A_125 : i32
    %shift_left3A_127 = arith.constant 7 : i32
    %shift_left3A_128 = arith.shli %shift_right_arithmetic3A_126, %shift_left3A_127 : i32
    %multiple_of3A_129 = tpu.assume_multiple %shift_left3A_128, 128 : i32
    %dma_start3A_130 = arith.constant 2 : i32
    %dma_start3A_131 = arith.constant 0 : i32
    %dma_start3A_132 = arith.constant 0 : i32
    %dma_start3A_133 = tpu.memref_slice %arg8[%dma_start3A_130, %dma_start3A_131, %dma_start3A_132] : memref<16x32x128xf32, #tpu.memory_space<vmem>> -> memref<1x8x128xf32, #tpu.memory_space<vmem>>
    %dma_start3A_134 = tpu.memref_squeeze %dma_start3A_133 : memref<1x8x128xf32, #tpu.memory_space<vmem>> -> memref<8x128xf32, #tpu.memory_space<vmem>>
    %dma_start3A_135 = arith.constant 0 : i32
    %dma_start3A_136 = tpu.memref_slice %arg4[%dma_start3A_135, %multiple_of3A_129] : memref<32x1000000xf32, #tpu.memory_space<hbm>> -> memref<8x128xf32, #tpu.memory_space<hbm>>
    %dma_start3A_137 = arith.constant 0 : i32
    %dma_start3A_138 = arith.constant 0 : i32
    %dma_start3A_139 = tpu.memref_slice %arg8[%dma_start3A_130, %dma_start3A_137, %dma_start3A_138] : memref<16x32x128xf32, #tpu.memory_space<vmem>> -> memref<1x8x128xf32, #tpu.memory_space<vmem>>
    %dma_start3A_140 = tpu.memref_squeeze %dma_start3A_139 : memref<1x8x128xf32, #tpu.memory_space<vmem>> -> memref<8x128xf32, #tpu.memory_space<vmem>>
    %dma_start3A_141 = arith.constant 0 : i32
    %dma_start3A_142 = tpu.memref_slice %arg4[%dma_start3A_141, %multiple_of3A_129] : memref<32x1000000xf32, #tpu.memory_space<hbm>> -> memref<8x128xf32, #tpu.memory_space<hbm>>
    tpu.enqueue_dma source(%dma_start3A_142 : memref<8x128xf32, #tpu.memory_space<hbm>>) target(%dma_start3A_140 : memref<8x128xf32, #tpu.memory_space<vmem>>) target_semaphore(%arg12 : memref<!tpu.dma_semaphore, #tpu.memory_space<semaphore_mem>>)
    %dma_start3A_143 = arith.constant 2 : i32
    %dma_start3A_144 = arith.constant 8 : i32
    %dma_start3A_145 = arith.constant 0 : i32
    %dma_start3A_146 = tpu.memref_slice %arg8[%dma_start3A_143, %dma_start3A_144, %dma_start3A_145] : memref<16x32x128xf32, #tpu.memory_space<vmem>> -> memref<1x8x128xf32, #tpu.memory_space<vmem>>
    %dma_start3A_147 = tpu.memref_squeeze %dma_start3A_146 : memref<1x8x128xf32, #tpu.memory_space<vmem>> -> memref<8x128xf32, #tpu.memory_space<vmem>>
    %dma_start3A_148 = arith.constant 8 : i32
    %dma_start3A_149 = tpu.memref_slice %arg4[%dma_start3A_148, %multiple_of3A_129] : memref<32x1000000xf32, #tpu.memory_space<hbm>> -> memref<8x128xf32, #tpu.memory_space<hbm>>
    %dma_start3A_150 = arith.constant 8 : i32
    %dma_start3A_151 = arith.constant 0 : i32
    %dma_start3A_152 = tpu.memref_slice %arg8[%dma_start3A_143, %dma_start3A_150, %dma_start3A_151] : memref<16x32x128xf32, #tpu.memory_space<vmem>> -> memref<1x8x128xf32, #tpu.memory_space<vmem>>
    %dma_start3A_153 = tpu.memref_squeeze %dma_start3A_152 : memref<1x8x128xf32, #tpu.memory_space<vmem>> -> memref<8x128xf32, #tpu.memory_space<vmem>>
    %dma_start3A_154 = arith.constant 8 : i32
    %dma_start3A_155 = tpu.memref_slice %arg4[%dma_start3A_154, %multiple_of3A_129] : memref<32x1000000xf32, #tpu.memory_space<hbm>> -> memref<8x128xf32, #tpu.memory_space<hbm>>
    tpu.enqueue_dma source(%dma_start3A_155 : memref<8x128xf32, #tpu.memory_space<hbm>>) target(%dma_start3A_153 : memref<8x128xf32, #tpu.memory_space<vmem>>) target_semaphore(%arg12 : memref<!tpu.dma_semaphore, #tpu.memory_space<semaphore_mem>>)
    %dma_start3A_156 = arith.constant 2 : i32
    %dma_start3A_157 = arith.constant 16 : i32
    %dma_start3A_158 = arith.constant 0 : i32
    %dma_start3A_159 = tpu.memref_slice %arg8[%dma_start3A_156, %dma_start3A_157, %dma_start3A_158] : memref<16x32x128xf32, #tpu.memory_space<vmem>> -> memref<1x8x128xf32, #tpu.memory_space<vmem>>
    %dma_start3A_160 = tpu.memref_squeeze %dma_start3A_159 : memref<1x8x128xf32, #tpu.memory_space<vmem>> -> memref<8x128xf32, #tpu.memory_space<vmem>>
    %dma_start3A_161 = arith.constant 16 : i32
    %dma_start3A_162 = tpu.memref_slice %arg4[%dma_start3A_161, %multiple_of3A_129] : memref<32x1000000xf32, #tpu.memory_space<hbm>> -> memref<8x128xf32, #tpu.memory_space<hbm>>
    %dma_start3A_163 = arith.constant 16 : i32
    %dma_start3A_164 = arith.constant 0 : i32
    %dma_start3A_165 = tpu.memref_slice %arg8[%dma_start3A_156, %dma_start3A_163, %dma_start3A_164] : memref<16x32x128xf32, #tpu.memory_space<vmem>> -> memref<1x8x128xf32, #tpu.memory_space<vmem>>
    %dma_start3A_166 = tpu.memref_squeeze %dma_start3A_165 : memref<1x8x128xf32, #tpu.memory_space<vmem>> -> memref<8x128xf32, #tpu.memory_space<vmem>>
    %dma_start3A_167 = arith.constant 16 : i32
    %dma_start3A_168 = tpu.memref_slice %arg4[%dma_start3A_167, %multiple_of3A_129] : memref<32x1000000xf32, #tpu.memory_space<hbm>> -> memref<8x128xf32, #tpu.memory_space<hbm>>
    tpu.enqueue_dma source(%dma_start3A_168 : memref<8x128xf32, #tpu.memory_space<hbm>>) target(%dma_start3A_166 : memref<8x128xf32, #tpu.memory_space<vmem>>) target_semaphore(%arg12 : memref<!tpu.dma_semaphore, #tpu.memory_space<semaphore_mem>>)
    %dma_start3A_169 = arith.constant 2 : i32
    %dma_start3A_170 = arith.constant 24 : i32
    %dma_start3A_171 = arith.constant 0 : i32
    %dma_start3A_172 = tpu.memref_slice %arg8[%dma_start3A_169, %dma_start3A_170, %dma_start3A_171] : memref<16x32x128xf32, #tpu.memory_space<vmem>> -> memref<1x8x128xf32, #tpu.memory_space<vmem>>
    %dma_start3A_173 = tpu.memref_squeeze %dma_start3A_172 : memref<1x8x128xf32, #tpu.memory_space<vmem>> -> memref<8x128xf32, #tpu.memory_space<vmem>>
    %dma_start3A_174 = arith.constant 24 : i32
    %dma_start3A_175 = tpu.memref_slice %arg4[%dma_start3A_174, %multiple_of3A_129] : memref<32x1000000xf32, #tpu.memory_space<hbm>> -> memref<8x128xf32, #tpu.memory_space<hbm>>
    %dma_start3A_176 = arith.constant 24 : i32
    %dma_start3A_177 = arith.constant 0 : i32
    %dma_start3A_178 = tpu.memref_slice %arg8[%dma_start3A_169, %dma_start3A_176, %dma_start3A_177] : memref<16x32x128xf32, #tpu.memory_space<vmem>> -> memref<1x8x128xf32, #tpu.memory_space<vmem>>
    %dma_start3A_179 = tpu.memref_squeeze %dma_start3A_178 : memref<1x8x128xf32, #tpu.memory_space<vmem>> -> memref<8x128xf32, #tpu.memory_space<vmem>>
    %dma_start3A_180 = arith.constant 24 : i32
    %dma_start3A_181 = tpu.memref_slice %arg4[%dma_start3A_180, %multiple_of3A_129] : memref<32x1000000xf32, #tpu.memory_space<hbm>> -> memref<8x128xf32, #tpu.memory_space<hbm>>
    tpu.enqueue_dma source(%dma_start3A_181 : memref<8x128xf32, #tpu.memory_space<hbm>>) target(%dma_start3A_179 : memref<8x128xf32, #tpu.memory_space<vmem>>) target_semaphore(%arg12 : memref<!tpu.dma_semaphore, #tpu.memory_space<semaphore_mem>>)
    %slice3A_182 = vector.extract_strided_slice %get3A_9 {offsets = [3], sizes = [1], strides = [1]} : vector<16xi32> to vector<1xi32>
    %squeeze3A_183 = vector.extract %slice3A_182[0] : i32 from vector<1xi32>
    %shift_right_arithmetic3A_184 = arith.constant 7 : i32
    %shift_right_arithmetic3A_185 = arith.shrsi %squeeze3A_183, %shift_right_arithmetic3A_184 : i32
    %shift_left3A_186 = arith.constant 7 : i32
    %shift_left3A_187 = arith.shli %shift_right_arithmetic3A_185, %shift_left3A_186 : i32
    %multiple_of3A_188 = tpu.assume_multiple %shift_left3A_187, 128 : i32
    %dma_start3A_189 = arith.constant 3 : i32
    %dma_start3A_190 = arith.constant 0 : i32
    %dma_start3A_191 = arith.constant 0 : i32
    %dma_start3A_192 = tpu.memref_slice %arg8[%dma_start3A_189, %dma_start3A_190, %dma_start3A_191] : memref<16x32x128xf32, #tpu.memory_space<vmem>> -> memref<1x8x128xf32, #tpu.memory_space<vmem>>
    %dma_start3A_193 = tpu.memref_squeeze %dma_start3A_192 : memref<1x8x128xf32, #tpu.memory_space<vmem>> -> memref<8x128xf32, #tpu.memory_space<vmem>>
    %dma_start3A_194 = arith.constant 0 : i32
    %dma_start3A_195 = tpu.memref_slice %arg4[%dma_start3A_194, %multiple_of3A_188] : memref<32x1000000xf32, #tpu.memory_space<hbm>> -> memref<8x128xf32, #tpu.memory_space<hbm>>
    %dma_start3A_196 = arith.constant 0 : i32
    %dma_start3A_197 = arith.constant 0 : i32
    %dma_start3A_198 = tpu.memref_slice %arg8[%dma_start3A_189, %dma_start3A_196, %dma_start3A_197] : memref<16x32x128xf32, #tpu.memory_space<vmem>> -> memref<1x8x128xf32, #tpu.memory_space<vmem>>
    %dma_start3A_199 = tpu.memref_squeeze %dma_start3A_198 : memref<1x8x128xf32, #tpu.memory_space<vmem>> -> memref<8x128xf32, #tpu.memory_space<vmem>>
    %dma_start3A_200 = arith.constant 0 : i32
    %dma_start3A_201 = tpu.memref_slice %arg4[%dma_start3A_200, %multiple_of3A_188] : memref<32x1000000xf32, #tpu.memory_space<hbm>> -> memref<8x128xf32, #tpu.memory_space<hbm>>
    tpu.enqueue_dma source(%dma_start3A_201 : memref<8x128xf32, #tpu.memory_space<hbm>>) target(%dma_start3A_199 : memref<8x128xf32, #tpu.memory_space<vmem>>) target_semaphore(%arg13 : memref<!tpu.dma_semaphore, #tpu.memory_space<semaphore_mem>>)
    %dma_start3A_202 = arith.constant 3 : i32
    %dma_start3A_203 = arith.constant 8 : i32
    %dma_start3A_204 = arith.constant 0 : i32
    %dma_start3A_205 = tpu.memref_slice %arg8[%dma_start3A_202, %dma_start3A_203, %dma_start3A_204] : memref<16x32x128xf32, #tpu.memory_space<vmem>> -> memref<1x8x128xf32, #tpu.memory_space<vmem>>
    %dma_start3A_206 = tpu.memref_squeeze %dma_start3A_205 : memref<1x8x128xf32, #tpu.memory_space<vmem>> -> memref<8x128xf32, #tpu.memory_space<vmem>>
    %dma_start3A_207 = arith.constant 8 : i32
    %dma_start3A_208 = tpu.memref_slice %arg4[%dma_start3A_207, %multiple_of3A_188] : memref<32x1000000xf32, #tpu.memory_space<hbm>> -> memref<8x128xf32, #tpu.memory_space<hbm>>
    %dma_start3A_209 = arith.constant 8 : i32
    %dma_start3A_210 = arith.constant 0 : i32
    %dma_start3A_211 = tpu.memref_slice %arg8[%dma_start3A_202, %dma_start3A_209, %dma_start3A_210] : memref<16x32x128xf32, #tpu.memory_space<vmem>> -> memref<1x8x128xf32, #tpu.memory_space<vmem>>
    %dma_start3A_212 = tpu.memref_squeeze %dma_start3A_211 : memref<1x8x128xf32, #tpu.memory_space<vmem>> -> memref<8x128xf32, #tpu.memory_space<vmem>>
    %dma_start3A_213 = arith.constant 8 : i32
    %dma_start3A_214 = tpu.memref_slice %arg4[%dma_start3A_213, %multiple_of3A_188] : memref<32x1000000xf32, #tpu.memory_space<hbm>> -> memref<8x128xf32, #tpu.memory_space<hbm>>
    tpu.enqueue_dma source(%dma_start3A_214 : memref<8x128xf32, #tpu.memory_space<hbm>>) target(%dma_start3A_212 : memref<8x128xf32, #tpu.memory_space<vmem>>) target_semaphore(%arg13 : memref<!tpu.dma_semaphore, #tpu.memory_space<semaphore_mem>>)
    %dma_start3A_215 = arith.constant 3 : i32
    %dma_start3A_216 = arith.constant 16 : i32
    %dma_start3A_217 = arith.constant 0 : i32
    %dma_start3A_218 = tpu.memref_slice %arg8[%dma_start3A_215, %dma_start3A_216, %dma_start3A_217] : memref<16x32x128xf32, #tpu.memory_space<vmem>> -> memref<1x8x128xf32, #tpu.memory_space<vmem>>
    %dma_start3A_219 = tpu.memref_squeeze %dma_start3A_218 : memref<1x8x128xf32, #tpu.memory_space<vmem>> -> memref<8x128xf32, #tpu.memory_space<vmem>>
    %dma_start3A_220 = arith.constant 16 : i32
    %dma_start3A_221 = tpu.memref_slice %arg4[%dma_start3A_220, %multiple_of3A_188] : memref<32x1000000xf32, #tpu.memory_space<hbm>> -> memref<8x128xf32, #tpu.memory_space<hbm>>
    %dma_start3A_222 = arith.constant 16 : i32
    %dma_start3A_223 = arith.constant 0 : i32
    %dma_start3A_224 = tpu.memref_slice %arg8[%dma_start3A_215, %dma_start3A_222, %dma_start3A_223] : memref<16x32x128xf32, #tpu.memory_space<vmem>> -> memref<1x8x128xf32, #tpu.memory_space<vmem>>
    %dma_start3A_225 = tpu.memref_squeeze %dma_start3A_224 : memref<1x8x128xf32, #tpu.memory_space<vmem>> -> memref<8x128xf32, #tpu.memory_space<vmem>>
    %dma_start3A_226 = arith.constant 16 : i32
    %dma_start3A_227 = tpu.memref_slice %arg4[%dma_start3A_226, %multiple_of3A_188] : memref<32x1000000xf32, #tpu.memory_space<hbm>> -> memref<8x128xf32, #tpu.memory_space<hbm>>
    tpu.enqueue_dma source(%dma_start3A_227 : memref<8x128xf32, #tpu.memory_space<hbm>>) target(%dma_start3A_225 : memref<8x128xf32, #tpu.memory_space<vmem>>) target_semaphore(%arg13 : memref<!tpu.dma_semaphore, #tpu.memory_space<semaphore_mem>>)
    %dma_start3A_228 = arith.constant 3 : i32
    %dma_start3A_229 = arith.constant 24 : i32
    %dma_start3A_230 = arith.constant 0 : i32
    %dma_start3A_231 = tpu.memref_slice %arg8[%dma_start3A_228, %dma_start3A_229, %dma_start3A_230] : memref<16x32x128xf32, #tpu.memory_space<vmem>> -> memref<1x8x128xf32, #tpu.memory_space<vmem>>
    %dma_start3A_232 = tpu.memref_squeeze %dma_start3A_231 : memref<1x8x128xf32, #tpu.memory_space<vmem>> -> memref<8x128xf32, #tpu.memory_space<vmem>>
    %dma_start3A_233 = arith.constant 24 : i32
    %dma_start3A_234 = tpu.memref_slice %arg4[%dma_start3A_233, %multiple_of3A_188] : memref<32x1000000xf32, #tpu.memory_space<hbm>> -> memref<8x128xf32, #tpu.memory_space<hbm>>
    %dma_start3A_235 = arith.constant 24 : i32
    %dma_start3A_236 = arith.constant 0 : i32
    %dma_start3A_237 = tpu.memref_slice %arg8[%dma_start3A_228, %dma_start3A_235, %dma_start3A_236] : memref<16x32x128xf32, #tpu.memory_space<vmem>> -> memref<1x8x128xf32, #tpu.memory_space<vmem>>
    %dma_start3A_238 = tpu.memref_squeeze %dma_start3A_237 : memref<1x8x128xf32, #tpu.memory_space<vmem>> -> memref<8x128xf32, #tpu.memory_space<vmem>>
    %dma_start3A_239 = arith.constant 24 : i32
    %dma_start3A_240 = tpu.memref_slice %arg4[%dma_start3A_239, %multiple_of3A_188] : memref<32x1000000xf32, #tpu.memory_space<hbm>> -> memref<8x128xf32, #tpu.memory_space<hbm>>
    tpu.enqueue_dma source(%dma_start3A_240 : memref<8x128xf32, #tpu.memory_space<hbm>>) target(%dma_start3A_238 : memref<8x128xf32, #tpu.memory_space<vmem>>) target_semaphore(%arg13 : memref<!tpu.dma_semaphore, #tpu.memory_space<semaphore_mem>>)
    %slice3A_241 = vector.extract_strided_slice %get3A_9 {offsets = [4], sizes = [1], strides = [1]} : vector<16xi32> to vector<1xi32>
    %squeeze3A_242 = vector.extract %slice3A_241[0] : i32 from vector<1xi32>
    %shift_right_arithmetic3A_243 = arith.constant 7 : i32
    %shift_right_arithmetic3A_244 = arith.shrsi %squeeze3A_242, %shift_right_arithmetic3A_243 : i32
    %shift_left3A_245 = arith.constant 7 : i32
    %shift_left3A_246 = arith.shli %shift_right_arithmetic3A_244, %shift_left3A_245 : i32
    %multiple_of3A_247 = tpu.assume_multiple %shift_left3A_246, 128 : i32
    %dma_start3A_248 = arith.constant 4 : i32
    %dma_start3A_249 = arith.constant 0 : i32
    %dma_start3A_250 = arith.constant 0 : i32
    %dma_start3A_251 = tpu.memref_slice %arg8[%dma_start3A_248, %dma_start3A_249, %dma_start3A_250] : memref<16x32x128xf32, #tpu.memory_space<vmem>> -> memref<1x8x128xf32, #tpu.memory_space<vmem>>
    %dma_start3A_252 = tpu.memref_squeeze %dma_start3A_251 : memref<1x8x128xf32, #tpu.memory_space<vmem>> -> memref<8x128xf32, #tpu.memory_space<vmem>>
    %dma_start3A_253 = arith.constant 0 : i32
    %dma_start3A_254 = tpu.memref_slice %arg4[%dma_start3A_253, %multiple_of3A_247] : memref<32x1000000xf32, #tpu.memory_space<hbm>> -> memref<8x128xf32, #tpu.memory_space<hbm>>
    %dma_start3A_255 = arith.constant 0 : i32
    %dma_start3A_256 = arith.constant 0 : i32
    %dma_start3A_257 = tpu.memref_slice %arg8[%dma_start3A_248, %dma_start3A_255, %dma_start3A_256] : memref<16x32x128xf32, #tpu.memory_space<vmem>> -> memref<1x8x128xf32, #tpu.memory_space<vmem>>
    %dma_start3A_258 = tpu.memref_squeeze %dma_start3A_257 : memref<1x8x128xf32, #tpu.memory_space<vmem>> -> memref<8x128xf32, #tpu.memory_space<vmem>>
    %dma_start3A_259 = arith.constant 0 : i32
    %dma_start3A_260 = tpu.memref_slice %arg4[%dma_start3A_259, %multiple_of3A_247] : memref<32x1000000xf32, #tpu.memory_space<hbm>> -> memref<8x128xf32, #tpu.memory_space<hbm>>
    tpu.enqueue_dma source(%dma_start3A_260 : memref<8x128xf32, #tpu.memory_space<hbm>>) target(%dma_start3A_258 : memref<8x128xf32, #tpu.memory_space<vmem>>) target_semaphore(%arg14 : memref<!tpu.dma_semaphore, #tpu.memory_space<semaphore_mem>>)
    %dma_start3A_261 = arith.constant 4 : i32
    %dma_start3A_262 = arith.constant 8 : i32
    %dma_start3A_263 = arith.constant 0 : i32
    %dma_start3A_264 = tpu.memref_slice %arg8[%dma_start3A_261, %dma_start3A_262, %dma_start3A_263] : memref<16x32x128xf32, #tpu.memory_space<vmem>> -> memref<1x8x128xf32, #tpu.memory_space<vmem>>
    %dma_start3A_265 = tpu.memref_squeeze %dma_start3A_264 : memref<1x8x128xf32, #tpu.memory_space<vmem>> -> memref<8x128xf32, #tpu.memory_space<vmem>>
    %dma_start3A_266 = arith.constant 8 : i32
    %dma_start3A_267 = tpu.memref_slice %arg4[%dma_start3A_266, %multiple_of3A_247] : memref<32x1000000xf32, #tpu.memory_space<hbm>> -> memref<8x128xf32, #tpu.memory_space<hbm>>
    %dma_start3A_268 = arith.constant 8 : i32
    %dma_start3A_269 = arith.constant 0 : i32
    %dma_start3A_270 = tpu.memref_slice %arg8[%dma_start3A_261, %dma_start3A_268, %dma_start3A_269] : memref<16x32x128xf32, #tpu.memory_space<vmem>> -> memref<1x8x128xf32, #tpu.memory_space<vmem>>
    %dma_start3A_271 = tpu.memref_squeeze %dma_start3A_270 : memref<1x8x128xf32, #tpu.memory_space<vmem>> -> memref<8x128xf32, #tpu.memory_space<vmem>>
    %dma_start3A_272 = arith.constant 8 : i32
    %dma_start3A_273 = tpu.memref_slice %arg4[%dma_start3A_272, %multiple_of3A_247] : memref<32x1000000xf32, #tpu.memory_space<hbm>> -> memref<8x128xf32, #tpu.memory_space<hbm>>
    tpu.enqueue_dma source(%dma_start3A_273 : memref<8x128xf32, #tpu.memory_space<hbm>>) target(%dma_start3A_271 : memref<8x128xf32, #tpu.memory_space<vmem>>) target_semaphore(%arg14 : memref<!tpu.dma_semaphore, #tpu.memory_space<semaphore_mem>>)
    %dma_start3A_274 = arith.constant 4 : i32
    %dma_start3A_275 = arith.constant 16 : i32
    %dma_start3A_276 = arith.constant 0 : i32
    %dma_start3A_277 = tpu.memref_slice %arg8[%dma_start3A_274, %dma_start3A_275, %dma_start3A_276] : memref<16x32x128xf32, #tpu.memory_space<vmem>> -> memref<1x8x128xf32, #tpu.memory_space<vmem>>
    %dma_start3A_278 = tpu.memref_squeeze %dma_start3A_277 : memref<1x8x128xf32, #tpu.memory_space<vmem>> -> memref<8x128xf32, #tpu.memory_space<vmem>>
    %dma_start3A_279 = arith.constant 16 : i32
    %dma_start3A_280 = tpu.memref_slice %arg4[%dma_start3A_279, %multiple_of3A_247] : memref<32x1000000xf32, #tpu.memory_space<hbm>> -> memref<8x128xf32, #tpu.memory_space<hbm>>
    %dma_start3A_281 = arith.constant 16 : i32
    %dma_start3A_282 = arith.constant 0 : i32
    %dma_start3A_283 = tpu.memref_slice %arg8[%dma_start3A_274, %dma_start3A_281, %dma_start3A_282] : memref<16x32x128xf32, #tpu.memory_space<vmem>> -> memref<1x8x128xf32, #tpu.memory_space<vmem>>
    %dma_start3A_284 = tpu.memref_squeeze %dma_start3A_283 : memref<1x8x128xf32, #tpu.memory_space<vmem>> -> memref<8x128xf32, #tpu.memory_space<vmem>>
    %dma_start3A_285 = arith.constant 16 : i32
    %dma_start3A_286 = tpu.memref_slice %arg4[%dma_start3A_285, %multiple_of3A_247] : memref<32x1000000xf32, #tpu.memory_space<hbm>> -> memref<8x128xf32, #tpu.memory_space<hbm>>
    tpu.enqueue_dma source(%dma_start3A_286 : memref<8x128xf32, #tpu.memory_space<hbm>>) target(%dma_start3A_284 : memref<8x128xf32, #tpu.memory_space<vmem>>) target_semaphore(%arg14 : memref<!tpu.dma_semaphore, #tpu.memory_space<semaphore_mem>>)
    %dma_start3A_287 = arith.constant 4 : i32
    %dma_start3A_288 = arith.constant 24 : i32
    %dma_start3A_289 = arith.constant 0 : i32
    %dma_start3A_290 = tpu.memref_slice %arg8[%dma_start3A_287, %dma_start3A_288, %dma_start3A_289] : memref<16x32x128xf32, #tpu.memory_space<vmem>> -> memref<1x8x128xf32, #tpu.memory_space<vmem>>
    %dma_start3A_291 = tpu.memref_squeeze %dma_start3A_290 : memref<1x8x128xf32, #tpu.memory_space<vmem>> -> memref<8x128xf32, #tpu.memory_space<vmem>>
    %dma_start3A_292 = arith.constant 24 : i32
    %dma_start3A_293 = tpu.memref_slice %arg4[%dma_start3A_292, %multiple_of3A_247] : memref<32x1000000xf32, #tpu.memory_space<hbm>> -> memref<8x128xf32, #tpu.memory_space<hbm>>
    %dma_start3A_294 = arith.constant 24 : i32
    %dma_start3A_295 = arith.constant 0 : i32
    %dma_start3A_296 = tpu.memref_slice %arg8[%dma_start3A_287, %dma_start3A_294, %dma_start3A_295] : memref<16x32x128xf32, #tpu.memory_space<vmem>> -> memref<1x8x128xf32, #tpu.memory_space<vmem>>
    %dma_start3A_297 = tpu.memref_squeeze %dma_start3A_296 : memref<1x8x128xf32, #tpu.memory_space<vmem>> -> memref<8x128xf32, #tpu.memory_space<vmem>>
    %dma_start3A_298 = arith.constant 24 : i32
    %dma_start3A_299 = tpu.memref_slice %arg4[%dma_start3A_298, %multiple_of3A_247] : memref<32x1000000xf32, #tpu.memory_space<hbm>> -> memref<8x128xf32, #tpu.memory_space<hbm>>
    tpu.enqueue_dma source(%dma_start3A_299 : memref<8x128xf32, #tpu.memory_space<hbm>>) target(%dma_start3A_297 : memref<8x128xf32, #tpu.memory_space<vmem>>) target_semaphore(%arg14 : memref<!tpu.dma_semaphore, #tpu.memory_space<semaphore_mem>>)
    %slice3A_300 = vector.extract_strided_slice %get3A_9 {offsets = [5], sizes = [1], strides = [1]} : vector<16xi32> to vector<1xi32>
    %squeeze3A_301 = vector.extract %slice3A_300[0] : i32 from vector<1xi32>
    %shift_right_arithmetic3A_302 = arith.constant 7 : i32
    %shift_right_arithmetic3A_303 = arith.shrsi %squeeze3A_301, %shift_right_arithmetic3A_302 : i32
    %shift_left3A_304 = arith.constant 7 : i32
    %shift_left3A_305 = arith.shli %shift_right_arithmetic3A_303, %shift_left3A_304 : i32
    %multiple_of3A_306 = tpu.assume_multiple %shift_left3A_305, 128 : i32
    %dma_start3A_307 = arith.constant 5 : i32
    %dma_start3A_308 = arith.constant 0 : i32
    %dma_start3A_309 = arith.constant 0 : i32
    %dma_start3A_310 = tpu.memref_slice %arg8[%dma_start3A_307, %dma_start3A_308, %dma_start3A_309] : memref<16x32x128xf32, #tpu.memory_space<vmem>> -> memref<1x8x128xf32, #tpu.memory_space<vmem>>
    %dma_start3A_311 = tpu.memref_squeeze %dma_start3A_310 : memref<1x8x128xf32, #tpu.memory_space<vmem>> -> memref<8x128xf32, #tpu.memory_space<vmem>>
    %dma_start3A_312 = arith.constant 0 : i32
    %dma_start3A_313 = tpu.memref_slice %arg4[%dma_start3A_312, %multiple_of3A_306] : memref<32x1000000xf32, #tpu.memory_space<hbm>> -> memref<8x128xf32, #tpu.memory_space<hbm>>
    %dma_start3A_314 = arith.constant 0 : i32
    %dma_start3A_315 = arith.constant 0 : i32
    %dma_start3A_316 = tpu.memref_slice %arg8[%dma_start3A_307, %dma_start3A_314, %dma_start3A_315] : memref<16x32x128xf32, #tpu.memory_space<vmem>> -> memref<1x8x128xf32, #tpu.memory_space<vmem>>
    %dma_start3A_317 = tpu.memref_squeeze %dma_start3A_316 : memref<1x8x128xf32, #tpu.memory_space<vmem>> -> memref<8x128xf32, #tpu.memory_space<vmem>>
    %dma_start3A_318 = arith.constant 0 : i32
    %dma_start3A_319 = tpu.memref_slice %arg4[%dma_start3A_318, %multiple_of3A_306] : memref<32x1000000xf32, #tpu.memory_space<hbm>> -> memref<8x128xf32, #tpu.memory_space<hbm>>
    tpu.enqueue_dma source(%dma_start3A_319 : memref<8x128xf32, #tpu.memory_space<hbm>>) target(%dma_start3A_317 : memref<8x128xf32, #tpu.memory_space<vmem>>) target_semaphore(%arg15 : memref<!tpu.dma_semaphore, #tpu.memory_space<semaphore_mem>>)
    %dma_start3A_320 = arith.constant 5 : i32
    %dma_start3A_321 = arith.constant 8 : i32
    %dma_start3A_322 = arith.constant 0 : i32
    %dma_start3A_323 = tpu.memref_slice %arg8[%dma_start3A_320, %dma_start3A_321, %dma_start3A_322] : memref<16x32x128xf32, #tpu.memory_space<vmem>> -> memref<1x8x128xf32, #tpu.memory_space<vmem>>
    %dma_start3A_324 = tpu.memref_squeeze %dma_start3A_323 : memref<1x8x128xf32, #tpu.memory_space<vmem>> -> memref<8x128xf32, #tpu.memory_space<vmem>>
    %dma_start3A_325 = arith.constant 8 : i32
    %dma_start3A_326 = tpu.memref_slice %arg4[%dma_start3A_325, %multiple_of3A_306] : memref<32x1000000xf32, #tpu.memory_space<hbm>> -> memref<8x128xf32, #tpu.memory_space<hbm>>
    %dma_start3A_327 = arith.constant 8 : i32
    %dma_start3A_328 = arith.constant 0 : i32
    %dma_start3A_329 = tpu.memref_slice %arg8[%dma_start3A_320, %dma_start3A_327, %dma_start3A_328] : memref<16x32x128xf32, #tpu.memory_space<vmem>> -> memref<1x8x128xf32, #tpu.memory_space<vmem>>
    %dma_start3A_330 = tpu.memref_squeeze %dma_start3A_329 : memref<1x8x128xf32, #tpu.memory_space<vmem>> -> memref<8x128xf32, #tpu.memory_space<vmem>>
    %dma_start3A_331 = arith.constant 8 : i32
    %dma_start3A_332 = tpu.memref_slice %arg4[%dma_start3A_331, %multiple_of3A_306] : memref<32x1000000xf32, #tpu.memory_space<hbm>> -> memref<8x128xf32, #tpu.memory_space<hbm>>
    tpu.enqueue_dma source(%dma_start3A_332 : memref<8x128xf32, #tpu.memory_space<hbm>>) target(%dma_start3A_330 : memref<8x128xf32, #tpu.memory_space<vmem>>) target_semaphore(%arg15 : memref<!tpu.dma_semaphore, #tpu.memory_space<semaphore_mem>>)
    %dma_start3A_333 = arith.constant 5 : i32
    %dma_start3A_334 = arith.constant 16 : i32
    %dma_start3A_335 = arith.constant 0 : i32
    %dma_start3A_336 = tpu.memref_slice %arg8[%dma_start3A_333, %dma_start3A_334, %dma_start3A_335] : memref<16x32x128xf32, #tpu.memory_space<vmem>> -> memref<1x8x128xf32, #tpu.memory_space<vmem>>
    %dma_start3A_337 = tpu.memref_squeeze %dma_start3A_336 : memref<1x8x128xf32, #tpu.memory_space<vmem>> -> memref<8x128xf32, #tpu.memory_space<vmem>>
    %dma_start3A_338 = arith.constant 16 : i32
    %dma_start3A_339 = tpu.memref_slice %arg4[%dma_start3A_338, %multiple_of3A_306] : memref<32x1000000xf32, #tpu.memory_space<hbm>> -> memref<8x128xf32, #tpu.memory_space<hbm>>
    %dma_start3A_340 = arith.constant 16 : i32
    %dma_start3A_341 = arith.constant 0 : i32
    %dma_start3A_342 = tpu.memref_slice %arg8[%dma_start3A_333, %dma_start3A_340, %dma_start3A_341] : memref<16x32x128xf32, #tpu.memory_space<vmem>> -> memref<1x8x128xf32, #tpu.memory_space<vmem>>
    %dma_start3A_343 = tpu.memref_squeeze %dma_start3A_342 : memref<1x8x128xf32, #tpu.memory_space<vmem>> -> memref<8x128xf32, #tpu.memory_space<vmem>>
    %dma_start3A_344 = arith.constant 16 : i32
    %dma_start3A_345 = tpu.memref_slice %arg4[%dma_start3A_344, %multiple_of3A_306] : memref<32x1000000xf32, #tpu.memory_space<hbm>> -> memref<8x128xf32, #tpu.memory_space<hbm>>
    tpu.enqueue_dma source(%dma_start3A_345 : memref<8x128xf32, #tpu.memory_space<hbm>>) target(%dma_start3A_343 : memref<8x128xf32, #tpu.memory_space<vmem>>) target_semaphore(%arg15 : memref<!tpu.dma_semaphore, #tpu.memory_space<semaphore_mem>>)
    %dma_start3A_346 = arith.constant 5 : i32
    %dma_start3A_347 = arith.constant 24 : i32
    %dma_start3A_348 = arith.constant 0 : i32
    %dma_start3A_349 = tpu.memref_slice %arg8[%dma_start3A_346, %dma_start3A_347, %dma_start3A_348] : memref<16x32x128xf32, #tpu.memory_space<vmem>> -> memref<1x8x128xf32, #tpu.memory_space<vmem>>
    %dma_start3A_350 = tpu.memref_squeeze %dma_start3A_349 : memref<1x8x128xf32, #tpu.memory_space<vmem>> -> memref<8x128xf32, #tpu.memory_space<vmem>>
    %dma_start3A_351 = arith.constant 24 : i32
    %dma_start3A_352 = tpu.memref_slice %arg4[%dma_start3A_351, %multiple_of3A_306] : memref<32x1000000xf32, #tpu.memory_space<hbm>> -> memref<8x128xf32, #tpu.memory_space<hbm>>
    %dma_start3A_353 = arith.constant 24 : i32
    %dma_start3A_354 = arith.constant 0 : i32
    %dma_start3A_355 = tpu.memref_slice %arg8[%dma_start3A_346, %dma_start3A_353, %dma_start3A_354] : memref<16x32x128xf32, #tpu.memory_space<vmem>> -> memref<1x8x128xf32, #tpu.memory_space<vmem>>
    %dma_start3A_356 = tpu.memref_squeeze %dma_start3A_355 : memref<1x8x128xf32, #tpu.memory_space<vmem>> -> memref<8x128xf32, #tpu.memory_space<vmem>>
    %dma_start3A_357 = arith.constant 24 : i32
    %dma_start3A_358 = tpu.memref_slice %arg4[%dma_start3A_357, %multiple_of3A_306] : memref<32x1000000xf32, #tpu.memory_space<hbm>> -> memref<8x128xf32, #tpu.memory_space<hbm>>
    tpu.enqueue_dma source(%dma_start3A_358 : memref<8x128xf32, #tpu.memory_space<hbm>>) target(%dma_start3A_356 : memref<8x128xf32, #tpu.memory_space<vmem>>) target_semaphore(%arg15 : memref<!tpu.dma_semaphore, #tpu.memory_space<semaphore_mem>>)
    %slice3A_359 = vector.extract_strided_slice %get3A_9 {offsets = [6], sizes = [1], strides = [1]} : vector<16xi32> to vector<1xi32>
    %squeeze3A_360 = vector.extract %slice3A_359[0] : i32 from vector<1xi32>
    %shift_right_arithmetic3A_361 = arith.constant 7 : i32
    %shift_right_arithmetic3A_362 = arith.shrsi %squeeze3A_360, %shift_right_arithmetic3A_361 : i32
    %shift_left3A_363 = arith.constant 7 : i32
    %shift_left3A_364 = arith.shli %shift_right_arithmetic3A_362, %shift_left3A_363 : i32
    %multiple_of3A_365 = tpu.assume_multiple %shift_left3A_364, 128 : i32
    %dma_start3A_366 = arith.constant 6 : i32
    %dma_start3A_367 = arith.constant 0 : i32
    %dma_start3A_368 = arith.constant 0 : i32
    %dma_start3A_369 = tpu.memref_slice %arg8[%dma_start3A_366, %dma_start3A_367, %dma_start3A_368] : memref<16x32x128xf32, #tpu.memory_space<vmem>> -> memref<1x8x128xf32, #tpu.memory_space<vmem>>
    %dma_start3A_370 = tpu.memref_squeeze %dma_start3A_369 : memref<1x8x128xf32, #tpu.memory_space<vmem>> -> memref<8x128xf32, #tpu.memory_space<vmem>>
    %dma_start3A_371 = arith.constant 0 : i32
    %dma_start3A_372 = tpu.memref_slice %arg4[%dma_start3A_371, %multiple_of3A_365] : memref<32x1000000xf32, #tpu.memory_space<hbm>> -> memref<8x128xf32, #tpu.memory_space<hbm>>
    %dma_start3A_373 = arith.constant 0 : i32
    %dma_start3A_374 = arith.constant 0 : i32
    %dma_start3A_375 = tpu.memref_slice %arg8[%dma_start3A_366, %dma_start3A_373, %dma_start3A_374] : memref<16x32x128xf32, #tpu.memory_space<vmem>> -> memref<1x8x128xf32, #tpu.memory_space<vmem>>
    %dma_start3A_376 = tpu.memref_squeeze %dma_start3A_375 : memref<1x8x128xf32, #tpu.memory_space<vmem>> -> memref<8x128xf32, #tpu.memory_space<vmem>>
    %dma_start3A_377 = arith.constant 0 : i32
    %dma_start3A_378 = tpu.memref_slice %arg4[%dma_start3A_377, %multiple_of3A_365] : memref<32x1000000xf32, #tpu.memory_space<hbm>> -> memref<8x128xf32, #tpu.memory_space<hbm>>
    tpu.enqueue_dma source(%dma_start3A_378 : memref<8x128xf32, #tpu.memory_space<hbm>>) target(%dma_start3A_376 : memref<8x128xf32, #tpu.memory_space<vmem>>) target_semaphore(%arg16 : memref<!tpu.dma_semaphore, #tpu.memory_space<semaphore_mem>>)
    %dma_start3A_379 = arith.constant 6 : i32
    %dma_start3A_380 = arith.constant 8 : i32
    %dma_start3A_381 = arith.constant 0 : i32
    %dma_start3A_382 = tpu.memref_slice %arg8[%dma_start3A_379, %dma_start3A_380, %dma_start3A_381] : memref<16x32x128xf32, #tpu.memory_space<vmem>> -> memref<1x8x128xf32, #tpu.memory_space<vmem>>
    %dma_start3A_383 = tpu.memref_squeeze %dma_start3A_382 : memref<1x8x128xf32, #tpu.memory_space<vmem>> -> memref<8x128xf32, #tpu.memory_space<vmem>>
    %dma_start3A_384 = arith.constant 8 : i32
    %dma_start3A_385 = tpu.memref_slice %arg4[%dma_start3A_384, %multiple_of3A_365] : memref<32x1000000xf32, #tpu.memory_space<hbm>> -> memref<8x128xf32, #tpu.memory_space<hbm>>
    %dma_start3A_386 = arith.constant 8 : i32
    %dma_start3A_387 = arith.constant 0 : i32
    %dma_start3A_388 = tpu.memref_slice %arg8[%dma_start3A_379, %dma_start3A_386, %dma_start3A_387] : memref<16x32x128xf32, #tpu.memory_space<vmem>> -> memref<1x8x128xf32, #tpu.memory_space<vmem>>
    %dma_start3A_389 = tpu.memref_squeeze %dma_start3A_388 : memref<1x8x128xf32, #tpu.memory_space<vmem>> -> memref<8x128xf32, #tpu.memory_space<vmem>>
    %dma_start3A_390 = arith.constant 8 : i32
    %dma_start3A_391 = tpu.memref_slice %arg4[%dma_start3A_390, %multiple_of3A_365] : memref<32x1000000xf32, #tpu.memory_space<hbm>> -> memref<8x128xf32, #tpu.memory_space<hbm>>
    tpu.enqueue_dma source(%dma_start3A_391 : memref<8x128xf32, #tpu.memory_space<hbm>>) target(%dma_start3A_389 : memref<8x128xf32, #tpu.memory_space<vmem>>) target_semaphore(%arg16 : memref<!tpu.dma_semaphore, #tpu.memory_space<semaphore_mem>>)
    %dma_start3A_392 = arith.constant 6 : i32
    %dma_start3A_393 = arith.constant 16 : i32
    %dma_start3A_394 = arith.constant 0 : i32
    %dma_start3A_395 = tpu.memref_slice %arg8[%dma_start3A_392, %dma_start3A_393, %dma_start3A_394] : memref<16x32x128xf32, #tpu.memory_space<vmem>> -> memref<1x8x128xf32, #tpu.memory_space<vmem>>
    %dma_start3A_396 = tpu.memref_squeeze %dma_start3A_395 : memref<1x8x128xf32, #tpu.memory_space<vmem>> -> memref<8x128xf32, #tpu.memory_space<vmem>>
    %dma_start3A_397 = arith.constant 16 : i32
    %dma_start3A_398 = tpu.memref_slice %arg4[%dma_start3A_397, %multiple_of3A_365] : memref<32x1000000xf32, #tpu.memory_space<hbm>> -> memref<8x128xf32, #tpu.memory_space<hbm>>
    %dma_start3A_399 = arith.constant 16 : i32
    %dma_start3A_400 = arith.constant 0 : i32
    %dma_start3A_401 = tpu.memref_slice %arg8[%dma_start3A_392, %dma_start3A_399, %dma_start3A_400] : memref<16x32x128xf32, #tpu.memory_space<vmem>> -> memref<1x8x128xf32, #tpu.memory_space<vmem>>
    %dma_start3A_402 = tpu.memref_squeeze %dma_start3A_401 : memref<1x8x128xf32, #tpu.memory_space<vmem>> -> memref<8x128xf32, #tpu.memory_space<vmem>>
    %dma_start3A_403 = arith.constant 16 : i32
    %dma_start3A_404 = tpu.memref_slice %arg4[%dma_start3A_403, %multiple_of3A_365] : memref<32x1000000xf32, #tpu.memory_space<hbm>> -> memref<8x128xf32, #tpu.memory_space<hbm>>
    tpu.enqueue_dma source(%dma_start3A_404 : memref<8x128xf32, #tpu.memory_space<hbm>>) target(%dma_start3A_402 : memref<8x128xf32, #tpu.memory_space<vmem>>) target_semaphore(%arg16 : memref<!tpu.dma_semaphore, #tpu.memory_space<semaphore_mem>>)
    %dma_start3A_405 = arith.constant 6 : i32
    %dma_start3A_406 = arith.constant 24 : i32
    %dma_start3A_407 = arith.constant 0 : i32
    %dma_start3A_408 = tpu.memref_slice %arg8[%dma_start3A_405, %dma_start3A_406, %dma_start3A_407] : memref<16x32x128xf32, #tpu.memory_space<vmem>> -> memref<1x8x128xf32, #tpu.memory_space<vmem>>
    %dma_start3A_409 = tpu.memref_squeeze %dma_start3A_408 : memref<1x8x128xf32, #tpu.memory_space<vmem>> -> memref<8x128xf32, #tpu.memory_space<vmem>>
    %dma_start3A_410 = arith.constant 24 : i32
    %dma_start3A_411 = tpu.memref_slice %arg4[%dma_start3A_410, %multiple_of3A_365] : memref<32x1000000xf32, #tpu.memory_space<hbm>> -> memref<8x128xf32, #tpu.memory_space<hbm>>
    %dma_start3A_412 = arith.constant 24 : i32
    %dma_start3A_413 = arith.constant 0 : i32
    %dma_start3A_414 = tpu.memref_slice %arg8[%dma_start3A_405, %dma_start3A_412, %dma_start3A_413] : memref<16x32x128xf32, #tpu.memory_space<vmem>> -> memref<1x8x128xf32, #tpu.memory_space<vmem>>
    %dma_start3A_415 = tpu.memref_squeeze %dma_start3A_414 : memref<1x8x128xf32, #tpu.memory_space<vmem>> -> memref<8x128xf32, #tpu.memory_space<vmem>>
    %dma_start3A_416 = arith.constant 24 : i32
    %dma_start3A_417 = tpu.memref_slice %arg4[%dma_start3A_416, %multiple_of3A_365] : memref<32x1000000xf32, #tpu.memory_space<hbm>> -> memref<8x128xf32, #tpu.memory_space<hbm>>
    tpu.enqueue_dma source(%dma_start3A_417 : memref<8x128xf32, #tpu.memory_space<hbm>>) target(%dma_start3A_415 : memref<8x128xf32, #tpu.memory_space<vmem>>) target_semaphore(%arg16 : memref<!tpu.dma_semaphore, #tpu.memory_space<semaphore_mem>>)
    %slice3A_418 = vector.extract_strided_slice %get3A_9 {offsets = [7], sizes = [1], strides = [1]} : vector<16xi32> to vector<1xi32>
    %squeeze3A_419 = vector.extract %slice3A_418[0] : i32 from vector<1xi32>
    %shift_right_arithmetic3A_420 = arith.constant 7 : i32
    %shift_right_arithmetic3A_421 = arith.shrsi %squeeze3A_419, %shift_right_arithmetic3A_420 : i32
    %shift_left3A_422 = arith.constant 7 : i32
    %shift_left3A_423 = arith.shli %shift_right_arithmetic3A_421, %shift_left3A_422 : i32
    %multiple_of3A_424 = tpu.assume_multiple %shift_left3A_423, 128 : i32
    %dma_start3A_425 = arith.constant 7 : i32
    %dma_start3A_426 = arith.constant 0 : i32
    %dma_start3A_427 = arith.constant 0 : i32
    %dma_start3A_428 = tpu.memref_slice %arg8[%dma_start3A_425, %dma_start3A_426, %dma_start3A_427] : memref<16x32x128xf32, #tpu.memory_space<vmem>> -> memref<1x8x128xf32, #tpu.memory_space<vmem>>
    %dma_start3A_429 = tpu.memref_squeeze %dma_start3A_428 : memref<1x8x128xf32, #tpu.memory_space<vmem>> -> memref<8x128xf32, #tpu.memory_space<vmem>>
    %dma_start3A_430 = arith.constant 0 : i32
    %dma_start3A_431 = tpu.memref_slice %arg4[%dma_start3A_430, %multiple_of3A_424] : memref<32x1000000xf32, #tpu.memory_space<hbm>> -> memref<8x128xf32, #tpu.memory_space<hbm>>
    %dma_start3A_432 = arith.constant 0 : i32
    %dma_start3A_433 = arith.constant 0 : i32
    %dma_start3A_434 = tpu.memref_slice %arg8[%dma_start3A_425, %dma_start3A_432, %dma_start3A_433] : memref<16x32x128xf32, #tpu.memory_space<vmem>> -> memref<1x8x128xf32, #tpu.memory_space<vmem>>
    %dma_start3A_435 = tpu.memref_squeeze %dma_start3A_434 : memref<1x8x128xf32, #tpu.memory_space<vmem>> -> memref<8x128xf32, #tpu.memory_space<vmem>>
    %dma_start3A_436 = arith.constant 0 : i32
    %dma_start3A_437 = tpu.memref_slice %arg4[%dma_start3A_436, %multiple_of3A_424] : memref<32x1000000xf32, #tpu.memory_space<hbm>> -> memref<8x128xf32, #tpu.memory_space<hbm>>
    tpu.enqueue_dma source(%dma_start3A_437 : memref<8x128xf32, #tpu.memory_space<hbm>>) target(%dma_start3A_435 : memref<8x128xf32, #tpu.memory_space<vmem>>) target_semaphore(%arg17 : memref<!tpu.dma_semaphore, #tpu.memory_space<semaphore_mem>>)
    %dma_start3A_438 = arith.constant 7 : i32
    %dma_start3A_439 = arith.constant 8 : i32
    %dma_start3A_440 = arith.constant 0 : i32
    %dma_start3A_441 = tpu.memref_slice %arg8[%dma_start3A_438, %dma_start3A_439, %dma_start3A_440] : memref<16x32x128xf32, #tpu.memory_space<vmem>> -> memref<1x8x128xf32, #tpu.memory_space<vmem>>
    %dma_start3A_442 = tpu.memref_squeeze %dma_start3A_441 : memref<1x8x128xf32, #tpu.memory_space<vmem>> -> memref<8x128xf32, #tpu.memory_space<vmem>>
    %dma_start3A_443 = arith.constant 8 : i32
    %dma_start3A_444 = tpu.memref_slice %arg4[%dma_start3A_443, %multiple_of3A_424] : memref<32x1000000xf32, #tpu.memory_space<hbm>> -> memref<8x128xf32, #tpu.memory_space<hbm>>
    %dma_start3A_445 = arith.constant 8 : i32
    %dma_start3A_446 = arith.constant 0 : i32
    %dma_start3A_447 = tpu.memref_slice %arg8[%dma_start3A_438, %dma_start3A_445, %dma_start3A_446] : memref<16x32x128xf32, #tpu.memory_space<vmem>> -> memref<1x8x128xf32, #tpu.memory_space<vmem>>
    %dma_start3A_448 = tpu.memref_squeeze %dma_start3A_447 : memref<1x8x128xf32, #tpu.memory_space<vmem>> -> memref<8x128xf32, #tpu.memory_space<vmem>>
    %dma_start3A_449 = arith.constant 8 : i32
    %dma_start3A_450 = tpu.memref_slice %arg4[%dma_start3A_449, %multiple_of3A_424] : memref<32x1000000xf32, #tpu.memory_space<hbm>> -> memref<8x128xf32, #tpu.memory_space<hbm>>
    tpu.enqueue_dma source(%dma_start3A_450 : memref<8x128xf32, #tpu.memory_space<hbm>>) target(%dma_start3A_448 : memref<8x128xf32, #tpu.memory_space<vmem>>) target_semaphore(%arg17 : memref<!tpu.dma_semaphore, #tpu.memory_space<semaphore_mem>>)
    %dma_start3A_451 = arith.constant 7 : i32
    %dma_start3A_452 = arith.constant 16 : i32
    %dma_start3A_453 = arith.constant 0 : i32
    %dma_start3A_454 = tpu.memref_slice %arg8[%dma_start3A_451, %dma_start3A_452, %dma_start3A_453] : memref<16x32x128xf32, #tpu.memory_space<vmem>> -> memref<1x8x128xf32, #tpu.memory_space<vmem>>
    %dma_start3A_455 = tpu.memref_squeeze %dma_start3A_454 : memref<1x8x128xf32, #tpu.memory_space<vmem>> -> memref<8x128xf32, #tpu.memory_space<vmem>>
    %dma_start3A_456 = arith.constant 16 : i32
    %dma_start3A_457 = tpu.memref_slice %arg4[%dma_start3A_456, %multiple_of3A_424] : memref<32x1000000xf32, #tpu.memory_space<hbm>> -> memref<8x128xf32, #tpu.memory_space<hbm>>
    %dma_start3A_458 = arith.constant 16 : i32
    %dma_start3A_459 = arith.constant 0 : i32
    %dma_start3A_460 = tpu.memref_slice %arg8[%dma_start3A_451, %dma_start3A_458, %dma_start3A_459] : memref<16x32x128xf32, #tpu.memory_space<vmem>> -> memref<1x8x128xf32, #tpu.memory_space<vmem>>
    %dma_start3A_461 = tpu.memref_squeeze %dma_start3A_460 : memref<1x8x128xf32, #tpu.memory_space<vmem>> -> memref<8x128xf32, #tpu.memory_space<vmem>>
    %dma_start3A_462 = arith.constant 16 : i32
    %dma_start3A_463 = tpu.memref_slice %arg4[%dma_start3A_462, %multiple_of3A_424] : memref<32x1000000xf32, #tpu.memory_space<hbm>> -> memref<8x128xf32, #tpu.memory_space<hbm>>
    tpu.enqueue_dma source(%dma_start3A_463 : memref<8x128xf32, #tpu.memory_space<hbm>>) target(%dma_start3A_461 : memref<8x128xf32, #tpu.memory_space<vmem>>) target_semaphore(%arg17 : memref<!tpu.dma_semaphore, #tpu.memory_space<semaphore_mem>>)
    %dma_start3A_464 = arith.constant 7 : i32
    %dma_start3A_465 = arith.constant 24 : i32
    %dma_start3A_466 = arith.constant 0 : i32
    %dma_start3A_467 = tpu.memref_slice %arg8[%dma_start3A_464, %dma_start3A_465, %dma_start3A_466] : memref<16x32x128xf32, #tpu.memory_space<vmem>> -> memref<1x8x128xf32, #tpu.memory_space<vmem>>
    %dma_start3A_468 = tpu.memref_squeeze %dma_start3A_467 : memref<1x8x128xf32, #tpu.memory_space<vmem>> -> memref<8x128xf32, #tpu.memory_space<vmem>>
    %dma_start3A_469 = arith.constant 24 : i32
    %dma_start3A_470 = tpu.memref_slice %arg4[%dma_start3A_469, %multiple_of3A_424] : memref<32x1000000xf32, #tpu.memory_space<hbm>> -> memref<8x128xf32, #tpu.memory_space<hbm>>
    %dma_start3A_471 = arith.constant 24 : i32
    %dma_start3A_472 = arith.constant 0 : i32
    %dma_start3A_473 = tpu.memref_slice %arg8[%dma_start3A_464, %dma_start3A_471, %dma_start3A_472] : memref<16x32x128xf32, #tpu.memory_space<vmem>> -> memref<1x8x128xf32, #tpu.memory_space<vmem>>
    %dma_start3A_474 = tpu.memref_squeeze %dma_start3A_473 : memref<1x8x128xf32, #tpu.memory_space<vmem>> -> memref<8x128xf32, #tpu.memory_space<vmem>>
    %dma_start3A_475 = arith.constant 24 : i32
    %dma_start3A_476 = tpu.memref_slice %arg4[%dma_start3A_475, %multiple_of3A_424] : memref<32x1000000xf32, #tpu.memory_space<hbm>> -> memref<8x128xf32, #tpu.memory_space<hbm>>
    tpu.enqueue_dma source(%dma_start3A_476 : memref<8x128xf32, #tpu.memory_space<hbm>>) target(%dma_start3A_474 : memref<8x128xf32, #tpu.memory_space<vmem>>) target_semaphore(%arg17 : memref<!tpu.dma_semaphore, #tpu.memory_space<semaphore_mem>>)
    %slice3A_477 = vector.extract_strided_slice %get3A_9 {offsets = [8], sizes = [1], strides = [1]} : vector<16xi32> to vector<1xi32>
    %squeeze3A_478 = vector.extract %slice3A_477[0] : i32 from vector<1xi32>
    %shift_right_arithmetic3A_479 = arith.constant 7 : i32
    %shift_right_arithmetic3A_480 = arith.shrsi %squeeze3A_478, %shift_right_arithmetic3A_479 : i32
    %shift_left3A_481 = arith.constant 7 : i32
    %shift_left3A_482 = arith.shli %shift_right_arithmetic3A_480, %shift_left3A_481 : i32
    %multiple_of3A_483 = tpu.assume_multiple %shift_left3A_482, 128 : i32
    %dma_start3A_484 = arith.constant 8 : i32
    %dma_start3A_485 = arith.constant 0 : i32
    %dma_start3A_486 = arith.constant 0 : i32
    %dma_start3A_487 = tpu.memref_slice %arg8[%dma_start3A_484, %dma_start3A_485, %dma_start3A_486] : memref<16x32x128xf32, #tpu.memory_space<vmem>> -> memref<1x8x128xf32, #tpu.memory_space<vmem>>
    %dma_start3A_488 = tpu.memref_squeeze %dma_start3A_487 : memref<1x8x128xf32, #tpu.memory_space<vmem>> -> memref<8x128xf32, #tpu.memory_space<vmem>>
    %dma_start3A_489 = arith.constant 0 : i32
    %dma_start3A_490 = tpu.memref_slice %arg4[%dma_start3A_489, %multiple_of3A_483] : memref<32x1000000xf32, #tpu.memory_space<hbm>> -> memref<8x128xf32, #tpu.memory_space<hbm>>
    %dma_start3A_491 = arith.constant 0 : i32
    %dma_start3A_492 = arith.constant 0 : i32
    %dma_start3A_493 = tpu.memref_slice %arg8[%dma_start3A_484, %dma_start3A_491, %dma_start3A_492] : memref<16x32x128xf32, #tpu.memory_space<vmem>> -> memref<1x8x128xf32, #tpu.memory_space<vmem>>
    %dma_start3A_494 = tpu.memref_squeeze %dma_start3A_493 : memref<1x8x128xf32, #tpu.memory_space<vmem>> -> memref<8x128xf32, #tpu.memory_space<vmem>>
    %dma_start3A_495 = arith.constant 0 : i32
    %dma_start3A_496 = tpu.memref_slice %arg4[%dma_start3A_495, %multiple_of3A_483] : memref<32x1000000xf32, #tpu.memory_space<hbm>> -> memref<8x128xf32, #tpu.memory_space<hbm>>
    tpu.enqueue_dma source(%dma_start3A_496 : memref<8x128xf32, #tpu.memory_space<hbm>>) target(%dma_start3A_494 : memref<8x128xf32, #tpu.memory_space<vmem>>) target_semaphore(%arg18 : memref<!tpu.dma_semaphore, #tpu.memory_space<semaphore_mem>>)
    %dma_start3A_497 = arith.constant 8 : i32
    %dma_start3A_498 = arith.constant 8 : i32
    %dma_start3A_499 = arith.constant 0 : i32
    %dma_start3A_500 = tpu.memref_slice %arg8[%dma_start3A_497, %dma_start3A_498, %dma_start3A_499] : memref<16x32x128xf32, #tpu.memory_space<vmem>> -> memref<1x8x128xf32, #tpu.memory_space<vmem>>
    %dma_start3A_501 = tpu.memref_squeeze %dma_start3A_500 : memref<1x8x128xf32, #tpu.memory_space<vmem>> -> memref<8x128xf32, #tpu.memory_space<vmem>>
    %dma_start3A_502 = arith.constant 8 : i32
    %dma_start3A_503 = tpu.memref_slice %arg4[%dma_start3A_502, %multiple_of3A_483] : memref<32x1000000xf32, #tpu.memory_space<hbm>> -> memref<8x128xf32, #tpu.memory_space<hbm>>
    %dma_start3A_504 = arith.constant 8 : i32
    %dma_start3A_505 = arith.constant 0 : i32
    %dma_start3A_506 = tpu.memref_slice %arg8[%dma_start3A_497, %dma_start3A_504, %dma_start3A_505] : memref<16x32x128xf32, #tpu.memory_space<vmem>> -> memref<1x8x128xf32, #tpu.memory_space<vmem>>
    %dma_start3A_507 = tpu.memref_squeeze %dma_start3A_506 : memref<1x8x128xf32, #tpu.memory_space<vmem>> -> memref<8x128xf32, #tpu.memory_space<vmem>>
    %dma_start3A_508 = arith.constant 8 : i32
    %dma_start3A_509 = tpu.memref_slice %arg4[%dma_start3A_508, %multiple_of3A_483] : memref<32x1000000xf32, #tpu.memory_space<hbm>> -> memref<8x128xf32, #tpu.memory_space<hbm>>
    tpu.enqueue_dma source(%dma_start3A_509 : memref<8x128xf32, #tpu.memory_space<hbm>>) target(%dma_start3A_507 : memref<8x128xf32, #tpu.memory_space<vmem>>) target_semaphore(%arg18 : memref<!tpu.dma_semaphore, #tpu.memory_space<semaphore_mem>>)
    %dma_start3A_510 = arith.constant 8 : i32
    %dma_start3A_511 = arith.constant 16 : i32
    %dma_start3A_512 = arith.constant 0 : i32
    %dma_start3A_513 = tpu.memref_slice %arg8[%dma_start3A_510, %dma_start3A_511, %dma_start3A_512] : memref<16x32x128xf32, #tpu.memory_space<vmem>> -> memref<1x8x128xf32, #tpu.memory_space<vmem>>
    %dma_start3A_514 = tpu.memref_squeeze %dma_start3A_513 : memref<1x8x128xf32, #tpu.memory_space<vmem>> -> memref<8x128xf32, #tpu.memory_space<vmem>>
    %dma_start3A_515 = arith.constant 16 : i32
    %dma_start3A_516 = tpu.memref_slice %arg4[%dma_start3A_515, %multiple_of3A_483] : memref<32x1000000xf32, #tpu.memory_space<hbm>> -> memref<8x128xf32, #tpu.memory_space<hbm>>
    %dma_start3A_517 = arith.constant 16 : i32
    %dma_start3A_518 = arith.constant 0 : i32
    %dma_start3A_519 = tpu.memref_slice %arg8[%dma_start3A_510, %dma_start3A_517, %dma_start3A_518] : memref<16x32x128xf32, #tpu.memory_space<vmem>> -> memref<1x8x128xf32, #tpu.memory_space<vmem>>
    %dma_start3A_520 = tpu.memref_squeeze %dma_start3A_519 : memref<1x8x128xf32, #tpu.memory_space<vmem>> -> memref<8x128xf32, #tpu.memory_space<vmem>>
    %dma_start3A_521 = arith.constant 16 : i32
    %dma_start3A_522 = tpu.memref_slice %arg4[%dma_start3A_521, %multiple_of3A_483] : memref<32x1000000xf32, #tpu.memory_space<hbm>> -> memref<8x128xf32, #tpu.memory_space<hbm>>
    tpu.enqueue_dma source(%dma_start3A_522 : memref<8x128xf32, #tpu.memory_space<hbm>>) target(%dma_start3A_520 : memref<8x128xf32, #tpu.memory_space<vmem>>) target_semaphore(%arg18 : memref<!tpu.dma_semaphore, #tpu.memory_space<semaphore_mem>>)
    %dma_start3A_523 = arith.constant 8 : i32
    %dma_start3A_524 = arith.constant 24 : i32
    %dma_start3A_525 = arith.constant 0 : i32
    %dma_start3A_526 = tpu.memref_slice %arg8[%dma_start3A_523, %dma_start3A_524, %dma_start3A_525] : memref<16x32x128xf32, #tpu.memory_space<vmem>> -> memref<1x8x128xf32, #tpu.memory_space<vmem>>
    %dma_start3A_527 = tpu.memref_squeeze %dma_start3A_526 : memref<1x8x128xf32, #tpu.memory_space<vmem>> -> memref<8x128xf32, #tpu.memory_space<vmem>>
    %dma_start3A_528 = arith.constant 24 : i32
    %dma_start3A_529 = tpu.memref_slice %arg4[%dma_start3A_528, %multiple_of3A_483] : memref<32x1000000xf32, #tpu.memory_space<hbm>> -> memref<8x128xf32, #tpu.memory_space<hbm>>
    %dma_start3A_530 = arith.constant 24 : i32
    %dma_start3A_531 = arith.constant 0 : i32
    %dma_start3A_532 = tpu.memref_slice %arg8[%dma_start3A_523, %dma_start3A_530, %dma_start3A_531] : memref<16x32x128xf32, #tpu.memory_space<vmem>> -> memref<1x8x128xf32, #tpu.memory_space<vmem>>
    %dma_start3A_533 = tpu.memref_squeeze %dma_start3A_532 : memref<1x8x128xf32, #tpu.memory_space<vmem>> -> memref<8x128xf32, #tpu.memory_space<vmem>>
    %dma_start3A_534 = arith.constant 24 : i32
    %dma_start3A_535 = tpu.memref_slice %arg4[%dma_start3A_534, %multiple_of3A_483] : memref<32x1000000xf32, #tpu.memory_space<hbm>> -> memref<8x128xf32, #tpu.memory_space<hbm>>
    tpu.enqueue_dma source(%dma_start3A_535 : memref<8x128xf32, #tpu.memory_space<hbm>>) target(%dma_start3A_533 : memref<8x128xf32, #tpu.memory_space<vmem>>) target_semaphore(%arg18 : memref<!tpu.dma_semaphore, #tpu.memory_space<semaphore_mem>>)
    %slice3A_536 = vector.extract_strided_slice %get3A_9 {offsets = [9], sizes = [1], strides = [1]} : vector<16xi32> to vector<1xi32>
    %squeeze3A_537 = vector.extract %slice3A_536[0] : i32 from vector<1xi32>
    %shift_right_arithmetic3A_538 = arith.constant 7 : i32
    %shift_right_arithmetic3A_539 = arith.shrsi %squeeze3A_537, %shift_right_arithmetic3A_538 : i32
    %shift_left3A_540 = arith.constant 7 : i32
    %shift_left3A_541 = arith.shli %shift_right_arithmetic3A_539, %shift_left3A_540 : i32
    %multiple_of3A_542 = tpu.assume_multiple %shift_left3A_541, 128 : i32
    %dma_start3A_543 = arith.constant 9 : i32
    %dma_start3A_544 = arith.constant 0 : i32
    %dma_start3A_545 = arith.constant 0 : i32
    %dma_start3A_546 = tpu.memref_slice %arg8[%dma_start3A_543, %dma_start3A_544, %dma_start3A_545] : memref<16x32x128xf32, #tpu.memory_space<vmem>> -> memref<1x8x128xf32, #tpu.memory_space<vmem>>
    %dma_start3A_547 = tpu.memref_squeeze %dma_start3A_546 : memref<1x8x128xf32, #tpu.memory_space<vmem>> -> memref<8x128xf32, #tpu.memory_space<vmem>>
    %dma_start3A_548 = arith.constant 0 : i32
    %dma_start3A_549 = tpu.memref_slice %arg4[%dma_start3A_548, %multiple_of3A_542] : memref<32x1000000xf32, #tpu.memory_space<hbm>> -> memref<8x128xf32, #tpu.memory_space<hbm>>
    %dma_start3A_550 = arith.constant 0 : i32
    %dma_start3A_551 = arith.constant 0 : i32
    %dma_start3A_552 = tpu.memref_slice %arg8[%dma_start3A_543, %dma_start3A_550, %dma_start3A_551] : memref<16x32x128xf32, #tpu.memory_space<vmem>> -> memref<1x8x128xf32, #tpu.memory_space<vmem>>
    %dma_start3A_553 = tpu.memref_squeeze %dma_start3A_552 : memref<1x8x128xf32, #tpu.memory_space<vmem>> -> memref<8x128xf32, #tpu.memory_space<vmem>>
    %dma_start3A_554 = arith.constant 0 : i32
    %dma_start3A_555 = tpu.memref_slice %arg4[%dma_start3A_554, %multiple_of3A_542] : memref<32x1000000xf32, #tpu.memory_space<hbm>> -> memref<8x128xf32, #tpu.memory_space<hbm>>
    tpu.enqueue_dma source(%dma_start3A_555 : memref<8x128xf32, #tpu.memory_space<hbm>>) target(%dma_start3A_553 : memref<8x128xf32, #tpu.memory_space<vmem>>) target_semaphore(%arg19 : memref<!tpu.dma_semaphore, #tpu.memory_space<semaphore_mem>>)
    %dma_start3A_556 = arith.constant 9 : i32
    %dma_start3A_557 = arith.constant 8 : i32
    %dma_start3A_558 = arith.constant 0 : i32
    %dma_start3A_559 = tpu.memref_slice %arg8[%dma_start3A_556, %dma_start3A_557, %dma_start3A_558] : memref<16x32x128xf32, #tpu.memory_space<vmem>> -> memref<1x8x128xf32, #tpu.memory_space<vmem>>
    %dma_start3A_560 = tpu.memref_squeeze %dma_start3A_559 : memref<1x8x128xf32, #tpu.memory_space<vmem>> -> memref<8x128xf32, #tpu.memory_space<vmem>>
    %dma_start3A_561 = arith.constant 8 : i32
    %dma_start3A_562 = tpu.memref_slice %arg4[%dma_start3A_561, %multiple_of3A_542] : memref<32x1000000xf32, #tpu.memory_space<hbm>> -> memref<8x128xf32, #tpu.memory_space<hbm>>
    %dma_start3A_563 = arith.constant 8 : i32
    %dma_start3A_564 = arith.constant 0 : i32
    %dma_start3A_565 = tpu.memref_slice %arg8[%dma_start3A_556, %dma_start3A_563, %dma_start3A_564] : memref<16x32x128xf32, #tpu.memory_space<vmem>> -> memref<1x8x128xf32, #tpu.memory_space<vmem>>
    %dma_start3A_566 = tpu.memref_squeeze %dma_start3A_565 : memref<1x8x128xf32, #tpu.memory_space<vmem>> -> memref<8x128xf32, #tpu.memory_space<vmem>>
    %dma_start3A_567 = arith.constant 8 : i32
    %dma_start3A_568 = tpu.memref_slice %arg4[%dma_start3A_567, %multiple_of3A_542] : memref<32x1000000xf32, #tpu.memory_space<hbm>> -> memref<8x128xf32, #tpu.memory_space<hbm>>
    tpu.enqueue_dma source(%dma_start3A_568 : memref<8x128xf32, #tpu.memory_space<hbm>>) target(%dma_start3A_566 : memref<8x128xf32, #tpu.memory_space<vmem>>) target_semaphore(%arg19 : memref<!tpu.dma_semaphore, #tpu.memory_space<semaphore_mem>>)
    %dma_start3A_569 = arith.constant 9 : i32
    %dma_start3A_570 = arith.constant 16 : i32
    %dma_start3A_571 = arith.constant 0 : i32
    %dma_start3A_572 = tpu.memref_slice %arg8[%dma_start3A_569, %dma_start3A_570, %dma_start3A_571] : memref<16x32x128xf32, #tpu.memory_space<vmem>> -> memref<1x8x128xf32, #tpu.memory_space<vmem>>
    %dma_start3A_573 = tpu.memref_squeeze %dma_start3A_572 : memref<1x8x128xf32, #tpu.memory_space<vmem>> -> memref<8x128xf32, #tpu.memory_space<vmem>>
    %dma_start3A_574 = arith.constant 16 : i32
    %dma_start3A_575 = tpu.memref_slice %arg4[%dma_start3A_574, %multiple_of3A_542] : memref<32x1000000xf32, #tpu.memory_space<hbm>> -> memref<8x128xf32, #tpu.memory_space<hbm>>
    %dma_start3A_576 = arith.constant 16 : i32
    %dma_start3A_577 = arith.constant 0 : i32
    %dma_start3A_578 = tpu.memref_slice %arg8[%dma_start3A_569, %dma_start3A_576, %dma_start3A_577] : memref<16x32x128xf32, #tpu.memory_space<vmem>> -> memref<1x8x128xf32, #tpu.memory_space<vmem>>
    %dma_start3A_579 = tpu.memref_squeeze %dma_start3A_578 : memref<1x8x128xf32, #tpu.memory_space<vmem>> -> memref<8x128xf32, #tpu.memory_space<vmem>>
    %dma_start3A_580 = arith.constant 16 : i32
    %dma_start3A_581 = tpu.memref_slice %arg4[%dma_start3A_580, %multiple_of3A_542] : memref<32x1000000xf32, #tpu.memory_space<hbm>> -> memref<8x128xf32, #tpu.memory_space<hbm>>
    tpu.enqueue_dma source(%dma_start3A_581 : memref<8x128xf32, #tpu.memory_space<hbm>>) target(%dma_start3A_579 : memref<8x128xf32, #tpu.memory_space<vmem>>) target_semaphore(%arg19 : memref<!tpu.dma_semaphore, #tpu.memory_space<semaphore_mem>>)
    %dma_start3A_582 = arith.constant 9 : i32
    %dma_start3A_583 = arith.constant 24 : i32
    %dma_start3A_584 = arith.constant 0 : i32
    %dma_start3A_585 = tpu.memref_slice %arg8[%dma_start3A_582, %dma_start3A_583, %dma_start3A_584] : memref<16x32x128xf32, #tpu.memory_space<vmem>> -> memref<1x8x128xf32, #tpu.memory_space<vmem>>
    %dma_start3A_586 = tpu.memref_squeeze %dma_start3A_585 : memref<1x8x128xf32, #tpu.memory_space<vmem>> -> memref<8x128xf32, #tpu.memory_space<vmem>>
    %dma_start3A_587 = arith.constant 24 : i32
    %dma_start3A_588 = tpu.memref_slice %arg4[%dma_start3A_587, %multiple_of3A_542] : memref<32x1000000xf32, #tpu.memory_space<hbm>> -> memref<8x128xf32, #tpu.memory_space<hbm>>
    %dma_start3A_589 = arith.constant 24 : i32
    %dma_start3A_590 = arith.constant 0 : i32
    %dma_start3A_591 = tpu.memref_slice %arg8[%dma_start3A_582, %dma_start3A_589, %dma_start3A_590] : memref<16x32x128xf32, #tpu.memory_space<vmem>> -> memref<1x8x128xf32, #tpu.memory_space<vmem>>
    %dma_start3A_592 = tpu.memref_squeeze %dma_start3A_591 : memref<1x8x128xf32, #tpu.memory_space<vmem>> -> memref<8x128xf32, #tpu.memory_space<vmem>>
    %dma_start3A_593 = arith.constant 24 : i32
    %dma_start3A_594 = tpu.memref_slice %arg4[%dma_start3A_593, %multiple_of3A_542] : memref<32x1000000xf32, #tpu.memory_space<hbm>> -> memref<8x128xf32, #tpu.memory_space<hbm>>
    tpu.enqueue_dma source(%dma_start3A_594 : memref<8x128xf32, #tpu.memory_space<hbm>>) target(%dma_start3A_592 : memref<8x128xf32, #tpu.memory_space<vmem>>) target_semaphore(%arg19 : memref<!tpu.dma_semaphore, #tpu.memory_space<semaphore_mem>>)
    %slice3A_595 = vector.extract_strided_slice %get3A_9 {offsets = [10], sizes = [1], strides = [1]} : vector<16xi32> to vector<1xi32>
    %squeeze3A_596 = vector.extract %slice3A_595[0] : i32 from vector<1xi32>
    %shift_right_arithmetic3A_597 = arith.constant 7 : i32
    %shift_right_arithmetic3A_598 = arith.shrsi %squeeze3A_596, %shift_right_arithmetic3A_597 : i32
    %shift_left3A_599 = arith.constant 7 : i32
    %shift_left3A_600 = arith.shli %shift_right_arithmetic3A_598, %shift_left3A_599 : i32
    %multiple_of3A_601 = tpu.assume_multiple %shift_left3A_600, 128 : i32
    %dma_start3A_602 = arith.constant 10 : i32
    %dma_start3A_603 = arith.constant 0 : i32
    %dma_start3A_604 = arith.constant 0 : i32
    %dma_start3A_605 = tpu.memref_slice %arg8[%dma_start3A_602, %dma_start3A_603, %dma_start3A_604] : memref<16x32x128xf32, #tpu.memory_space<vmem>> -> memref<1x8x128xf32, #tpu.memory_space<vmem>>
    %dma_start3A_606 = tpu.memref_squeeze %dma_start3A_605 : memref<1x8x128xf32, #tpu.memory_space<vmem>> -> memref<8x128xf32, #tpu.memory_space<vmem>>
    %dma_start3A_607 = arith.constant 0 : i32
    %dma_start3A_608 = tpu.memref_slice %arg4[%dma_start3A_607, %multiple_of3A_601] : memref<32x1000000xf32, #tpu.memory_space<hbm>> -> memref<8x128xf32, #tpu.memory_space<hbm>>
    %dma_start3A_609 = arith.constant 0 : i32
    %dma_start3A_610 = arith.constant 0 : i32
    %dma_start3A_611 = tpu.memref_slice %arg8[%dma_start3A_602, %dma_start3A_609, %dma_start3A_610] : memref<16x32x128xf32, #tpu.memory_space<vmem>> -> memref<1x8x128xf32, #tpu.memory_space<vmem>>
    %dma_start3A_612 = tpu.memref_squeeze %dma_start3A_611 : memref<1x8x128xf32, #tpu.memory_space<vmem>> -> memref<8x128xf32, #tpu.memory_space<vmem>>
    %dma_start3A_613 = arith.constant 0 : i32
    %dma_start3A_614 = tpu.memref_slice %arg4[%dma_start3A_613, %multiple_of3A_601] : memref<32x1000000xf32, #tpu.memory_space<hbm>> -> memref<8x128xf32, #tpu.memory_space<hbm>>
    tpu.enqueue_dma source(%dma_start3A_614 : memref<8x128xf32, #tpu.memory_space<hbm>>) target(%dma_start3A_612 : memref<8x128xf32, #tpu.memory_space<vmem>>) target_semaphore(%arg20 : memref<!tpu.dma_semaphore, #tpu.memory_space<semaphore_mem>>)
    %dma_start3A_615 = arith.constant 10 : i32
    %dma_start3A_616 = arith.constant 8 : i32
    %dma_start3A_617 = arith.constant 0 : i32
    %dma_start3A_618 = tpu.memref_slice %arg8[%dma_start3A_615, %dma_start3A_616, %dma_start3A_617] : memref<16x32x128xf32, #tpu.memory_space<vmem>> -> memref<1x8x128xf32, #tpu.memory_space<vmem>>
    %dma_start3A_619 = tpu.memref_squeeze %dma_start3A_618 : memref<1x8x128xf32, #tpu.memory_space<vmem>> -> memref<8x128xf32, #tpu.memory_space<vmem>>
    %dma_start3A_620 = arith.constant 8 : i32
    %dma_start3A_621 = tpu.memref_slice %arg4[%dma_start3A_620, %multiple_of3A_601] : memref<32x1000000xf32, #tpu.memory_space<hbm>> -> memref<8x128xf32, #tpu.memory_space<hbm>>
    %dma_start3A_622 = arith.constant 8 : i32
    %dma_start3A_623 = arith.constant 0 : i32
    %dma_start3A_624 = tpu.memref_slice %arg8[%dma_start3A_615, %dma_start3A_622, %dma_start3A_623] : memref<16x32x128xf32, #tpu.memory_space<vmem>> -> memref<1x8x128xf32, #tpu.memory_space<vmem>>
    %dma_start3A_625 = tpu.memref_squeeze %dma_start3A_624 : memref<1x8x128xf32, #tpu.memory_space<vmem>> -> memref<8x128xf32, #tpu.memory_space<vmem>>
    %dma_start3A_626 = arith.constant 8 : i32
    %dma_start3A_627 = tpu.memref_slice %arg4[%dma_start3A_626, %multiple_of3A_601] : memref<32x1000000xf32, #tpu.memory_space<hbm>> -> memref<8x128xf32, #tpu.memory_space<hbm>>
    tpu.enqueue_dma source(%dma_start3A_627 : memref<8x128xf32, #tpu.memory_space<hbm>>) target(%dma_start3A_625 : memref<8x128xf32, #tpu.memory_space<vmem>>) target_semaphore(%arg20 : memref<!tpu.dma_semaphore, #tpu.memory_space<semaphore_mem>>)
    %dma_start3A_628 = arith.constant 10 : i32
    %dma_start3A_629 = arith.constant 16 : i32
    %dma_start3A_630 = arith.constant 0 : i32
    %dma_start3A_631 = tpu.memref_slice %arg8[%dma_start3A_628, %dma_start3A_629, %dma_start3A_630] : memref<16x32x128xf32, #tpu.memory_space<vmem>> -> memref<1x8x128xf32, #tpu.memory_space<vmem>>
    %dma_start3A_632 = tpu.memref_squeeze %dma_start3A_631 : memref<1x8x128xf32, #tpu.memory_space<vmem>> -> memref<8x128xf32, #tpu.memory_space<vmem>>
    %dma_start3A_633 = arith.constant 16 : i32
    %dma_start3A_634 = tpu.memref_slice %arg4[%dma_start3A_633, %multiple_of3A_601] : memref<32x1000000xf32, #tpu.memory_space<hbm>> -> memref<8x128xf32, #tpu.memory_space<hbm>>
    %dma_start3A_635 = arith.constant 16 : i32
    %dma_start3A_636 = arith.constant 0 : i32
    %dma_start3A_637 = tpu.memref_slice %arg8[%dma_start3A_628, %dma_start3A_635, %dma_start3A_636] : memref<16x32x128xf32, #tpu.memory_space<vmem>> -> memref<1x8x128xf32, #tpu.memory_space<vmem>>
    %dma_start3A_638 = tpu.memref_squeeze %dma_start3A_637 : memref<1x8x128xf32, #tpu.memory_space<vmem>> -> memref<8x128xf32, #tpu.memory_space<vmem>>
    %dma_start3A_639 = arith.constant 16 : i32
    %dma_start3A_640 = tpu.memref_slice %arg4[%dma_start3A_639, %multiple_of3A_601] : memref<32x1000000xf32, #tpu.memory_space<hbm>> -> memref<8x128xf32, #tpu.memory_space<hbm>>
    tpu.enqueue_dma source(%dma_start3A_640 : memref<8x128xf32, #tpu.memory_space<hbm>>) target(%dma_start3A_638 : memref<8x128xf32, #tpu.memory_space<vmem>>) target_semaphore(%arg20 : memref<!tpu.dma_semaphore, #tpu.memory_space<semaphore_mem>>)
    %dma_start3A_641 = arith.constant 10 : i32
    %dma_start3A_642 = arith.constant 24 : i32
    %dma_start3A_643 = arith.constant 0 : i32
    %dma_start3A_644 = tpu.memref_slice %arg8[%dma_start3A_641, %dma_start3A_642, %dma_start3A_643] : memref<16x32x128xf32, #tpu.memory_space<vmem>> -> memref<1x8x128xf32, #tpu.memory_space<vmem>>
    %dma_start3A_645 = tpu.memref_squeeze %dma_start3A_644 : memref<1x8x128xf32, #tpu.memory_space<vmem>> -> memref<8x128xf32, #tpu.memory_space<vmem>>
    %dma_start3A_646 = arith.constant 24 : i32
    %dma_start3A_647 = tpu.memref_slice %arg4[%dma_start3A_646, %multiple_of3A_601] : memref<32x1000000xf32, #tpu.memory_space<hbm>> -> memref<8x128xf32, #tpu.memory_space<hbm>>
    %dma_start3A_648 = arith.constant 24 : i32
    %dma_start3A_649 = arith.constant 0 : i32
    %dma_start3A_650 = tpu.memref_slice %arg8[%dma_start3A_641, %dma_start3A_648, %dma_start3A_649] : memref<16x32x128xf32, #tpu.memory_space<vmem>> -> memref<1x8x128xf32, #tpu.memory_space<vmem>>
    %dma_start3A_651 = tpu.memref_squeeze %dma_start3A_650 : memref<1x8x128xf32, #tpu.memory_space<vmem>> -> memref<8x128xf32, #tpu.memory_space<vmem>>
    %dma_start3A_652 = arith.constant 24 : i32
    %dma_start3A_653 = tpu.memref_slice %arg4[%dma_start3A_652, %multiple_of3A_601] : memref<32x1000000xf32, #tpu.memory_space<hbm>> -> memref<8x128xf32, #tpu.memory_space<hbm>>
    tpu.enqueue_dma source(%dma_start3A_653 : memref<8x128xf32, #tpu.memory_space<hbm>>) target(%dma_start3A_651 : memref<8x128xf32, #tpu.memory_space<vmem>>) target_semaphore(%arg20 : memref<!tpu.dma_semaphore, #tpu.memory_space<semaphore_mem>>)
    %slice3A_654 = vector.extract_strided_slice %get3A_9 {offsets = [11], sizes = [1], strides = [1]} : vector<16xi32> to vector<1xi32>
    %squeeze3A_655 = vector.extract %slice3A_654[0] : i32 from vector<1xi32>
    %shift_right_arithmetic3A_656 = arith.constant 7 : i32
    %shift_right_arithmetic3A_657 = arith.shrsi %squeeze3A_655, %shift_right_arithmetic3A_656 : i32
    %shift_left3A_658 = arith.constant 7 : i32
    %shift_left3A_659 = arith.shli %shift_right_arithmetic3A_657, %shift_left3A_658 : i32
    %multiple_of3A_660 = tpu.assume_multiple %shift_left3A_659, 128 : i32
    %dma_start3A_661 = arith.constant 11 : i32
    %dma_start3A_662 = arith.constant 0 : i32
    %dma_start3A_663 = arith.constant 0 : i32
    %dma_start3A_664 = tpu.memref_slice %arg8[%dma_start3A_661, %dma_start3A_662, %dma_start3A_663] : memref<16x32x128xf32, #tpu.memory_space<vmem>> -> memref<1x8x128xf32, #tpu.memory_space<vmem>>
    %dma_start3A_665 = tpu.memref_squeeze %dma_start3A_664 : memref<1x8x128xf32, #tpu.memory_space<vmem>> -> memref<8x128xf32, #tpu.memory_space<vmem>>
    %dma_start3A_666 = arith.constant 0 : i32
    %dma_start3A_667 = tpu.memref_slice %arg4[%dma_start3A_666, %multiple_of3A_660] : memref<32x1000000xf32, #tpu.memory_space<hbm>> -> memref<8x128xf32, #tpu.memory_space<hbm>>
    %dma_start3A_668 = arith.constant 0 : i32
    %dma_start3A_669 = arith.constant 0 : i32
    %dma_start3A_670 = tpu.memref_slice %arg8[%dma_start3A_661, %dma_start3A_668, %dma_start3A_669] : memref<16x32x128xf32, #tpu.memory_space<vmem>> -> memref<1x8x128xf32, #tpu.memory_space<vmem>>
    %dma_start3A_671 = tpu.memref_squeeze %dma_start3A_670 : memref<1x8x128xf32, #tpu.memory_space<vmem>> -> memref<8x128xf32, #tpu.memory_space<vmem>>
    %dma_start3A_672 = arith.constant 0 : i32
    %dma_start3A_673 = tpu.memref_slice %arg4[%dma_start3A_672, %multiple_of3A_660] : memref<32x1000000xf32, #tpu.memory_space<hbm>> -> memref<8x128xf32, #tpu.memory_space<hbm>>
    tpu.enqueue_dma source(%dma_start3A_673 : memref<8x128xf32, #tpu.memory_space<hbm>>) target(%dma_start3A_671 : memref<8x128xf32, #tpu.memory_space<vmem>>) target_semaphore(%arg21 : memref<!tpu.dma_semaphore, #tpu.memory_space<semaphore_mem>>)
    %dma_start3A_674 = arith.constant 11 : i32
    %dma_start3A_675 = arith.constant 8 : i32
    %dma_start3A_676 = arith.constant 0 : i32
    %dma_start3A_677 = tpu.memref_slice %arg8[%dma_start3A_674, %dma_start3A_675, %dma_start3A_676] : memref<16x32x128xf32, #tpu.memory_space<vmem>> -> memref<1x8x128xf32, #tpu.memory_space<vmem>>
    %dma_start3A_678 = tpu.memref_squeeze %dma_start3A_677 : memref<1x8x128xf32, #tpu.memory_space<vmem>> -> memref<8x128xf32, #tpu.memory_space<vmem>>
    %dma_start3A_679 = arith.constant 8 : i32
    %dma_start3A_680 = tpu.memref_slice %arg4[%dma_start3A_679, %multiple_of3A_660] : memref<32x1000000xf32, #tpu.memory_space<hbm>> -> memref<8x128xf32, #tpu.memory_space<hbm>>
    %dma_start3A_681 = arith.constant 8 : i32
    %dma_start3A_682 = arith.constant 0 : i32
    %dma_start3A_683 = tpu.memref_slice %arg8[%dma_start3A_674, %dma_start3A_681, %dma_start3A_682] : memref<16x32x128xf32, #tpu.memory_space<vmem>> -> memref<1x8x128xf32, #tpu.memory_space<vmem>>
    %dma_start3A_684 = tpu.memref_squeeze %dma_start3A_683 : memref<1x8x128xf32, #tpu.memory_space<vmem>> -> memref<8x128xf32, #tpu.memory_space<vmem>>
    %dma_start3A_685 = arith.constant 8 : i32
    %dma_start3A_686 = tpu.memref_slice %arg4[%dma_start3A_685, %multiple_of3A_660] : memref<32x1000000xf32, #tpu.memory_space<hbm>> -> memref<8x128xf32, #tpu.memory_space<hbm>>
    tpu.enqueue_dma source(%dma_start3A_686 : memref<8x128xf32, #tpu.memory_space<hbm>>) target(%dma_start3A_684 : memref<8x128xf32, #tpu.memory_space<vmem>>) target_semaphore(%arg21 : memref<!tpu.dma_semaphore, #tpu.memory_space<semaphore_mem>>)
    %dma_start3A_687 = arith.constant 11 : i32
    %dma_start3A_688 = arith.constant 16 : i32
    %dma_start3A_689 = arith.constant 0 : i32
    %dma_start3A_690 = tpu.memref_slice %arg8[%dma_start3A_687, %dma_start3A_688, %dma_start3A_689] : memref<16x32x128xf32, #tpu.memory_space<vmem>> -> memref<1x8x128xf32, #tpu.memory_space<vmem>>
    %dma_start3A_691 = tpu.memref_squeeze %dma_start3A_690 : memref<1x8x128xf32, #tpu.memory_space<vmem>> -> memref<8x128xf32, #tpu.memory_space<vmem>>
    %dma_start3A_692 = arith.constant 16 : i32
    %dma_start3A_693 = tpu.memref_slice %arg4[%dma_start3A_692, %multiple_of3A_660] : memref<32x1000000xf32, #tpu.memory_space<hbm>> -> memref<8x128xf32, #tpu.memory_space<hbm>>
    %dma_start3A_694 = arith.constant 16 : i32
    %dma_start3A_695 = arith.constant 0 : i32
    %dma_start3A_696 = tpu.memref_slice %arg8[%dma_start3A_687, %dma_start3A_694, %dma_start3A_695] : memref<16x32x128xf32, #tpu.memory_space<vmem>> -> memref<1x8x128xf32, #tpu.memory_space<vmem>>
    %dma_start3A_697 = tpu.memref_squeeze %dma_start3A_696 : memref<1x8x128xf32, #tpu.memory_space<vmem>> -> memref<8x128xf32, #tpu.memory_space<vmem>>
    %dma_start3A_698 = arith.constant 16 : i32
    %dma_start3A_699 = tpu.memref_slice %arg4[%dma_start3A_698, %multiple_of3A_660] : memref<32x1000000xf32, #tpu.memory_space<hbm>> -> memref<8x128xf32, #tpu.memory_space<hbm>>
    tpu.enqueue_dma source(%dma_start3A_699 : memref<8x128xf32, #tpu.memory_space<hbm>>) target(%dma_start3A_697 : memref<8x128xf32, #tpu.memory_space<vmem>>) target_semaphore(%arg21 : memref<!tpu.dma_semaphore, #tpu.memory_space<semaphore_mem>>)
    %dma_start3A_700 = arith.constant 11 : i32
    %dma_start3A_701 = arith.constant 24 : i32
    %dma_start3A_702 = arith.constant 0 : i32
    %dma_start3A_703 = tpu.memref_slice %arg8[%dma_start3A_700, %dma_start3A_701, %dma_start3A_702] : memref<16x32x128xf32, #tpu.memory_space<vmem>> -> memref<1x8x128xf32, #tpu.memory_space<vmem>>
    %dma_start3A_704 = tpu.memref_squeeze %dma_start3A_703 : memref<1x8x128xf32, #tpu.memory_space<vmem>> -> memref<8x128xf32, #tpu.memory_space<vmem>>
    %dma_start3A_705 = arith.constant 24 : i32
    %dma_start3A_706 = tpu.memref_slice %arg4[%dma_start3A_705, %multiple_of3A_660] : memref<32x1000000xf32, #tpu.memory_space<hbm>> -> memref<8x128xf32, #tpu.memory_space<hbm>>
    %dma_start3A_707 = arith.constant 24 : i32
    %dma_start3A_708 = arith.constant 0 : i32
    %dma_start3A_709 = tpu.memref_slice %arg8[%dma_start3A_700, %dma_start3A_707, %dma_start3A_708] : memref<16x32x128xf32, #tpu.memory_space<vmem>> -> memref<1x8x128xf32, #tpu.memory_space<vmem>>
    %dma_start3A_710 = tpu.memref_squeeze %dma_start3A_709 : memref<1x8x128xf32, #tpu.memory_space<vmem>> -> memref<8x128xf32, #tpu.memory_space<vmem>>
    %dma_start3A_711 = arith.constant 24 : i32
    %dma_start3A_712 = tpu.memref_slice %arg4[%dma_start3A_711, %multiple_of3A_660] : memref<32x1000000xf32, #tpu.memory_space<hbm>> -> memref<8x128xf32, #tpu.memory_space<hbm>>
    tpu.enqueue_dma source(%dma_start3A_712 : memref<8x128xf32, #tpu.memory_space<hbm>>) target(%dma_start3A_710 : memref<8x128xf32, #tpu.memory_space<vmem>>) target_semaphore(%arg21 : memref<!tpu.dma_semaphore, #tpu.memory_space<semaphore_mem>>)
    %slice3A_713 = vector.extract_strided_slice %get3A_9 {offsets = [12], sizes = [1], strides = [1]} : vector<16xi32> to vector<1xi32>
    %squeeze3A_714 = vector.extract %slice3A_713[0] : i32 from vector<1xi32>
    %shift_right_arithmetic3A_715 = arith.constant 7 : i32
    %shift_right_arithmetic3A_716 = arith.shrsi %squeeze3A_714, %shift_right_arithmetic3A_715 : i32
    %shift_left3A_717 = arith.constant 7 : i32
    %shift_left3A_718 = arith.shli %shift_right_arithmetic3A_716, %shift_left3A_717 : i32
    %multiple_of3A_719 = tpu.assume_multiple %shift_left3A_718, 128 : i32
    %dma_start3A_720 = arith.constant 12 : i32
    %dma_start3A_721 = arith.constant 0 : i32
    %dma_start3A_722 = arith.constant 0 : i32
    %dma_start3A_723 = tpu.memref_slice %arg8[%dma_start3A_720, %dma_start3A_721, %dma_start3A_722] : memref<16x32x128xf32, #tpu.memory_space<vmem>> -> memref<1x8x128xf32, #tpu.memory_space<vmem>>
    %dma_start3A_724 = tpu.memref_squeeze %dma_start3A_723 : memref<1x8x128xf32, #tpu.memory_space<vmem>> -> memref<8x128xf32, #tpu.memory_space<vmem>>
    %dma_start3A_725 = arith.constant 0 : i32
    %dma_start3A_726 = tpu.memref_slice %arg4[%dma_start3A_725, %multiple_of3A_719] : memref<32x1000000xf32, #tpu.memory_space<hbm>> -> memref<8x128xf32, #tpu.memory_space<hbm>>
    %dma_start3A_727 = arith.constant 0 : i32
    %dma_start3A_728 = arith.constant 0 : i32
    %dma_start3A_729 = tpu.memref_slice %arg8[%dma_start3A_720, %dma_start3A_727, %dma_start3A_728] : memref<16x32x128xf32, #tpu.memory_space<vmem>> -> memref<1x8x128xf32, #tpu.memory_space<vmem>>
    %dma_start3A_730 = tpu.memref_squeeze %dma_start3A_729 : memref<1x8x128xf32, #tpu.memory_space<vmem>> -> memref<8x128xf32, #tpu.memory_space<vmem>>
    %dma_start3A_731 = arith.constant 0 : i32
    %dma_start3A_732 = tpu.memref_slice %arg4[%dma_start3A_731, %multiple_of3A_719] : memref<32x1000000xf32, #tpu.memory_space<hbm>> -> memref<8x128xf32, #tpu.memory_space<hbm>>
    tpu.enqueue_dma source(%dma_start3A_732 : memref<8x128xf32, #tpu.memory_space<hbm>>) target(%dma_start3A_730 : memref<8x128xf32, #tpu.memory_space<vmem>>) target_semaphore(%arg22 : memref<!tpu.dma_semaphore, #tpu.memory_space<semaphore_mem>>)
    %dma_start3A_733 = arith.constant 12 : i32
    %dma_start3A_734 = arith.constant 8 : i32
    %dma_start3A_735 = arith.constant 0 : i32
    %dma_start3A_736 = tpu.memref_slice %arg8[%dma_start3A_733, %dma_start3A_734, %dma_start3A_735] : memref<16x32x128xf32, #tpu.memory_space<vmem>> -> memref<1x8x128xf32, #tpu.memory_space<vmem>>
    %dma_start3A_737 = tpu.memref_squeeze %dma_start3A_736 : memref<1x8x128xf32, #tpu.memory_space<vmem>> -> memref<8x128xf32, #tpu.memory_space<vmem>>
    %dma_start3A_738 = arith.constant 8 : i32
    %dma_start3A_739 = tpu.memref_slice %arg4[%dma_start3A_738, %multiple_of3A_719] : memref<32x1000000xf32, #tpu.memory_space<hbm>> -> memref<8x128xf32, #tpu.memory_space<hbm>>
    %dma_start3A_740 = arith.constant 8 : i32
    %dma_start3A_741 = arith.constant 0 : i32
    %dma_start3A_742 = tpu.memref_slice %arg8[%dma_start3A_733, %dma_start3A_740, %dma_start3A_741] : memref<16x32x128xf32, #tpu.memory_space<vmem>> -> memref<1x8x128xf32, #tpu.memory_space<vmem>>
    %dma_start3A_743 = tpu.memref_squeeze %dma_start3A_742 : memref<1x8x128xf32, #tpu.memory_space<vmem>> -> memref<8x128xf32, #tpu.memory_space<vmem>>
    %dma_start3A_744 = arith.constant 8 : i32
    %dma_start3A_745 = tpu.memref_slice %arg4[%dma_start3A_744, %multiple_of3A_719] : memref<32x1000000xf32, #tpu.memory_space<hbm>> -> memref<8x128xf32, #tpu.memory_space<hbm>>
    tpu.enqueue_dma source(%dma_start3A_745 : memref<8x128xf32, #tpu.memory_space<hbm>>) target(%dma_start3A_743 : memref<8x128xf32, #tpu.memory_space<vmem>>) target_semaphore(%arg22 : memref<!tpu.dma_semaphore, #tpu.memory_space<semaphore_mem>>)
    %dma_start3A_746 = arith.constant 12 : i32
    %dma_start3A_747 = arith.constant 16 : i32
    %dma_start3A_748 = arith.constant 0 : i32
    %dma_start3A_749 = tpu.memref_slice %arg8[%dma_start3A_746, %dma_start3A_747, %dma_start3A_748] : memref<16x32x128xf32, #tpu.memory_space<vmem>> -> memref<1x8x128xf32, #tpu.memory_space<vmem>>
    %dma_start3A_750 = tpu.memref_squeeze %dma_start3A_749 : memref<1x8x128xf32, #tpu.memory_space<vmem>> -> memref<8x128xf32, #tpu.memory_space<vmem>>
    %dma_start3A_751 = arith.constant 16 : i32
    %dma_start3A_752 = tpu.memref_slice %arg4[%dma_start3A_751, %multiple_of3A_719] : memref<32x1000000xf32, #tpu.memory_space<hbm>> -> memref<8x128xf32, #tpu.memory_space<hbm>>
    %dma_start3A_753 = arith.constant 16 : i32
    %dma_start3A_754 = arith.constant 0 : i32
    %dma_start3A_755 = tpu.memref_slice %arg8[%dma_start3A_746, %dma_start3A_753, %dma_start3A_754] : memref<16x32x128xf32, #tpu.memory_space<vmem>> -> memref<1x8x128xf32, #tpu.memory_space<vmem>>
    %dma_start3A_756 = tpu.memref_squeeze %dma_start3A_755 : memref<1x8x128xf32, #tpu.memory_space<vmem>> -> memref<8x128xf32, #tpu.memory_space<vmem>>
    %dma_start3A_757 = arith.constant 16 : i32
    %dma_start3A_758 = tpu.memref_slice %arg4[%dma_start3A_757, %multiple_of3A_719] : memref<32x1000000xf32, #tpu.memory_space<hbm>> -> memref<8x128xf32, #tpu.memory_space<hbm>>
    tpu.enqueue_dma source(%dma_start3A_758 : memref<8x128xf32, #tpu.memory_space<hbm>>) target(%dma_start3A_756 : memref<8x128xf32, #tpu.memory_space<vmem>>) target_semaphore(%arg22 : memref<!tpu.dma_semaphore, #tpu.memory_space<semaphore_mem>>)
    %dma_start3A_759 = arith.constant 12 : i32
    %dma_start3A_760 = arith.constant 24 : i32
    %dma_start3A_761 = arith.constant 0 : i32
    %dma_start3A_762 = tpu.memref_slice %arg8[%dma_start3A_759, %dma_start3A_760, %dma_start3A_761] : memref<16x32x128xf32, #tpu.memory_space<vmem>> -> memref<1x8x128xf32, #tpu.memory_space<vmem>>
    %dma_start3A_763 = tpu.memref_squeeze %dma_start3A_762 : memref<1x8x128xf32, #tpu.memory_space<vmem>> -> memref<8x128xf32, #tpu.memory_space<vmem>>
    %dma_start3A_764 = arith.constant 24 : i32
    %dma_start3A_765 = tpu.memref_slice %arg4[%dma_start3A_764, %multiple_of3A_719] : memref<32x1000000xf32, #tpu.memory_space<hbm>> -> memref<8x128xf32, #tpu.memory_space<hbm>>
    %dma_start3A_766 = arith.constant 24 : i32
    %dma_start3A_767 = arith.constant 0 : i32
    %dma_start3A_768 = tpu.memref_slice %arg8[%dma_start3A_759, %dma_start3A_766, %dma_start3A_767] : memref<16x32x128xf32, #tpu.memory_space<vmem>> -> memref<1x8x128xf32, #tpu.memory_space<vmem>>
    %dma_start3A_769 = tpu.memref_squeeze %dma_start3A_768 : memref<1x8x128xf32, #tpu.memory_space<vmem>> -> memref<8x128xf32, #tpu.memory_space<vmem>>
    %dma_start3A_770 = arith.constant 24 : i32
    %dma_start3A_771 = tpu.memref_slice %arg4[%dma_start3A_770, %multiple_of3A_719] : memref<32x1000000xf32, #tpu.memory_space<hbm>> -> memref<8x128xf32, #tpu.memory_space<hbm>>
    tpu.enqueue_dma source(%dma_start3A_771 : memref<8x128xf32, #tpu.memory_space<hbm>>) target(%dma_start3A_769 : memref<8x128xf32, #tpu.memory_space<vmem>>) target_semaphore(%arg22 : memref<!tpu.dma_semaphore, #tpu.memory_space<semaphore_mem>>)
    %slice3A_772 = vector.extract_strided_slice %get3A_9 {offsets = [13], sizes = [1], strides = [1]} : vector<16xi32> to vector<1xi32>
    %squeeze3A_773 = vector.extract %slice3A_772[0] : i32 from vector<1xi32>
    %shift_right_arithmetic3A_774 = arith.constant 7 : i32
    %shift_right_arithmetic3A_775 = arith.shrsi %squeeze3A_773, %shift_right_arithmetic3A_774 : i32
    %shift_left3A_776 = arith.constant 7 : i32
    %shift_left3A_777 = arith.shli %shift_right_arithmetic3A_775, %shift_left3A_776 : i32
    %multiple_of3A_778 = tpu.assume_multiple %shift_left3A_777, 128 : i32
    %dma_start3A_779 = arith.constant 13 : i32
    %dma_start3A_780 = arith.constant 0 : i32
    %dma_start3A_781 = arith.constant 0 : i32
    %dma_start3A_782 = tpu.memref_slice %arg8[%dma_start3A_779, %dma_start3A_780, %dma_start3A_781] : memref<16x32x128xf32, #tpu.memory_space<vmem>> -> memref<1x8x128xf32, #tpu.memory_space<vmem>>
    %dma_start3A_783 = tpu.memref_squeeze %dma_start3A_782 : memref<1x8x128xf32, #tpu.memory_space<vmem>> -> memref<8x128xf32, #tpu.memory_space<vmem>>
    %dma_start3A_784 = arith.constant 0 : i32
    %dma_start3A_785 = tpu.memref_slice %arg4[%dma_start3A_784, %multiple_of3A_778] : memref<32x1000000xf32, #tpu.memory_space<hbm>> -> memref<8x128xf32, #tpu.memory_space<hbm>>
    %dma_start3A_786 = arith.constant 0 : i32
    %dma_start3A_787 = arith.constant 0 : i32
    %dma_start3A_788 = tpu.memref_slice %arg8[%dma_start3A_779, %dma_start3A_786, %dma_start3A_787] : memref<16x32x128xf32, #tpu.memory_space<vmem>> -> memref<1x8x128xf32, #tpu.memory_space<vmem>>
    %dma_start3A_789 = tpu.memref_squeeze %dma_start3A_788 : memref<1x8x128xf32, #tpu.memory_space<vmem>> -> memref<8x128xf32, #tpu.memory_space<vmem>>
    %dma_start3A_790 = arith.constant 0 : i32
    %dma_start3A_791 = tpu.memref_slice %arg4[%dma_start3A_790, %multiple_of3A_778] : memref<32x1000000xf32, #tpu.memory_space<hbm>> -> memref<8x128xf32, #tpu.memory_space<hbm>>
    tpu.enqueue_dma source(%dma_start3A_791 : memref<8x128xf32, #tpu.memory_space<hbm>>) target(%dma_start3A_789 : memref<8x128xf32, #tpu.memory_space<vmem>>) target_semaphore(%arg23 : memref<!tpu.dma_semaphore, #tpu.memory_space<semaphore_mem>>)
    %dma_start3A_792 = arith.constant 13 : i32
    %dma_start3A_793 = arith.constant 8 : i32
    %dma_start3A_794 = arith.constant 0 : i32
    %dma_start3A_795 = tpu.memref_slice %arg8[%dma_start3A_792, %dma_start3A_793, %dma_start3A_794] : memref<16x32x128xf32, #tpu.memory_space<vmem>> -> memref<1x8x128xf32, #tpu.memory_space<vmem>>
    %dma_start3A_796 = tpu.memref_squeeze %dma_start3A_795 : memref<1x8x128xf32, #tpu.memory_space<vmem>> -> memref<8x128xf32, #tpu.memory_space<vmem>>
    %dma_start3A_797 = arith.constant 8 : i32
    %dma_start3A_798 = tpu.memref_slice %arg4[%dma_start3A_797, %multiple_of3A_778] : memref<32x1000000xf32, #tpu.memory_space<hbm>> -> memref<8x128xf32, #tpu.memory_space<hbm>>
    %dma_start3A_799 = arith.constant 8 : i32
    %dma_start3A_800 = arith.constant 0 : i32
    %dma_start3A_801 = tpu.memref_slice %arg8[%dma_start3A_792, %dma_start3A_799, %dma_start3A_800] : memref<16x32x128xf32, #tpu.memory_space<vmem>> -> memref<1x8x128xf32, #tpu.memory_space<vmem>>
    %dma_start3A_802 = tpu.memref_squeeze %dma_start3A_801 : memref<1x8x128xf32, #tpu.memory_space<vmem>> -> memref<8x128xf32, #tpu.memory_space<vmem>>
    %dma_start3A_803 = arith.constant 8 : i32
    %dma_start3A_804 = tpu.memref_slice %arg4[%dma_start3A_803, %multiple_of3A_778] : memref<32x1000000xf32, #tpu.memory_space<hbm>> -> memref<8x128xf32, #tpu.memory_space<hbm>>
    tpu.enqueue_dma source(%dma_start3A_804 : memref<8x128xf32, #tpu.memory_space<hbm>>) target(%dma_start3A_802 : memref<8x128xf32, #tpu.memory_space<vmem>>) target_semaphore(%arg23 : memref<!tpu.dma_semaphore, #tpu.memory_space<semaphore_mem>>)
    %dma_start3A_805 = arith.constant 13 : i32
    %dma_start3A_806 = arith.constant 16 : i32
    %dma_start3A_807 = arith.constant 0 : i32
    %dma_start3A_808 = tpu.memref_slice %arg8[%dma_start3A_805, %dma_start3A_806, %dma_start3A_807] : memref<16x32x128xf32, #tpu.memory_space<vmem>> -> memref<1x8x128xf32, #tpu.memory_space<vmem>>
    %dma_start3A_809 = tpu.memref_squeeze %dma_start3A_808 : memref<1x8x128xf32, #tpu.memory_space<vmem>> -> memref<8x128xf32, #tpu.memory_space<vmem>>
    %dma_start3A_810 = arith.constant 16 : i32
    %dma_start3A_811 = tpu.memref_slice %arg4[%dma_start3A_810, %multiple_of3A_778] : memref<32x1000000xf32, #tpu.memory_space<hbm>> -> memref<8x128xf32, #tpu.memory_space<hbm>>
    %dma_start3A_812 = arith.constant 16 : i32
    %dma_start3A_813 = arith.constant 0 : i32
    %dma_start3A_814 = tpu.memref_slice %arg8[%dma_start3A_805, %dma_start3A_812, %dma_start3A_813] : memref<16x32x128xf32, #tpu.memory_space<vmem>> -> memref<1x8x128xf32, #tpu.memory_space<vmem>>
    %dma_start3A_815 = tpu.memref_squeeze %dma_start3A_814 : memref<1x8x128xf32, #tpu.memory_space<vmem>> -> memref<8x128xf32, #tpu.memory_space<vmem>>
    %dma_start3A_816 = arith.constant 16 : i32
    %dma_start3A_817 = tpu.memref_slice %arg4[%dma_start3A_816, %multiple_of3A_778] : memref<32x1000000xf32, #tpu.memory_space<hbm>> -> memref<8x128xf32, #tpu.memory_space<hbm>>
    tpu.enqueue_dma source(%dma_start3A_817 : memref<8x128xf32, #tpu.memory_space<hbm>>) target(%dma_start3A_815 : memref<8x128xf32, #tpu.memory_space<vmem>>) target_semaphore(%arg23 : memref<!tpu.dma_semaphore, #tpu.memory_space<semaphore_mem>>)
    %dma_start3A_818 = arith.constant 13 : i32
    %dma_start3A_819 = arith.constant 24 : i32
    %dma_start3A_820 = arith.constant 0 : i32
    %dma_start3A_821 = tpu.memref_slice %arg8[%dma_start3A_818, %dma_start3A_819, %dma_start3A_820] : memref<16x32x128xf32, #tpu.memory_space<vmem>> -> memref<1x8x128xf32, #tpu.memory_space<vmem>>
    %dma_start3A_822 = tpu.memref_squeeze %dma_start3A_821 : memref<1x8x128xf32, #tpu.memory_space<vmem>> -> memref<8x128xf32, #tpu.memory_space<vmem>>
    %dma_start3A_823 = arith.constant 24 : i32
    %dma_start3A_824 = tpu.memref_slice %arg4[%dma_start3A_823, %multiple_of3A_778] : memref<32x1000000xf32, #tpu.memory_space<hbm>> -> memref<8x128xf32, #tpu.memory_space<hbm>>
    %dma_start3A_825 = arith.constant 24 : i32
    %dma_start3A_826 = arith.constant 0 : i32
    %dma_start3A_827 = tpu.memref_slice %arg8[%dma_start3A_818, %dma_start3A_825, %dma_start3A_826] : memref<16x32x128xf32, #tpu.memory_space<vmem>> -> memref<1x8x128xf32, #tpu.memory_space<vmem>>
    %dma_start3A_828 = tpu.memref_squeeze %dma_start3A_827 : memref<1x8x128xf32, #tpu.memory_space<vmem>> -> memref<8x128xf32, #tpu.memory_space<vmem>>
    %dma_start3A_829 = arith.constant 24 : i32
    %dma_start3A_830 = tpu.memref_slice %arg4[%dma_start3A_829, %multiple_of3A_778] : memref<32x1000000xf32, #tpu.memory_space<hbm>> -> memref<8x128xf32, #tpu.memory_space<hbm>>
    tpu.enqueue_dma source(%dma_start3A_830 : memref<8x128xf32, #tpu.memory_space<hbm>>) target(%dma_start3A_828 : memref<8x128xf32, #tpu.memory_space<vmem>>) target_semaphore(%arg23 : memref<!tpu.dma_semaphore, #tpu.memory_space<semaphore_mem>>)
    %slice3A_831 = vector.extract_strided_slice %get3A_9 {offsets = [14], sizes = [1], strides = [1]} : vector<16xi32> to vector<1xi32>
    %squeeze3A_832 = vector.extract %slice3A_831[0] : i32 from vector<1xi32>
    %shift_right_arithmetic3A_833 = arith.constant 7 : i32
    %shift_right_arithmetic3A_834 = arith.shrsi %squeeze3A_832, %shift_right_arithmetic3A_833 : i32
    %shift_left3A_835 = arith.constant 7 : i32
    %shift_left3A_836 = arith.shli %shift_right_arithmetic3A_834, %shift_left3A_835 : i32
    %multiple_of3A_837 = tpu.assume_multiple %shift_left3A_836, 128 : i32
    %dma_start3A_838 = arith.constant 14 : i32
    %dma_start3A_839 = arith.constant 0 : i32
    %dma_start3A_840 = arith.constant 0 : i32
    %dma_start3A_841 = tpu.memref_slice %arg8[%dma_start3A_838, %dma_start3A_839, %dma_start3A_840] : memref<16x32x128xf32, #tpu.memory_space<vmem>> -> memref<1x8x128xf32, #tpu.memory_space<vmem>>
    %dma_start3A_842 = tpu.memref_squeeze %dma_start3A_841 : memref<1x8x128xf32, #tpu.memory_space<vmem>> -> memref<8x128xf32, #tpu.memory_space<vmem>>
    %dma_start3A_843 = arith.constant 0 : i32
    %dma_start3A_844 = tpu.memref_slice %arg4[%dma_start3A_843, %multiple_of3A_837] : memref<32x1000000xf32, #tpu.memory_space<hbm>> -> memref<8x128xf32, #tpu.memory_space<hbm>>
    %dma_start3A_845 = arith.constant 0 : i32
    %dma_start3A_846 = arith.constant 0 : i32
    %dma_start3A_847 = tpu.memref_slice %arg8[%dma_start3A_838, %dma_start3A_845, %dma_start3A_846] : memref<16x32x128xf32, #tpu.memory_space<vmem>> -> memref<1x8x128xf32, #tpu.memory_space<vmem>>
    %dma_start3A_848 = tpu.memref_squeeze %dma_start3A_847 : memref<1x8x128xf32, #tpu.memory_space<vmem>> -> memref<8x128xf32, #tpu.memory_space<vmem>>
    %dma_start3A_849 = arith.constant 0 : i32
    %dma_start3A_850 = tpu.memref_slice %arg4[%dma_start3A_849, %multiple_of3A_837] : memref<32x1000000xf32, #tpu.memory_space<hbm>> -> memref<8x128xf32, #tpu.memory_space<hbm>>
    tpu.enqueue_dma source(%dma_start3A_850 : memref<8x128xf32, #tpu.memory_space<hbm>>) target(%dma_start3A_848 : memref<8x128xf32, #tpu.memory_space<vmem>>) target_semaphore(%arg24 : memref<!tpu.dma_semaphore, #tpu.memory_space<semaphore_mem>>)
    %dma_start3A_851 = arith.constant 14 : i32
    %dma_start3A_852 = arith.constant 8 : i32
    %dma_start3A_853 = arith.constant 0 : i32
    %dma_start3A_854 = tpu.memref_slice %arg8[%dma_start3A_851, %dma_start3A_852, %dma_start3A_853] : memref<16x32x128xf32, #tpu.memory_space<vmem>> -> memref<1x8x128xf32, #tpu.memory_space<vmem>>
    %dma_start3A_855 = tpu.memref_squeeze %dma_start3A_854 : memref<1x8x128xf32, #tpu.memory_space<vmem>> -> memref<8x128xf32, #tpu.memory_space<vmem>>
    %dma_start3A_856 = arith.constant 8 : i32
    %dma_start3A_857 = tpu.memref_slice %arg4[%dma_start3A_856, %multiple_of3A_837] : memref<32x1000000xf32, #tpu.memory_space<hbm>> -> memref<8x128xf32, #tpu.memory_space<hbm>>
    %dma_start3A_858 = arith.constant 8 : i32
    %dma_start3A_859 = arith.constant 0 : i32
    %dma_start3A_860 = tpu.memref_slice %arg8[%dma_start3A_851, %dma_start3A_858, %dma_start3A_859] : memref<16x32x128xf32, #tpu.memory_space<vmem>> -> memref<1x8x128xf32, #tpu.memory_space<vmem>>
    %dma_start3A_861 = tpu.memref_squeeze %dma_start3A_860 : memref<1x8x128xf32, #tpu.memory_space<vmem>> -> memref<8x128xf32, #tpu.memory_space<vmem>>
    %dma_start3A_862 = arith.constant 8 : i32
    %dma_start3A_863 = tpu.memref_slice %arg4[%dma_start3A_862, %multiple_of3A_837] : memref<32x1000000xf32, #tpu.memory_space<hbm>> -> memref<8x128xf32, #tpu.memory_space<hbm>>
    tpu.enqueue_dma source(%dma_start3A_863 : memref<8x128xf32, #tpu.memory_space<hbm>>) target(%dma_start3A_861 : memref<8x128xf32, #tpu.memory_space<vmem>>) target_semaphore(%arg24 : memref<!tpu.dma_semaphore, #tpu.memory_space<semaphore_mem>>)
    %dma_start3A_864 = arith.constant 14 : i32
    %dma_start3A_865 = arith.constant 16 : i32
    %dma_start3A_866 = arith.constant 0 : i32
    %dma_start3A_867 = tpu.memref_slice %arg8[%dma_start3A_864, %dma_start3A_865, %dma_start3A_866] : memref<16x32x128xf32, #tpu.memory_space<vmem>> -> memref<1x8x128xf32, #tpu.memory_space<vmem>>
    %dma_start3A_868 = tpu.memref_squeeze %dma_start3A_867 : memref<1x8x128xf32, #tpu.memory_space<vmem>> -> memref<8x128xf32, #tpu.memory_space<vmem>>
    %dma_start3A_869 = arith.constant 16 : i32
    %dma_start3A_870 = tpu.memref_slice %arg4[%dma_start3A_869, %multiple_of3A_837] : memref<32x1000000xf32, #tpu.memory_space<hbm>> -> memref<8x128xf32, #tpu.memory_space<hbm>>
    %dma_start3A_871 = arith.constant 16 : i32
    %dma_start3A_872 = arith.constant 0 : i32
    %dma_start3A_873 = tpu.memref_slice %arg8[%dma_start3A_864, %dma_start3A_871, %dma_start3A_872] : memref<16x32x128xf32, #tpu.memory_space<vmem>> -> memref<1x8x128xf32, #tpu.memory_space<vmem>>
    %dma_start3A_874 = tpu.memref_squeeze %dma_start3A_873 : memref<1x8x128xf32, #tpu.memory_space<vmem>> -> memref<8x128xf32, #tpu.memory_space<vmem>>
    %dma_start3A_875 = arith.constant 16 : i32
    %dma_start3A_876 = tpu.memref_slice %arg4[%dma_start3A_875, %multiple_of3A_837] : memref<32x1000000xf32, #tpu.memory_space<hbm>> -> memref<8x128xf32, #tpu.memory_space<hbm>>
    tpu.enqueue_dma source(%dma_start3A_876 : memref<8x128xf32, #tpu.memory_space<hbm>>) target(%dma_start3A_874 : memref<8x128xf32, #tpu.memory_space<vmem>>) target_semaphore(%arg24 : memref<!tpu.dma_semaphore, #tpu.memory_space<semaphore_mem>>)
    %dma_start3A_877 = arith.constant 14 : i32
    %dma_start3A_878 = arith.constant 24 : i32
    %dma_start3A_879 = arith.constant 0 : i32
    %dma_start3A_880 = tpu.memref_slice %arg8[%dma_start3A_877, %dma_start3A_878, %dma_start3A_879] : memref<16x32x128xf32, #tpu.memory_space<vmem>> -> memref<1x8x128xf32, #tpu.memory_space<vmem>>
    %dma_start3A_881 = tpu.memref_squeeze %dma_start3A_880 : memref<1x8x128xf32, #tpu.memory_space<vmem>> -> memref<8x128xf32, #tpu.memory_space<vmem>>
    %dma_start3A_882 = arith.constant 24 : i32
    %dma_start3A_883 = tpu.memref_slice %arg4[%dma_start3A_882, %multiple_of3A_837] : memref<32x1000000xf32, #tpu.memory_space<hbm>> -> memref<8x128xf32, #tpu.memory_space<hbm>>
    %dma_start3A_884 = arith.constant 24 : i32
    %dma_start3A_885 = arith.constant 0 : i32
    %dma_start3A_886 = tpu.memref_slice %arg8[%dma_start3A_877, %dma_start3A_884, %dma_start3A_885] : memref<16x32x128xf32, #tpu.memory_space<vmem>> -> memref<1x8x128xf32, #tpu.memory_space<vmem>>
    %dma_start3A_887 = tpu.memref_squeeze %dma_start3A_886 : memref<1x8x128xf32, #tpu.memory_space<vmem>> -> memref<8x128xf32, #tpu.memory_space<vmem>>
    %dma_start3A_888 = arith.constant 24 : i32
    %dma_start3A_889 = tpu.memref_slice %arg4[%dma_start3A_888, %multiple_of3A_837] : memref<32x1000000xf32, #tpu.memory_space<hbm>> -> memref<8x128xf32, #tpu.memory_space<hbm>>
    tpu.enqueue_dma source(%dma_start3A_889 : memref<8x128xf32, #tpu.memory_space<hbm>>) target(%dma_start3A_887 : memref<8x128xf32, #tpu.memory_space<vmem>>) target_semaphore(%arg24 : memref<!tpu.dma_semaphore, #tpu.memory_space<semaphore_mem>>)
    %slice3A_890 = vector.extract_strided_slice %get3A_9 {offsets = [15], sizes = [1], strides = [1]} : vector<16xi32> to vector<1xi32>
    %squeeze3A_891 = vector.extract %slice3A_890[0] : i32 from vector<1xi32>
    %shift_right_arithmetic3A_892 = arith.constant 7 : i32
    %shift_right_arithmetic3A_893 = arith.shrsi %squeeze3A_891, %shift_right_arithmetic3A_892 : i32
    %shift_left3A_894 = arith.constant 7 : i32
    %shift_left3A_895 = arith.shli %shift_right_arithmetic3A_893, %shift_left3A_894 : i32
    %multiple_of3A_896 = tpu.assume_multiple %shift_left3A_895, 128 : i32
    %dma_start3A_897 = arith.constant 15 : i32
    %dma_start3A_898 = arith.constant 0 : i32
    %dma_start3A_899 = arith.constant 0 : i32
    %dma_start3A_900 = tpu.memref_slice %arg8[%dma_start3A_897, %dma_start3A_898, %dma_start3A_899] : memref<16x32x128xf32, #tpu.memory_space<vmem>> -> memref<1x8x128xf32, #tpu.memory_space<vmem>>
    %dma_start3A_901 = tpu.memref_squeeze %dma_start3A_900 : memref<1x8x128xf32, #tpu.memory_space<vmem>> -> memref<8x128xf32, #tpu.memory_space<vmem>>
    %dma_start3A_902 = arith.constant 0 : i32
    %dma_start3A_903 = tpu.memref_slice %arg4[%dma_start3A_902, %multiple_of3A_896] : memref<32x1000000xf32, #tpu.memory_space<hbm>> -> memref<8x128xf32, #tpu.memory_space<hbm>>
    %dma_start3A_904 = arith.constant 0 : i32
    %dma_start3A_905 = arith.constant 0 : i32
    %dma_start3A_906 = tpu.memref_slice %arg8[%dma_start3A_897, %dma_start3A_904, %dma_start3A_905] : memref<16x32x128xf32, #tpu.memory_space<vmem>> -> memref<1x8x128xf32, #tpu.memory_space<vmem>>
    %dma_start3A_907 = tpu.memref_squeeze %dma_start3A_906 : memref<1x8x128xf32, #tpu.memory_space<vmem>> -> memref<8x128xf32, #tpu.memory_space<vmem>>
    %dma_start3A_908 = arith.constant 0 : i32
    %dma_start3A_909 = tpu.memref_slice %arg4[%dma_start3A_908, %multiple_of3A_896] : memref<32x1000000xf32, #tpu.memory_space<hbm>> -> memref<8x128xf32, #tpu.memory_space<hbm>>
    tpu.enqueue_dma source(%dma_start3A_909 : memref<8x128xf32, #tpu.memory_space<hbm>>) target(%dma_start3A_907 : memref<8x128xf32, #tpu.memory_space<vmem>>) target_semaphore(%arg25 : memref<!tpu.dma_semaphore, #tpu.memory_space<semaphore_mem>>)
    %dma_start3A_910 = arith.constant 15 : i32
    %dma_start3A_911 = arith.constant 8 : i32
    %dma_start3A_912 = arith.constant 0 : i32
    %dma_start3A_913 = tpu.memref_slice %arg8[%dma_start3A_910, %dma_start3A_911, %dma_start3A_912] : memref<16x32x128xf32, #tpu.memory_space<vmem>> -> memref<1x8x128xf32, #tpu.memory_space<vmem>>
    %dma_start3A_914 = tpu.memref_squeeze %dma_start3A_913 : memref<1x8x128xf32, #tpu.memory_space<vmem>> -> memref<8x128xf32, #tpu.memory_space<vmem>>
    %dma_start3A_915 = arith.constant 8 : i32
    %dma_start3A_916 = tpu.memref_slice %arg4[%dma_start3A_915, %multiple_of3A_896] : memref<32x1000000xf32, #tpu.memory_space<hbm>> -> memref<8x128xf32, #tpu.memory_space<hbm>>
    %dma_start3A_917 = arith.constant 8 : i32
    %dma_start3A_918 = arith.constant 0 : i32
    %dma_start3A_919 = tpu.memref_slice %arg8[%dma_start3A_910, %dma_start3A_917, %dma_start3A_918] : memref<16x32x128xf32, #tpu.memory_space<vmem>> -> memref<1x8x128xf32, #tpu.memory_space<vmem>>
    %dma_start3A_920 = tpu.memref_squeeze %dma_start3A_919 : memref<1x8x128xf32, #tpu.memory_space<vmem>> -> memref<8x128xf32, #tpu.memory_space<vmem>>
    %dma_start3A_921 = arith.constant 8 : i32
    %dma_start3A_922 = tpu.memref_slice %arg4[%dma_start3A_921, %multiple_of3A_896] : memref<32x1000000xf32, #tpu.memory_space<hbm>> -> memref<8x128xf32, #tpu.memory_space<hbm>>
    tpu.enqueue_dma source(%dma_start3A_922 : memref<8x128xf32, #tpu.memory_space<hbm>>) target(%dma_start3A_920 : memref<8x128xf32, #tpu.memory_space<vmem>>) target_semaphore(%arg25 : memref<!tpu.dma_semaphore, #tpu.memory_space<semaphore_mem>>)
    %dma_start3A_923 = arith.constant 15 : i32
    %dma_start3A_924 = arith.constant 16 : i32
    %dma_start3A_925 = arith.constant 0 : i32
    %dma_start3A_926 = tpu.memref_slice %arg8[%dma_start3A_923, %dma_start3A_924, %dma_start3A_925] : memref<16x32x128xf32, #tpu.memory_space<vmem>> -> memref<1x8x128xf32, #tpu.memory_space<vmem>>
    %dma_start3A_927 = tpu.memref_squeeze %dma_start3A_926 : memref<1x8x128xf32, #tpu.memory_space<vmem>> -> memref<8x128xf32, #tpu.memory_space<vmem>>
    %dma_start3A_928 = arith.constant 16 : i32
    %dma_start3A_929 = tpu.memref_slice %arg4[%dma_start3A_928, %multiple_of3A_896] : memref<32x1000000xf32, #tpu.memory_space<hbm>> -> memref<8x128xf32, #tpu.memory_space<hbm>>
    %dma_start3A_930 = arith.constant 16 : i32
    %dma_start3A_931 = arith.constant 0 : i32
    %dma_start3A_932 = tpu.memref_slice %arg8[%dma_start3A_923, %dma_start3A_930, %dma_start3A_931] : memref<16x32x128xf32, #tpu.memory_space<vmem>> -> memref<1x8x128xf32, #tpu.memory_space<vmem>>
    %dma_start3A_933 = tpu.memref_squeeze %dma_start3A_932 : memref<1x8x128xf32, #tpu.memory_space<vmem>> -> memref<8x128xf32, #tpu.memory_space<vmem>>
    %dma_start3A_934 = arith.constant 16 : i32
    %dma_start3A_935 = tpu.memref_slice %arg4[%dma_start3A_934, %multiple_of3A_896] : memref<32x1000000xf32, #tpu.memory_space<hbm>> -> memref<8x128xf32, #tpu.memory_space<hbm>>
    tpu.enqueue_dma source(%dma_start3A_935 : memref<8x128xf32, #tpu.memory_space<hbm>>) target(%dma_start3A_933 : memref<8x128xf32, #tpu.memory_space<vmem>>) target_semaphore(%arg25 : memref<!tpu.dma_semaphore, #tpu.memory_space<semaphore_mem>>)
    %dma_start3A_936 = arith.constant 15 : i32
    %dma_start3A_937 = arith.constant 24 : i32
    %dma_start3A_938 = arith.constant 0 : i32
    %dma_start3A_939 = tpu.memref_slice %arg8[%dma_start3A_936, %dma_start3A_937, %dma_start3A_938] : memref<16x32x128xf32, #tpu.memory_space<vmem>> -> memref<1x8x128xf32, #tpu.memory_space<vmem>>
    %dma_start3A_940 = tpu.memref_squeeze %dma_start3A_939 : memref<1x8x128xf32, #tpu.memory_space<vmem>> -> memref<8x128xf32, #tpu.memory_space<vmem>>
    %dma_start3A_941 = arith.constant 24 : i32
    %dma_start3A_942 = tpu.memref_slice %arg4[%dma_start3A_941, %multiple_of3A_896] : memref<32x1000000xf32, #tpu.memory_space<hbm>> -> memref<8x128xf32, #tpu.memory_space<hbm>>
    %dma_start3A_943 = arith.constant 24 : i32
    %dma_start3A_944 = arith.constant 0 : i32
    %dma_start3A_945 = tpu.memref_slice %arg8[%dma_start3A_936, %dma_start3A_943, %dma_start3A_944] : memref<16x32x128xf32, #tpu.memory_space<vmem>> -> memref<1x8x128xf32, #tpu.memory_space<vmem>>
    %dma_start3A_946 = tpu.memref_squeeze %dma_start3A_945 : memref<1x8x128xf32, #tpu.memory_space<vmem>> -> memref<8x128xf32, #tpu.memory_space<vmem>>
    %dma_start3A_947 = arith.constant 24 : i32
    %dma_start3A_948 = tpu.memref_slice %arg4[%dma_start3A_947, %multiple_of3A_896] : memref<32x1000000xf32, #tpu.memory_space<hbm>> -> memref<8x128xf32, #tpu.memory_space<hbm>>
    tpu.enqueue_dma source(%dma_start3A_948 : memref<8x128xf32, #tpu.memory_space<hbm>>) target(%dma_start3A_946 : memref<8x128xf32, #tpu.memory_space<vmem>>) target_semaphore(%arg25 : memref<!tpu.dma_semaphore, #tpu.memory_space<semaphore_mem>>)
    %broadcast_in_dim3A_949 = arith.constant 0.000000e+00 : f32
    %broadcast_in_dim3A_950 = vector.broadcast %broadcast_in_dim3A_949 : f32 to vector<16xf32>
    %scan3A = arith.constant 0 : i32
    %scan3A_951 = arith.constant 32 : i32
    %scan3A_952 = arith.addi %scan3A, %scan3A_951 : i32
    %scan3A_953 = arith.constant 1 : i32
    %scan3A_954:2 = scf.for %scan3A_1211 = %scan3A to %scan3A_952 step %scan3A_953 iter_args(%scan3A_1212 = %broadcast_in_dim3A_950, %scan3A_1213 = %get3A_9) -> (vector<16xf32>, vector<16xi32>)  : i32 {
      %rem3A = arith.constant 128 : i32
      %rem3A_1214 = vector.broadcast %rem3A : i32 to vector<16xi32>
      %rem3A_1215 = arith.remsi %scan3A_1213, %rem3A_1214 : vector<16xi32>
      %add3A_1216 = arith.constant 1 : i32
      %add3A_1217 = arith.addi %scan3A_1211, %add3A_1216 : i32
      %min3A = arith.constant 31 : i32
      %min3A_1218 = arith.minsi %add3A_1217, %min3A : i32
      %jit3A = arith.constant 8 : i32
      %div3A = arith.divsi %min3A_1218, %jit3A : i32
      %sign3A = arith.constant 0 : i32
      %sign3A_1219 = arith.cmpi sgt, %min3A_1218, %sign3A : i32
      %sign3A_1220 = arith.extui %sign3A_1219 : i1 to i32
      %sign3A_1221 = arith.constant 0 : i32
      %sign3A_1222 = arith.cmpi slt, %min3A_1218, %sign3A_1221 : i32
      %sign3A_1223 = arith.extui %sign3A_1222 : i1 to i32
      %sign3A_1224 = arith.subi %sign3A_1220, %sign3A_1223 : i32
      %sign3A_1225 = arith.constant 0 : i32
      %sign3A_1226 = arith.cmpi sgt, %jit3A, %sign3A_1225 : i32
      %sign3A_1227 = arith.extui %sign3A_1226 : i1 to i32
      %sign3A_1228 = arith.constant 0 : i32
      %sign3A_1229 = arith.cmpi slt, %jit3A, %sign3A_1228 : i32
      %sign3A_1230 = arith.extui %sign3A_1229 : i1 to i32
      %sign3A_1231 = arith.subi %sign3A_1227, %sign3A_1230 : i32
      %ne3A = arith.cmpi ne, %sign3A_1224, %sign3A_1231 : i32
      %rem3A_1232 = arith.remsi %min3A_1218, %jit3A : i32
      %ne3A_1233 = arith.constant 0 : i32
      %ne3A_1234 = arith.cmpi ne, %rem3A_1232, %ne3A_1233 : i32
      %and3A = arith.andi %ne3A, %ne3A_1234 : i1
      %sub3A = arith.constant 1 : i32
      %sub3A_1235 = arith.subi %div3A, %sub3A : i32
      %select_n3A = arith.select %and3A, %sub3A_1235, %div3A : i32
      %jit3A_1236 = arith.constant 8 : i32
      %eq3A = arith.constant 0 : i32
      %eq3A_1237 = arith.cmpi eq, %jit3A_1236, %eq3A : i32
      %jit3A_1238 = arith.constant 1 : i32
      %select_n3A_1239 = arith.select %eq3A_1237, %jit3A_1238, %jit3A_1236 : i32
      %rem3A_1240 = arith.remsi %min3A_1218, %select_n3A_1239 : i32
      %ne3A_1241 = arith.constant 0 : i32
      %ne3A_1242 = arith.cmpi ne, %rem3A_1240, %ne3A_1241 : i32
      %lt3A = arith.constant 0 : i32
      %lt3A_1243 = arith.cmpi slt, %rem3A_1240, %lt3A : i32
      %lt3A_1244 = arith.constant 0 : i32
      %lt3A_1245 = arith.cmpi slt, %select_n3A_1239, %lt3A_1244 : i32
      %ne3A_1246 = arith.xori %lt3A_1243, %lt3A_1245 : i1
      %and3A_1247 = arith.andi %ne3A_1246, %ne3A_1242 : i1
      %add3A_1248 = arith.addi %rem3A_1240, %select_n3A_1239 : i32
      %select_n3A_1249 = arith.select %and3A_1247, %add3A_1248, %rem3A_1240 : i32
      %mul3A_1250 = arith.constant 16 : i32
      %mul3A_1251 = arith.muli %select_n3A_1249, %mul3A_1250 : i32
      %get3A_1252 = arith.index_cast %select_n3A : i32 to index
      %get3A_1253 = arith.index_cast %mul3A_1251 : i32 to index
      %get3A_1254 = tpu.vector_load %arg6[%get3A_1252, %get3A_1253] {strides = array<i32>} : memref<4x128xi32, #tpu.memory_space<vmem>>, vector<16xi32>,
      %dma_wait3A = arith.constant 0 : i32
      %dma_wait3A_1255 = arith.constant 0 : i32
      %dma_wait3A_1256 = arith.constant 0 : i32
      %dma_wait3A_1257 = tpu.memref_slice %arg8[%dma_wait3A, %dma_wait3A_1255, %dma_wait3A_1256] : memref<16x32x128xf32, #tpu.memory_space<vmem>> -> memref<1x8x128xf32, #tpu.memory_space<vmem>>
      %dma_wait3A_1258 = tpu.memref_squeeze %dma_wait3A_1257 : memref<1x8x128xf32, #tpu.memory_space<vmem>> -> memref<8x128xf32, #tpu.memory_space<vmem>>
      %dma_wait3A_1259 = arith.constant 0 : i32
      %dma_wait3A_1260 = arith.constant 0 : i32
      %dma_wait3A_1261 = tpu.memref_slice %arg4[%dma_wait3A_1259, %dma_wait3A_1260] : memref<32x1000000xf32, #tpu.memory_space<hbm>> -> memref<8x128xf32, #tpu.memory_space<hbm>>
      %dma_wait3A_1262 = arith.constant 0 : i32
      %dma_wait3A_1263 = arith.constant 0 : i32
      %dma_wait3A_1264 = tpu.memref_slice %arg8[%dma_wait3A, %dma_wait3A_1262, %dma_wait3A_1263] : memref<16x32x128xf32, #tpu.memory_space<vmem>> -> memref<1x8x128xf32, #tpu.memory_space<vmem>>
      %dma_wait3A_1265 = tpu.memref_squeeze %dma_wait3A_1264 : memref<1x8x128xf32, #tpu.memory_space<vmem>> -> memref<8x128xf32, #tpu.memory_space<vmem>>
      %dma_wait3A_1266 = arith.constant 0 : i32
      %dma_wait3A_1267 = arith.constant 0 : i32
      %dma_wait3A_1268 = tpu.memref_slice %arg4[%dma_wait3A_1266, %dma_wait3A_1267] : memref<32x1000000xf32, #tpu.memory_space<hbm>> -> memref<8x128xf32, #tpu.memory_space<hbm>>
      tpu.wait_dma2 semaphore(%arg10 : memref<!tpu.dma_semaphore, #tpu.memory_space<semaphore_mem>>) src(%dma_wait3A_1268 : memref<8x128xf32, #tpu.memory_space<hbm>>) dst(%dma_wait3A_1265 : memref<8x128xf32, #tpu.memory_space<vmem>>)
      %dma_wait3A_1269 = arith.constant 0 : i32
      %dma_wait3A_1270 = arith.constant 0 : i32
      %dma_wait3A_1271 = arith.constant 0 : i32
      %dma_wait3A_1272 = tpu.memref_slice %arg8[%dma_wait3A_1269, %dma_wait3A_1270, %dma_wait3A_1271] : memref<16x32x128xf32, #tpu.memory_space<vmem>> -> memref<1x8x128xf32, #tpu.memory_space<vmem>>
      %dma_wait3A_1273 = tpu.memref_squeeze %dma_wait3A_1272 : memref<1x8x128xf32, #tpu.memory_space<vmem>> -> memref<8x128xf32, #tpu.memory_space<vmem>>
      %dma_wait3A_1274 = arith.constant 0 : i32
      %dma_wait3A_1275 = arith.constant 0 : i32
      %dma_wait3A_1276 = tpu.memref_slice %arg4[%dma_wait3A_1274, %dma_wait3A_1275] : memref<32x1000000xf32, #tpu.memory_space<hbm>> -> memref<8x128xf32, #tpu.memory_space<hbm>>
      %dma_wait3A_1277 = arith.constant 0 : i32
      %dma_wait3A_1278 = arith.constant 0 : i32
      %dma_wait3A_1279 = tpu.memref_slice %arg8[%dma_wait3A_1269, %dma_wait3A_1277, %dma_wait3A_1278] : memref<16x32x128xf32, #tpu.memory_space<vmem>> -> memref<1x8x128xf32, #tpu.memory_space<vmem>>
      %dma_wait3A_1280 = tpu.memref_squeeze %dma_wait3A_1279 : memref<1x8x128xf32, #tpu.memory_space<vmem>> -> memref<8x128xf32, #tpu.memory_space<vmem>>
      %dma_wait3A_1281 = arith.constant 0 : i32
      %dma_wait3A_1282 = arith.constant 0 : i32
      %dma_wait3A_1283 = tpu.memref_slice %arg4[%dma_wait3A_1281, %dma_wait3A_1282] : memref<32x1000000xf32, #tpu.memory_space<hbm>> -> memref<8x128xf32, #tpu.memory_space<hbm>>
      tpu.wait_dma2 semaphore(%arg10 : memref<!tpu.dma_semaphore, #tpu.memory_space<semaphore_mem>>) src(%dma_wait3A_1283 : memref<8x128xf32, #tpu.memory_space<hbm>>) dst(%dma_wait3A_1280 : memref<8x128xf32, #tpu.memory_space<vmem>>)
      %dma_wait3A_1284 = arith.constant 0 : i32
      %dma_wait3A_1285 = arith.constant 0 : i32
      %dma_wait3A_1286 = arith.constant 0 : i32
      %dma_wait3A_1287 = tpu.memref_slice %arg8[%dma_wait3A_1284, %dma_wait3A_1285, %dma_wait3A_1286] : memref<16x32x128xf32, #tpu.memory_space<vmem>> -> memref<1x8x128xf32, #tpu.memory_space<vmem>>
      %dma_wait3A_1288 = tpu.memref_squeeze %dma_wait3A_1287 : memref<1x8x128xf32, #tpu.memory_space<vmem>> -> memref<8x128xf32, #tpu.memory_space<vmem>>
      %dma_wait3A_1289 = arith.constant 0 : i32
      %dma_wait3A_1290 = arith.constant 0 : i32
      %dma_wait3A_1291 = tpu.memref_slice %arg4[%dma_wait3A_1289, %dma_wait3A_1290] : memref<32x1000000xf32, #tpu.memory_space<hbm>> -> memref<8x128xf32, #tpu.memory_space<hbm>>
      %dma_wait3A_1292 = arith.constant 0 : i32
      %dma_wait3A_1293 = arith.constant 0 : i32
      %dma_wait3A_1294 = tpu.memref_slice %arg8[%dma_wait3A_1284, %dma_wait3A_1292, %dma_wait3A_1293] : memref<16x32x128xf32, #tpu.memory_space<vmem>> -> memref<1x8x128xf32, #tpu.memory_space<vmem>>
      %dma_wait3A_1295 = tpu.memref_squeeze %dma_wait3A_1294 : memref<1x8x128xf32, #tpu.memory_space<vmem>> -> memref<8x128xf32, #tpu.memory_space<vmem>>
      %dma_wait3A_1296 = arith.constant 0 : i32
      %dma_wait3A_1297 = arith.constant 0 : i32
      %dma_wait3A_1298 = tpu.memref_slice %arg4[%dma_wait3A_1296, %dma_wait3A_1297] : memref<32x1000000xf32, #tpu.memory_space<hbm>> -> memref<8x128xf32, #tpu.memory_space<hbm>>
      tpu.wait_dma2 semaphore(%arg10 : memref<!tpu.dma_semaphore, #tpu.memory_space<semaphore_mem>>) src(%dma_wait3A_1298 : memref<8x128xf32, #tpu.memory_space<hbm>>) dst(%dma_wait3A_1295 : memref<8x128xf32, #tpu.memory_space<vmem>>)
      %dma_wait3A_1299 = arith.constant 0 : i32
      %dma_wait3A_1300 = arith.constant 0 : i32
      %dma_wait3A_1301 = arith.constant 0 : i32
      %dma_wait3A_1302 = tpu.memref_slice %arg8[%dma_wait3A_1299, %dma_wait3A_1300, %dma_wait3A_1301] : memref<16x32x128xf32, #tpu.memory_space<vmem>> -> memref<1x8x128xf32, #tpu.memory_space<vmem>>
      %dma_wait3A_1303 = tpu.memref_squeeze %dma_wait3A_1302 : memref<1x8x128xf32, #tpu.memory_space<vmem>> -> memref<8x128xf32, #tpu.memory_space<vmem>>
      %dma_wait3A_1304 = arith.constant 0 : i32
      %dma_wait3A_1305 = arith.constant 0 : i32
      %dma_wait3A_1306 = tpu.memref_slice %arg4[%dma_wait3A_1304, %dma_wait3A_1305] : memref<32x1000000xf32, #tpu.memory_space<hbm>> -> memref<8x128xf32, #tpu.memory_space<hbm>>
      %dma_wait3A_1307 = arith.constant 0 : i32
      %dma_wait3A_1308 = arith.constant 0 : i32
      %dma_wait3A_1309 = tpu.memref_slice %arg8[%dma_wait3A_1299, %dma_wait3A_1307, %dma_wait3A_1308] : memref<16x32x128xf32, #tpu.memory_space<vmem>> -> memref<1x8x128xf32, #tpu.memory_space<vmem>>
      %dma_wait3A_1310 = tpu.memref_squeeze %dma_wait3A_1309 : memref<1x8x128xf32, #tpu.memory_space<vmem>> -> memref<8x128xf32, #tpu.memory_space<vmem>>
      %dma_wait3A_1311 = arith.constant 0 : i32
      %dma_wait3A_1312 = arith.constant 0 : i32
      %dma_wait3A_1313 = tpu.memref_slice %arg4[%dma_wait3A_1311, %dma_wait3A_1312] : memref<32x1000000xf32, #tpu.memory_space<hbm>> -> memref<8x128xf32, #tpu.memory_space<hbm>>
      tpu.wait_dma2 semaphore(%arg10 : memref<!tpu.dma_semaphore, #tpu.memory_space<semaphore_mem>>) src(%dma_wait3A_1313 : memref<8x128xf32, #tpu.memory_space<hbm>>) dst(%dma_wait3A_1310 : memref<8x128xf32, #tpu.memory_space<vmem>>)
      %slice3A_1314 = vector.extract_strided_slice %rem3A_1215 {offsets = [0], sizes = [1], strides = [1]} : vector<16xi32> to vector<1xi32>
      %squeeze3A_1315 = vector.extract %slice3A_1314[0] : i32 from vector<1xi32>
      %broadcast_in_dim3A_1316 = vector.broadcast %squeeze3A_1315 : i32 to vector<16xi32>
      %broadcast_in_dim3A_1317 = arith.constant 0 : i32
      %broadcast_in_dim3A_1318 = vector.broadcast %broadcast_in_dim3A_1317 : i32 to vector<16xi32>
      %mul3A_1319 = arith.constant 16 : i32
      %mul3A_1320 = arith.muli %scan3A_1211, %mul3A_1319 : i32
      %add3A_1321 = arith.constant 0 : i32
      %add3A_1322 = arith.addi %mul3A_1320, %add3A_1321 : i32
      %broadcast_in_dim3A_1323 = vector.broadcast %add3A_1322 : i32 to vector<16xi32>
      %gather3A = tpu.vector_load_idx %arg8[%broadcast_in_dim3A_1318, %iota3A, %broadcast_in_dim3A_1316] : memref<16x32x128xf32, #tpu.memory_space<vmem>>[vector<16xi32>, vector<16xi32>, vector<16xi32>], vector<16xf32>,
      %gather3A_1324 = tpu.vector_load_idx %arg8[%broadcast_in_dim3A_1318, %add3A_5, %broadcast_in_dim3A_1316] : memref<16x32x128xf32, #tpu.memory_space<vmem>>[vector<16xi32>, vector<16xi32>, vector<16xi32>], vector<16xf32>,
      %gather3A_1325 = tpu.vector_load_idx %arg7[%iota3A, %broadcast_in_dim3A_1323] : memref<32x512xf32, #tpu.memory_space<vmem>>[vector<16xi32>, vector<16xi32>], vector<16xf32>,
      %gather3A_1326 = tpu.vector_load_idx %arg7[%add3A_5, %broadcast_in_dim3A_1323] : memref<32x512xf32, #tpu.memory_space<vmem>>[vector<16xi32>, vector<16xi32>], vector<16xf32>,
      %sub3A_1327 = arith.subf %gather3A_1325, %gather3A : vector<16xf32>
      %sub3A_1328 = arith.subf %gather3A_1326, %gather3A_1324 : vector<16xf32>
      %mul3A_1329 = arith.mulf %sub3A_1327, %sub3A_1327 : vector<16xf32>
      %add3A_1330 = arith.addf %scan3A_1212, %mul3A_1329 : vector<16xf32>
      %mul3A_1331 = arith.mulf %sub3A_1328, %sub3A_1328 : vector<16xf32>
      %add3A_1332 = arith.addf %add3A_1330, %mul3A_1331 : vector<16xf32>
      %lt3A_1333 = arith.constant 31 : i32
      %lt3A_1334 = arith.cmpi slt, %scan3A_1211, %lt3A_1333 : i32
      %convert_element_type3A = arith.extui %lt3A_1334 : i1 to i32
      %cond3A = arith.constant 0 : i32
      %cond3A_1335 = arith.cmpi ne, %convert_element_type3A, %cond3A : i32
      scf.if %cond3A_1335 {
        %slice3A_2611 = vector.extract_strided_slice %get3A_1254 {offsets = [0], sizes = [1], strides = [1]} : vector<16xi32> to vector<1xi32>
        %squeeze3A_2612 = vector.extract %slice3A_2611[0] : i32 from vector<1xi32>
        %shift_right_arithmetic3A_2613 = arith.constant 7 : i32
        %shift_right_arithmetic3A_2614 = arith.shrsi %squeeze3A_2612, %shift_right_arithmetic3A_2613 : i32
        %shift_left3A_2615 = arith.constant 7 : i32
        %shift_left3A_2616 = arith.shli %shift_right_arithmetic3A_2614, %shift_left3A_2615 : i32
        %multiple_of3A_2617 = tpu.assume_multiple %shift_left3A_2616, 128 : i32
        %dma_start3A_2618 = arith.constant 0 : i32
        %dma_start3A_2619 = arith.constant 0 : i32
        %dma_start3A_2620 = arith.constant 0 : i32
        %dma_start3A_2621 = tpu.memref_slice %arg8[%dma_start3A_2618, %dma_start3A_2619, %dma_start3A_2620] : memref<16x32x128xf32, #tpu.memory_space<vmem>> -> memref<1x8x128xf32, #tpu.memory_space<vmem>>
        %dma_start3A_2622 = tpu.memref_squeeze %dma_start3A_2621 : memref<1x8x128xf32, #tpu.memory_space<vmem>> -> memref<8x128xf32, #tpu.memory_space<vmem>>
        %dma_start3A_2623 = arith.constant 0 : i32
        %dma_start3A_2624 = tpu.memref_slice %arg4[%dma_start3A_2623, %multiple_of3A_2617] : memref<32x1000000xf32, #tpu.memory_space<hbm>> -> memref<8x128xf32, #tpu.memory_space<hbm>>
        %dma_start3A_2625 = arith.constant 0 : i32
        %dma_start3A_2626 = arith.constant 0 : i32
        %dma_start3A_2627 = tpu.memref_slice %arg8[%dma_start3A_2618, %dma_start3A_2625, %dma_start3A_2626] : memref<16x32x128xf32, #tpu.memory_space<vmem>> -> memref<1x8x128xf32, #tpu.memory_space<vmem>>
        %dma_start3A_2628 = tpu.memref_squeeze %dma_start3A_2627 : memref<1x8x128xf32, #tpu.memory_space<vmem>> -> memref<8x128xf32, #tpu.memory_space<vmem>>
        %dma_start3A_2629 = arith.constant 0 : i32
        %dma_start3A_2630 = tpu.memref_slice %arg4[%dma_start3A_2629, %multiple_of3A_2617] : memref<32x1000000xf32, #tpu.memory_space<hbm>> -> memref<8x128xf32, #tpu.memory_space<hbm>>
        tpu.enqueue_dma source(%dma_start3A_2630 : memref<8x128xf32, #tpu.memory_space<hbm>>) target(%dma_start3A_2628 : memref<8x128xf32, #tpu.memory_space<vmem>>) target_semaphore(%arg10 : memref<!tpu.dma_semaphore, #tpu.memory_space<semaphore_mem>>)
        %dma_start3A_2631 = arith.constant 0 : i32
        %dma_start3A_2632 = arith.constant 8 : i32
        %dma_start3A_2633 = arith.constant 0 : i32
        %dma_start3A_2634 = tpu.memref_slice %arg8[%dma_start3A_2631, %dma_start3A_2632, %dma_start3A_2633] : memref<16x32x128xf32, #tpu.memory_space<vmem>> -> memref<1x8x128xf32, #tpu.memory_space<vmem>>
        %dma_start3A_2635 = tpu.memref_squeeze %dma_start3A_2634 : memref<1x8x128xf32, #tpu.memory_space<vmem>> -> memref<8x128xf32, #tpu.memory_space<vmem>>
        %dma_start3A_2636 = arith.constant 8 : i32
        %dma_start3A_2637 = tpu.memref_slice %arg4[%dma_start3A_2636, %multiple_of3A_2617] : memref<32x1000000xf32, #tpu.memory_space<hbm>> -> memref<8x128xf32, #tpu.memory_space<hbm>>
        %dma_start3A_2638 = arith.constant 8 : i32
        %dma_start3A_2639 = arith.constant 0 : i32
        %dma_start3A_2640 = tpu.memref_slice %arg8[%dma_start3A_2631, %dma_start3A_2638, %dma_start3A_2639] : memref<16x32x128xf32, #tpu.memory_space<vmem>> -> memref<1x8x128xf32, #tpu.memory_space<vmem>>
        %dma_start3A_2641 = tpu.memref_squeeze %dma_start3A_2640 : memref<1x8x128xf32, #tpu.memory_space<vmem>> -> memref<8x128xf32, #tpu.memory_space<vmem>>
        %dma_start3A_2642 = arith.constant 8 : i32
        %dma_start3A_2643 = tpu.memref_slice %arg4[%dma_start3A_2642, %multiple_of3A_2617] : memref<32x1000000xf32, #tpu.memory_space<hbm>> -> memref<8x128xf32, #tpu.memory_space<hbm>>
        tpu.enqueue_dma source(%dma_start3A_2643 : memref<8x128xf32, #tpu.memory_space<hbm>>) target(%dma_start3A_2641 : memref<8x128xf32, #tpu.memory_space<vmem>>) target_semaphore(%arg10 : memref<!tpu.dma_semaphore, #tpu.memory_space<semaphore_mem>>)
        %dma_start3A_2644 = arith.constant 0 : i32
        %dma_start3A_2645 = arith.constant 16 : i32
        %dma_start3A_2646 = arith.constant 0 : i32
        %dma_start3A_2647 = tpu.memref_slice %arg8[%dma_start3A_2644, %dma_start3A_2645, %dma_start3A_2646] : memref<16x32x128xf32, #tpu.memory_space<vmem>> -> memref<1x8x128xf32, #tpu.memory_space<vmem>>
        %dma_start3A_2648 = tpu.memref_squeeze %dma_start3A_2647 : memref<1x8x128xf32, #tpu.memory_space<vmem>> -> memref<8x128xf32, #tpu.memory_space<vmem>>
        %dma_start3A_2649 = arith.constant 16 : i32
        %dma_start3A_2650 = tpu.memref_slice %arg4[%dma_start3A_2649, %multiple_of3A_2617] : memref<32x1000000xf32, #tpu.memory_space<hbm>> -> memref<8x128xf32, #tpu.memory_space<hbm>>
        %dma_start3A_2651 = arith.constant 16 : i32
        %dma_start3A_2652 = arith.constant 0 : i32
        %dma_start3A_2653 = tpu.memref_slice %arg8[%dma_start3A_2644, %dma_start3A_2651, %dma_start3A_2652] : memref<16x32x128xf32, #tpu.memory_space<vmem>> -> memref<1x8x128xf32, #tpu.memory_space<vmem>>
        %dma_start3A_2654 = tpu.memref_squeeze %dma_start3A_2653 : memref<1x8x128xf32, #tpu.memory_space<vmem>> -> memref<8x128xf32, #tpu.memory_space<vmem>>
        %dma_start3A_2655 = arith.constant 16 : i32
        %dma_start3A_2656 = tpu.memref_slice %arg4[%dma_start3A_2655, %multiple_of3A_2617] : memref<32x1000000xf32, #tpu.memory_space<hbm>> -> memref<8x128xf32, #tpu.memory_space<hbm>>
        tpu.enqueue_dma source(%dma_start3A_2656 : memref<8x128xf32, #tpu.memory_space<hbm>>) target(%dma_start3A_2654 : memref<8x128xf32, #tpu.memory_space<vmem>>) target_semaphore(%arg10 : memref<!tpu.dma_semaphore, #tpu.memory_space<semaphore_mem>>)
        %dma_start3A_2657 = arith.constant 0 : i32
        %dma_start3A_2658 = arith.constant 24 : i32
        %dma_start3A_2659 = arith.constant 0 : i32
        %dma_start3A_2660 = tpu.memref_slice %arg8[%dma_start3A_2657, %dma_start3A_2658, %dma_start3A_2659] : memref<16x32x128xf32, #tpu.memory_space<vmem>> -> memref<1x8x128xf32, #tpu.memory_space<vmem>>
        %dma_start3A_2661 = tpu.memref_squeeze %dma_start3A_2660 : memref<1x8x128xf32, #tpu.memory_space<vmem>> -> memref<8x128xf32, #tpu.memory_space<vmem>>
        %dma_start3A_2662 = arith.constant 24 : i32
        %dma_start3A_2663 = tpu.memref_slice %arg4[%dma_start3A_2662, %multiple_of3A_2617] : memref<32x1000000xf32, #tpu.memory_space<hbm>> -> memref<8x128xf32, #tpu.memory_space<hbm>>
        %dma_start3A_2664 = arith.constant 24 : i32
        %dma_start3A_2665 = arith.constant 0 : i32
        %dma_start3A_2666 = tpu.memref_slice %arg8[%dma_start3A_2657, %dma_start3A_2664, %dma_start3A_2665] : memref<16x32x128xf32, #tpu.memory_space<vmem>> -> memref<1x8x128xf32, #tpu.memory_space<vmem>>
        %dma_start3A_2667 = tpu.memref_squeeze %dma_start3A_2666 : memref<1x8x128xf32, #tpu.memory_space<vmem>> -> memref<8x128xf32, #tpu.memory_space<vmem>>
        %dma_start3A_2668 = arith.constant 24 : i32
        %dma_start3A_2669 = tpu.memref_slice %arg4[%dma_start3A_2668, %multiple_of3A_2617] : memref<32x1000000xf32, #tpu.memory_space<hbm>> -> memref<8x128xf32, #tpu.memory_space<hbm>>
        tpu.enqueue_dma source(%dma_start3A_2669 : memref<8x128xf32, #tpu.memory_space<hbm>>) target(%dma_start3A_2667 : memref<8x128xf32, #tpu.memory_space<vmem>>) target_semaphore(%arg10 : memref<!tpu.dma_semaphore, #tpu.memory_space<semaphore_mem>>)
      } else {
      }
      %dma_wait3A_1336 = arith.constant 1 : i32
      %dma_wait3A_1337 = arith.constant 0 : i32
      %dma_wait3A_1338 = arith.constant 0 : i32
      %dma_wait3A_1339 = tpu.memref_slice %arg8[%dma_wait3A_1336, %dma_wait3A_1337, %dma_wait3A_1338] : memref<16x32x128xf32, #tpu.memory_space<vmem>> -> memref<1x8x128xf32, #tpu.memory_space<vmem>>
      %dma_wait3A_1340 = tpu.memref_squeeze %dma_wait3A_1339 : memref<1x8x128xf32, #tpu.memory_space<vmem>> -> memref<8x128xf32, #tpu.memory_space<vmem>>
      %dma_wait3A_1341 = arith.constant 0 : i32
      %dma_wait3A_1342 = arith.constant 0 : i32
      %dma_wait3A_1343 = tpu.memref_slice %arg4[%dma_wait3A_1341, %dma_wait3A_1342] : memref<32x1000000xf32, #tpu.memory_space<hbm>> -> memref<8x128xf32, #tpu.memory_space<hbm>>
      %dma_wait3A_1344 = arith.constant 0 : i32
      %dma_wait3A_1345 = arith.constant 0 : i32
      %dma_wait3A_1346 = tpu.memref_slice %arg8[%dma_wait3A_1336, %dma_wait3A_1344, %dma_wait3A_1345] : memref<16x32x128xf32, #tpu.memory_space<vmem>> -> memref<1x8x128xf32, #tpu.memory_space<vmem>>
      %dma_wait3A_1347 = tpu.memref_squeeze %dma_wait3A_1346 : memref<1x8x128xf32, #tpu.memory_space<vmem>> -> memref<8x128xf32, #tpu.memory_space<vmem>>
      %dma_wait3A_1348 = arith.constant 0 : i32
      %dma_wait3A_1349 = arith.constant 0 : i32
      %dma_wait3A_1350 = tpu.memref_slice %arg4[%dma_wait3A_1348, %dma_wait3A_1349] : memref<32x1000000xf32, #tpu.memory_space<hbm>> -> memref<8x128xf32, #tpu.memory_space<hbm>>
      tpu.wait_dma2 semaphore(%arg11 : memref<!tpu.dma_semaphore, #tpu.memory_space<semaphore_mem>>) src(%dma_wait3A_1350 : memref<8x128xf32, #tpu.memory_space<hbm>>) dst(%dma_wait3A_1347 : memref<8x128xf32, #tpu.memory_space<vmem>>)
      %dma_wait3A_1351 = arith.constant 1 : i32
      %dma_wait3A_1352 = arith.constant 0 : i32
      %dma_wait3A_1353 = arith.constant 0 : i32
      %dma_wait3A_1354 = tpu.memref_slice %arg8[%dma_wait3A_1351, %dma_wait3A_1352, %dma_wait3A_1353] : memref<16x32x128xf32, #tpu.memory_space<vmem>> -> memref<1x8x128xf32, #tpu.memory_space<vmem>>
      %dma_wait3A_1355 = tpu.memref_squeeze %dma_wait3A_1354 : memref<1x8x128xf32, #tpu.memory_space<vmem>> -> memref<8x128xf32, #tpu.memory_space<vmem>>
      %dma_wait3A_1356 = arith.constant 0 : i32
      %dma_wait3A_1357 = arith.constant 0 : i32
      %dma_wait3A_1358 = tpu.memref_slice %arg4[%dma_wait3A_1356, %dma_wait3A_1357] : memref<32x1000000xf32, #tpu.memory_space<hbm>> -> memref<8x128xf32, #tpu.memory_space<hbm>>
      %dma_wait3A_1359 = arith.constant 0 : i32
      %dma_wait3A_1360 = arith.constant 0 : i32
      %dma_wait3A_1361 = tpu.memref_slice %arg8[%dma_wait3A_1351, %dma_wait3A_1359, %dma_wait3A_1360] : memref<16x32x128xf32, #tpu.memory_space<vmem>> -> memref<1x8x128xf32, #tpu.memory_space<vmem>>
      %dma_wait3A_1362 = tpu.memref_squeeze %dma_wait3A_1361 : memref<1x8x128xf32, #tpu.memory_space<vmem>> -> memref<8x128xf32, #tpu.memory_space<vmem>>
      %dma_wait3A_1363 = arith.constant 0 : i32
      %dma_wait3A_1364 = arith.constant 0 : i32
      %dma_wait3A_1365 = tpu.memref_slice %arg4[%dma_wait3A_1363, %dma_wait3A_1364] : memref<32x1000000xf32, #tpu.memory_space<hbm>> -> memref<8x128xf32, #tpu.memory_space<hbm>>
      tpu.wait_dma2 semaphore(%arg11 : memref<!tpu.dma_semaphore, #tpu.memory_space<semaphore_mem>>) src(%dma_wait3A_1365 : memref<8x128xf32, #tpu.memory_space<hbm>>) dst(%dma_wait3A_1362 : memref<8x128xf32, #tpu.memory_space<vmem>>)
      %dma_wait3A_1366 = arith.constant 1 : i32
      %dma_wait3A_1367 = arith.constant 0 : i32
      %dma_wait3A_1368 = arith.constant 0 : i32
      %dma_wait3A_1369 = tpu.memref_slice %arg8[%dma_wait3A_1366, %dma_wait3A_1367, %dma_wait3A_1368] : memref<16x32x128xf32, #tpu.memory_space<vmem>> -> memref<1x8x128xf32, #tpu.memory_space<vmem>>
      %dma_wait3A_1370 = tpu.memref_squeeze %dma_wait3A_1369 : memref<1x8x128xf32, #tpu.memory_space<vmem>> -> memref<8x128xf32, #tpu.memory_space<vmem>>
      %dma_wait3A_1371 = arith.constant 0 : i32
      %dma_wait3A_1372 = arith.constant 0 : i32
      %dma_wait3A_1373 = tpu.memref_slice %arg4[%dma_wait3A_1371, %dma_wait3A_1372] : memref<32x1000000xf32, #tpu.memory_space<hbm>> -> memref<8x128xf32, #tpu.memory_space<hbm>>
      %dma_wait3A_1374 = arith.constant 0 : i32
      %dma_wait3A_1375 = arith.constant 0 : i32
      %dma_wait3A_1376 = tpu.memref_slice %arg8[%dma_wait3A_1366, %dma_wait3A_1374, %dma_wait3A_1375] : memref<16x32x128xf32, #tpu.memory_space<vmem>> -> memref<1x8x128xf32, #tpu.memory_space<vmem>>
      %dma_wait3A_1377 = tpu.memref_squeeze %dma_wait3A_1376 : memref<1x8x128xf32, #tpu.memory_space<vmem>> -> memref<8x128xf32, #tpu.memory_space<vmem>>
      %dma_wait3A_1378 = arith.constant 0 : i32
      %dma_wait3A_1379 = arith.constant 0 : i32
      %dma_wait3A_1380 = tpu.memref_slice %arg4[%dma_wait3A_1378, %dma_wait3A_1379] : memref<32x1000000xf32, #tpu.memory_space<hbm>> -> memref<8x128xf32, #tpu.memory_space<hbm>>
      tpu.wait_dma2 semaphore(%arg11 : memref<!tpu.dma_semaphore, #tpu.memory_space<semaphore_mem>>) src(%dma_wait3A_1380 : memref<8x128xf32, #tpu.memory_space<hbm>>) dst(%dma_wait3A_1377 : memref<8x128xf32, #tpu.memory_space<vmem>>)
      %dma_wait3A_1381 = arith.constant 1 : i32
      %dma_wait3A_1382 = arith.constant 0 : i32
      %dma_wait3A_1383 = arith.constant 0 : i32
      %dma_wait3A_1384 = tpu.memref_slice %arg8[%dma_wait3A_1381, %dma_wait3A_1382, %dma_wait3A_1383] : memref<16x32x128xf32, #tpu.memory_space<vmem>> -> memref<1x8x128xf32, #tpu.memory_space<vmem>>
      %dma_wait3A_1385 = tpu.memref_squeeze %dma_wait3A_1384 : memref<1x8x128xf32, #tpu.memory_space<vmem>> -> memref<8x128xf32, #tpu.memory_space<vmem>>
      %dma_wait3A_1386 = arith.constant 0 : i32
      %dma_wait3A_1387 = arith.constant 0 : i32
      %dma_wait3A_1388 = tpu.memref_slice %arg4[%dma_wait3A_1386, %dma_wait3A_1387] : memref<32x1000000xf32, #tpu.memory_space<hbm>> -> memref<8x128xf32, #tpu.memory_space<hbm>>
      %dma_wait3A_1389 = arith.constant 0 : i32
      %dma_wait3A_1390 = arith.constant 0 : i32
      %dma_wait3A_1391 = tpu.memref_slice %arg8[%dma_wait3A_1381, %dma_wait3A_1389, %dma_wait3A_1390] : memref<16x32x128xf32, #tpu.memory_space<vmem>> -> memref<1x8x128xf32, #tpu.memory_space<vmem>>
      %dma_wait3A_1392 = tpu.memref_squeeze %dma_wait3A_1391 : memref<1x8x128xf32, #tpu.memory_space<vmem>> -> memref<8x128xf32, #tpu.memory_space<vmem>>
      %dma_wait3A_1393 = arith.constant 0 : i32
      %dma_wait3A_1394 = arith.constant 0 : i32
      %dma_wait3A_1395 = tpu.memref_slice %arg4[%dma_wait3A_1393, %dma_wait3A_1394] : memref<32x1000000xf32, #tpu.memory_space<hbm>> -> memref<8x128xf32, #tpu.memory_space<hbm>>
      tpu.wait_dma2 semaphore(%arg11 : memref<!tpu.dma_semaphore, #tpu.memory_space<semaphore_mem>>) src(%dma_wait3A_1395 : memref<8x128xf32, #tpu.memory_space<hbm>>) dst(%dma_wait3A_1392 : memref<8x128xf32, #tpu.memory_space<vmem>>)
      %slice3A_1396 = vector.extract_strided_slice %rem3A_1215 {offsets = [1], sizes = [1], strides = [1]} : vector<16xi32> to vector<1xi32>
      %squeeze3A_1397 = vector.extract %slice3A_1396[0] : i32 from vector<1xi32>
      %broadcast_in_dim3A_1398 = vector.broadcast %squeeze3A_1397 : i32 to vector<16xi32>
      %broadcast_in_dim3A_1399 = arith.constant 1 : i32
      %broadcast_in_dim3A_1400 = vector.broadcast %broadcast_in_dim3A_1399 : i32 to vector<16xi32>
      %mul3A_1401 = arith.constant 16 : i32
      %mul3A_1402 = arith.muli %scan3A_1211, %mul3A_1401 : i32
      %add3A_1403 = arith.constant 1 : i32
      %add3A_1404 = arith.addi %mul3A_1402, %add3A_1403 : i32
      %broadcast_in_dim3A_1405 = vector.broadcast %add3A_1404 : i32 to vector<16xi32>
      %gather3A_1406 = tpu.vector_load_idx %arg8[%broadcast_in_dim3A_1400, %iota3A, %broadcast_in_dim3A_1398] : memref<16x32x128xf32, #tpu.memory_space<vmem>>[vector<16xi32>, vector<16xi32>, vector<16xi32>], vector<16xf32>,
      %gather3A_1407 = tpu.vector_load_idx %arg8[%broadcast_in_dim3A_1400, %add3A_5, %broadcast_in_dim3A_1398] : memref<16x32x128xf32, #tpu.memory_space<vmem>>[vector<16xi32>, vector<16xi32>, vector<16xi32>], vector<16xf32>,
      %gather3A_1408 = tpu.vector_load_idx %arg7[%iota3A, %broadcast_in_dim3A_1405] : memref<32x512xf32, #tpu.memory_space<vmem>>[vector<16xi32>, vector<16xi32>], vector<16xf32>,
      %gather3A_1409 = tpu.vector_load_idx %arg7[%add3A_5, %broadcast_in_dim3A_1405] : memref<32x512xf32, #tpu.memory_space<vmem>>[vector<16xi32>, vector<16xi32>], vector<16xf32>,
      %sub3A_1410 = arith.subf %gather3A_1408, %gather3A_1406 : vector<16xf32>
      %sub3A_1411 = arith.subf %gather3A_1409, %gather3A_1407 : vector<16xf32>
      %mul3A_1412 = arith.mulf %sub3A_1410, %sub3A_1410 : vector<16xf32>
      %add3A_1413 = arith.addf %add3A_1332, %mul3A_1412 : vector<16xf32>
      %mul3A_1414 = arith.mulf %sub3A_1411, %sub3A_1411 : vector<16xf32>
      %add3A_1415 = arith.addf %add3A_1413, %mul3A_1414 : vector<16xf32>
      %lt3A_1416 = arith.constant 31 : i32
      %lt3A_1417 = arith.cmpi slt, %scan3A_1211, %lt3A_1416 : i32
      %convert_element_type3A_1418 = arith.extui %lt3A_1417 : i1 to i32
      %cond3A_1419 = arith.constant 0 : i32
      %cond3A_1420 = arith.cmpi ne, %convert_element_type3A_1418, %cond3A_1419 : i32
      scf.if %cond3A_1420 {
        %slice3A_2611 = vector.extract_strided_slice %get3A_1254 {offsets = [1], sizes = [1], strides = [1]} : vector<16xi32> to vector<1xi32>
        %squeeze3A_2612 = vector.extract %slice3A_2611[0] : i32 from vector<1xi32>
        %shift_right_arithmetic3A_2613 = arith.constant 7 : i32
        %shift_right_arithmetic3A_2614 = arith.shrsi %squeeze3A_2612, %shift_right_arithmetic3A_2613 : i32
        %shift_left3A_2615 = arith.constant 7 : i32
        %shift_left3A_2616 = arith.shli %shift_right_arithmetic3A_2614, %shift_left3A_2615 : i32
        %multiple_of3A_2617 = tpu.assume_multiple %shift_left3A_2616, 128 : i32
        %dma_start3A_2618 = arith.constant 1 : i32
        %dma_start3A_2619 = arith.constant 0 : i32
        %dma_start3A_2620 = arith.constant 0 : i32
        %dma_start3A_2621 = tpu.memref_slice %arg8[%dma_start3A_2618, %dma_start3A_2619, %dma_start3A_2620] : memref<16x32x128xf32, #tpu.memory_space<vmem>> -> memref<1x8x128xf32, #tpu.memory_space<vmem>>
        %dma_start3A_2622 = tpu.memref_squeeze %dma_start3A_2621 : memref<1x8x128xf32, #tpu.memory_space<vmem>> -> memref<8x128xf32, #tpu.memory_space<vmem>>
        %dma_start3A_2623 = arith.constant 0 : i32
        %dma_start3A_2624 = tpu.memref_slice %arg4[%dma_start3A_2623, %multiple_of3A_2617] : memref<32x1000000xf32, #tpu.memory_space<hbm>> -> memref<8x128xf32, #tpu.memory_space<hbm>>
        %dma_start3A_2625 = arith.constant 0 : i32
        %dma_start3A_2626 = arith.constant 0 : i32
        %dma_start3A_2627 = tpu.memref_slice %arg8[%dma_start3A_2618, %dma_start3A_2625, %dma_start3A_2626] : memref<16x32x128xf32, #tpu.memory_space<vmem>> -> memref<1x8x128xf32, #tpu.memory_space<vmem>>
        %dma_start3A_2628 = tpu.memref_squeeze %dma_start3A_2627 : memref<1x8x128xf32, #tpu.memory_space<vmem>> -> memref<8x128xf32, #tpu.memory_space<vmem>>
        %dma_start3A_2629 = arith.constant 0 : i32
        %dma_start3A_2630 = tpu.memref_slice %arg4[%dma_start3A_2629, %multiple_of3A_2617] : memref<32x1000000xf32, #tpu.memory_space<hbm>> -> memref<8x128xf32, #tpu.memory_space<hbm>>
        tpu.enqueue_dma source(%dma_start3A_2630 : memref<8x128xf32, #tpu.memory_space<hbm>>) target(%dma_start3A_2628 : memref<8x128xf32, #tpu.memory_space<vmem>>) target_semaphore(%arg11 : memref<!tpu.dma_semaphore, #tpu.memory_space<semaphore_mem>>)
        %dma_start3A_2631 = arith.constant 1 : i32
        %dma_start3A_2632 = arith.constant 8 : i32
        %dma_start3A_2633 = arith.constant 0 : i32
        %dma_start3A_2634 = tpu.memref_slice %arg8[%dma_start3A_2631, %dma_start3A_2632, %dma_start3A_2633] : memref<16x32x128xf32, #tpu.memory_space<vmem>> -> memref<1x8x128xf32, #tpu.memory_space<vmem>>
        %dma_start3A_2635 = tpu.memref_squeeze %dma_start3A_2634 : memref<1x8x128xf32, #tpu.memory_space<vmem>> -> memref<8x128xf32, #tpu.memory_space<vmem>>
        %dma_start3A_2636 = arith.constant 8 : i32
        %dma_start3A_2637 = tpu.memref_slice %arg4[%dma_start3A_2636, %multiple_of3A_2617] : memref<32x1000000xf32, #tpu.memory_space<hbm>> -> memref<8x128xf32, #tpu.memory_space<hbm>>
        %dma_start3A_2638 = arith.constant 8 : i32
        %dma_start3A_2639 = arith.constant 0 : i32
        %dma_start3A_2640 = tpu.memref_slice %arg8[%dma_start3A_2631, %dma_start3A_2638, %dma_start3A_2639] : memref<16x32x128xf32, #tpu.memory_space<vmem>> -> memref<1x8x128xf32, #tpu.memory_space<vmem>>
        %dma_start3A_2641 = tpu.memref_squeeze %dma_start3A_2640 : memref<1x8x128xf32, #tpu.memory_space<vmem>> -> memref<8x128xf32, #tpu.memory_space<vmem>>
        %dma_start3A_2642 = arith.constant 8 : i32
        %dma_start3A_2643 = tpu.memref_slice %arg4[%dma_start3A_2642, %multiple_of3A_2617] : memref<32x1000000xf32, #tpu.memory_space<hbm>> -> memref<8x128xf32, #tpu.memory_space<hbm>>
        tpu.enqueue_dma source(%dma_start3A_2643 : memref<8x128xf32, #tpu.memory_space<hbm>>) target(%dma_start3A_2641 : memref<8x128xf32, #tpu.memory_space<vmem>>) target_semaphore(%arg11 : memref<!tpu.dma_semaphore, #tpu.memory_space<semaphore_mem>>)
        %dma_start3A_2644 = arith.constant 1 : i32
        %dma_start3A_2645 = arith.constant 16 : i32
        %dma_start3A_2646 = arith.constant 0 : i32
        %dma_start3A_2647 = tpu.memref_slice %arg8[%dma_start3A_2644, %dma_start3A_2645, %dma_start3A_2646] : memref<16x32x128xf32, #tpu.memory_space<vmem>> -> memref<1x8x128xf32, #tpu.memory_space<vmem>>
        %dma_start3A_2648 = tpu.memref_squeeze %dma_start3A_2647 : memref<1x8x128xf32, #tpu.memory_space<vmem>> -> memref<8x128xf32, #tpu.memory_space<vmem>>
        %dma_start3A_2649 = arith.constant 16 : i32
        %dma_start3A_2650 = tpu.memref_slice %arg4[%dma_start3A_2649, %multiple_of3A_2617] : memref<32x1000000xf32, #tpu.memory_space<hbm>> -> memref<8x128xf32, #tpu.memory_space<hbm>>
        %dma_start3A_2651 = arith.constant 16 : i32
        %dma_start3A_2652 = arith.constant 0 : i32
        %dma_start3A_2653 = tpu.memref_slice %arg8[%dma_start3A_2644, %dma_start3A_2651, %dma_start3A_2652] : memref<16x32x128xf32, #tpu.memory_space<vmem>> -> memref<1x8x128xf32, #tpu.memory_space<vmem>>
        %dma_start3A_2654 = tpu.memref_squeeze %dma_start3A_2653 : memref<1x8x128xf32, #tpu.memory_space<vmem>> -> memref<8x128xf32, #tpu.memory_space<vmem>>
        %dma_start3A_2655 = arith.constant 16 : i32
        %dma_start3A_2656 = tpu.memref_slice %arg4[%dma_start3A_2655, %multiple_of3A_2617] : memref<32x1000000xf32, #tpu.memory_space<hbm>> -> memref<8x128xf32, #tpu.memory_space<hbm>>
        tpu.enqueue_dma source(%dma_start3A_2656 : memref<8x128xf32, #tpu.memory_space<hbm>>) target(%dma_start3A_2654 : memref<8x128xf32, #tpu.memory_space<vmem>>) target_semaphore(%arg11 : memref<!tpu.dma_semaphore, #tpu.memory_space<semaphore_mem>>)
        %dma_start3A_2657 = arith.constant 1 : i32
        %dma_start3A_2658 = arith.constant 24 : i32
        %dma_start3A_2659 = arith.constant 0 : i32
        %dma_start3A_2660 = tpu.memref_slice %arg8[%dma_start3A_2657, %dma_start3A_2658, %dma_start3A_2659] : memref<16x32x128xf32, #tpu.memory_space<vmem>> -> memref<1x8x128xf32, #tpu.memory_space<vmem>>
        %dma_start3A_2661 = tpu.memref_squeeze %dma_start3A_2660 : memref<1x8x128xf32, #tpu.memory_space<vmem>> -> memref<8x128xf32, #tpu.memory_space<vmem>>
        %dma_start3A_2662 = arith.constant 24 : i32
        %dma_start3A_2663 = tpu.memref_slice %arg4[%dma_start3A_2662, %multiple_of3A_2617] : memref<32x1000000xf32, #tpu.memory_space<hbm>> -> memref<8x128xf32, #tpu.memory_space<hbm>>
        %dma_start3A_2664 = arith.constant 24 : i32
        %dma_start3A_2665 = arith.constant 0 : i32
        %dma_start3A_2666 = tpu.memref_slice %arg8[%dma_start3A_2657, %dma_start3A_2664, %dma_start3A_2665] : memref<16x32x128xf32, #tpu.memory_space<vmem>> -> memref<1x8x128xf32, #tpu.memory_space<vmem>>
        %dma_start3A_2667 = tpu.memref_squeeze %dma_start3A_2666 : memref<1x8x128xf32, #tpu.memory_space<vmem>> -> memref<8x128xf32, #tpu.memory_space<vmem>>
        %dma_start3A_2668 = arith.constant 24 : i32
        %dma_start3A_2669 = tpu.memref_slice %arg4[%dma_start3A_2668, %multiple_of3A_2617] : memref<32x1000000xf32, #tpu.memory_space<hbm>> -> memref<8x128xf32, #tpu.memory_space<hbm>>
        tpu.enqueue_dma source(%dma_start3A_2669 : memref<8x128xf32, #tpu.memory_space<hbm>>) target(%dma_start3A_2667 : memref<8x128xf32, #tpu.memory_space<vmem>>) target_semaphore(%arg11 : memref<!tpu.dma_semaphore, #tpu.memory_space<semaphore_mem>>)
      } else {
      }
      %dma_wait3A_1421 = arith.constant 2 : i32
      %dma_wait3A_1422 = arith.constant 0 : i32
      %dma_wait3A_1423 = arith.constant 0 : i32
      %dma_wait3A_1424 = tpu.memref_slice %arg8[%dma_wait3A_1421, %dma_wait3A_1422, %dma_wait3A_1423] : memref<16x32x128xf32, #tpu.memory_space<vmem>> -> memref<1x8x128xf32, #tpu.memory_space<vmem>>
      %dma_wait3A_1425 = tpu.memref_squeeze %dma_wait3A_1424 : memref<1x8x128xf32, #tpu.memory_space<vmem>> -> memref<8x128xf32, #tpu.memory_space<vmem>>
      %dma_wait3A_1426 = arith.constant 0 : i32
      %dma_wait3A_1427 = arith.constant 0 : i32
      %dma_wait3A_1428 = tpu.memref_slice %arg4[%dma_wait3A_1426, %dma_wait3A_1427] : memref<32x1000000xf32, #tpu.memory_space<hbm>> -> memref<8x128xf32, #tpu.memory_space<hbm>>
      %dma_wait3A_1429 = arith.constant 0 : i32
      %dma_wait3A_1430 = arith.constant 0 : i32
      %dma_wait3A_1431 = tpu.memref_slice %arg8[%dma_wait3A_1421, %dma_wait3A_1429, %dma_wait3A_1430] : memref<16x32x128xf32, #tpu.memory_space<vmem>> -> memref<1x8x128xf32, #tpu.memory_space<vmem>>
      %dma_wait3A_1432 = tpu.memref_squeeze %dma_wait3A_1431 : memref<1x8x128xf32, #tpu.memory_space<vmem>> -> memref<8x128xf32, #tpu.memory_space<vmem>>
      %dma_wait3A_1433 = arith.constant 0 : i32
      %dma_wait3A_1434 = arith.constant 0 : i32
      %dma_wait3A_1435 = tpu.memref_slice %arg4[%dma_wait3A_1433, %dma_wait3A_1434] : memref<32x1000000xf32, #tpu.memory_space<hbm>> -> memref<8x128xf32, #tpu.memory_space<hbm>>
      tpu.wait_dma2 semaphore(%arg12 : memref<!tpu.dma_semaphore, #tpu.memory_space<semaphore_mem>>) src(%dma_wait3A_1435 : memref<8x128xf32, #tpu.memory_space<hbm>>) dst(%dma_wait3A_1432 : memref<8x128xf32, #tpu.memory_space<vmem>>)
      %dma_wait3A_1436 = arith.constant 2 : i32
      %dma_wait3A_1437 = arith.constant 0 : i32
      %dma_wait3A_1438 = arith.constant 0 : i32
      %dma_wait3A_1439 = tpu.memref_slice %arg8[%dma_wait3A_1436, %dma_wait3A_1437, %dma_wait3A_1438] : memref<16x32x128xf32, #tpu.memory_space<vmem>> -> memref<1x8x128xf32, #tpu.memory_space<vmem>>
      %dma_wait3A_1440 = tpu.memref_squeeze %dma_wait3A_1439 : memref<1x8x128xf32, #tpu.memory_space<vmem>> -> memref<8x128xf32, #tpu.memory_space<vmem>>
      %dma_wait3A_1441 = arith.constant 0 : i32
      %dma_wait3A_1442 = arith.constant 0 : i32
      %dma_wait3A_1443 = tpu.memref_slice %arg4[%dma_wait3A_1441, %dma_wait3A_1442] : memref<32x1000000xf32, #tpu.memory_space<hbm>> -> memref<8x128xf32, #tpu.memory_space<hbm>>
      %dma_wait3A_1444 = arith.constant 0 : i32
      %dma_wait3A_1445 = arith.constant 0 : i32
      %dma_wait3A_1446 = tpu.memref_slice %arg8[%dma_wait3A_1436, %dma_wait3A_1444, %dma_wait3A_1445] : memref<16x32x128xf32, #tpu.memory_space<vmem>> -> memref<1x8x128xf32, #tpu.memory_space<vmem>>
      %dma_wait3A_1447 = tpu.memref_squeeze %dma_wait3A_1446 : memref<1x8x128xf32, #tpu.memory_space<vmem>> -> memref<8x128xf32, #tpu.memory_space<vmem>>
      %dma_wait3A_1448 = arith.constant 0 : i32
      %dma_wait3A_1449 = arith.constant 0 : i32
      %dma_wait3A_1450 = tpu.memref_slice %arg4[%dma_wait3A_1448, %dma_wait3A_1449] : memref<32x1000000xf32, #tpu.memory_space<hbm>> -> memref<8x128xf32, #tpu.memory_space<hbm>>
      tpu.wait_dma2 semaphore(%arg12 : memref<!tpu.dma_semaphore, #tpu.memory_space<semaphore_mem>>) src(%dma_wait3A_1450 : memref<8x128xf32, #tpu.memory_space<hbm>>) dst(%dma_wait3A_1447 : memref<8x128xf32, #tpu.memory_space<vmem>>)
      %dma_wait3A_1451 = arith.constant 2 : i32
      %dma_wait3A_1452 = arith.constant 0 : i32
      %dma_wait3A_1453 = arith.constant 0 : i32
      %dma_wait3A_1454 = tpu.memref_slice %arg8[%dma_wait3A_1451, %dma_wait3A_1452, %dma_wait3A_1453] : memref<16x32x128xf32, #tpu.memory_space<vmem>> -> memref<1x8x128xf32, #tpu.memory_space<vmem>>
      %dma_wait3A_1455 = tpu.memref_squeeze %dma_wait3A_1454 : memref<1x8x128xf32, #tpu.memory_space<vmem>> -> memref<8x128xf32, #tpu.memory_space<vmem>>
      %dma_wait3A_1456 = arith.constant 0 : i32
      %dma_wait3A_1457 = arith.constant 0 : i32
      %dma_wait3A_1458 = tpu.memref_slice %arg4[%dma_wait3A_1456, %dma_wait3A_1457] : memref<32x1000000xf32, #tpu.memory_space<hbm>> -> memref<8x128xf32, #tpu.memory_space<hbm>>
      %dma_wait3A_1459 = arith.constant 0 : i32
      %dma_wait3A_1460 = arith.constant 0 : i32
      %dma_wait3A_1461 = tpu.memref_slice %arg8[%dma_wait3A_1451, %dma_wait3A_1459, %dma_wait3A_1460] : memref<16x32x128xf32, #tpu.memory_space<vmem>> -> memref<1x8x128xf32, #tpu.memory_space<vmem>>
      %dma_wait3A_1462 = tpu.memref_squeeze %dma_wait3A_1461 : memref<1x8x128xf32, #tpu.memory_space<vmem>> -> memref<8x128xf32, #tpu.memory_space<vmem>>
      %dma_wait3A_1463 = arith.constant 0 : i32
      %dma_wait3A_1464 = arith.constant 0 : i32
      %dma_wait3A_1465 = tpu.memref_slice %arg4[%dma_wait3A_1463, %dma_wait3A_1464] : memref<32x1000000xf32, #tpu.memory_space<hbm>> -> memref<8x128xf32, #tpu.memory_space<hbm>>
      tpu.wait_dma2 semaphore(%arg12 : memref<!tpu.dma_semaphore, #tpu.memory_space<semaphore_mem>>) src(%dma_wait3A_1465 : memref<8x128xf32, #tpu.memory_space<hbm>>) dst(%dma_wait3A_1462 : memref<8x128xf32, #tpu.memory_space<vmem>>)
      %dma_wait3A_1466 = arith.constant 2 : i32
      %dma_wait3A_1467 = arith.constant 0 : i32
      %dma_wait3A_1468 = arith.constant 0 : i32
      %dma_wait3A_1469 = tpu.memref_slice %arg8[%dma_wait3A_1466, %dma_wait3A_1467, %dma_wait3A_1468] : memref<16x32x128xf32, #tpu.memory_space<vmem>> -> memref<1x8x128xf32, #tpu.memory_space<vmem>>
      %dma_wait3A_1470 = tpu.memref_squeeze %dma_wait3A_1469 : memref<1x8x128xf32, #tpu.memory_space<vmem>> -> memref<8x128xf32, #tpu.memory_space<vmem>>
      %dma_wait3A_1471 = arith.constant 0 : i32
      %dma_wait3A_1472 = arith.constant 0 : i32
      %dma_wait3A_1473 = tpu.memref_slice %arg4[%dma_wait3A_1471, %dma_wait3A_1472] : memref<32x1000000xf32, #tpu.memory_space<hbm>> -> memref<8x128xf32, #tpu.memory_space<hbm>>
      %dma_wait3A_1474 = arith.constant 0 : i32
      %dma_wait3A_1475 = arith.constant 0 : i32
      %dma_wait3A_1476 = tpu.memref_slice %arg8[%dma_wait3A_1466, %dma_wait3A_1474, %dma_wait3A_1475] : memref<16x32x128xf32, #tpu.memory_space<vmem>> -> memref<1x8x128xf32, #tpu.memory_space<vmem>>
      %dma_wait3A_1477 = tpu.memref_squeeze %dma_wait3A_1476 : memref<1x8x128xf32, #tpu.memory_space<vmem>> -> memref<8x128xf32, #tpu.memory_space<vmem>>
      %dma_wait3A_1478 = arith.constant 0 : i32
      %dma_wait3A_1479 = arith.constant 0 : i32
      %dma_wait3A_1480 = tpu.memref_slice %arg4[%dma_wait3A_1478, %dma_wait3A_1479] : memref<32x1000000xf32, #tpu.memory_space<hbm>> -> memref<8x128xf32, #tpu.memory_space<hbm>>
      tpu.wait_dma2 semaphore(%arg12 : memref<!tpu.dma_semaphore, #tpu.memory_space<semaphore_mem>>) src(%dma_wait3A_1480 : memref<8x128xf32, #tpu.memory_space<hbm>>) dst(%dma_wait3A_1477 : memref<8x128xf32, #tpu.memory_space<vmem>>)
      %slice3A_1481 = vector.extract_strided_slice %rem3A_1215 {offsets = [2], sizes = [1], strides = [1]} : vector<16xi32> to vector<1xi32>
      %squeeze3A_1482 = vector.extract %slice3A_1481[0] : i32 from vector<1xi32>
      %broadcast_in_dim3A_1483 = vector.broadcast %squeeze3A_1482 : i32 to vector<16xi32>
      %broadcast_in_dim3A_1484 = arith.constant 2 : i32
      %broadcast_in_dim3A_1485 = vector.broadcast %broadcast_in_dim3A_1484 : i32 to vector<16xi32>
      %mul3A_1486 = arith.constant 16 : i32
      %mul3A_1487 = arith.muli %scan3A_1211, %mul3A_1486 : i32
      %add3A_1488 = arith.constant 2 : i32
      %add3A_1489 = arith.addi %mul3A_1487, %add3A_1488 : i32
      %broadcast_in_dim3A_1490 = vector.broadcast %add3A_1489 : i32 to vector<16xi32>
      %gather3A_1491 = tpu.vector_load_idx %arg8[%broadcast_in_dim3A_1485, %iota3A, %broadcast_in_dim3A_1483] : memref<16x32x128xf32, #tpu.memory_space<vmem>>[vector<16xi32>, vector<16xi32>, vector<16xi32>], vector<16xf32>,
      %gather3A_1492 = tpu.vector_load_idx %arg8[%broadcast_in_dim3A_1485, %add3A_5, %broadcast_in_dim3A_1483] : memref<16x32x128xf32, #tpu.memory_space<vmem>>[vector<16xi32>, vector<16xi32>, vector<16xi32>], vector<16xf32>,
      %gather3A_1493 = tpu.vector_load_idx %arg7[%iota3A, %broadcast_in_dim3A_1490] : memref<32x512xf32, #tpu.memory_space<vmem>>[vector<16xi32>, vector<16xi32>], vector<16xf32>,
      %gather3A_1494 = tpu.vector_load_idx %arg7[%add3A_5, %broadcast_in_dim3A_1490] : memref<32x512xf32, #tpu.memory_space<vmem>>[vector<16xi32>, vector<16xi32>], vector<16xf32>,
      %sub3A_1495 = arith.subf %gather3A_1493, %gather3A_1491 : vector<16xf32>
      %sub3A_1496 = arith.subf %gather3A_1494, %gather3A_1492 : vector<16xf32>
      %mul3A_1497 = arith.mulf %sub3A_1495, %sub3A_1495 : vector<16xf32>
      %add3A_1498 = arith.addf %add3A_1415, %mul3A_1497 : vector<16xf32>
      %mul3A_1499 = arith.mulf %sub3A_1496, %sub3A_1496 : vector<16xf32>
      %add3A_1500 = arith.addf %add3A_1498, %mul3A_1499 : vector<16xf32>
      %lt3A_1501 = arith.constant 31 : i32
      %lt3A_1502 = arith.cmpi slt, %scan3A_1211, %lt3A_1501 : i32
      %convert_element_type3A_1503 = arith.extui %lt3A_1502 : i1 to i32
      %cond3A_1504 = arith.constant 0 : i32
      %cond3A_1505 = arith.cmpi ne, %convert_element_type3A_1503, %cond3A_1504 : i32
      scf.if %cond3A_1505 {
        %slice3A_2611 = vector.extract_strided_slice %get3A_1254 {offsets = [2], sizes = [1], strides = [1]} : vector<16xi32> to vector<1xi32>
        %squeeze3A_2612 = vector.extract %slice3A_2611[0] : i32 from vector<1xi32>
        %shift_right_arithmetic3A_2613 = arith.constant 7 : i32
        %shift_right_arithmetic3A_2614 = arith.shrsi %squeeze3A_2612, %shift_right_arithmetic3A_2613 : i32
        %shift_left3A_2615 = arith.constant 7 : i32
        %shift_left3A_2616 = arith.shli %shift_right_arithmetic3A_2614, %shift_left3A_2615 : i32
        %multiple_of3A_2617 = tpu.assume_multiple %shift_left3A_2616, 128 : i32
        %dma_start3A_2618 = arith.constant 2 : i32
        %dma_start3A_2619 = arith.constant 0 : i32
        %dma_start3A_2620 = arith.constant 0 : i32
        %dma_start3A_2621 = tpu.memref_slice %arg8[%dma_start3A_2618, %dma_start3A_2619, %dma_start3A_2620] : memref<16x32x128xf32, #tpu.memory_space<vmem>> -> memref<1x8x128xf32, #tpu.memory_space<vmem>>
        %dma_start3A_2622 = tpu.memref_squeeze %dma_start3A_2621 : memref<1x8x128xf32, #tpu.memory_space<vmem>> -> memref<8x128xf32, #tpu.memory_space<vmem>>
        %dma_start3A_2623 = arith.constant 0 : i32
        %dma_start3A_2624 = tpu.memref_slice %arg4[%dma_start3A_2623, %multiple_of3A_2617] : memref<32x1000000xf32, #tpu.memory_space<hbm>> -> memref<8x128xf32, #tpu.memory_space<hbm>>
        %dma_start3A_2625 = arith.constant 0 : i32
        %dma_start3A_2626 = arith.constant 0 : i32
        %dma_start3A_2627 = tpu.memref_slice %arg8[%dma_start3A_2618, %dma_start3A_2625, %dma_start3A_2626] : memref<16x32x128xf32, #tpu.memory_space<vmem>> -> memref<1x8x128xf32, #tpu.memory_space<vmem>>
        %dma_start3A_2628 = tpu.memref_squeeze %dma_start3A_2627 : memref<1x8x128xf32, #tpu.memory_space<vmem>> -> memref<8x128xf32, #tpu.memory_space<vmem>>
        %dma_start3A_2629 = arith.constant 0 : i32
        %dma_start3A_2630 = tpu.memref_slice %arg4[%dma_start3A_2629, %multiple_of3A_2617] : memref<32x1000000xf32, #tpu.memory_space<hbm>> -> memref<8x128xf32, #tpu.memory_space<hbm>>
        tpu.enqueue_dma source(%dma_start3A_2630 : memref<8x128xf32, #tpu.memory_space<hbm>>) target(%dma_start3A_2628 : memref<8x128xf32, #tpu.memory_space<vmem>>) target_semaphore(%arg12 : memref<!tpu.dma_semaphore, #tpu.memory_space<semaphore_mem>>)
        %dma_start3A_2631 = arith.constant 2 : i32
        %dma_start3A_2632 = arith.constant 8 : i32
        %dma_start3A_2633 = arith.constant 0 : i32
        %dma_start3A_2634 = tpu.memref_slice %arg8[%dma_start3A_2631, %dma_start3A_2632, %dma_start3A_2633] : memref<16x32x128xf32, #tpu.memory_space<vmem>> -> memref<1x8x128xf32, #tpu.memory_space<vmem>>
        %dma_start3A_2635 = tpu.memref_squeeze %dma_start3A_2634 : memref<1x8x128xf32, #tpu.memory_space<vmem>> -> memref<8x128xf32, #tpu.memory_space<vmem>>
        %dma_start3A_2636 = arith.constant 8 : i32
        %dma_start3A_2637 = tpu.memref_slice %arg4[%dma_start3A_2636, %multiple_of3A_2617] : memref<32x1000000xf32, #tpu.memory_space<hbm>> -> memref<8x128xf32, #tpu.memory_space<hbm>>
        %dma_start3A_2638 = arith.constant 8 : i32
        %dma_start3A_2639 = arith.constant 0 : i32
        %dma_start3A_2640 = tpu.memref_slice %arg8[%dma_start3A_2631, %dma_start3A_2638, %dma_start3A_2639] : memref<16x32x128xf32, #tpu.memory_space<vmem>> -> memref<1x8x128xf32, #tpu.memory_space<vmem>>
        %dma_start3A_2641 = tpu.memref_squeeze %dma_start3A_2640 : memref<1x8x128xf32, #tpu.memory_space<vmem>> -> memref<8x128xf32, #tpu.memory_space<vmem>>
        %dma_start3A_2642 = arith.constant 8 : i32
        %dma_start3A_2643 = tpu.memref_slice %arg4[%dma_start3A_2642, %multiple_of3A_2617] : memref<32x1000000xf32, #tpu.memory_space<hbm>> -> memref<8x128xf32, #tpu.memory_space<hbm>>
        tpu.enqueue_dma source(%dma_start3A_2643 : memref<8x128xf32, #tpu.memory_space<hbm>>) target(%dma_start3A_2641 : memref<8x128xf32, #tpu.memory_space<vmem>>) target_semaphore(%arg12 : memref<!tpu.dma_semaphore, #tpu.memory_space<semaphore_mem>>)
        %dma_start3A_2644 = arith.constant 2 : i32
        %dma_start3A_2645 = arith.constant 16 : i32
        %dma_start3A_2646 = arith.constant 0 : i32
        %dma_start3A_2647 = tpu.memref_slice %arg8[%dma_start3A_2644, %dma_start3A_2645, %dma_start3A_2646] : memref<16x32x128xf32, #tpu.memory_space<vmem>> -> memref<1x8x128xf32, #tpu.memory_space<vmem>>
        %dma_start3A_2648 = tpu.memref_squeeze %dma_start3A_2647 : memref<1x8x128xf32, #tpu.memory_space<vmem>> -> memref<8x128xf32, #tpu.memory_space<vmem>>
        %dma_start3A_2649 = arith.constant 16 : i32
        %dma_start3A_2650 = tpu.memref_slice %arg4[%dma_start3A_2649, %multiple_of3A_2617] : memref<32x1000000xf32, #tpu.memory_space<hbm>> -> memref<8x128xf32, #tpu.memory_space<hbm>>
        %dma_start3A_2651 = arith.constant 16 : i32
        %dma_start3A_2652 = arith.constant 0 : i32
        %dma_start3A_2653 = tpu.memref_slice %arg8[%dma_start3A_2644, %dma_start3A_2651, %dma_start3A_2652] : memref<16x32x128xf32, #tpu.memory_space<vmem>> -> memref<1x8x128xf32, #tpu.memory_space<vmem>>
        %dma_start3A_2654 = tpu.memref_squeeze %dma_start3A_2653 : memref<1x8x128xf32, #tpu.memory_space<vmem>> -> memref<8x128xf32, #tpu.memory_space<vmem>>
        %dma_start3A_2655 = arith.constant 16 : i32
        %dma_start3A_2656 = tpu.memref_slice %arg4[%dma_start3A_2655, %multiple_of3A_2617] : memref<32x1000000xf32, #tpu.memory_space<hbm>> -> memref<8x128xf32, #tpu.memory_space<hbm>>
        tpu.enqueue_dma source(%dma_start3A_2656 : memref<8x128xf32, #tpu.memory_space<hbm>>) target(%dma_start3A_2654 : memref<8x128xf32, #tpu.memory_space<vmem>>) target_semaphore(%arg12 : memref<!tpu.dma_semaphore, #tpu.memory_space<semaphore_mem>>)
        %dma_start3A_2657 = arith.constant 2 : i32
        %dma_start3A_2658 = arith.constant 24 : i32
        %dma_start3A_2659 = arith.constant 0 : i32
        %dma_start3A_2660 = tpu.memref_slice %arg8[%dma_start3A_2657, %dma_start3A_2658, %dma_start3A_2659] : memref<16x32x128xf32, #tpu.memory_space<vmem>> -> memref<1x8x128xf32, #tpu.memory_space<vmem>>
        %dma_start3A_2661 = tpu.memref_squeeze %dma_start3A_2660 : memref<1x8x128xf32, #tpu.memory_space<vmem>> -> memref<8x128xf32, #tpu.memory_space<vmem>>
        %dma_start3A_2662 = arith.constant 24 : i32
        %dma_start3A_2663 = tpu.memref_slice %arg4[%dma_start3A_2662, %multiple_of3A_2617] : memref<32x1000000xf32, #tpu.memory_space<hbm>> -> memref<8x128xf32, #tpu.memory_space<hbm>>
        %dma_start3A_2664 = arith.constant 24 : i32
        %dma_start3A_2665 = arith.constant 0 : i32
        %dma_start3A_2666 = tpu.memref_slice %arg8[%dma_start3A_2657, %dma_start3A_2664, %dma_start3A_2665] : memref<16x32x128xf32, #tpu.memory_space<vmem>> -> memref<1x8x128xf32, #tpu.memory_space<vmem>>
        %dma_start3A_2667 = tpu.memref_squeeze %dma_start3A_2666 : memref<1x8x128xf32, #tpu.memory_space<vmem>> -> memref<8x128xf32, #tpu.memory_space<vmem>>
        %dma_start3A_2668 = arith.constant 24 : i32
        %dma_start3A_2669 = tpu.memref_slice %arg4[%dma_start3A_2668, %multiple_of3A_2617] : memref<32x1000000xf32, #tpu.memory_space<hbm>> -> memref<8x128xf32, #tpu.memory_space<hbm>>
        tpu.enqueue_dma source(%dma_start3A_2669 : memref<8x128xf32, #tpu.memory_space<hbm>>) target(%dma_start3A_2667 : memref<8x128xf32, #tpu.memory_space<vmem>>) target_semaphore(%arg12 : memref<!tpu.dma_semaphore, #tpu.memory_space<semaphore_mem>>)
      } else {
      }
      %dma_wait3A_1506 = arith.constant 3 : i32
      %dma_wait3A_1507 = arith.constant 0 : i32
      %dma_wait3A_1508 = arith.constant 0 : i32
      %dma_wait3A_1509 = tpu.memref_slice %arg8[%dma_wait3A_1506, %dma_wait3A_1507, %dma_wait3A_1508] : memref<16x32x128xf32, #tpu.memory_space<vmem>> -> memref<1x8x128xf32, #tpu.memory_space<vmem>>
      %dma_wait3A_1510 = tpu.memref_squeeze %dma_wait3A_1509 : memref<1x8x128xf32, #tpu.memory_space<vmem>> -> memref<8x128xf32, #tpu.memory_space<vmem>>
      %dma_wait3A_1511 = arith.constant 0 : i32
      %dma_wait3A_1512 = arith.constant 0 : i32
      %dma_wait3A_1513 = tpu.memref_slice %arg4[%dma_wait3A_1511, %dma_wait3A_1512] : memref<32x1000000xf32, #tpu.memory_space<hbm>> -> memref<8x128xf32, #tpu.memory_space<hbm>>
      %dma_wait3A_1514 = arith.constant 0 : i32
      %dma_wait3A_1515 = arith.constant 0 : i32
      %dma_wait3A_1516 = tpu.memref_slice %arg8[%dma_wait3A_1506, %dma_wait3A_1514, %dma_wait3A_1515] : memref<16x32x128xf32, #tpu.memory_space<vmem>> -> memref<1x8x128xf32, #tpu.memory_space<vmem>>
      %dma_wait3A_1517 = tpu.memref_squeeze %dma_wait3A_1516 : memref<1x8x128xf32, #tpu.memory_space<vmem>> -> memref<8x128xf32, #tpu.memory_space<vmem>>
      %dma_wait3A_1518 = arith.constant 0 : i32
      %dma_wait3A_1519 = arith.constant 0 : i32
      %dma_wait3A_1520 = tpu.memref_slice %arg4[%dma_wait3A_1518, %dma_wait3A_1519] : memref<32x1000000xf32, #tpu.memory_space<hbm>> -> memref<8x128xf32, #tpu.memory_space<hbm>>
      tpu.wait_dma2 semaphore(%arg13 : memref<!tpu.dma_semaphore, #tpu.memory_space<semaphore_mem>>) src(%dma_wait3A_1520 : memref<8x128xf32, #tpu.memory_space<hbm>>) dst(%dma_wait3A_1517 : memref<8x128xf32, #tpu.memory_space<vmem>>)
      %dma_wait3A_1521 = arith.constant 3 : i32
      %dma_wait3A_1522 = arith.constant 0 : i32
      %dma_wait3A_1523 = arith.constant 0 : i32
      %dma_wait3A_1524 = tpu.memref_slice %arg8[%dma_wait3A_1521, %dma_wait3A_1522, %dma_wait3A_1523] : memref<16x32x128xf32, #tpu.memory_space<vmem>> -> memref<1x8x128xf32, #tpu.memory_space<vmem>>
      %dma_wait3A_1525 = tpu.memref_squeeze %dma_wait3A_1524 : memref<1x8x128xf32, #tpu.memory_space<vmem>> -> memref<8x128xf32, #tpu.memory_space<vmem>>
      %dma_wait3A_1526 = arith.constant 0 : i32
      %dma_wait3A_1527 = arith.constant 0 : i32
      %dma_wait3A_1528 = tpu.memref_slice %arg4[%dma_wait3A_1526, %dma_wait3A_1527] : memref<32x1000000xf32, #tpu.memory_space<hbm>> -> memref<8x128xf32, #tpu.memory_space<hbm>>
      %dma_wait3A_1529 = arith.constant 0 : i32
      %dma_wait3A_1530 = arith.constant 0 : i32
      %dma_wait3A_1531 = tpu.memref_slice %arg8[%dma_wait3A_1521, %dma_wait3A_1529, %dma_wait3A_1530] : memref<16x32x128xf32, #tpu.memory_space<vmem>> -> memref<1x8x128xf32, #tpu.memory_space<vmem>>
      %dma_wait3A_1532 = tpu.memref_squeeze %dma_wait3A_1531 : memref<1x8x128xf32, #tpu.memory_space<vmem>> -> memref<8x128xf32, #tpu.memory_space<vmem>>
      %dma_wait3A_1533 = arith.constant 0 : i32
      %dma_wait3A_1534 = arith.constant 0 : i32
      %dma_wait3A_1535 = tpu.memref_slice %arg4[%dma_wait3A_1533, %dma_wait3A_1534] : memref<32x1000000xf32, #tpu.memory_space<hbm>> -> memref<8x128xf32, #tpu.memory_space<hbm>>
      tpu.wait_dma2 semaphore(%arg13 : memref<!tpu.dma_semaphore, #tpu.memory_space<semaphore_mem>>) src(%dma_wait3A_1535 : memref<8x128xf32, #tpu.memory_space<hbm>>) dst(%dma_wait3A_1532 : memref<8x128xf32, #tpu.memory_space<vmem>>)
      %dma_wait3A_1536 = arith.constant 3 : i32
      %dma_wait3A_1537 = arith.constant 0 : i32
      %dma_wait3A_1538 = arith.constant 0 : i32
      %dma_wait3A_1539 = tpu.memref_slice %arg8[%dma_wait3A_1536, %dma_wait3A_1537, %dma_wait3A_1538] : memref<16x32x128xf32, #tpu.memory_space<vmem>> -> memref<1x8x128xf32, #tpu.memory_space<vmem>>
      %dma_wait3A_1540 = tpu.memref_squeeze %dma_wait3A_1539 : memref<1x8x128xf32, #tpu.memory_space<vmem>> -> memref<8x128xf32, #tpu.memory_space<vmem>>
      %dma_wait3A_1541 = arith.constant 0 : i32
      %dma_wait3A_1542 = arith.constant 0 : i32
      %dma_wait3A_1543 = tpu.memref_slice %arg4[%dma_wait3A_1541, %dma_wait3A_1542] : memref<32x1000000xf32, #tpu.memory_space<hbm>> -> memref<8x128xf32, #tpu.memory_space<hbm>>
      %dma_wait3A_1544 = arith.constant 0 : i32
      %dma_wait3A_1545 = arith.constant 0 : i32
      %dma_wait3A_1546 = tpu.memref_slice %arg8[%dma_wait3A_1536, %dma_wait3A_1544, %dma_wait3A_1545] : memref<16x32x128xf32, #tpu.memory_space<vmem>> -> memref<1x8x128xf32, #tpu.memory_space<vmem>>
      %dma_wait3A_1547 = tpu.memref_squeeze %dma_wait3A_1546 : memref<1x8x128xf32, #tpu.memory_space<vmem>> -> memref<8x128xf32, #tpu.memory_space<vmem>>
      %dma_wait3A_1548 = arith.constant 0 : i32
      %dma_wait3A_1549 = arith.constant 0 : i32
      %dma_wait3A_1550 = tpu.memref_slice %arg4[%dma_wait3A_1548, %dma_wait3A_1549] : memref<32x1000000xf32, #tpu.memory_space<hbm>> -> memref<8x128xf32, #tpu.memory_space<hbm>>
      tpu.wait_dma2 semaphore(%arg13 : memref<!tpu.dma_semaphore, #tpu.memory_space<semaphore_mem>>) src(%dma_wait3A_1550 : memref<8x128xf32, #tpu.memory_space<hbm>>) dst(%dma_wait3A_1547 : memref<8x128xf32, #tpu.memory_space<vmem>>)
      %dma_wait3A_1551 = arith.constant 3 : i32
      %dma_wait3A_1552 = arith.constant 0 : i32
      %dma_wait3A_1553 = arith.constant 0 : i32
      %dma_wait3A_1554 = tpu.memref_slice %arg8[%dma_wait3A_1551, %dma_wait3A_1552, %dma_wait3A_1553] : memref<16x32x128xf32, #tpu.memory_space<vmem>> -> memref<1x8x128xf32, #tpu.memory_space<vmem>>
      %dma_wait3A_1555 = tpu.memref_squeeze %dma_wait3A_1554 : memref<1x8x128xf32, #tpu.memory_space<vmem>> -> memref<8x128xf32, #tpu.memory_space<vmem>>
      %dma_wait3A_1556 = arith.constant 0 : i32
      %dma_wait3A_1557 = arith.constant 0 : i32
      %dma_wait3A_1558 = tpu.memref_slice %arg4[%dma_wait3A_1556, %dma_wait3A_1557] : memref<32x1000000xf32, #tpu.memory_space<hbm>> -> memref<8x128xf32, #tpu.memory_space<hbm>>
      %dma_wait3A_1559 = arith.constant 0 : i32
      %dma_wait3A_1560 = arith.constant 0 : i32
      %dma_wait3A_1561 = tpu.memref_slice %arg8[%dma_wait3A_1551, %dma_wait3A_1559, %dma_wait3A_1560] : memref<16x32x128xf32, #tpu.memory_space<vmem>> -> memref<1x8x128xf32, #tpu.memory_space<vmem>>
      %dma_wait3A_1562 = tpu.memref_squeeze %dma_wait3A_1561 : memref<1x8x128xf32, #tpu.memory_space<vmem>> -> memref<8x128xf32, #tpu.memory_space<vmem>>
      %dma_wait3A_1563 = arith.constant 0 : i32
      %dma_wait3A_1564 = arith.constant 0 : i32
      %dma_wait3A_1565 = tpu.memref_slice %arg4[%dma_wait3A_1563, %dma_wait3A_1564] : memref<32x1000000xf32, #tpu.memory_space<hbm>> -> memref<8x128xf32, #tpu.memory_space<hbm>>
      tpu.wait_dma2 semaphore(%arg13 : memref<!tpu.dma_semaphore, #tpu.memory_space<semaphore_mem>>) src(%dma_wait3A_1565 : memref<8x128xf32, #tpu.memory_space<hbm>>) dst(%dma_wait3A_1562 : memref<8x128xf32, #tpu.memory_space<vmem>>)
      %slice3A_1566 = vector.extract_strided_slice %rem3A_1215 {offsets = [3], sizes = [1], strides = [1]} : vector<16xi32> to vector<1xi32>
      %squeeze3A_1567 = vector.extract %slice3A_1566[0] : i32 from vector<1xi32>
      %broadcast_in_dim3A_1568 = vector.broadcast %squeeze3A_1567 : i32 to vector<16xi32>
      %broadcast_in_dim3A_1569 = arith.constant 3 : i32
      %broadcast_in_dim3A_1570 = vector.broadcast %broadcast_in_dim3A_1569 : i32 to vector<16xi32>
      %mul3A_1571 = arith.constant 16 : i32
      %mul3A_1572 = arith.muli %scan3A_1211, %mul3A_1571 : i32
      %add3A_1573 = arith.constant 3 : i32
      %add3A_1574 = arith.addi %mul3A_1572, %add3A_1573 : i32
      %broadcast_in_dim3A_1575 = vector.broadcast %add3A_1574 : i32 to vector<16xi32>
      %gather3A_1576 = tpu.vector_load_idx %arg8[%broadcast_in_dim3A_1570, %iota3A, %broadcast_in_dim3A_1568] : memref<16x32x128xf32, #tpu.memory_space<vmem>>[vector<16xi32>, vector<16xi32>, vector<16xi32>], vector<16xf32>,
      %gather3A_1577 = tpu.vector_load_idx %arg8[%broadcast_in_dim3A_1570, %add3A_5, %broadcast_in_dim3A_1568] : memref<16x32x128xf32, #tpu.memory_space<vmem>>[vector<16xi32>, vector<16xi32>, vector<16xi32>], vector<16xf32>,
      %gather3A_1578 = tpu.vector_load_idx %arg7[%iota3A, %broadcast_in_dim3A_1575] : memref<32x512xf32, #tpu.memory_space<vmem>>[vector<16xi32>, vector<16xi32>], vector<16xf32>,
      %gather3A_1579 = tpu.vector_load_idx %arg7[%add3A_5, %broadcast_in_dim3A_1575] : memref<32x512xf32, #tpu.memory_space<vmem>>[vector<16xi32>, vector<16xi32>], vector<16xf32>,
      %sub3A_1580 = arith.subf %gather3A_1578, %gather3A_1576 : vector<16xf32>
      %sub3A_1581 = arith.subf %gather3A_1579, %gather3A_1577 : vector<16xf32>
      %mul3A_1582 = arith.mulf %sub3A_1580, %sub3A_1580 : vector<16xf32>
      %add3A_1583 = arith.addf %add3A_1500, %mul3A_1582 : vector<16xf32>
      %mul3A_1584 = arith.mulf %sub3A_1581, %sub3A_1581 : vector<16xf32>
      %add3A_1585 = arith.addf %add3A_1583, %mul3A_1584 : vector<16xf32>
      %lt3A_1586 = arith.constant 31 : i32
      %lt3A_1587 = arith.cmpi slt, %scan3A_1211, %lt3A_1586 : i32
      %convert_element_type3A_1588 = arith.extui %lt3A_1587 : i1 to i32
      %cond3A_1589 = arith.constant 0 : i32
      %cond3A_1590 = arith.cmpi ne, %convert_element_type3A_1588, %cond3A_1589 : i32
      scf.if %cond3A_1590 {
        %slice3A_2611 = vector.extract_strided_slice %get3A_1254 {offsets = [3], sizes = [1], strides = [1]} : vector<16xi32> to vector<1xi32>
        %squeeze3A_2612 = vector.extract %slice3A_2611[0] : i32 from vector<1xi32>
        %shift_right_arithmetic3A_2613 = arith.constant 7 : i32
        %shift_right_arithmetic3A_2614 = arith.shrsi %squeeze3A_2612, %shift_right_arithmetic3A_2613 : i32
        %shift_left3A_2615 = arith.constant 7 : i32
        %shift_left3A_2616 = arith.shli %shift_right_arithmetic3A_2614, %shift_left3A_2615 : i32
        %multiple_of3A_2617 = tpu.assume_multiple %shift_left3A_2616, 128 : i32
        %dma_start3A_2618 = arith.constant 3 : i32
        %dma_start3A_2619 = arith.constant 0 : i32
        %dma_start3A_2620 = arith.constant 0 : i32
        %dma_start3A_2621 = tpu.memref_slice %arg8[%dma_start3A_2618, %dma_start3A_2619, %dma_start3A_2620] : memref<16x32x128xf32, #tpu.memory_space<vmem>> -> memref<1x8x128xf32, #tpu.memory_space<vmem>>
        %dma_start3A_2622 = tpu.memref_squeeze %dma_start3A_2621 : memref<1x8x128xf32, #tpu.memory_space<vmem>> -> memref<8x128xf32, #tpu.memory_space<vmem>>
        %dma_start3A_2623 = arith.constant 0 : i32
        %dma_start3A_2624 = tpu.memref_slice %arg4[%dma_start3A_2623, %multiple_of3A_2617] : memref<32x1000000xf32, #tpu.memory_space<hbm>> -> memref<8x128xf32, #tpu.memory_space<hbm>>
        %dma_start3A_2625 = arith.constant 0 : i32
        %dma_start3A_2626 = arith.constant 0 : i32
        %dma_start3A_2627 = tpu.memref_slice %arg8[%dma_start3A_2618, %dma_start3A_2625, %dma_start3A_2626] : memref<16x32x128xf32, #tpu.memory_space<vmem>> -> memref<1x8x128xf32, #tpu.memory_space<vmem>>
        %dma_start3A_2628 = tpu.memref_squeeze %dma_start3A_2627 : memref<1x8x128xf32, #tpu.memory_space<vmem>> -> memref<8x128xf32, #tpu.memory_space<vmem>>
        %dma_start3A_2629 = arith.constant 0 : i32
        %dma_start3A_2630 = tpu.memref_slice %arg4[%dma_start3A_2629, %multiple_of3A_2617] : memref<32x1000000xf32, #tpu.memory_space<hbm>> -> memref<8x128xf32, #tpu.memory_space<hbm>>
        tpu.enqueue_dma source(%dma_start3A_2630 : memref<8x128xf32, #tpu.memory_space<hbm>>) target(%dma_start3A_2628 : memref<8x128xf32, #tpu.memory_space<vmem>>) target_semaphore(%arg13 : memref<!tpu.dma_semaphore, #tpu.memory_space<semaphore_mem>>)
        %dma_start3A_2631 = arith.constant 3 : i32
        %dma_start3A_2632 = arith.constant 8 : i32
        %dma_start3A_2633 = arith.constant 0 : i32
        %dma_start3A_2634 = tpu.memref_slice %arg8[%dma_start3A_2631, %dma_start3A_2632, %dma_start3A_2633] : memref<16x32x128xf32, #tpu.memory_space<vmem>> -> memref<1x8x128xf32, #tpu.memory_space<vmem>>
        %dma_start3A_2635 = tpu.memref_squeeze %dma_start3A_2634 : memref<1x8x128xf32, #tpu.memory_space<vmem>> -> memref<8x128xf32, #tpu.memory_space<vmem>>
        %dma_start3A_2636 = arith.constant 8 : i32
        %dma_start3A_2637 = tpu.memref_slice %arg4[%dma_start3A_2636, %multiple_of3A_2617] : memref<32x1000000xf32, #tpu.memory_space<hbm>> -> memref<8x128xf32, #tpu.memory_space<hbm>>
        %dma_start3A_2638 = arith.constant 8 : i32
        %dma_start3A_2639 = arith.constant 0 : i32
        %dma_start3A_2640 = tpu.memref_slice %arg8[%dma_start3A_2631, %dma_start3A_2638, %dma_start3A_2639] : memref<16x32x128xf32, #tpu.memory_space<vmem>> -> memref<1x8x128xf32, #tpu.memory_space<vmem>>
        %dma_start3A_2641 = tpu.memref_squeeze %dma_start3A_2640 : memref<1x8x128xf32, #tpu.memory_space<vmem>> -> memref<8x128xf32, #tpu.memory_space<vmem>>
        %dma_start3A_2642 = arith.constant 8 : i32
        %dma_start3A_2643 = tpu.memref_slice %arg4[%dma_start3A_2642, %multiple_of3A_2617] : memref<32x1000000xf32, #tpu.memory_space<hbm>> -> memref<8x128xf32, #tpu.memory_space<hbm>>
        tpu.enqueue_dma source(%dma_start3A_2643 : memref<8x128xf32, #tpu.memory_space<hbm>>) target(%dma_start3A_2641 : memref<8x128xf32, #tpu.memory_space<vmem>>) target_semaphore(%arg13 : memref<!tpu.dma_semaphore, #tpu.memory_space<semaphore_mem>>)
        %dma_start3A_2644 = arith.constant 3 : i32
        %dma_start3A_2645 = arith.constant 16 : i32
        %dma_start3A_2646 = arith.constant 0 : i32
        %dma_start3A_2647 = tpu.memref_slice %arg8[%dma_start3A_2644, %dma_start3A_2645, %dma_start3A_2646] : memref<16x32x128xf32, #tpu.memory_space<vmem>> -> memref<1x8x128xf32, #tpu.memory_space<vmem>>
        %dma_start3A_2648 = tpu.memref_squeeze %dma_start3A_2647 : memref<1x8x128xf32, #tpu.memory_space<vmem>> -> memref<8x128xf32, #tpu.memory_space<vmem>>
        %dma_start3A_2649 = arith.constant 16 : i32
        %dma_start3A_2650 = tpu.memref_slice %arg4[%dma_start3A_2649, %multiple_of3A_2617] : memref<32x1000000xf32, #tpu.memory_space<hbm>> -> memref<8x128xf32, #tpu.memory_space<hbm>>
        %dma_start3A_2651 = arith.constant 16 : i32
        %dma_start3A_2652 = arith.constant 0 : i32
        %dma_start3A_2653 = tpu.memref_slice %arg8[%dma_start3A_2644, %dma_start3A_2651, %dma_start3A_2652] : memref<16x32x128xf32, #tpu.memory_space<vmem>> -> memref<1x8x128xf32, #tpu.memory_space<vmem>>
        %dma_start3A_2654 = tpu.memref_squeeze %dma_start3A_2653 : memref<1x8x128xf32, #tpu.memory_space<vmem>> -> memref<8x128xf32, #tpu.memory_space<vmem>>
        %dma_start3A_2655 = arith.constant 16 : i32
        %dma_start3A_2656 = tpu.memref_slice %arg4[%dma_start3A_2655, %multiple_of3A_2617] : memref<32x1000000xf32, #tpu.memory_space<hbm>> -> memref<8x128xf32, #tpu.memory_space<hbm>>
        tpu.enqueue_dma source(%dma_start3A_2656 : memref<8x128xf32, #tpu.memory_space<hbm>>) target(%dma_start3A_2654 : memref<8x128xf32, #tpu.memory_space<vmem>>) target_semaphore(%arg13 : memref<!tpu.dma_semaphore, #tpu.memory_space<semaphore_mem>>)
        %dma_start3A_2657 = arith.constant 3 : i32
        %dma_start3A_2658 = arith.constant 24 : i32
        %dma_start3A_2659 = arith.constant 0 : i32
        %dma_start3A_2660 = tpu.memref_slice %arg8[%dma_start3A_2657, %dma_start3A_2658, %dma_start3A_2659] : memref<16x32x128xf32, #tpu.memory_space<vmem>> -> memref<1x8x128xf32, #tpu.memory_space<vmem>>
        %dma_start3A_2661 = tpu.memref_squeeze %dma_start3A_2660 : memref<1x8x128xf32, #tpu.memory_space<vmem>> -> memref<8x128xf32, #tpu.memory_space<vmem>>
        %dma_start3A_2662 = arith.constant 24 : i32
        %dma_start3A_2663 = tpu.memref_slice %arg4[%dma_start3A_2662, %multiple_of3A_2617] : memref<32x1000000xf32, #tpu.memory_space<hbm>> -> memref<8x128xf32, #tpu.memory_space<hbm>>
        %dma_start3A_2664 = arith.constant 24 : i32
        %dma_start3A_2665 = arith.constant 0 : i32
        %dma_start3A_2666 = tpu.memref_slice %arg8[%dma_start3A_2657, %dma_start3A_2664, %dma_start3A_2665] : memref<16x32x128xf32, #tpu.memory_space<vmem>> -> memref<1x8x128xf32, #tpu.memory_space<vmem>>
        %dma_start3A_2667 = tpu.memref_squeeze %dma_start3A_2666 : memref<1x8x128xf32, #tpu.memory_space<vmem>> -> memref<8x128xf32, #tpu.memory_space<vmem>>
        %dma_start3A_2668 = arith.constant 24 : i32
        %dma_start3A_2669 = tpu.memref_slice %arg4[%dma_start3A_2668, %multiple_of3A_2617] : memref<32x1000000xf32, #tpu.memory_space<hbm>> -> memref<8x128xf32, #tpu.memory_space<hbm>>
        tpu.enqueue_dma source(%dma_start3A_2669 : memref<8x128xf32, #tpu.memory_space<hbm>>) target(%dma_start3A_2667 : memref<8x128xf32, #tpu.memory_space<vmem>>) target_semaphore(%arg13 : memref<!tpu.dma_semaphore, #tpu.memory_space<semaphore_mem>>)
      } else {
      }
      %dma_wait3A_1591 = arith.constant 4 : i32
      %dma_wait3A_1592 = arith.constant 0 : i32
      %dma_wait3A_1593 = arith.constant 0 : i32
      %dma_wait3A_1594 = tpu.memref_slice %arg8[%dma_wait3A_1591, %dma_wait3A_1592, %dma_wait3A_1593] : memref<16x32x128xf32, #tpu.memory_space<vmem>> -> memref<1x8x128xf32, #tpu.memory_space<vmem>>
      %dma_wait3A_1595 = tpu.memref_squeeze %dma_wait3A_1594 : memref<1x8x128xf32, #tpu.memory_space<vmem>> -> memref<8x128xf32, #tpu.memory_space<vmem>>
      %dma_wait3A_1596 = arith.constant 0 : i32
      %dma_wait3A_1597 = arith.constant 0 : i32
      %dma_wait3A_1598 = tpu.memref_slice %arg4[%dma_wait3A_1596, %dma_wait3A_1597] : memref<32x1000000xf32, #tpu.memory_space<hbm>> -> memref<8x128xf32, #tpu.memory_space<hbm>>
      %dma_wait3A_1599 = arith.constant 0 : i32
      %dma_wait3A_1600 = arith.constant 0 : i32
      %dma_wait3A_1601 = tpu.memref_slice %arg8[%dma_wait3A_1591, %dma_wait3A_1599, %dma_wait3A_1600] : memref<16x32x128xf32, #tpu.memory_space<vmem>> -> memref<1x8x128xf32, #tpu.memory_space<vmem>>
      %dma_wait3A_1602 = tpu.memref_squeeze %dma_wait3A_1601 : memref<1x8x128xf32, #tpu.memory_space<vmem>> -> memref<8x128xf32, #tpu.memory_space<vmem>>
      %dma_wait3A_1603 = arith.constant 0 : i32
      %dma_wait3A_1604 = arith.constant 0 : i32
      %dma_wait3A_1605 = tpu.memref_slice %arg4[%dma_wait3A_1603, %dma_wait3A_1604] : memref<32x1000000xf32, #tpu.memory_space<hbm>> -> memref<8x128xf32, #tpu.memory_space<hbm>>
      tpu.wait_dma2 semaphore(%arg14 : memref<!tpu.dma_semaphore, #tpu.memory_space<semaphore_mem>>) src(%dma_wait3A_1605 : memref<8x128xf32, #tpu.memory_space<hbm>>) dst(%dma_wait3A_1602 : memref<8x128xf32, #tpu.memory_space<vmem>>)
      %dma_wait3A_1606 = arith.constant 4 : i32
      %dma_wait3A_1607 = arith.constant 0 : i32
      %dma_wait3A_1608 = arith.constant 0 : i32
      %dma_wait3A_1609 = tpu.memref_slice %arg8[%dma_wait3A_1606, %dma_wait3A_1607, %dma_wait3A_1608] : memref<16x32x128xf32, #tpu.memory_space<vmem>> -> memref<1x8x128xf32, #tpu.memory_space<vmem>>
      %dma_wait3A_1610 = tpu.memref_squeeze %dma_wait3A_1609 : memref<1x8x128xf32, #tpu.memory_space<vmem>> -> memref<8x128xf32, #tpu.memory_space<vmem>>
      %dma_wait3A_1611 = arith.constant 0 : i32
      %dma_wait3A_1612 = arith.constant 0 : i32
      %dma_wait3A_1613 = tpu.memref_slice %arg4[%dma_wait3A_1611, %dma_wait3A_1612] : memref<32x1000000xf32, #tpu.memory_space<hbm>> -> memref<8x128xf32, #tpu.memory_space<hbm>>
      %dma_wait3A_1614 = arith.constant 0 : i32
      %dma_wait3A_1615 = arith.constant 0 : i32
      %dma_wait3A_1616 = tpu.memref_slice %arg8[%dma_wait3A_1606, %dma_wait3A_1614, %dma_wait3A_1615] : memref<16x32x128xf32, #tpu.memory_space<vmem>> -> memref<1x8x128xf32, #tpu.memory_space<vmem>>
      %dma_wait3A_1617 = tpu.memref_squeeze %dma_wait3A_1616 : memref<1x8x128xf32, #tpu.memory_space<vmem>> -> memref<8x128xf32, #tpu.memory_space<vmem>>
      %dma_wait3A_1618 = arith.constant 0 : i32
      %dma_wait3A_1619 = arith.constant 0 : i32
      %dma_wait3A_1620 = tpu.memref_slice %arg4[%dma_wait3A_1618, %dma_wait3A_1619] : memref<32x1000000xf32, #tpu.memory_space<hbm>> -> memref<8x128xf32, #tpu.memory_space<hbm>>
      tpu.wait_dma2 semaphore(%arg14 : memref<!tpu.dma_semaphore, #tpu.memory_space<semaphore_mem>>) src(%dma_wait3A_1620 : memref<8x128xf32, #tpu.memory_space<hbm>>) dst(%dma_wait3A_1617 : memref<8x128xf32, #tpu.memory_space<vmem>>)
      %dma_wait3A_1621 = arith.constant 4 : i32
      %dma_wait3A_1622 = arith.constant 0 : i32
      %dma_wait3A_1623 = arith.constant 0 : i32
      %dma_wait3A_1624 = tpu.memref_slice %arg8[%dma_wait3A_1621, %dma_wait3A_1622, %dma_wait3A_1623] : memref<16x32x128xf32, #tpu.memory_space<vmem>> -> memref<1x8x128xf32, #tpu.memory_space<vmem>>
      %dma_wait3A_1625 = tpu.memref_squeeze %dma_wait3A_1624 : memref<1x8x128xf32, #tpu.memory_space<vmem>> -> memref<8x128xf32, #tpu.memory_space<vmem>>
      %dma_wait3A_1626 = arith.constant 0 : i32
      %dma_wait3A_1627 = arith.constant 0 : i32
      %dma_wait3A_1628 = tpu.memref_slice %arg4[%dma_wait3A_1626, %dma_wait3A_1627] : memref<32x1000000xf32, #tpu.memory_space<hbm>> -> memref<8x128xf32, #tpu.memory_space<hbm>>
      %dma_wait3A_1629 = arith.constant 0 : i32
      %dma_wait3A_1630 = arith.constant 0 : i32
      %dma_wait3A_1631 = tpu.memref_slice %arg8[%dma_wait3A_1621, %dma_wait3A_1629, %dma_wait3A_1630] : memref<16x32x128xf32, #tpu.memory_space<vmem>> -> memref<1x8x128xf32, #tpu.memory_space<vmem>>
      %dma_wait3A_1632 = tpu.memref_squeeze %dma_wait3A_1631 : memref<1x8x128xf32, #tpu.memory_space<vmem>> -> memref<8x128xf32, #tpu.memory_space<vmem>>
      %dma_wait3A_1633 = arith.constant 0 : i32
      %dma_wait3A_1634 = arith.constant 0 : i32
      %dma_wait3A_1635 = tpu.memref_slice %arg4[%dma_wait3A_1633, %dma_wait3A_1634] : memref<32x1000000xf32, #tpu.memory_space<hbm>> -> memref<8x128xf32, #tpu.memory_space<hbm>>
      tpu.wait_dma2 semaphore(%arg14 : memref<!tpu.dma_semaphore, #tpu.memory_space<semaphore_mem>>) src(%dma_wait3A_1635 : memref<8x128xf32, #tpu.memory_space<hbm>>) dst(%dma_wait3A_1632 : memref<8x128xf32, #tpu.memory_space<vmem>>)
      %dma_wait3A_1636 = arith.constant 4 : i32
      %dma_wait3A_1637 = arith.constant 0 : i32
      %dma_wait3A_1638 = arith.constant 0 : i32
      %dma_wait3A_1639 = tpu.memref_slice %arg8[%dma_wait3A_1636, %dma_wait3A_1637, %dma_wait3A_1638] : memref<16x32x128xf32, #tpu.memory_space<vmem>> -> memref<1x8x128xf32, #tpu.memory_space<vmem>>
      %dma_wait3A_1640 = tpu.memref_squeeze %dma_wait3A_1639 : memref<1x8x128xf32, #tpu.memory_space<vmem>> -> memref<8x128xf32, #tpu.memory_space<vmem>>
      %dma_wait3A_1641 = arith.constant 0 : i32
      %dma_wait3A_1642 = arith.constant 0 : i32
      %dma_wait3A_1643 = tpu.memref_slice %arg4[%dma_wait3A_1641, %dma_wait3A_1642] : memref<32x1000000xf32, #tpu.memory_space<hbm>> -> memref<8x128xf32, #tpu.memory_space<hbm>>
      %dma_wait3A_1644 = arith.constant 0 : i32
      %dma_wait3A_1645 = arith.constant 0 : i32
      %dma_wait3A_1646 = tpu.memref_slice %arg8[%dma_wait3A_1636, %dma_wait3A_1644, %dma_wait3A_1645] : memref<16x32x128xf32, #tpu.memory_space<vmem>> -> memref<1x8x128xf32, #tpu.memory_space<vmem>>
      %dma_wait3A_1647 = tpu.memref_squeeze %dma_wait3A_1646 : memref<1x8x128xf32, #tpu.memory_space<vmem>> -> memref<8x128xf32, #tpu.memory_space<vmem>>
      %dma_wait3A_1648 = arith.constant 0 : i32
      %dma_wait3A_1649 = arith.constant 0 : i32
      %dma_wait3A_1650 = tpu.memref_slice %arg4[%dma_wait3A_1648, %dma_wait3A_1649] : memref<32x1000000xf32, #tpu.memory_space<hbm>> -> memref<8x128xf32, #tpu.memory_space<hbm>>
      tpu.wait_dma2 semaphore(%arg14 : memref<!tpu.dma_semaphore, #tpu.memory_space<semaphore_mem>>) src(%dma_wait3A_1650 : memref<8x128xf32, #tpu.memory_space<hbm>>) dst(%dma_wait3A_1647 : memref<8x128xf32, #tpu.memory_space<vmem>>)
      %slice3A_1651 = vector.extract_strided_slice %rem3A_1215 {offsets = [4], sizes = [1], strides = [1]} : vector<16xi32> to vector<1xi32>
      %squeeze3A_1652 = vector.extract %slice3A_1651[0] : i32 from vector<1xi32>
      %broadcast_in_dim3A_1653 = vector.broadcast %squeeze3A_1652 : i32 to vector<16xi32>
      %broadcast_in_dim3A_1654 = arith.constant 4 : i32
      %broadcast_in_dim3A_1655 = vector.broadcast %broadcast_in_dim3A_1654 : i32 to vector<16xi32>
      %mul3A_1656 = arith.constant 16 : i32
      %mul3A_1657 = arith.muli %scan3A_1211, %mul3A_1656 : i32
      %add3A_1658 = arith.constant 4 : i32
      %add3A_1659 = arith.addi %mul3A_1657, %add3A_1658 : i32
      %broadcast_in_dim3A_1660 = vector.broadcast %add3A_1659 : i32 to vector<16xi32>
      %gather3A_1661 = tpu.vector_load_idx %arg8[%broadcast_in_dim3A_1655, %iota3A, %broadcast_in_dim3A_1653] : memref<16x32x128xf32, #tpu.memory_space<vmem>>[vector<16xi32>, vector<16xi32>, vector<16xi32>], vector<16xf32>,
      %gather3A_1662 = tpu.vector_load_idx %arg8[%broadcast_in_dim3A_1655, %add3A_5, %broadcast_in_dim3A_1653] : memref<16x32x128xf32, #tpu.memory_space<vmem>>[vector<16xi32>, vector<16xi32>, vector<16xi32>], vector<16xf32>,
      %gather3A_1663 = tpu.vector_load_idx %arg7[%iota3A, %broadcast_in_dim3A_1660] : memref<32x512xf32, #tpu.memory_space<vmem>>[vector<16xi32>, vector<16xi32>], vector<16xf32>,
      %gather3A_1664 = tpu.vector_load_idx %arg7[%add3A_5, %broadcast_in_dim3A_1660] : memref<32x512xf32, #tpu.memory_space<vmem>>[vector<16xi32>, vector<16xi32>], vector<16xf32>,
      %sub3A_1665 = arith.subf %gather3A_1663, %gather3A_1661 : vector<16xf32>
      %sub3A_1666 = arith.subf %gather3A_1664, %gather3A_1662 : vector<16xf32>
      %mul3A_1667 = arith.mulf %sub3A_1665, %sub3A_1665 : vector<16xf32>
      %add3A_1668 = arith.addf %add3A_1585, %mul3A_1667 : vector<16xf32>
      %mul3A_1669 = arith.mulf %sub3A_1666, %sub3A_1666 : vector<16xf32>
      %add3A_1670 = arith.addf %add3A_1668, %mul3A_1669 : vector<16xf32>
      %lt3A_1671 = arith.constant 31 : i32
      %lt3A_1672 = arith.cmpi slt, %scan3A_1211, %lt3A_1671 : i32
      %convert_element_type3A_1673 = arith.extui %lt3A_1672 : i1 to i32
      %cond3A_1674 = arith.constant 0 : i32
      %cond3A_1675 = arith.cmpi ne, %convert_element_type3A_1673, %cond3A_1674 : i32
      scf.if %cond3A_1675 {
        %slice3A_2611 = vector.extract_strided_slice %get3A_1254 {offsets = [4], sizes = [1], strides = [1]} : vector<16xi32> to vector<1xi32>
        %squeeze3A_2612 = vector.extract %slice3A_2611[0] : i32 from vector<1xi32>
        %shift_right_arithmetic3A_2613 = arith.constant 7 : i32
        %shift_right_arithmetic3A_2614 = arith.shrsi %squeeze3A_2612, %shift_right_arithmetic3A_2613 : i32
        %shift_left3A_2615 = arith.constant 7 : i32
        %shift_left3A_2616 = arith.shli %shift_right_arithmetic3A_2614, %shift_left3A_2615 : i32
        %multiple_of3A_2617 = tpu.assume_multiple %shift_left3A_2616, 128 : i32
        %dma_start3A_2618 = arith.constant 4 : i32
        %dma_start3A_2619 = arith.constant 0 : i32
        %dma_start3A_2620 = arith.constant 0 : i32
        %dma_start3A_2621 = tpu.memref_slice %arg8[%dma_start3A_2618, %dma_start3A_2619, %dma_start3A_2620] : memref<16x32x128xf32, #tpu.memory_space<vmem>> -> memref<1x8x128xf32, #tpu.memory_space<vmem>>
        %dma_start3A_2622 = tpu.memref_squeeze %dma_start3A_2621 : memref<1x8x128xf32, #tpu.memory_space<vmem>> -> memref<8x128xf32, #tpu.memory_space<vmem>>
        %dma_start3A_2623 = arith.constant 0 : i32
        %dma_start3A_2624 = tpu.memref_slice %arg4[%dma_start3A_2623, %multiple_of3A_2617] : memref<32x1000000xf32, #tpu.memory_space<hbm>> -> memref<8x128xf32, #tpu.memory_space<hbm>>
        %dma_start3A_2625 = arith.constant 0 : i32
        %dma_start3A_2626 = arith.constant 0 : i32
        %dma_start3A_2627 = tpu.memref_slice %arg8[%dma_start3A_2618, %dma_start3A_2625, %dma_start3A_2626] : memref<16x32x128xf32, #tpu.memory_space<vmem>> -> memref<1x8x128xf32, #tpu.memory_space<vmem>>
        %dma_start3A_2628 = tpu.memref_squeeze %dma_start3A_2627 : memref<1x8x128xf32, #tpu.memory_space<vmem>> -> memref<8x128xf32, #tpu.memory_space<vmem>>
        %dma_start3A_2629 = arith.constant 0 : i32
        %dma_start3A_2630 = tpu.memref_slice %arg4[%dma_start3A_2629, %multiple_of3A_2617] : memref<32x1000000xf32, #tpu.memory_space<hbm>> -> memref<8x128xf32, #tpu.memory_space<hbm>>
        tpu.enqueue_dma source(%dma_start3A_2630 : memref<8x128xf32, #tpu.memory_space<hbm>>) target(%dma_start3A_2628 : memref<8x128xf32, #tpu.memory_space<vmem>>) target_semaphore(%arg14 : memref<!tpu.dma_semaphore, #tpu.memory_space<semaphore_mem>>)
        %dma_start3A_2631 = arith.constant 4 : i32
        %dma_start3A_2632 = arith.constant 8 : i32
        %dma_start3A_2633 = arith.constant 0 : i32
        %dma_start3A_2634 = tpu.memref_slice %arg8[%dma_start3A_2631, %dma_start3A_2632, %dma_start3A_2633] : memref<16x32x128xf32, #tpu.memory_space<vmem>> -> memref<1x8x128xf32, #tpu.memory_space<vmem>>
        %dma_start3A_2635 = tpu.memref_squeeze %dma_start3A_2634 : memref<1x8x128xf32, #tpu.memory_space<vmem>> -> memref<8x128xf32, #tpu.memory_space<vmem>>
        %dma_start3A_2636 = arith.constant 8 : i32
        %dma_start3A_2637 = tpu.memref_slice %arg4[%dma_start3A_2636, %multiple_of3A_2617] : memref<32x1000000xf32, #tpu.memory_space<hbm>> -> memref<8x128xf32, #tpu.memory_space<hbm>>
        %dma_start3A_2638 = arith.constant 8 : i32
        %dma_start3A_2639 = arith.constant 0 : i32
        %dma_start3A_2640 = tpu.memref_slice %arg8[%dma_start3A_2631, %dma_start3A_2638, %dma_start3A_2639] : memref<16x32x128xf32, #tpu.memory_space<vmem>> -> memref<1x8x128xf32, #tpu.memory_space<vmem>>
        %dma_start3A_2641 = tpu.memref_squeeze %dma_start3A_2640 : memref<1x8x128xf32, #tpu.memory_space<vmem>> -> memref<8x128xf32, #tpu.memory_space<vmem>>
        %dma_start3A_2642 = arith.constant 8 : i32
        %dma_start3A_2643 = tpu.memref_slice %arg4[%dma_start3A_2642, %multiple_of3A_2617] : memref<32x1000000xf32, #tpu.memory_space<hbm>> -> memref<8x128xf32, #tpu.memory_space<hbm>>
        tpu.enqueue_dma source(%dma_start3A_2643 : memref<8x128xf32, #tpu.memory_space<hbm>>) target(%dma_start3A_2641 : memref<8x128xf32, #tpu.memory_space<vmem>>) target_semaphore(%arg14 : memref<!tpu.dma_semaphore, #tpu.memory_space<semaphore_mem>>)
        %dma_start3A_2644 = arith.constant 4 : i32
        %dma_start3A_2645 = arith.constant 16 : i32
        %dma_start3A_2646 = arith.constant 0 : i32
        %dma_start3A_2647 = tpu.memref_slice %arg8[%dma_start3A_2644, %dma_start3A_2645, %dma_start3A_2646] : memref<16x32x128xf32, #tpu.memory_space<vmem>> -> memref<1x8x128xf32, #tpu.memory_space<vmem>>
        %dma_start3A_2648 = tpu.memref_squeeze %dma_start3A_2647 : memref<1x8x128xf32, #tpu.memory_space<vmem>> -> memref<8x128xf32, #tpu.memory_space<vmem>>
        %dma_start3A_2649 = arith.constant 16 : i32
        %dma_start3A_2650 = tpu.memref_slice %arg4[%dma_start3A_2649, %multiple_of3A_2617] : memref<32x1000000xf32, #tpu.memory_space<hbm>> -> memref<8x128xf32, #tpu.memory_space<hbm>>
        %dma_start3A_2651 = arith.constant 16 : i32
        %dma_start3A_2652 = arith.constant 0 : i32
        %dma_start3A_2653 = tpu.memref_slice %arg8[%dma_start3A_2644, %dma_start3A_2651, %dma_start3A_2652] : memref<16x32x128xf32, #tpu.memory_space<vmem>> -> memref<1x8x128xf32, #tpu.memory_space<vmem>>
        %dma_start3A_2654 = tpu.memref_squeeze %dma_start3A_2653 : memref<1x8x128xf32, #tpu.memory_space<vmem>> -> memref<8x128xf32, #tpu.memory_space<vmem>>
        %dma_start3A_2655 = arith.constant 16 : i32
        %dma_start3A_2656 = tpu.memref_slice %arg4[%dma_start3A_2655, %multiple_of3A_2617] : memref<32x1000000xf32, #tpu.memory_space<hbm>> -> memref<8x128xf32, #tpu.memory_space<hbm>>
        tpu.enqueue_dma source(%dma_start3A_2656 : memref<8x128xf32, #tpu.memory_space<hbm>>) target(%dma_start3A_2654 : memref<8x128xf32, #tpu.memory_space<vmem>>) target_semaphore(%arg14 : memref<!tpu.dma_semaphore, #tpu.memory_space<semaphore_mem>>)
        %dma_start3A_2657 = arith.constant 4 : i32
        %dma_start3A_2658 = arith.constant 24 : i32
        %dma_start3A_2659 = arith.constant 0 : i32
        %dma_start3A_2660 = tpu.memref_slice %arg8[%dma_start3A_2657, %dma_start3A_2658, %dma_start3A_2659] : memref<16x32x128xf32, #tpu.memory_space<vmem>> -> memref<1x8x128xf32, #tpu.memory_space<vmem>>
        %dma_start3A_2661 = tpu.memref_squeeze %dma_start3A_2660 : memref<1x8x128xf32, #tpu.memory_space<vmem>> -> memref<8x128xf32, #tpu.memory_space<vmem>>
        %dma_start3A_2662 = arith.constant 24 : i32
        %dma_start3A_2663 = tpu.memref_slice %arg4[%dma_start3A_2662, %multiple_of3A_2617] : memref<32x1000000xf32, #tpu.memory_space<hbm>> -> memref<8x128xf32, #tpu.memory_space<hbm>>
        %dma_start3A_2664 = arith.constant 24 : i32
        %dma_start3A_2665 = arith.constant 0 : i32
        %dma_start3A_2666 = tpu.memref_slice %arg8[%dma_start3A_2657, %dma_start3A_2664, %dma_start3A_2665] : memref<16x32x128xf32, #tpu.memory_space<vmem>> -> memref<1x8x128xf32, #tpu.memory_space<vmem>>
        %dma_start3A_2667 = tpu.memref_squeeze %dma_start3A_2666 : memref<1x8x128xf32, #tpu.memory_space<vmem>> -> memref<8x128xf32, #tpu.memory_space<vmem>>
        %dma_start3A_2668 = arith.constant 24 : i32
        %dma_start3A_2669 = tpu.memref_slice %arg4[%dma_start3A_2668, %multiple_of3A_2617] : memref<32x1000000xf32, #tpu.memory_space<hbm>> -> memref<8x128xf32, #tpu.memory_space<hbm>>
        tpu.enqueue_dma source(%dma_start3A_2669 : memref<8x128xf32, #tpu.memory_space<hbm>>) target(%dma_start3A_2667 : memref<8x128xf32, #tpu.memory_space<vmem>>) target_semaphore(%arg14 : memref<!tpu.dma_semaphore, #tpu.memory_space<semaphore_mem>>)
      } else {
      }
      %dma_wait3A_1676 = arith.constant 5 : i32
      %dma_wait3A_1677 = arith.constant 0 : i32
      %dma_wait3A_1678 = arith.constant 0 : i32
      %dma_wait3A_1679 = tpu.memref_slice %arg8[%dma_wait3A_1676, %dma_wait3A_1677, %dma_wait3A_1678] : memref<16x32x128xf32, #tpu.memory_space<vmem>> -> memref<1x8x128xf32, #tpu.memory_space<vmem>>
      %dma_wait3A_1680 = tpu.memref_squeeze %dma_wait3A_1679 : memref<1x8x128xf32, #tpu.memory_space<vmem>> -> memref<8x128xf32, #tpu.memory_space<vmem>>
      %dma_wait3A_1681 = arith.constant 0 : i32
      %dma_wait3A_1682 = arith.constant 0 : i32
      %dma_wait3A_1683 = tpu.memref_slice %arg4[%dma_wait3A_1681, %dma_wait3A_1682] : memref<32x1000000xf32, #tpu.memory_space<hbm>> -> memref<8x128xf32, #tpu.memory_space<hbm>>
      %dma_wait3A_1684 = arith.constant 0 : i32
      %dma_wait3A_1685 = arith.constant 0 : i32
      %dma_wait3A_1686 = tpu.memref_slice %arg8[%dma_wait3A_1676, %dma_wait3A_1684, %dma_wait3A_1685] : memref<16x32x128xf32, #tpu.memory_space<vmem>> -> memref<1x8x128xf32, #tpu.memory_space<vmem>>
      %dma_wait3A_1687 = tpu.memref_squeeze %dma_wait3A_1686 : memref<1x8x128xf32, #tpu.memory_space<vmem>> -> memref<8x128xf32, #tpu.memory_space<vmem>>
      %dma_wait3A_1688 = arith.constant 0 : i32
      %dma_wait3A_1689 = arith.constant 0 : i32
      %dma_wait3A_1690 = tpu.memref_slice %arg4[%dma_wait3A_1688, %dma_wait3A_1689] : memref<32x1000000xf32, #tpu.memory_space<hbm>> -> memref<8x128xf32, #tpu.memory_space<hbm>>
      tpu.wait_dma2 semaphore(%arg15 : memref<!tpu.dma_semaphore, #tpu.memory_space<semaphore_mem>>) src(%dma_wait3A_1690 : memref<8x128xf32, #tpu.memory_space<hbm>>) dst(%dma_wait3A_1687 : memref<8x128xf32, #tpu.memory_space<vmem>>)
      %dma_wait3A_1691 = arith.constant 5 : i32
      %dma_wait3A_1692 = arith.constant 0 : i32
      %dma_wait3A_1693 = arith.constant 0 : i32
      %dma_wait3A_1694 = tpu.memref_slice %arg8[%dma_wait3A_1691, %dma_wait3A_1692, %dma_wait3A_1693] : memref<16x32x128xf32, #tpu.memory_space<vmem>> -> memref<1x8x128xf32, #tpu.memory_space<vmem>>
      %dma_wait3A_1695 = tpu.memref_squeeze %dma_wait3A_1694 : memref<1x8x128xf32, #tpu.memory_space<vmem>> -> memref<8x128xf32, #tpu.memory_space<vmem>>
      %dma_wait3A_1696 = arith.constant 0 : i32
      %dma_wait3A_1697 = arith.constant 0 : i32
      %dma_wait3A_1698 = tpu.memref_slice %arg4[%dma_wait3A_1696, %dma_wait3A_1697] : memref<32x1000000xf32, #tpu.memory_space<hbm>> -> memref<8x128xf32, #tpu.memory_space<hbm>>
      %dma_wait3A_1699 = arith.constant 0 : i32
      %dma_wait3A_1700 = arith.constant 0 : i32
      %dma_wait3A_1701 = tpu.memref_slice %arg8[%dma_wait3A_1691, %dma_wait3A_1699, %dma_wait3A_1700] : memref<16x32x128xf32, #tpu.memory_space<vmem>> -> memref<1x8x128xf32, #tpu.memory_space<vmem>>
      %dma_wait3A_1702 = tpu.memref_squeeze %dma_wait3A_1701 : memref<1x8x128xf32, #tpu.memory_space<vmem>> -> memref<8x128xf32, #tpu.memory_space<vmem>>
      %dma_wait3A_1703 = arith.constant 0 : i32
      %dma_wait3A_1704 = arith.constant 0 : i32
      %dma_wait3A_1705 = tpu.memref_slice %arg4[%dma_wait3A_1703, %dma_wait3A_1704] : memref<32x1000000xf32, #tpu.memory_space<hbm>> -> memref<8x128xf32, #tpu.memory_space<hbm>>
      tpu.wait_dma2 semaphore(%arg15 : memref<!tpu.dma_semaphore, #tpu.memory_space<semaphore_mem>>) src(%dma_wait3A_1705 : memref<8x128xf32, #tpu.memory_space<hbm>>) dst(%dma_wait3A_1702 : memref<8x128xf32, #tpu.memory_space<vmem>>)
      %dma_wait3A_1706 = arith.constant 5 : i32
      %dma_wait3A_1707 = arith.constant 0 : i32
      %dma_wait3A_1708 = arith.constant 0 : i32
      %dma_wait3A_1709 = tpu.memref_slice %arg8[%dma_wait3A_1706, %dma_wait3A_1707, %dma_wait3A_1708] : memref<16x32x128xf32, #tpu.memory_space<vmem>> -> memref<1x8x128xf32, #tpu.memory_space<vmem>>
      %dma_wait3A_1710 = tpu.memref_squeeze %dma_wait3A_1709 : memref<1x8x128xf32, #tpu.memory_space<vmem>> -> memref<8x128xf32, #tpu.memory_space<vmem>>
      %dma_wait3A_1711 = arith.constant 0 : i32
      %dma_wait3A_1712 = arith.constant 0 : i32
      %dma_wait3A_1713 = tpu.memref_slice %arg4[%dma_wait3A_1711, %dma_wait3A_1712] : memref<32x1000000xf32, #tpu.memory_space<hbm>> -> memref<8x128xf32, #tpu.memory_space<hbm>>
      %dma_wait3A_1714 = arith.constant 0 : i32
      %dma_wait3A_1715 = arith.constant 0 : i32
      %dma_wait3A_1716 = tpu.memref_slice %arg8[%dma_wait3A_1706, %dma_wait3A_1714, %dma_wait3A_1715] : memref<16x32x128xf32, #tpu.memory_space<vmem>> -> memref<1x8x128xf32, #tpu.memory_space<vmem>>
      %dma_wait3A_1717 = tpu.memref_squeeze %dma_wait3A_1716 : memref<1x8x128xf32, #tpu.memory_space<vmem>> -> memref<8x128xf32, #tpu.memory_space<vmem>>
      %dma_wait3A_1718 = arith.constant 0 : i32
      %dma_wait3A_1719 = arith.constant 0 : i32
      %dma_wait3A_1720 = tpu.memref_slice %arg4[%dma_wait3A_1718, %dma_wait3A_1719] : memref<32x1000000xf32, #tpu.memory_space<hbm>> -> memref<8x128xf32, #tpu.memory_space<hbm>>
      tpu.wait_dma2 semaphore(%arg15 : memref<!tpu.dma_semaphore, #tpu.memory_space<semaphore_mem>>) src(%dma_wait3A_1720 : memref<8x128xf32, #tpu.memory_space<hbm>>) dst(%dma_wait3A_1717 : memref<8x128xf32, #tpu.memory_space<vmem>>)
      %dma_wait3A_1721 = arith.constant 5 : i32
      %dma_wait3A_1722 = arith.constant 0 : i32
      %dma_wait3A_1723 = arith.constant 0 : i32
      %dma_wait3A_1724 = tpu.memref_slice %arg8[%dma_wait3A_1721, %dma_wait3A_1722, %dma_wait3A_1723] : memref<16x32x128xf32, #tpu.memory_space<vmem>> -> memref<1x8x128xf32, #tpu.memory_space<vmem>>
      %dma_wait3A_1725 = tpu.memref_squeeze %dma_wait3A_1724 : memref<1x8x128xf32, #tpu.memory_space<vmem>> -> memref<8x128xf32, #tpu.memory_space<vmem>>
      %dma_wait3A_1726 = arith.constant 0 : i32
      %dma_wait3A_1727 = arith.constant 0 : i32
      %dma_wait3A_1728 = tpu.memref_slice %arg4[%dma_wait3A_1726, %dma_wait3A_1727] : memref<32x1000000xf32, #tpu.memory_space<hbm>> -> memref<8x128xf32, #tpu.memory_space<hbm>>
      %dma_wait3A_1729 = arith.constant 0 : i32
      %dma_wait3A_1730 = arith.constant 0 : i32
      %dma_wait3A_1731 = tpu.memref_slice %arg8[%dma_wait3A_1721, %dma_wait3A_1729, %dma_wait3A_1730] : memref<16x32x128xf32, #tpu.memory_space<vmem>> -> memref<1x8x128xf32, #tpu.memory_space<vmem>>
      %dma_wait3A_1732 = tpu.memref_squeeze %dma_wait3A_1731 : memref<1x8x128xf32, #tpu.memory_space<vmem>> -> memref<8x128xf32, #tpu.memory_space<vmem>>
      %dma_wait3A_1733 = arith.constant 0 : i32
      %dma_wait3A_1734 = arith.constant 0 : i32
      %dma_wait3A_1735 = tpu.memref_slice %arg4[%dma_wait3A_1733, %dma_wait3A_1734] : memref<32x1000000xf32, #tpu.memory_space<hbm>> -> memref<8x128xf32, #tpu.memory_space<hbm>>
      tpu.wait_dma2 semaphore(%arg15 : memref<!tpu.dma_semaphore, #tpu.memory_space<semaphore_mem>>) src(%dma_wait3A_1735 : memref<8x128xf32, #tpu.memory_space<hbm>>) dst(%dma_wait3A_1732 : memref<8x128xf32, #tpu.memory_space<vmem>>)
      %slice3A_1736 = vector.extract_strided_slice %rem3A_1215 {offsets = [5], sizes = [1], strides = [1]} : vector<16xi32> to vector<1xi32>
      %squeeze3A_1737 = vector.extract %slice3A_1736[0] : i32 from vector<1xi32>
      %broadcast_in_dim3A_1738 = vector.broadcast %squeeze3A_1737 : i32 to vector<16xi32>
      %broadcast_in_dim3A_1739 = arith.constant 5 : i32
      %broadcast_in_dim3A_1740 = vector.broadcast %broadcast_in_dim3A_1739 : i32 to vector<16xi32>
      %mul3A_1741 = arith.constant 16 : i32
      %mul3A_1742 = arith.muli %scan3A_1211, %mul3A_1741 : i32
      %add3A_1743 = arith.constant 5 : i32
      %add3A_1744 = arith.addi %mul3A_1742, %add3A_1743 : i32
      %broadcast_in_dim3A_1745 = vector.broadcast %add3A_1744 : i32 to vector<16xi32>
      %gather3A_1746 = tpu.vector_load_idx %arg8[%broadcast_in_dim3A_1740, %iota3A, %broadcast_in_dim3A_1738] : memref<16x32x128xf32, #tpu.memory_space<vmem>>[vector<16xi32>, vector<16xi32>, vector<16xi32>], vector<16xf32>,
      %gather3A_1747 = tpu.vector_load_idx %arg8[%broadcast_in_dim3A_1740, %add3A_5, %broadcast_in_dim3A_1738] : memref<16x32x128xf32, #tpu.memory_space<vmem>>[vector<16xi32>, vector<16xi32>, vector<16xi32>], vector<16xf32>,
      %gather3A_1748 = tpu.vector_load_idx %arg7[%iota3A, %broadcast_in_dim3A_1745] : memref<32x512xf32, #tpu.memory_space<vmem>>[vector<16xi32>, vector<16xi32>], vector<16xf32>,
      %gather3A_1749 = tpu.vector_load_idx %arg7[%add3A_5, %broadcast_in_dim3A_1745] : memref<32x512xf32, #tpu.memory_space<vmem>>[vector<16xi32>, vector<16xi32>], vector<16xf32>,
      %sub3A_1750 = arith.subf %gather3A_1748, %gather3A_1746 : vector<16xf32>
      %sub3A_1751 = arith.subf %gather3A_1749, %gather3A_1747 : vector<16xf32>
      %mul3A_1752 = arith.mulf %sub3A_1750, %sub3A_1750 : vector<16xf32>
      %add3A_1753 = arith.addf %add3A_1670, %mul3A_1752 : vector<16xf32>
      %mul3A_1754 = arith.mulf %sub3A_1751, %sub3A_1751 : vector<16xf32>
      %add3A_1755 = arith.addf %add3A_1753, %mul3A_1754 : vector<16xf32>
      %lt3A_1756 = arith.constant 31 : i32
      %lt3A_1757 = arith.cmpi slt, %scan3A_1211, %lt3A_1756 : i32
      %convert_element_type3A_1758 = arith.extui %lt3A_1757 : i1 to i32
      %cond3A_1759 = arith.constant 0 : i32
      %cond3A_1760 = arith.cmpi ne, %convert_element_type3A_1758, %cond3A_1759 : i32
      scf.if %cond3A_1760 {
        %slice3A_2611 = vector.extract_strided_slice %get3A_1254 {offsets = [5], sizes = [1], strides = [1]} : vector<16xi32> to vector<1xi32>
        %squeeze3A_2612 = vector.extract %slice3A_2611[0] : i32 from vector<1xi32>
        %shift_right_arithmetic3A_2613 = arith.constant 7 : i32
        %shift_right_arithmetic3A_2614 = arith.shrsi %squeeze3A_2612, %shift_right_arithmetic3A_2613 : i32
        %shift_left3A_2615 = arith.constant 7 : i32
        %shift_left3A_2616 = arith.shli %shift_right_arithmetic3A_2614, %shift_left3A_2615 : i32
        %multiple_of3A_2617 = tpu.assume_multiple %shift_left3A_2616, 128 : i32
        %dma_start3A_2618 = arith.constant 5 : i32
        %dma_start3A_2619 = arith.constant 0 : i32
        %dma_start3A_2620 = arith.constant 0 : i32
        %dma_start3A_2621 = tpu.memref_slice %arg8[%dma_start3A_2618, %dma_start3A_2619, %dma_start3A_2620] : memref<16x32x128xf32, #tpu.memory_space<vmem>> -> memref<1x8x128xf32, #tpu.memory_space<vmem>>
        %dma_start3A_2622 = tpu.memref_squeeze %dma_start3A_2621 : memref<1x8x128xf32, #tpu.memory_space<vmem>> -> memref<8x128xf32, #tpu.memory_space<vmem>>
        %dma_start3A_2623 = arith.constant 0 : i32
        %dma_start3A_2624 = tpu.memref_slice %arg4[%dma_start3A_2623, %multiple_of3A_2617] : memref<32x1000000xf32, #tpu.memory_space<hbm>> -> memref<8x128xf32, #tpu.memory_space<hbm>>
        %dma_start3A_2625 = arith.constant 0 : i32
        %dma_start3A_2626 = arith.constant 0 : i32
        %dma_start3A_2627 = tpu.memref_slice %arg8[%dma_start3A_2618, %dma_start3A_2625, %dma_start3A_2626] : memref<16x32x128xf32, #tpu.memory_space<vmem>> -> memref<1x8x128xf32, #tpu.memory_space<vmem>>
        %dma_start3A_2628 = tpu.memref_squeeze %dma_start3A_2627 : memref<1x8x128xf32, #tpu.memory_space<vmem>> -> memref<8x128xf32, #tpu.memory_space<vmem>>
        %dma_start3A_2629 = arith.constant 0 : i32
        %dma_start3A_2630 = tpu.memref_slice %arg4[%dma_start3A_2629, %multiple_of3A_2617] : memref<32x1000000xf32, #tpu.memory_space<hbm>> -> memref<8x128xf32, #tpu.memory_space<hbm>>
        tpu.enqueue_dma source(%dma_start3A_2630 : memref<8x128xf32, #tpu.memory_space<hbm>>) target(%dma_start3A_2628 : memref<8x128xf32, #tpu.memory_space<vmem>>) target_semaphore(%arg15 : memref<!tpu.dma_semaphore, #tpu.memory_space<semaphore_mem>>)
        %dma_start3A_2631 = arith.constant 5 : i32
        %dma_start3A_2632 = arith.constant 8 : i32
        %dma_start3A_2633 = arith.constant 0 : i32
        %dma_start3A_2634 = tpu.memref_slice %arg8[%dma_start3A_2631, %dma_start3A_2632, %dma_start3A_2633] : memref<16x32x128xf32, #tpu.memory_space<vmem>> -> memref<1x8x128xf32, #tpu.memory_space<vmem>>
        %dma_start3A_2635 = tpu.memref_squeeze %dma_start3A_2634 : memref<1x8x128xf32, #tpu.memory_space<vmem>> -> memref<8x128xf32, #tpu.memory_space<vmem>>
        %dma_start3A_2636 = arith.constant 8 : i32
        %dma_start3A_2637 = tpu.memref_slice %arg4[%dma_start3A_2636, %multiple_of3A_2617] : memref<32x1000000xf32, #tpu.memory_space<hbm>> -> memref<8x128xf32, #tpu.memory_space<hbm>>
        %dma_start3A_2638 = arith.constant 8 : i32
        %dma_start3A_2639 = arith.constant 0 : i32
        %dma_start3A_2640 = tpu.memref_slice %arg8[%dma_start3A_2631, %dma_start3A_2638, %dma_start3A_2639] : memref<16x32x128xf32, #tpu.memory_space<vmem>> -> memref<1x8x128xf32, #tpu.memory_space<vmem>>
        %dma_start3A_2641 = tpu.memref_squeeze %dma_start3A_2640 : memref<1x8x128xf32, #tpu.memory_space<vmem>> -> memref<8x128xf32, #tpu.memory_space<vmem>>
        %dma_start3A_2642 = arith.constant 8 : i32
        %dma_start3A_2643 = tpu.memref_slice %arg4[%dma_start3A_2642, %multiple_of3A_2617] : memref<32x1000000xf32, #tpu.memory_space<hbm>> -> memref<8x128xf32, #tpu.memory_space<hbm>>
        tpu.enqueue_dma source(%dma_start3A_2643 : memref<8x128xf32, #tpu.memory_space<hbm>>) target(%dma_start3A_2641 : memref<8x128xf32, #tpu.memory_space<vmem>>) target_semaphore(%arg15 : memref<!tpu.dma_semaphore, #tpu.memory_space<semaphore_mem>>)
        %dma_start3A_2644 = arith.constant 5 : i32
        %dma_start3A_2645 = arith.constant 16 : i32
        %dma_start3A_2646 = arith.constant 0 : i32
        %dma_start3A_2647 = tpu.memref_slice %arg8[%dma_start3A_2644, %dma_start3A_2645, %dma_start3A_2646] : memref<16x32x128xf32, #tpu.memory_space<vmem>> -> memref<1x8x128xf32, #tpu.memory_space<vmem>>
        %dma_start3A_2648 = tpu.memref_squeeze %dma_start3A_2647 : memref<1x8x128xf32, #tpu.memory_space<vmem>> -> memref<8x128xf32, #tpu.memory_space<vmem>>
        %dma_start3A_2649 = arith.constant 16 : i32
        %dma_start3A_2650 = tpu.memref_slice %arg4[%dma_start3A_2649, %multiple_of3A_2617] : memref<32x1000000xf32, #tpu.memory_space<hbm>> -> memref<8x128xf32, #tpu.memory_space<hbm>>
        %dma_start3A_2651 = arith.constant 16 : i32
        %dma_start3A_2652 = arith.constant 0 : i32
        %dma_start3A_2653 = tpu.memref_slice %arg8[%dma_start3A_2644, %dma_start3A_2651, %dma_start3A_2652] : memref<16x32x128xf32, #tpu.memory_space<vmem>> -> memref<1x8x128xf32, #tpu.memory_space<vmem>>
        %dma_start3A_2654 = tpu.memref_squeeze %dma_start3A_2653 : memref<1x8x128xf32, #tpu.memory_space<vmem>> -> memref<8x128xf32, #tpu.memory_space<vmem>>
        %dma_start3A_2655 = arith.constant 16 : i32
        %dma_start3A_2656 = tpu.memref_slice %arg4[%dma_start3A_2655, %multiple_of3A_2617] : memref<32x1000000xf32, #tpu.memory_space<hbm>> -> memref<8x128xf32, #tpu.memory_space<hbm>>
        tpu.enqueue_dma source(%dma_start3A_2656 : memref<8x128xf32, #tpu.memory_space<hbm>>) target(%dma_start3A_2654 : memref<8x128xf32, #tpu.memory_space<vmem>>) target_semaphore(%arg15 : memref<!tpu.dma_semaphore, #tpu.memory_space<semaphore_mem>>)
        %dma_start3A_2657 = arith.constant 5 : i32
        %dma_start3A_2658 = arith.constant 24 : i32
        %dma_start3A_2659 = arith.constant 0 : i32
        %dma_start3A_2660 = tpu.memref_slice %arg8[%dma_start3A_2657, %dma_start3A_2658, %dma_start3A_2659] : memref<16x32x128xf32, #tpu.memory_space<vmem>> -> memref<1x8x128xf32, #tpu.memory_space<vmem>>
        %dma_start3A_2661 = tpu.memref_squeeze %dma_start3A_2660 : memref<1x8x128xf32, #tpu.memory_space<vmem>> -> memref<8x128xf32, #tpu.memory_space<vmem>>
        %dma_start3A_2662 = arith.constant 24 : i32
        %dma_start3A_2663 = tpu.memref_slice %arg4[%dma_start3A_2662, %multiple_of3A_2617] : memref<32x1000000xf32, #tpu.memory_space<hbm>> -> memref<8x128xf32, #tpu.memory_space<hbm>>
        %dma_start3A_2664 = arith.constant 24 : i32
        %dma_start3A_2665 = arith.constant 0 : i32
        %dma_start3A_2666 = tpu.memref_slice %arg8[%dma_start3A_2657, %dma_start3A_2664, %dma_start3A_2665] : memref<16x32x128xf32, #tpu.memory_space<vmem>> -> memref<1x8x128xf32, #tpu.memory_space<vmem>>
        %dma_start3A_2667 = tpu.memref_squeeze %dma_start3A_2666 : memref<1x8x128xf32, #tpu.memory_space<vmem>> -> memref<8x128xf32, #tpu.memory_space<vmem>>
        %dma_start3A_2668 = arith.constant 24 : i32
        %dma_start3A_2669 = tpu.memref_slice %arg4[%dma_start3A_2668, %multiple_of3A_2617] : memref<32x1000000xf32, #tpu.memory_space<hbm>> -> memref<8x128xf32, #tpu.memory_space<hbm>>
        tpu.enqueue_dma source(%dma_start3A_2669 : memref<8x128xf32, #tpu.memory_space<hbm>>) target(%dma_start3A_2667 : memref<8x128xf32, #tpu.memory_space<vmem>>) target_semaphore(%arg15 : memref<!tpu.dma_semaphore, #tpu.memory_space<semaphore_mem>>)
      } else {
      }
      %dma_wait3A_1761 = arith.constant 6 : i32
      %dma_wait3A_1762 = arith.constant 0 : i32
      %dma_wait3A_1763 = arith.constant 0 : i32
      %dma_wait3A_1764 = tpu.memref_slice %arg8[%dma_wait3A_1761, %dma_wait3A_1762, %dma_wait3A_1763] : memref<16x32x128xf32, #tpu.memory_space<vmem>> -> memref<1x8x128xf32, #tpu.memory_space<vmem>>
      %dma_wait3A_1765 = tpu.memref_squeeze %dma_wait3A_1764 : memref<1x8x128xf32, #tpu.memory_space<vmem>> -> memref<8x128xf32, #tpu.memory_space<vmem>>
      %dma_wait3A_1766 = arith.constant 0 : i32
      %dma_wait3A_1767 = arith.constant 0 : i32
      %dma_wait3A_1768 = tpu.memref_slice %arg4[%dma_wait3A_1766, %dma_wait3A_1767] : memref<32x1000000xf32, #tpu.memory_space<hbm>> -> memref<8x128xf32, #tpu.memory_space<hbm>>
      %dma_wait3A_1769 = arith.constant 0 : i32
      %dma_wait3A_1770 = arith.constant 0 : i32
      %dma_wait3A_1771 = tpu.memref_slice %arg8[%dma_wait3A_1761, %dma_wait3A_1769, %dma_wait3A_1770] : memref<16x32x128xf32, #tpu.memory_space<vmem>> -> memref<1x8x128xf32, #tpu.memory_space<vmem>>
      %dma_wait3A_1772 = tpu.memref_squeeze %dma_wait3A_1771 : memref<1x8x128xf32, #tpu.memory_space<vmem>> -> memref<8x128xf32, #tpu.memory_space<vmem>>
      %dma_wait3A_1773 = arith.constant 0 : i32
      %dma_wait3A_1774 = arith.constant 0 : i32
      %dma_wait3A_1775 = tpu.memref_slice %arg4[%dma_wait3A_1773, %dma_wait3A_1774] : memref<32x1000000xf32, #tpu.memory_space<hbm>> -> memref<8x128xf32, #tpu.memory_space<hbm>>
      tpu.wait_dma2 semaphore(%arg16 : memref<!tpu.dma_semaphore, #tpu.memory_space<semaphore_mem>>) src(%dma_wait3A_1775 : memref<8x128xf32, #tpu.memory_space<hbm>>) dst(%dma_wait3A_1772 : memref<8x128xf32, #tpu.memory_space<vmem>>)
      %dma_wait3A_1776 = arith.constant 6 : i32
      %dma_wait3A_1777 = arith.constant 0 : i32
      %dma_wait3A_1778 = arith.constant 0 : i32
      %dma_wait3A_1779 = tpu.memref_slice %arg8[%dma_wait3A_1776, %dma_wait3A_1777, %dma_wait3A_1778] : memref<16x32x128xf32, #tpu.memory_space<vmem>> -> memref<1x8x128xf32, #tpu.memory_space<vmem>>
      %dma_wait3A_1780 = tpu.memref_squeeze %dma_wait3A_1779 : memref<1x8x128xf32, #tpu.memory_space<vmem>> -> memref<8x128xf32, #tpu.memory_space<vmem>>
      %dma_wait3A_1781 = arith.constant 0 : i32
      %dma_wait3A_1782 = arith.constant 0 : i32
      %dma_wait3A_1783 = tpu.memref_slice %arg4[%dma_wait3A_1781, %dma_wait3A_1782] : memref<32x1000000xf32, #tpu.memory_space<hbm>> -> memref<8x128xf32, #tpu.memory_space<hbm>>
      %dma_wait3A_1784 = arith.constant 0 : i32
      %dma_wait3A_1785 = arith.constant 0 : i32
      %dma_wait3A_1786 = tpu.memref_slice %arg8[%dma_wait3A_1776, %dma_wait3A_1784, %dma_wait3A_1785] : memref<16x32x128xf32, #tpu.memory_space<vmem>> -> memref<1x8x128xf32, #tpu.memory_space<vmem>>
      %dma_wait3A_1787 = tpu.memref_squeeze %dma_wait3A_1786 : memref<1x8x128xf32, #tpu.memory_space<vmem>> -> memref<8x128xf32, #tpu.memory_space<vmem>>
      %dma_wait3A_1788 = arith.constant 0 : i32
      %dma_wait3A_1789 = arith.constant 0 : i32
      %dma_wait3A_1790 = tpu.memref_slice %arg4[%dma_wait3A_1788, %dma_wait3A_1789] : memref<32x1000000xf32, #tpu.memory_space<hbm>> -> memref<8x128xf32, #tpu.memory_space<hbm>>
      tpu.wait_dma2 semaphore(%arg16 : memref<!tpu.dma_semaphore, #tpu.memory_space<semaphore_mem>>) src(%dma_wait3A_1790 : memref<8x128xf32, #tpu.memory_space<hbm>>) dst(%dma_wait3A_1787 : memref<8x128xf32, #tpu.memory_space<vmem>>)
      %dma_wait3A_1791 = arith.constant 6 : i32
      %dma_wait3A_1792 = arith.constant 0 : i32
      %dma_wait3A_1793 = arith.constant 0 : i32
      %dma_wait3A_1794 = tpu.memref_slice %arg8[%dma_wait3A_1791, %dma_wait3A_1792, %dma_wait3A_1793] : memref<16x32x128xf32, #tpu.memory_space<vmem>> -> memref<1x8x128xf32, #tpu.memory_space<vmem>>
      %dma_wait3A_1795 = tpu.memref_squeeze %dma_wait3A_1794 : memref<1x8x128xf32, #tpu.memory_space<vmem>> -> memref<8x128xf32, #tpu.memory_space<vmem>>
      %dma_wait3A_1796 = arith.constant 0 : i32
      %dma_wait3A_1797 = arith.constant 0 : i32
      %dma_wait3A_1798 = tpu.memref_slice %arg4[%dma_wait3A_1796, %dma_wait3A_1797] : memref<32x1000000xf32, #tpu.memory_space<hbm>> -> memref<8x128xf32, #tpu.memory_space<hbm>>
      %dma_wait3A_1799 = arith.constant 0 : i32
      %dma_wait3A_1800 = arith.constant 0 : i32
      %dma_wait3A_1801 = tpu.memref_slice %arg8[%dma_wait3A_1791, %dma_wait3A_1799, %dma_wait3A_1800] : memref<16x32x128xf32, #tpu.memory_space<vmem>> -> memref<1x8x128xf32, #tpu.memory_space<vmem>>
      %dma_wait3A_1802 = tpu.memref_squeeze %dma_wait3A_1801 : memref<1x8x128xf32, #tpu.memory_space<vmem>> -> memref<8x128xf32, #tpu.memory_space<vmem>>
      %dma_wait3A_1803 = arith.constant 0 : i32
      %dma_wait3A_1804 = arith.constant 0 : i32
      %dma_wait3A_1805 = tpu.memref_slice %arg4[%dma_wait3A_1803, %dma_wait3A_1804] : memref<32x1000000xf32, #tpu.memory_space<hbm>> -> memref<8x128xf32, #tpu.memory_space<hbm>>
      tpu.wait_dma2 semaphore(%arg16 : memref<!tpu.dma_semaphore, #tpu.memory_space<semaphore_mem>>) src(%dma_wait3A_1805 : memref<8x128xf32, #tpu.memory_space<hbm>>) dst(%dma_wait3A_1802 : memref<8x128xf32, #tpu.memory_space<vmem>>)
      %dma_wait3A_1806 = arith.constant 6 : i32
      %dma_wait3A_1807 = arith.constant 0 : i32
      %dma_wait3A_1808 = arith.constant 0 : i32
      %dma_wait3A_1809 = tpu.memref_slice %arg8[%dma_wait3A_1806, %dma_wait3A_1807, %dma_wait3A_1808] : memref<16x32x128xf32, #tpu.memory_space<vmem>> -> memref<1x8x128xf32, #tpu.memory_space<vmem>>
      %dma_wait3A_1810 = tpu.memref_squeeze %dma_wait3A_1809 : memref<1x8x128xf32, #tpu.memory_space<vmem>> -> memref<8x128xf32, #tpu.memory_space<vmem>>
      %dma_wait3A_1811 = arith.constant 0 : i32
      %dma_wait3A_1812 = arith.constant 0 : i32
      %dma_wait3A_1813 = tpu.memref_slice %arg4[%dma_wait3A_1811, %dma_wait3A_1812] : memref<32x1000000xf32, #tpu.memory_space<hbm>> -> memref<8x128xf32, #tpu.memory_space<hbm>>
      %dma_wait3A_1814 = arith.constant 0 : i32
      %dma_wait3A_1815 = arith.constant 0 : i32
      %dma_wait3A_1816 = tpu.memref_slice %arg8[%dma_wait3A_1806, %dma_wait3A_1814, %dma_wait3A_1815] : memref<16x32x128xf32, #tpu.memory_space<vmem>> -> memref<1x8x128xf32, #tpu.memory_space<vmem>>
      %dma_wait3A_1817 = tpu.memref_squeeze %dma_wait3A_1816 : memref<1x8x128xf32, #tpu.memory_space<vmem>> -> memref<8x128xf32, #tpu.memory_space<vmem>>
      %dma_wait3A_1818 = arith.constant 0 : i32
      %dma_wait3A_1819 = arith.constant 0 : i32
      %dma_wait3A_1820 = tpu.memref_slice %arg4[%dma_wait3A_1818, %dma_wait3A_1819] : memref<32x1000000xf32, #tpu.memory_space<hbm>> -> memref<8x128xf32, #tpu.memory_space<hbm>>
      tpu.wait_dma2 semaphore(%arg16 : memref<!tpu.dma_semaphore, #tpu.memory_space<semaphore_mem>>) src(%dma_wait3A_1820 : memref<8x128xf32, #tpu.memory_space<hbm>>) dst(%dma_wait3A_1817 : memref<8x128xf32, #tpu.memory_space<vmem>>)
      %slice3A_1821 = vector.extract_strided_slice %rem3A_1215 {offsets = [6], sizes = [1], strides = [1]} : vector<16xi32> to vector<1xi32>
      %squeeze3A_1822 = vector.extract %slice3A_1821[0] : i32 from vector<1xi32>
      %broadcast_in_dim3A_1823 = vector.broadcast %squeeze3A_1822 : i32 to vector<16xi32>
      %broadcast_in_dim3A_1824 = arith.constant 6 : i32
      %broadcast_in_dim3A_1825 = vector.broadcast %broadcast_in_dim3A_1824 : i32 to vector<16xi32>
      %mul3A_1826 = arith.constant 16 : i32
      %mul3A_1827 = arith.muli %scan3A_1211, %mul3A_1826 : i32
      %add3A_1828 = arith.constant 6 : i32
      %add3A_1829 = arith.addi %mul3A_1827, %add3A_1828 : i32
      %broadcast_in_dim3A_1830 = vector.broadcast %add3A_1829 : i32 to vector<16xi32>
      %gather3A_1831 = tpu.vector_load_idx %arg8[%broadcast_in_dim3A_1825, %iota3A, %broadcast_in_dim3A_1823] : memref<16x32x128xf32, #tpu.memory_space<vmem>>[vector<16xi32>, vector<16xi32>, vector<16xi32>], vector<16xf32>,
      %gather3A_1832 = tpu.vector_load_idx %arg8[%broadcast_in_dim3A_1825, %add3A_5, %broadcast_in_dim3A_1823] : memref<16x32x128xf32, #tpu.memory_space<vmem>>[vector<16xi32>, vector<16xi32>, vector<16xi32>], vector<16xf32>,
      %gather3A_1833 = tpu.vector_load_idx %arg7[%iota3A, %broadcast_in_dim3A_1830] : memref<32x512xf32, #tpu.memory_space<vmem>>[vector<16xi32>, vector<16xi32>], vector<16xf32>,
      %gather3A_1834 = tpu.vector_load_idx %arg7[%add3A_5, %broadcast_in_dim3A_1830] : memref<32x512xf32, #tpu.memory_space<vmem>>[vector<16xi32>, vector<16xi32>], vector<16xf32>,
      %sub3A_1835 = arith.subf %gather3A_1833, %gather3A_1831 : vector<16xf32>
      %sub3A_1836 = arith.subf %gather3A_1834, %gather3A_1832 : vector<16xf32>
      %mul3A_1837 = arith.mulf %sub3A_1835, %sub3A_1835 : vector<16xf32>
      %add3A_1838 = arith.addf %add3A_1755, %mul3A_1837 : vector<16xf32>
      %mul3A_1839 = arith.mulf %sub3A_1836, %sub3A_1836 : vector<16xf32>
      %add3A_1840 = arith.addf %add3A_1838, %mul3A_1839 : vector<16xf32>
      %lt3A_1841 = arith.constant 31 : i32
      %lt3A_1842 = arith.cmpi slt, %scan3A_1211, %lt3A_1841 : i32
      %convert_element_type3A_1843 = arith.extui %lt3A_1842 : i1 to i32
      %cond3A_1844 = arith.constant 0 : i32
      %cond3A_1845 = arith.cmpi ne, %convert_element_type3A_1843, %cond3A_1844 : i32
      scf.if %cond3A_1845 {
        %slice3A_2611 = vector.extract_strided_slice %get3A_1254 {offsets = [6], sizes = [1], strides = [1]} : vector<16xi32> to vector<1xi32>
        %squeeze3A_2612 = vector.extract %slice3A_2611[0] : i32 from vector<1xi32>
        %shift_right_arithmetic3A_2613 = arith.constant 7 : i32
        %shift_right_arithmetic3A_2614 = arith.shrsi %squeeze3A_2612, %shift_right_arithmetic3A_2613 : i32
        %shift_left3A_2615 = arith.constant 7 : i32
        %shift_left3A_2616 = arith.shli %shift_right_arithmetic3A_2614, %shift_left3A_2615 : i32
        %multiple_of3A_2617 = tpu.assume_multiple %shift_left3A_2616, 128 : i32
        %dma_start3A_2618 = arith.constant 6 : i32
        %dma_start3A_2619 = arith.constant 0 : i32
        %dma_start3A_2620 = arith.constant 0 : i32
        %dma_start3A_2621 = tpu.memref_slice %arg8[%dma_start3A_2618, %dma_start3A_2619, %dma_start3A_2620] : memref<16x32x128xf32, #tpu.memory_space<vmem>> -> memref<1x8x128xf32, #tpu.memory_space<vmem>>
        %dma_start3A_2622 = tpu.memref_squeeze %dma_start3A_2621 : memref<1x8x128xf32, #tpu.memory_space<vmem>> -> memref<8x128xf32, #tpu.memory_space<vmem>>
        %dma_start3A_2623 = arith.constant 0 : i32
        %dma_start3A_2624 = tpu.memref_slice %arg4[%dma_start3A_2623, %multiple_of3A_2617] : memref<32x1000000xf32, #tpu.memory_space<hbm>> -> memref<8x128xf32, #tpu.memory_space<hbm>>
        %dma_start3A_2625 = arith.constant 0 : i32
        %dma_start3A_2626 = arith.constant 0 : i32
        %dma_start3A_2627 = tpu.memref_slice %arg8[%dma_start3A_2618, %dma_start3A_2625, %dma_start3A_2626] : memref<16x32x128xf32, #tpu.memory_space<vmem>> -> memref<1x8x128xf32, #tpu.memory_space<vmem>>
        %dma_start3A_2628 = tpu.memref_squeeze %dma_start3A_2627 : memref<1x8x128xf32, #tpu.memory_space<vmem>> -> memref<8x128xf32, #tpu.memory_space<vmem>>
        %dma_start3A_2629 = arith.constant 0 : i32
        %dma_start3A_2630 = tpu.memref_slice %arg4[%dma_start3A_2629, %multiple_of3A_2617] : memref<32x1000000xf32, #tpu.memory_space<hbm>> -> memref<8x128xf32, #tpu.memory_space<hbm>>
        tpu.enqueue_dma source(%dma_start3A_2630 : memref<8x128xf32, #tpu.memory_space<hbm>>) target(%dma_start3A_2628 : memref<8x128xf32, #tpu.memory_space<vmem>>) target_semaphore(%arg16 : memref<!tpu.dma_semaphore, #tpu.memory_space<semaphore_mem>>)
        %dma_start3A_2631 = arith.constant 6 : i32
        %dma_start3A_2632 = arith.constant 8 : i32
        %dma_start3A_2633 = arith.constant 0 : i32
        %dma_start3A_2634 = tpu.memref_slice %arg8[%dma_start3A_2631, %dma_start3A_2632, %dma_start3A_2633] : memref<16x32x128xf32, #tpu.memory_space<vmem>> -> memref<1x8x128xf32, #tpu.memory_space<vmem>>
        %dma_start3A_2635 = tpu.memref_squeeze %dma_start3A_2634 : memref<1x8x128xf32, #tpu.memory_space<vmem>> -> memref<8x128xf32, #tpu.memory_space<vmem>>
        %dma_start3A_2636 = arith.constant 8 : i32
        %dma_start3A_2637 = tpu.memref_slice %arg4[%dma_start3A_2636, %multiple_of3A_2617] : memref<32x1000000xf32, #tpu.memory_space<hbm>> -> memref<8x128xf32, #tpu.memory_space<hbm>>
        %dma_start3A_2638 = arith.constant 8 : i32
        %dma_start3A_2639 = arith.constant 0 : i32
        %dma_start3A_2640 = tpu.memref_slice %arg8[%dma_start3A_2631, %dma_start3A_2638, %dma_start3A_2639] : memref<16x32x128xf32, #tpu.memory_space<vmem>> -> memref<1x8x128xf32, #tpu.memory_space<vmem>>
        %dma_start3A_2641 = tpu.memref_squeeze %dma_start3A_2640 : memref<1x8x128xf32, #tpu.memory_space<vmem>> -> memref<8x128xf32, #tpu.memory_space<vmem>>
        %dma_start3A_2642 = arith.constant 8 : i32
        %dma_start3A_2643 = tpu.memref_slice %arg4[%dma_start3A_2642, %multiple_of3A_2617] : memref<32x1000000xf32, #tpu.memory_space<hbm>> -> memref<8x128xf32, #tpu.memory_space<hbm>>
        tpu.enqueue_dma source(%dma_start3A_2643 : memref<8x128xf32, #tpu.memory_space<hbm>>) target(%dma_start3A_2641 : memref<8x128xf32, #tpu.memory_space<vmem>>) target_semaphore(%arg16 : memref<!tpu.dma_semaphore, #tpu.memory_space<semaphore_mem>>)
        %dma_start3A_2644 = arith.constant 6 : i32
        %dma_start3A_2645 = arith.constant 16 : i32
        %dma_start3A_2646 = arith.constant 0 : i32
        %dma_start3A_2647 = tpu.memref_slice %arg8[%dma_start3A_2644, %dma_start3A_2645, %dma_start3A_2646] : memref<16x32x128xf32, #tpu.memory_space<vmem>> -> memref<1x8x128xf32, #tpu.memory_space<vmem>>
        %dma_start3A_2648 = tpu.memref_squeeze %dma_start3A_2647 : memref<1x8x128xf32, #tpu.memory_space<vmem>> -> memref<8x128xf32, #tpu.memory_space<vmem>>
        %dma_start3A_2649 = arith.constant 16 : i32
        %dma_start3A_2650 = tpu.memref_slice %arg4[%dma_start3A_2649, %multiple_of3A_2617] : memref<32x1000000xf32, #tpu.memory_space<hbm>> -> memref<8x128xf32, #tpu.memory_space<hbm>>
        %dma_start3A_2651 = arith.constant 16 : i32
        %dma_start3A_2652 = arith.constant 0 : i32
        %dma_start3A_2653 = tpu.memref_slice %arg8[%dma_start3A_2644, %dma_start3A_2651, %dma_start3A_2652] : memref<16x32x128xf32, #tpu.memory_space<vmem>> -> memref<1x8x128xf32, #tpu.memory_space<vmem>>
        %dma_start3A_2654 = tpu.memref_squeeze %dma_start3A_2653 : memref<1x8x128xf32, #tpu.memory_space<vmem>> -> memref<8x128xf32, #tpu.memory_space<vmem>>
        %dma_start3A_2655 = arith.constant 16 : i32
        %dma_start3A_2656 = tpu.memref_slice %arg4[%dma_start3A_2655, %multiple_of3A_2617] : memref<32x1000000xf32, #tpu.memory_space<hbm>> -> memref<8x128xf32, #tpu.memory_space<hbm>>
        tpu.enqueue_dma source(%dma_start3A_2656 : memref<8x128xf32, #tpu.memory_space<hbm>>) target(%dma_start3A_2654 : memref<8x128xf32, #tpu.memory_space<vmem>>) target_semaphore(%arg16 : memref<!tpu.dma_semaphore, #tpu.memory_space<semaphore_mem>>)
        %dma_start3A_2657 = arith.constant 6 : i32
        %dma_start3A_2658 = arith.constant 24 : i32
        %dma_start3A_2659 = arith.constant 0 : i32
        %dma_start3A_2660 = tpu.memref_slice %arg8[%dma_start3A_2657, %dma_start3A_2658, %dma_start3A_2659] : memref<16x32x128xf32, #tpu.memory_space<vmem>> -> memref<1x8x128xf32, #tpu.memory_space<vmem>>
        %dma_start3A_2661 = tpu.memref_squeeze %dma_start3A_2660 : memref<1x8x128xf32, #tpu.memory_space<vmem>> -> memref<8x128xf32, #tpu.memory_space<vmem>>
        %dma_start3A_2662 = arith.constant 24 : i32
        %dma_start3A_2663 = tpu.memref_slice %arg4[%dma_start3A_2662, %multiple_of3A_2617] : memref<32x1000000xf32, #tpu.memory_space<hbm>> -> memref<8x128xf32, #tpu.memory_space<hbm>>
        %dma_start3A_2664 = arith.constant 24 : i32
        %dma_start3A_2665 = arith.constant 0 : i32
        %dma_start3A_2666 = tpu.memref_slice %arg8[%dma_start3A_2657, %dma_start3A_2664, %dma_start3A_2665] : memref<16x32x128xf32, #tpu.memory_space<vmem>> -> memref<1x8x128xf32, #tpu.memory_space<vmem>>
        %dma_start3A_2667 = tpu.memref_squeeze %dma_start3A_2666 : memref<1x8x128xf32, #tpu.memory_space<vmem>> -> memref<8x128xf32, #tpu.memory_space<vmem>>
        %dma_start3A_2668 = arith.constant 24 : i32
        %dma_start3A_2669 = tpu.memref_slice %arg4[%dma_start3A_2668, %multiple_of3A_2617] : memref<32x1000000xf32, #tpu.memory_space<hbm>> -> memref<8x128xf32, #tpu.memory_space<hbm>>
        tpu.enqueue_dma source(%dma_start3A_2669 : memref<8x128xf32, #tpu.memory_space<hbm>>) target(%dma_start3A_2667 : memref<8x128xf32, #tpu.memory_space<vmem>>) target_semaphore(%arg16 : memref<!tpu.dma_semaphore, #tpu.memory_space<semaphore_mem>>)
      } else {
      }
      %dma_wait3A_1846 = arith.constant 7 : i32
      %dma_wait3A_1847 = arith.constant 0 : i32
      %dma_wait3A_1848 = arith.constant 0 : i32
      %dma_wait3A_1849 = tpu.memref_slice %arg8[%dma_wait3A_1846, %dma_wait3A_1847, %dma_wait3A_1848] : memref<16x32x128xf32, #tpu.memory_space<vmem>> -> memref<1x8x128xf32, #tpu.memory_space<vmem>>
      %dma_wait3A_1850 = tpu.memref_squeeze %dma_wait3A_1849 : memref<1x8x128xf32, #tpu.memory_space<vmem>> -> memref<8x128xf32, #tpu.memory_space<vmem>>
      %dma_wait3A_1851 = arith.constant 0 : i32
      %dma_wait3A_1852 = arith.constant 0 : i32
      %dma_wait3A_1853 = tpu.memref_slice %arg4[%dma_wait3A_1851, %dma_wait3A_1852] : memref<32x1000000xf32, #tpu.memory_space<hbm>> -> memref<8x128xf32, #tpu.memory_space<hbm>>
      %dma_wait3A_1854 = arith.constant 0 : i32
      %dma_wait3A_1855 = arith.constant 0 : i32
      %dma_wait3A_1856 = tpu.memref_slice %arg8[%dma_wait3A_1846, %dma_wait3A_1854, %dma_wait3A_1855] : memref<16x32x128xf32, #tpu.memory_space<vmem>> -> memref<1x8x128xf32, #tpu.memory_space<vmem>>
      %dma_wait3A_1857 = tpu.memref_squeeze %dma_wait3A_1856 : memref<1x8x128xf32, #tpu.memory_space<vmem>> -> memref<8x128xf32, #tpu.memory_space<vmem>>
      %dma_wait3A_1858 = arith.constant 0 : i32
      %dma_wait3A_1859 = arith.constant 0 : i32
      %dma_wait3A_1860 = tpu.memref_slice %arg4[%dma_wait3A_1858, %dma_wait3A_1859] : memref<32x1000000xf32, #tpu.memory_space<hbm>> -> memref<8x128xf32, #tpu.memory_space<hbm>>
      tpu.wait_dma2 semaphore(%arg17 : memref<!tpu.dma_semaphore, #tpu.memory_space<semaphore_mem>>) src(%dma_wait3A_1860 : memref<8x128xf32, #tpu.memory_space<hbm>>) dst(%dma_wait3A_1857 : memref<8x128xf32, #tpu.memory_space<vmem>>)
      %dma_wait3A_1861 = arith.constant 7 : i32
      %dma_wait3A_1862 = arith.constant 0 : i32
      %dma_wait3A_1863 = arith.constant 0 : i32
      %dma_wait3A_1864 = tpu.memref_slice %arg8[%dma_wait3A_1861, %dma_wait3A_1862, %dma_wait3A_1863] : memref<16x32x128xf32, #tpu.memory_space<vmem>> -> memref<1x8x128xf32, #tpu.memory_space<vmem>>
      %dma_wait3A_1865 = tpu.memref_squeeze %dma_wait3A_1864 : memref<1x8x128xf32, #tpu.memory_space<vmem>> -> memref<8x128xf32, #tpu.memory_space<vmem>>
      %dma_wait3A_1866 = arith.constant 0 : i32
      %dma_wait3A_1867 = arith.constant 0 : i32
      %dma_wait3A_1868 = tpu.memref_slice %arg4[%dma_wait3A_1866, %dma_wait3A_1867] : memref<32x1000000xf32, #tpu.memory_space<hbm>> -> memref<8x128xf32, #tpu.memory_space<hbm>>
      %dma_wait3A_1869 = arith.constant 0 : i32
      %dma_wait3A_1870 = arith.constant 0 : i32
      %dma_wait3A_1871 = tpu.memref_slice %arg8[%dma_wait3A_1861, %dma_wait3A_1869, %dma_wait3A_1870] : memref<16x32x128xf32, #tpu.memory_space<vmem>> -> memref<1x8x128xf32, #tpu.memory_space<vmem>>
      %dma_wait3A_1872 = tpu.memref_squeeze %dma_wait3A_1871 : memref<1x8x128xf32, #tpu.memory_space<vmem>> -> memref<8x128xf32, #tpu.memory_space<vmem>>
      %dma_wait3A_1873 = arith.constant 0 : i32
      %dma_wait3A_1874 = arith.constant 0 : i32
      %dma_wait3A_1875 = tpu.memref_slice %arg4[%dma_wait3A_1873, %dma_wait3A_1874] : memref<32x1000000xf32, #tpu.memory_space<hbm>> -> memref<8x128xf32, #tpu.memory_space<hbm>>
      tpu.wait_dma2 semaphore(%arg17 : memref<!tpu.dma_semaphore, #tpu.memory_space<semaphore_mem>>) src(%dma_wait3A_1875 : memref<8x128xf32, #tpu.memory_space<hbm>>) dst(%dma_wait3A_1872 : memref<8x128xf32, #tpu.memory_space<vmem>>)
      %dma_wait3A_1876 = arith.constant 7 : i32
      %dma_wait3A_1877 = arith.constant 0 : i32
      %dma_wait3A_1878 = arith.constant 0 : i32
      %dma_wait3A_1879 = tpu.memref_slice %arg8[%dma_wait3A_1876, %dma_wait3A_1877, %dma_wait3A_1878] : memref<16x32x128xf32, #tpu.memory_space<vmem>> -> memref<1x8x128xf32, #tpu.memory_space<vmem>>
      %dma_wait3A_1880 = tpu.memref_squeeze %dma_wait3A_1879 : memref<1x8x128xf32, #tpu.memory_space<vmem>> -> memref<8x128xf32, #tpu.memory_space<vmem>>
      %dma_wait3A_1881 = arith.constant 0 : i32
      %dma_wait3A_1882 = arith.constant 0 : i32
      %dma_wait3A_1883 = tpu.memref_slice %arg4[%dma_wait3A_1881, %dma_wait3A_1882] : memref<32x1000000xf32, #tpu.memory_space<hbm>> -> memref<8x128xf32, #tpu.memory_space<hbm>>
      %dma_wait3A_1884 = arith.constant 0 : i32
      %dma_wait3A_1885 = arith.constant 0 : i32
      %dma_wait3A_1886 = tpu.memref_slice %arg8[%dma_wait3A_1876, %dma_wait3A_1884, %dma_wait3A_1885] : memref<16x32x128xf32, #tpu.memory_space<vmem>> -> memref<1x8x128xf32, #tpu.memory_space<vmem>>
      %dma_wait3A_1887 = tpu.memref_squeeze %dma_wait3A_1886 : memref<1x8x128xf32, #tpu.memory_space<vmem>> -> memref<8x128xf32, #tpu.memory_space<vmem>>
      %dma_wait3A_1888 = arith.constant 0 : i32
      %dma_wait3A_1889 = arith.constant 0 : i32
      %dma_wait3A_1890 = tpu.memref_slice %arg4[%dma_wait3A_1888, %dma_wait3A_1889] : memref<32x1000000xf32, #tpu.memory_space<hbm>> -> memref<8x128xf32, #tpu.memory_space<hbm>>
      tpu.wait_dma2 semaphore(%arg17 : memref<!tpu.dma_semaphore, #tpu.memory_space<semaphore_mem>>) src(%dma_wait3A_1890 : memref<8x128xf32, #tpu.memory_space<hbm>>) dst(%dma_wait3A_1887 : memref<8x128xf32, #tpu.memory_space<vmem>>)
      %dma_wait3A_1891 = arith.constant 7 : i32
      %dma_wait3A_1892 = arith.constant 0 : i32
      %dma_wait3A_1893 = arith.constant 0 : i32
      %dma_wait3A_1894 = tpu.memref_slice %arg8[%dma_wait3A_1891, %dma_wait3A_1892, %dma_wait3A_1893] : memref<16x32x128xf32, #tpu.memory_space<vmem>> -> memref<1x8x128xf32, #tpu.memory_space<vmem>>
      %dma_wait3A_1895 = tpu.memref_squeeze %dma_wait3A_1894 : memref<1x8x128xf32, #tpu.memory_space<vmem>> -> memref<8x128xf32, #tpu.memory_space<vmem>>
      %dma_wait3A_1896 = arith.constant 0 : i32
      %dma_wait3A_1897 = arith.constant 0 : i32
      %dma_wait3A_1898 = tpu.memref_slice %arg4[%dma_wait3A_1896, %dma_wait3A_1897] : memref<32x1000000xf32, #tpu.memory_space<hbm>> -> memref<8x128xf32, #tpu.memory_space<hbm>>
      %dma_wait3A_1899 = arith.constant 0 : i32
      %dma_wait3A_1900 = arith.constant 0 : i32
      %dma_wait3A_1901 = tpu.memref_slice %arg8[%dma_wait3A_1891, %dma_wait3A_1899, %dma_wait3A_1900] : memref<16x32x128xf32, #tpu.memory_space<vmem>> -> memref<1x8x128xf32, #tpu.memory_space<vmem>>
      %dma_wait3A_1902 = tpu.memref_squeeze %dma_wait3A_1901 : memref<1x8x128xf32, #tpu.memory_space<vmem>> -> memref<8x128xf32, #tpu.memory_space<vmem>>
      %dma_wait3A_1903 = arith.constant 0 : i32
      %dma_wait3A_1904 = arith.constant 0 : i32
      %dma_wait3A_1905 = tpu.memref_slice %arg4[%dma_wait3A_1903, %dma_wait3A_1904] : memref<32x1000000xf32, #tpu.memory_space<hbm>> -> memref<8x128xf32, #tpu.memory_space<hbm>>
      tpu.wait_dma2 semaphore(%arg17 : memref<!tpu.dma_semaphore, #tpu.memory_space<semaphore_mem>>) src(%dma_wait3A_1905 : memref<8x128xf32, #tpu.memory_space<hbm>>) dst(%dma_wait3A_1902 : memref<8x128xf32, #tpu.memory_space<vmem>>)
      %slice3A_1906 = vector.extract_strided_slice %rem3A_1215 {offsets = [7], sizes = [1], strides = [1]} : vector<16xi32> to vector<1xi32>
      %squeeze3A_1907 = vector.extract %slice3A_1906[0] : i32 from vector<1xi32>
      %broadcast_in_dim3A_1908 = vector.broadcast %squeeze3A_1907 : i32 to vector<16xi32>
      %broadcast_in_dim3A_1909 = arith.constant 7 : i32
      %broadcast_in_dim3A_1910 = vector.broadcast %broadcast_in_dim3A_1909 : i32 to vector<16xi32>
      %mul3A_1911 = arith.constant 16 : i32
      %mul3A_1912 = arith.muli %scan3A_1211, %mul3A_1911 : i32
      %add3A_1913 = arith.constant 7 : i32
      %add3A_1914 = arith.addi %mul3A_1912, %add3A_1913 : i32
      %broadcast_in_dim3A_1915 = vector.broadcast %add3A_1914 : i32 to vector<16xi32>
      %gather3A_1916 = tpu.vector_load_idx %arg8[%broadcast_in_dim3A_1910, %iota3A, %broadcast_in_dim3A_1908] : memref<16x32x128xf32, #tpu.memory_space<vmem>>[vector<16xi32>, vector<16xi32>, vector<16xi32>], vector<16xf32>,
      %gather3A_1917 = tpu.vector_load_idx %arg8[%broadcast_in_dim3A_1910, %add3A_5, %broadcast_in_dim3A_1908] : memref<16x32x128xf32, #tpu.memory_space<vmem>>[vector<16xi32>, vector<16xi32>, vector<16xi32>], vector<16xf32>,
      %gather3A_1918 = tpu.vector_load_idx %arg7[%iota3A, %broadcast_in_dim3A_1915] : memref<32x512xf32, #tpu.memory_space<vmem>>[vector<16xi32>, vector<16xi32>], vector<16xf32>,
      %gather3A_1919 = tpu.vector_load_idx %arg7[%add3A_5, %broadcast_in_dim3A_1915] : memref<32x512xf32, #tpu.memory_space<vmem>>[vector<16xi32>, vector<16xi32>], vector<16xf32>,
      %sub3A_1920 = arith.subf %gather3A_1918, %gather3A_1916 : vector<16xf32>
      %sub3A_1921 = arith.subf %gather3A_1919, %gather3A_1917 : vector<16xf32>
      %mul3A_1922 = arith.mulf %sub3A_1920, %sub3A_1920 : vector<16xf32>
      %add3A_1923 = arith.addf %add3A_1840, %mul3A_1922 : vector<16xf32>
      %mul3A_1924 = arith.mulf %sub3A_1921, %sub3A_1921 : vector<16xf32>
      %add3A_1925 = arith.addf %add3A_1923, %mul3A_1924 : vector<16xf32>
      %lt3A_1926 = arith.constant 31 : i32
      %lt3A_1927 = arith.cmpi slt, %scan3A_1211, %lt3A_1926 : i32
      %convert_element_type3A_1928 = arith.extui %lt3A_1927 : i1 to i32
      %cond3A_1929 = arith.constant 0 : i32
      %cond3A_1930 = arith.cmpi ne, %convert_element_type3A_1928, %cond3A_1929 : i32
      scf.if %cond3A_1930 {
        %slice3A_2611 = vector.extract_strided_slice %get3A_1254 {offsets = [7], sizes = [1], strides = [1]} : vector<16xi32> to vector<1xi32>
        %squeeze3A_2612 = vector.extract %slice3A_2611[0] : i32 from vector<1xi32>
        %shift_right_arithmetic3A_2613 = arith.constant 7 : i32
        %shift_right_arithmetic3A_2614 = arith.shrsi %squeeze3A_2612, %shift_right_arithmetic3A_2613 : i32
        %shift_left3A_2615 = arith.constant 7 : i32
        %shift_left3A_2616 = arith.shli %shift_right_arithmetic3A_2614, %shift_left3A_2615 : i32
        %multiple_of3A_2617 = tpu.assume_multiple %shift_left3A_2616, 128 : i32
        %dma_start3A_2618 = arith.constant 7 : i32
        %dma_start3A_2619 = arith.constant 0 : i32
        %dma_start3A_2620 = arith.constant 0 : i32
        %dma_start3A_2621 = tpu.memref_slice %arg8[%dma_start3A_2618, %dma_start3A_2619, %dma_start3A_2620] : memref<16x32x128xf32, #tpu.memory_space<vmem>> -> memref<1x8x128xf32, #tpu.memory_space<vmem>>
        %dma_start3A_2622 = tpu.memref_squeeze %dma_start3A_2621 : memref<1x8x128xf32, #tpu.memory_space<vmem>> -> memref<8x128xf32, #tpu.memory_space<vmem>>
        %dma_start3A_2623 = arith.constant 0 : i32
        %dma_start3A_2624 = tpu.memref_slice %arg4[%dma_start3A_2623, %multiple_of3A_2617] : memref<32x1000000xf32, #tpu.memory_space<hbm>> -> memref<8x128xf32, #tpu.memory_space<hbm>>
        %dma_start3A_2625 = arith.constant 0 : i32
        %dma_start3A_2626 = arith.constant 0 : i32
        %dma_start3A_2627 = tpu.memref_slice %arg8[%dma_start3A_2618, %dma_start3A_2625, %dma_start3A_2626] : memref<16x32x128xf32, #tpu.memory_space<vmem>> -> memref<1x8x128xf32, #tpu.memory_space<vmem>>
        %dma_start3A_2628 = tpu.memref_squeeze %dma_start3A_2627 : memref<1x8x128xf32, #tpu.memory_space<vmem>> -> memref<8x128xf32, #tpu.memory_space<vmem>>
        %dma_start3A_2629 = arith.constant 0 : i32
        %dma_start3A_2630 = tpu.memref_slice %arg4[%dma_start3A_2629, %multiple_of3A_2617] : memref<32x1000000xf32, #tpu.memory_space<hbm>> -> memref<8x128xf32, #tpu.memory_space<hbm>>
        tpu.enqueue_dma source(%dma_start3A_2630 : memref<8x128xf32, #tpu.memory_space<hbm>>) target(%dma_start3A_2628 : memref<8x128xf32, #tpu.memory_space<vmem>>) target_semaphore(%arg17 : memref<!tpu.dma_semaphore, #tpu.memory_space<semaphore_mem>>)
        %dma_start3A_2631 = arith.constant 7 : i32
        %dma_start3A_2632 = arith.constant 8 : i32
        %dma_start3A_2633 = arith.constant 0 : i32
        %dma_start3A_2634 = tpu.memref_slice %arg8[%dma_start3A_2631, %dma_start3A_2632, %dma_start3A_2633] : memref<16x32x128xf32, #tpu.memory_space<vmem>> -> memref<1x8x128xf32, #tpu.memory_space<vmem>>
        %dma_start3A_2635 = tpu.memref_squeeze %dma_start3A_2634 : memref<1x8x128xf32, #tpu.memory_space<vmem>> -> memref<8x128xf32, #tpu.memory_space<vmem>>
        %dma_start3A_2636 = arith.constant 8 : i32
        %dma_start3A_2637 = tpu.memref_slice %arg4[%dma_start3A_2636, %multiple_of3A_2617] : memref<32x1000000xf32, #tpu.memory_space<hbm>> -> memref<8x128xf32, #tpu.memory_space<hbm>>
        %dma_start3A_2638 = arith.constant 8 : i32
        %dma_start3A_2639 = arith.constant 0 : i32
        %dma_start3A_2640 = tpu.memref_slice %arg8[%dma_start3A_2631, %dma_start3A_2638, %dma_start3A_2639] : memref<16x32x128xf32, #tpu.memory_space<vmem>> -> memref<1x8x128xf32, #tpu.memory_space<vmem>>
        %dma_start3A_2641 = tpu.memref_squeeze %dma_start3A_2640 : memref<1x8x128xf32, #tpu.memory_space<vmem>> -> memref<8x128xf32, #tpu.memory_space<vmem>>
        %dma_start3A_2642 = arith.constant 8 : i32
        %dma_start3A_2643 = tpu.memref_slice %arg4[%dma_start3A_2642, %multiple_of3A_2617] : memref<32x1000000xf32, #tpu.memory_space<hbm>> -> memref<8x128xf32, #tpu.memory_space<hbm>>
        tpu.enqueue_dma source(%dma_start3A_2643 : memref<8x128xf32, #tpu.memory_space<hbm>>) target(%dma_start3A_2641 : memref<8x128xf32, #tpu.memory_space<vmem>>) target_semaphore(%arg17 : memref<!tpu.dma_semaphore, #tpu.memory_space<semaphore_mem>>)
        %dma_start3A_2644 = arith.constant 7 : i32
        %dma_start3A_2645 = arith.constant 16 : i32
        %dma_start3A_2646 = arith.constant 0 : i32
        %dma_start3A_2647 = tpu.memref_slice %arg8[%dma_start3A_2644, %dma_start3A_2645, %dma_start3A_2646] : memref<16x32x128xf32, #tpu.memory_space<vmem>> -> memref<1x8x128xf32, #tpu.memory_space<vmem>>
        %dma_start3A_2648 = tpu.memref_squeeze %dma_start3A_2647 : memref<1x8x128xf32, #tpu.memory_space<vmem>> -> memref<8x128xf32, #tpu.memory_space<vmem>>
        %dma_start3A_2649 = arith.constant 16 : i32
        %dma_start3A_2650 = tpu.memref_slice %arg4[%dma_start3A_2649, %multiple_of3A_2617] : memref<32x1000000xf32, #tpu.memory_space<hbm>> -> memref<8x128xf32, #tpu.memory_space<hbm>>
        %dma_start3A_2651 = arith.constant 16 : i32
        %dma_start3A_2652 = arith.constant 0 : i32
        %dma_start3A_2653 = tpu.memref_slice %arg8[%dma_start3A_2644, %dma_start3A_2651, %dma_start3A_2652] : memref<16x32x128xf32, #tpu.memory_space<vmem>> -> memref<1x8x128xf32, #tpu.memory_space<vmem>>
        %dma_start3A_2654 = tpu.memref_squeeze %dma_start3A_2653 : memref<1x8x128xf32, #tpu.memory_space<vmem>> -> memref<8x128xf32, #tpu.memory_space<vmem>>
        %dma_start3A_2655 = arith.constant 16 : i32
        %dma_start3A_2656 = tpu.memref_slice %arg4[%dma_start3A_2655, %multiple_of3A_2617] : memref<32x1000000xf32, #tpu.memory_space<hbm>> -> memref<8x128xf32, #tpu.memory_space<hbm>>
        tpu.enqueue_dma source(%dma_start3A_2656 : memref<8x128xf32, #tpu.memory_space<hbm>>) target(%dma_start3A_2654 : memref<8x128xf32, #tpu.memory_space<vmem>>) target_semaphore(%arg17 : memref<!tpu.dma_semaphore, #tpu.memory_space<semaphore_mem>>)
        %dma_start3A_2657 = arith.constant 7 : i32
        %dma_start3A_2658 = arith.constant 24 : i32
        %dma_start3A_2659 = arith.constant 0 : i32
        %dma_start3A_2660 = tpu.memref_slice %arg8[%dma_start3A_2657, %dma_start3A_2658, %dma_start3A_2659] : memref<16x32x128xf32, #tpu.memory_space<vmem>> -> memref<1x8x128xf32, #tpu.memory_space<vmem>>
        %dma_start3A_2661 = tpu.memref_squeeze %dma_start3A_2660 : memref<1x8x128xf32, #tpu.memory_space<vmem>> -> memref<8x128xf32, #tpu.memory_space<vmem>>
        %dma_start3A_2662 = arith.constant 24 : i32
        %dma_start3A_2663 = tpu.memref_slice %arg4[%dma_start3A_2662, %multiple_of3A_2617] : memref<32x1000000xf32, #tpu.memory_space<hbm>> -> memref<8x128xf32, #tpu.memory_space<hbm>>
        %dma_start3A_2664 = arith.constant 24 : i32
        %dma_start3A_2665 = arith.constant 0 : i32
        %dma_start3A_2666 = tpu.memref_slice %arg8[%dma_start3A_2657, %dma_start3A_2664, %dma_start3A_2665] : memref<16x32x128xf32, #tpu.memory_space<vmem>> -> memref<1x8x128xf32, #tpu.memory_space<vmem>>
        %dma_start3A_2667 = tpu.memref_squeeze %dma_start3A_2666 : memref<1x8x128xf32, #tpu.memory_space<vmem>> -> memref<8x128xf32, #tpu.memory_space<vmem>>
        %dma_start3A_2668 = arith.constant 24 : i32
        %dma_start3A_2669 = tpu.memref_slice %arg4[%dma_start3A_2668, %multiple_of3A_2617] : memref<32x1000000xf32, #tpu.memory_space<hbm>> -> memref<8x128xf32, #tpu.memory_space<hbm>>
        tpu.enqueue_dma source(%dma_start3A_2669 : memref<8x128xf32, #tpu.memory_space<hbm>>) target(%dma_start3A_2667 : memref<8x128xf32, #tpu.memory_space<vmem>>) target_semaphore(%arg17 : memref<!tpu.dma_semaphore, #tpu.memory_space<semaphore_mem>>)
      } else {
      }
      %dma_wait3A_1931 = arith.constant 8 : i32
      %dma_wait3A_1932 = arith.constant 0 : i32
      %dma_wait3A_1933 = arith.constant 0 : i32
      %dma_wait3A_1934 = tpu.memref_slice %arg8[%dma_wait3A_1931, %dma_wait3A_1932, %dma_wait3A_1933] : memref<16x32x128xf32, #tpu.memory_space<vmem>> -> memref<1x8x128xf32, #tpu.memory_space<vmem>>
      %dma_wait3A_1935 = tpu.memref_squeeze %dma_wait3A_1934 : memref<1x8x128xf32, #tpu.memory_space<vmem>> -> memref<8x128xf32, #tpu.memory_space<vmem>>
      %dma_wait3A_1936 = arith.constant 0 : i32
      %dma_wait3A_1937 = arith.constant 0 : i32
      %dma_wait3A_1938 = tpu.memref_slice %arg4[%dma_wait3A_1936, %dma_wait3A_1937] : memref<32x1000000xf32, #tpu.memory_space<hbm>> -> memref<8x128xf32, #tpu.memory_space<hbm>>
      %dma_wait3A_1939 = arith.constant 0 : i32
      %dma_wait3A_1940 = arith.constant 0 : i32
      %dma_wait3A_1941 = tpu.memref_slice %arg8[%dma_wait3A_1931, %dma_wait3A_1939, %dma_wait3A_1940] : memref<16x32x128xf32, #tpu.memory_space<vmem>> -> memref<1x8x128xf32, #tpu.memory_space<vmem>>
      %dma_wait3A_1942 = tpu.memref_squeeze %dma_wait3A_1941 : memref<1x8x128xf32, #tpu.memory_space<vmem>> -> memref<8x128xf32, #tpu.memory_space<vmem>>
      %dma_wait3A_1943 = arith.constant 0 : i32
      %dma_wait3A_1944 = arith.constant 0 : i32
      %dma_wait3A_1945 = tpu.memref_slice %arg4[%dma_wait3A_1943, %dma_wait3A_1944] : memref<32x1000000xf32, #tpu.memory_space<hbm>> -> memref<8x128xf32, #tpu.memory_space<hbm>>
      tpu.wait_dma2 semaphore(%arg18 : memref<!tpu.dma_semaphore, #tpu.memory_space<semaphore_mem>>) src(%dma_wait3A_1945 : memref<8x128xf32, #tpu.memory_space<hbm>>) dst(%dma_wait3A_1942 : memref<8x128xf32, #tpu.memory_space<vmem>>)
      %dma_wait3A_1946 = arith.constant 8 : i32
      %dma_wait3A_1947 = arith.constant 0 : i32
      %dma_wait3A_1948 = arith.constant 0 : i32
      %dma_wait3A_1949 = tpu.memref_slice %arg8[%dma_wait3A_1946, %dma_wait3A_1947, %dma_wait3A_1948] : memref<16x32x128xf32, #tpu.memory_space<vmem>> -> memref<1x8x128xf32, #tpu.memory_space<vmem>>
      %dma_wait3A_1950 = tpu.memref_squeeze %dma_wait3A_1949 : memref<1x8x128xf32, #tpu.memory_space<vmem>> -> memref<8x128xf32, #tpu.memory_space<vmem>>
      %dma_wait3A_1951 = arith.constant 0 : i32
      %dma_wait3A_1952 = arith.constant 0 : i32
      %dma_wait3A_1953 = tpu.memref_slice %arg4[%dma_wait3A_1951, %dma_wait3A_1952] : memref<32x1000000xf32, #tpu.memory_space<hbm>> -> memref<8x128xf32, #tpu.memory_space<hbm>>
      %dma_wait3A_1954 = arith.constant 0 : i32
      %dma_wait3A_1955 = arith.constant 0 : i32
      %dma_wait3A_1956 = tpu.memref_slice %arg8[%dma_wait3A_1946, %dma_wait3A_1954, %dma_wait3A_1955] : memref<16x32x128xf32, #tpu.memory_space<vmem>> -> memref<1x8x128xf32, #tpu.memory_space<vmem>>
      %dma_wait3A_1957 = tpu.memref_squeeze %dma_wait3A_1956 : memref<1x8x128xf32, #tpu.memory_space<vmem>> -> memref<8x128xf32, #tpu.memory_space<vmem>>
      %dma_wait3A_1958 = arith.constant 0 : i32
      %dma_wait3A_1959 = arith.constant 0 : i32
      %dma_wait3A_1960 = tpu.memref_slice %arg4[%dma_wait3A_1958, %dma_wait3A_1959] : memref<32x1000000xf32, #tpu.memory_space<hbm>> -> memref<8x128xf32, #tpu.memory_space<hbm>>
      tpu.wait_dma2 semaphore(%arg18 : memref<!tpu.dma_semaphore, #tpu.memory_space<semaphore_mem>>) src(%dma_wait3A_1960 : memref<8x128xf32, #tpu.memory_space<hbm>>) dst(%dma_wait3A_1957 : memref<8x128xf32, #tpu.memory_space<vmem>>)
      %dma_wait3A_1961 = arith.constant 8 : i32
      %dma_wait3A_1962 = arith.constant 0 : i32
      %dma_wait3A_1963 = arith.constant 0 : i32
      %dma_wait3A_1964 = tpu.memref_slice %arg8[%dma_wait3A_1961, %dma_wait3A_1962, %dma_wait3A_1963] : memref<16x32x128xf32, #tpu.memory_space<vmem>> -> memref<1x8x128xf32, #tpu.memory_space<vmem>>
      %dma_wait3A_1965 = tpu.memref_squeeze %dma_wait3A_1964 : memref<1x8x128xf32, #tpu.memory_space<vmem>> -> memref<8x128xf32, #tpu.memory_space<vmem>>
      %dma_wait3A_1966 = arith.constant 0 : i32
      %dma_wait3A_1967 = arith.constant 0 : i32
      %dma_wait3A_1968 = tpu.memref_slice %arg4[%dma_wait3A_1966, %dma_wait3A_1967] : memref<32x1000000xf32, #tpu.memory_space<hbm>> -> memref<8x128xf32, #tpu.memory_space<hbm>>
      %dma_wait3A_1969 = arith.constant 0 : i32
      %dma_wait3A_1970 = arith.constant 0 : i32
      %dma_wait3A_1971 = tpu.memref_slice %arg8[%dma_wait3A_1961, %dma_wait3A_1969, %dma_wait3A_1970] : memref<16x32x128xf32, #tpu.memory_space<vmem>> -> memref<1x8x128xf32, #tpu.memory_space<vmem>>
      %dma_wait3A_1972 = tpu.memref_squeeze %dma_wait3A_1971 : memref<1x8x128xf32, #tpu.memory_space<vmem>> -> memref<8x128xf32, #tpu.memory_space<vmem>>
      %dma_wait3A_1973 = arith.constant 0 : i32
      %dma_wait3A_1974 = arith.constant 0 : i32
      %dma_wait3A_1975 = tpu.memref_slice %arg4[%dma_wait3A_1973, %dma_wait3A_1974] : memref<32x1000000xf32, #tpu.memory_space<hbm>> -> memref<8x128xf32, #tpu.memory_space<hbm>>
      tpu.wait_dma2 semaphore(%arg18 : memref<!tpu.dma_semaphore, #tpu.memory_space<semaphore_mem>>) src(%dma_wait3A_1975 : memref<8x128xf32, #tpu.memory_space<hbm>>) dst(%dma_wait3A_1972 : memref<8x128xf32, #tpu.memory_space<vmem>>)
      %dma_wait3A_1976 = arith.constant 8 : i32
      %dma_wait3A_1977 = arith.constant 0 : i32
      %dma_wait3A_1978 = arith.constant 0 : i32
      %dma_wait3A_1979 = tpu.memref_slice %arg8[%dma_wait3A_1976, %dma_wait3A_1977, %dma_wait3A_1978] : memref<16x32x128xf32, #tpu.memory_space<vmem>> -> memref<1x8x128xf32, #tpu.memory_space<vmem>>
      %dma_wait3A_1980 = tpu.memref_squeeze %dma_wait3A_1979 : memref<1x8x128xf32, #tpu.memory_space<vmem>> -> memref<8x128xf32, #tpu.memory_space<vmem>>
      %dma_wait3A_1981 = arith.constant 0 : i32
      %dma_wait3A_1982 = arith.constant 0 : i32
      %dma_wait3A_1983 = tpu.memref_slice %arg4[%dma_wait3A_1981, %dma_wait3A_1982] : memref<32x1000000xf32, #tpu.memory_space<hbm>> -> memref<8x128xf32, #tpu.memory_space<hbm>>
      %dma_wait3A_1984 = arith.constant 0 : i32
      %dma_wait3A_1985 = arith.constant 0 : i32
      %dma_wait3A_1986 = tpu.memref_slice %arg8[%dma_wait3A_1976, %dma_wait3A_1984, %dma_wait3A_1985] : memref<16x32x128xf32, #tpu.memory_space<vmem>> -> memref<1x8x128xf32, #tpu.memory_space<vmem>>
      %dma_wait3A_1987 = tpu.memref_squeeze %dma_wait3A_1986 : memref<1x8x128xf32, #tpu.memory_space<vmem>> -> memref<8x128xf32, #tpu.memory_space<vmem>>
      %dma_wait3A_1988 = arith.constant 0 : i32
      %dma_wait3A_1989 = arith.constant 0 : i32
      %dma_wait3A_1990 = tpu.memref_slice %arg4[%dma_wait3A_1988, %dma_wait3A_1989] : memref<32x1000000xf32, #tpu.memory_space<hbm>> -> memref<8x128xf32, #tpu.memory_space<hbm>>
      tpu.wait_dma2 semaphore(%arg18 : memref<!tpu.dma_semaphore, #tpu.memory_space<semaphore_mem>>) src(%dma_wait3A_1990 : memref<8x128xf32, #tpu.memory_space<hbm>>) dst(%dma_wait3A_1987 : memref<8x128xf32, #tpu.memory_space<vmem>>)
      %slice3A_1991 = vector.extract_strided_slice %rem3A_1215 {offsets = [8], sizes = [1], strides = [1]} : vector<16xi32> to vector<1xi32>
      %squeeze3A_1992 = vector.extract %slice3A_1991[0] : i32 from vector<1xi32>
      %broadcast_in_dim3A_1993 = vector.broadcast %squeeze3A_1992 : i32 to vector<16xi32>
      %broadcast_in_dim3A_1994 = arith.constant 8 : i32
      %broadcast_in_dim3A_1995 = vector.broadcast %broadcast_in_dim3A_1994 : i32 to vector<16xi32>
      %mul3A_1996 = arith.constant 16 : i32
      %mul3A_1997 = arith.muli %scan3A_1211, %mul3A_1996 : i32
      %add3A_1998 = arith.constant 8 : i32
      %add3A_1999 = arith.addi %mul3A_1997, %add3A_1998 : i32
      %broadcast_in_dim3A_2000 = vector.broadcast %add3A_1999 : i32 to vector<16xi32>
      %gather3A_2001 = tpu.vector_load_idx %arg8[%broadcast_in_dim3A_1995, %iota3A, %broadcast_in_dim3A_1993] : memref<16x32x128xf32, #tpu.memory_space<vmem>>[vector<16xi32>, vector<16xi32>, vector<16xi32>], vector<16xf32>,
      %gather3A_2002 = tpu.vector_load_idx %arg8[%broadcast_in_dim3A_1995, %add3A_5, %broadcast_in_dim3A_1993] : memref<16x32x128xf32, #tpu.memory_space<vmem>>[vector<16xi32>, vector<16xi32>, vector<16xi32>], vector<16xf32>,
      %gather3A_2003 = tpu.vector_load_idx %arg7[%iota3A, %broadcast_in_dim3A_2000] : memref<32x512xf32, #tpu.memory_space<vmem>>[vector<16xi32>, vector<16xi32>], vector<16xf32>,
      %gather3A_2004 = tpu.vector_load_idx %arg7[%add3A_5, %broadcast_in_dim3A_2000] : memref<32x512xf32, #tpu.memory_space<vmem>>[vector<16xi32>, vector<16xi32>], vector<16xf32>,
      %sub3A_2005 = arith.subf %gather3A_2003, %gather3A_2001 : vector<16xf32>
      %sub3A_2006 = arith.subf %gather3A_2004, %gather3A_2002 : vector<16xf32>
      %mul3A_2007 = arith.mulf %sub3A_2005, %sub3A_2005 : vector<16xf32>
      %add3A_2008 = arith.addf %add3A_1925, %mul3A_2007 : vector<16xf32>
      %mul3A_2009 = arith.mulf %sub3A_2006, %sub3A_2006 : vector<16xf32>
      %add3A_2010 = arith.addf %add3A_2008, %mul3A_2009 : vector<16xf32>
      %lt3A_2011 = arith.constant 31 : i32
      %lt3A_2012 = arith.cmpi slt, %scan3A_1211, %lt3A_2011 : i32
      %convert_element_type3A_2013 = arith.extui %lt3A_2012 : i1 to i32
      %cond3A_2014 = arith.constant 0 : i32
      %cond3A_2015 = arith.cmpi ne, %convert_element_type3A_2013, %cond3A_2014 : i32
      scf.if %cond3A_2015 {
        %slice3A_2611 = vector.extract_strided_slice %get3A_1254 {offsets = [8], sizes = [1], strides = [1]} : vector<16xi32> to vector<1xi32>
        %squeeze3A_2612 = vector.extract %slice3A_2611[0] : i32 from vector<1xi32>
        %shift_right_arithmetic3A_2613 = arith.constant 7 : i32
        %shift_right_arithmetic3A_2614 = arith.shrsi %squeeze3A_2612, %shift_right_arithmetic3A_2613 : i32
        %shift_left3A_2615 = arith.constant 7 : i32
        %shift_left3A_2616 = arith.shli %shift_right_arithmetic3A_2614, %shift_left3A_2615 : i32
        %multiple_of3A_2617 = tpu.assume_multiple %shift_left3A_2616, 128 : i32
        %dma_start3A_2618 = arith.constant 8 : i32
        %dma_start3A_2619 = arith.constant 0 : i32
        %dma_start3A_2620 = arith.constant 0 : i32
        %dma_start3A_2621 = tpu.memref_slice %arg8[%dma_start3A_2618, %dma_start3A_2619, %dma_start3A_2620] : memref<16x32x128xf32, #tpu.memory_space<vmem>> -> memref<1x8x128xf32, #tpu.memory_space<vmem>>
        %dma_start3A_2622 = tpu.memref_squeeze %dma_start3A_2621 : memref<1x8x128xf32, #tpu.memory_space<vmem>> -> memref<8x128xf32, #tpu.memory_space<vmem>>
        %dma_start3A_2623 = arith.constant 0 : i32
        %dma_start3A_2624 = tpu.memref_slice %arg4[%dma_start3A_2623, %multiple_of3A_2617] : memref<32x1000000xf32, #tpu.memory_space<hbm>> -> memref<8x128xf32, #tpu.memory_space<hbm>>
        %dma_start3A_2625 = arith.constant 0 : i32
        %dma_start3A_2626 = arith.constant 0 : i32
        %dma_start3A_2627 = tpu.memref_slice %arg8[%dma_start3A_2618, %dma_start3A_2625, %dma_start3A_2626] : memref<16x32x128xf32, #tpu.memory_space<vmem>> -> memref<1x8x128xf32, #tpu.memory_space<vmem>>
        %dma_start3A_2628 = tpu.memref_squeeze %dma_start3A_2627 : memref<1x8x128xf32, #tpu.memory_space<vmem>> -> memref<8x128xf32, #tpu.memory_space<vmem>>
        %dma_start3A_2629 = arith.constant 0 : i32
        %dma_start3A_2630 = tpu.memref_slice %arg4[%dma_start3A_2629, %multiple_of3A_2617] : memref<32x1000000xf32, #tpu.memory_space<hbm>> -> memref<8x128xf32, #tpu.memory_space<hbm>>
        tpu.enqueue_dma source(%dma_start3A_2630 : memref<8x128xf32, #tpu.memory_space<hbm>>) target(%dma_start3A_2628 : memref<8x128xf32, #tpu.memory_space<vmem>>) target_semaphore(%arg18 : memref<!tpu.dma_semaphore, #tpu.memory_space<semaphore_mem>>)
        %dma_start3A_2631 = arith.constant 8 : i32
        %dma_start3A_2632 = arith.constant 8 : i32
        %dma_start3A_2633 = arith.constant 0 : i32
        %dma_start3A_2634 = tpu.memref_slice %arg8[%dma_start3A_2631, %dma_start3A_2632, %dma_start3A_2633] : memref<16x32x128xf32, #tpu.memory_space<vmem>> -> memref<1x8x128xf32, #tpu.memory_space<vmem>>
        %dma_start3A_2635 = tpu.memref_squeeze %dma_start3A_2634 : memref<1x8x128xf32, #tpu.memory_space<vmem>> -> memref<8x128xf32, #tpu.memory_space<vmem>>
        %dma_start3A_2636 = arith.constant 8 : i32
        %dma_start3A_2637 = tpu.memref_slice %arg4[%dma_start3A_2636, %multiple_of3A_2617] : memref<32x1000000xf32, #tpu.memory_space<hbm>> -> memref<8x128xf32, #tpu.memory_space<hbm>>
        %dma_start3A_2638 = arith.constant 8 : i32
        %dma_start3A_2639 = arith.constant 0 : i32
        %dma_start3A_2640 = tpu.memref_slice %arg8[%dma_start3A_2631, %dma_start3A_2638, %dma_start3A_2639] : memref<16x32x128xf32, #tpu.memory_space<vmem>> -> memref<1x8x128xf32, #tpu.memory_space<vmem>>
        %dma_start3A_2641 = tpu.memref_squeeze %dma_start3A_2640 : memref<1x8x128xf32, #tpu.memory_space<vmem>> -> memref<8x128xf32, #tpu.memory_space<vmem>>
        %dma_start3A_2642 = arith.constant 8 : i32
        %dma_start3A_2643 = tpu.memref_slice %arg4[%dma_start3A_2642, %multiple_of3A_2617] : memref<32x1000000xf32, #tpu.memory_space<hbm>> -> memref<8x128xf32, #tpu.memory_space<hbm>>
        tpu.enqueue_dma source(%dma_start3A_2643 : memref<8x128xf32, #tpu.memory_space<hbm>>) target(%dma_start3A_2641 : memref<8x128xf32, #tpu.memory_space<vmem>>) target_semaphore(%arg18 : memref<!tpu.dma_semaphore, #tpu.memory_space<semaphore_mem>>)
        %dma_start3A_2644 = arith.constant 8 : i32
        %dma_start3A_2645 = arith.constant 16 : i32
        %dma_start3A_2646 = arith.constant 0 : i32
        %dma_start3A_2647 = tpu.memref_slice %arg8[%dma_start3A_2644, %dma_start3A_2645, %dma_start3A_2646] : memref<16x32x128xf32, #tpu.memory_space<vmem>> -> memref<1x8x128xf32, #tpu.memory_space<vmem>>
        %dma_start3A_2648 = tpu.memref_squeeze %dma_start3A_2647 : memref<1x8x128xf32, #tpu.memory_space<vmem>> -> memref<8x128xf32, #tpu.memory_space<vmem>>
        %dma_start3A_2649 = arith.constant 16 : i32
        %dma_start3A_2650 = tpu.memref_slice %arg4[%dma_start3A_2649, %multiple_of3A_2617] : memref<32x1000000xf32, #tpu.memory_space<hbm>> -> memref<8x128xf32, #tpu.memory_space<hbm>>
        %dma_start3A_2651 = arith.constant 16 : i32
        %dma_start3A_2652 = arith.constant 0 : i32
        %dma_start3A_2653 = tpu.memref_slice %arg8[%dma_start3A_2644, %dma_start3A_2651, %dma_start3A_2652] : memref<16x32x128xf32, #tpu.memory_space<vmem>> -> memref<1x8x128xf32, #tpu.memory_space<vmem>>
        %dma_start3A_2654 = tpu.memref_squeeze %dma_start3A_2653 : memref<1x8x128xf32, #tpu.memory_space<vmem>> -> memref<8x128xf32, #tpu.memory_space<vmem>>
        %dma_start3A_2655 = arith.constant 16 : i32
        %dma_start3A_2656 = tpu.memref_slice %arg4[%dma_start3A_2655, %multiple_of3A_2617] : memref<32x1000000xf32, #tpu.memory_space<hbm>> -> memref<8x128xf32, #tpu.memory_space<hbm>>
        tpu.enqueue_dma source(%dma_start3A_2656 : memref<8x128xf32, #tpu.memory_space<hbm>>) target(%dma_start3A_2654 : memref<8x128xf32, #tpu.memory_space<vmem>>) target_semaphore(%arg18 : memref<!tpu.dma_semaphore, #tpu.memory_space<semaphore_mem>>)
        %dma_start3A_2657 = arith.constant 8 : i32
        %dma_start3A_2658 = arith.constant 24 : i32
        %dma_start3A_2659 = arith.constant 0 : i32
        %dma_start3A_2660 = tpu.memref_slice %arg8[%dma_start3A_2657, %dma_start3A_2658, %dma_start3A_2659] : memref<16x32x128xf32, #tpu.memory_space<vmem>> -> memref<1x8x128xf32, #tpu.memory_space<vmem>>
        %dma_start3A_2661 = tpu.memref_squeeze %dma_start3A_2660 : memref<1x8x128xf32, #tpu.memory_space<vmem>> -> memref<8x128xf32, #tpu.memory_space<vmem>>
        %dma_start3A_2662 = arith.constant 24 : i32
        %dma_start3A_2663 = tpu.memref_slice %arg4[%dma_start3A_2662, %multiple_of3A_2617] : memref<32x1000000xf32, #tpu.memory_space<hbm>> -> memref<8x128xf32, #tpu.memory_space<hbm>>
        %dma_start3A_2664 = arith.constant 24 : i32
        %dma_start3A_2665 = arith.constant 0 : i32
        %dma_start3A_2666 = tpu.memref_slice %arg8[%dma_start3A_2657, %dma_start3A_2664, %dma_start3A_2665] : memref<16x32x128xf32, #tpu.memory_space<vmem>> -> memref<1x8x128xf32, #tpu.memory_space<vmem>>
        %dma_start3A_2667 = tpu.memref_squeeze %dma_start3A_2666 : memref<1x8x128xf32, #tpu.memory_space<vmem>> -> memref<8x128xf32, #tpu.memory_space<vmem>>
        %dma_start3A_2668 = arith.constant 24 : i32
        %dma_start3A_2669 = tpu.memref_slice %arg4[%dma_start3A_2668, %multiple_of3A_2617] : memref<32x1000000xf32, #tpu.memory_space<hbm>> -> memref<8x128xf32, #tpu.memory_space<hbm>>
        tpu.enqueue_dma source(%dma_start3A_2669 : memref<8x128xf32, #tpu.memory_space<hbm>>) target(%dma_start3A_2667 : memref<8x128xf32, #tpu.memory_space<vmem>>) target_semaphore(%arg18 : memref<!tpu.dma_semaphore, #tpu.memory_space<semaphore_mem>>)
      } else {
      }
      %dma_wait3A_2016 = arith.constant 9 : i32
      %dma_wait3A_2017 = arith.constant 0 : i32
      %dma_wait3A_2018 = arith.constant 0 : i32
      %dma_wait3A_2019 = tpu.memref_slice %arg8[%dma_wait3A_2016, %dma_wait3A_2017, %dma_wait3A_2018] : memref<16x32x128xf32, #tpu.memory_space<vmem>> -> memref<1x8x128xf32, #tpu.memory_space<vmem>>
      %dma_wait3A_2020 = tpu.memref_squeeze %dma_wait3A_2019 : memref<1x8x128xf32, #tpu.memory_space<vmem>> -> memref<8x128xf32, #tpu.memory_space<vmem>>
      %dma_wait3A_2021 = arith.constant 0 : i32
      %dma_wait3A_2022 = arith.constant 0 : i32
      %dma_wait3A_2023 = tpu.memref_slice %arg4[%dma_wait3A_2021, %dma_wait3A_2022] : memref<32x1000000xf32, #tpu.memory_space<hbm>> -> memref<8x128xf32, #tpu.memory_space<hbm>>
      %dma_wait3A_2024 = arith.constant 0 : i32
      %dma_wait3A_2025 = arith.constant 0 : i32
      %dma_wait3A_2026 = tpu.memref_slice %arg8[%dma_wait3A_2016, %dma_wait3A_2024, %dma_wait3A_2025] : memref<16x32x128xf32, #tpu.memory_space<vmem>> -> memref<1x8x128xf32, #tpu.memory_space<vmem>>
      %dma_wait3A_2027 = tpu.memref_squeeze %dma_wait3A_2026 : memref<1x8x128xf32, #tpu.memory_space<vmem>> -> memref<8x128xf32, #tpu.memory_space<vmem>>
      %dma_wait3A_2028 = arith.constant 0 : i32
      %dma_wait3A_2029 = arith.constant 0 : i32
      %dma_wait3A_2030 = tpu.memref_slice %arg4[%dma_wait3A_2028, %dma_wait3A_2029] : memref<32x1000000xf32, #tpu.memory_space<hbm>> -> memref<8x128xf32, #tpu.memory_space<hbm>>
      tpu.wait_dma2 semaphore(%arg19 : memref<!tpu.dma_semaphore, #tpu.memory_space<semaphore_mem>>) src(%dma_wait3A_2030 : memref<8x128xf32, #tpu.memory_space<hbm>>) dst(%dma_wait3A_2027 : memref<8x128xf32, #tpu.memory_space<vmem>>)
      %dma_wait3A_2031 = arith.constant 9 : i32
      %dma_wait3A_2032 = arith.constant 0 : i32
      %dma_wait3A_2033 = arith.constant 0 : i32
      %dma_wait3A_2034 = tpu.memref_slice %arg8[%dma_wait3A_2031, %dma_wait3A_2032, %dma_wait3A_2033] : memref<16x32x128xf32, #tpu.memory_space<vmem>> -> memref<1x8x128xf32, #tpu.memory_space<vmem>>
      %dma_wait3A_2035 = tpu.memref_squeeze %dma_wait3A_2034 : memref<1x8x128xf32, #tpu.memory_space<vmem>> -> memref<8x128xf32, #tpu.memory_space<vmem>>
      %dma_wait3A_2036 = arith.constant 0 : i32
      %dma_wait3A_2037 = arith.constant 0 : i32
      %dma_wait3A_2038 = tpu.memref_slice %arg4[%dma_wait3A_2036, %dma_wait3A_2037] : memref<32x1000000xf32, #tpu.memory_space<hbm>> -> memref<8x128xf32, #tpu.memory_space<hbm>>
      %dma_wait3A_2039 = arith.constant 0 : i32
      %dma_wait3A_2040 = arith.constant 0 : i32
      %dma_wait3A_2041 = tpu.memref_slice %arg8[%dma_wait3A_2031, %dma_wait3A_2039, %dma_wait3A_2040] : memref<16x32x128xf32, #tpu.memory_space<vmem>> -> memref<1x8x128xf32, #tpu.memory_space<vmem>>
      %dma_wait3A_2042 = tpu.memref_squeeze %dma_wait3A_2041 : memref<1x8x128xf32, #tpu.memory_space<vmem>> -> memref<8x128xf32, #tpu.memory_space<vmem>>
      %dma_wait3A_2043 = arith.constant 0 : i32
      %dma_wait3A_2044 = arith.constant 0 : i32
      %dma_wait3A_2045 = tpu.memref_slice %arg4[%dma_wait3A_2043, %dma_wait3A_2044] : memref<32x1000000xf32, #tpu.memory_space<hbm>> -> memref<8x128xf32, #tpu.memory_space<hbm>>
      tpu.wait_dma2 semaphore(%arg19 : memref<!tpu.dma_semaphore, #tpu.memory_space<semaphore_mem>>) src(%dma_wait3A_2045 : memref<8x128xf32, #tpu.memory_space<hbm>>) dst(%dma_wait3A_2042 : memref<8x128xf32, #tpu.memory_space<vmem>>)
      %dma_wait3A_2046 = arith.constant 9 : i32
      %dma_wait3A_2047 = arith.constant 0 : i32
      %dma_wait3A_2048 = arith.constant 0 : i32
      %dma_wait3A_2049 = tpu.memref_slice %arg8[%dma_wait3A_2046, %dma_wait3A_2047, %dma_wait3A_2048] : memref<16x32x128xf32, #tpu.memory_space<vmem>> -> memref<1x8x128xf32, #tpu.memory_space<vmem>>
      %dma_wait3A_2050 = tpu.memref_squeeze %dma_wait3A_2049 : memref<1x8x128xf32, #tpu.memory_space<vmem>> -> memref<8x128xf32, #tpu.memory_space<vmem>>
      %dma_wait3A_2051 = arith.constant 0 : i32
      %dma_wait3A_2052 = arith.constant 0 : i32
      %dma_wait3A_2053 = tpu.memref_slice %arg4[%dma_wait3A_2051, %dma_wait3A_2052] : memref<32x1000000xf32, #tpu.memory_space<hbm>> -> memref<8x128xf32, #tpu.memory_space<hbm>>
      %dma_wait3A_2054 = arith.constant 0 : i32
      %dma_wait3A_2055 = arith.constant 0 : i32
      %dma_wait3A_2056 = tpu.memref_slice %arg8[%dma_wait3A_2046, %dma_wait3A_2054, %dma_wait3A_2055] : memref<16x32x128xf32, #tpu.memory_space<vmem>> -> memref<1x8x128xf32, #tpu.memory_space<vmem>>
      %dma_wait3A_2057 = tpu.memref_squeeze %dma_wait3A_2056 : memref<1x8x128xf32, #tpu.memory_space<vmem>> -> memref<8x128xf32, #tpu.memory_space<vmem>>
      %dma_wait3A_2058 = arith.constant 0 : i32
      %dma_wait3A_2059 = arith.constant 0 : i32
      %dma_wait3A_2060 = tpu.memref_slice %arg4[%dma_wait3A_2058, %dma_wait3A_2059] : memref<32x1000000xf32, #tpu.memory_space<hbm>> -> memref<8x128xf32, #tpu.memory_space<hbm>>
      tpu.wait_dma2 semaphore(%arg19 : memref<!tpu.dma_semaphore, #tpu.memory_space<semaphore_mem>>) src(%dma_wait3A_2060 : memref<8x128xf32, #tpu.memory_space<hbm>>) dst(%dma_wait3A_2057 : memref<8x128xf32, #tpu.memory_space<vmem>>)
      %dma_wait3A_2061 = arith.constant 9 : i32
      %dma_wait3A_2062 = arith.constant 0 : i32
      %dma_wait3A_2063 = arith.constant 0 : i32
      %dma_wait3A_2064 = tpu.memref_slice %arg8[%dma_wait3A_2061, %dma_wait3A_2062, %dma_wait3A_2063] : memref<16x32x128xf32, #tpu.memory_space<vmem>> -> memref<1x8x128xf32, #tpu.memory_space<vmem>>
      %dma_wait3A_2065 = tpu.memref_squeeze %dma_wait3A_2064 : memref<1x8x128xf32, #tpu.memory_space<vmem>> -> memref<8x128xf32, #tpu.memory_space<vmem>>
      %dma_wait3A_2066 = arith.constant 0 : i32
      %dma_wait3A_2067 = arith.constant 0 : i32
      %dma_wait3A_2068 = tpu.memref_slice %arg4[%dma_wait3A_2066, %dma_wait3A_2067] : memref<32x1000000xf32, #tpu.memory_space<hbm>> -> memref<8x128xf32, #tpu.memory_space<hbm>>
      %dma_wait3A_2069 = arith.constant 0 : i32
      %dma_wait3A_2070 = arith.constant 0 : i32
      %dma_wait3A_2071 = tpu.memref_slice %arg8[%dma_wait3A_2061, %dma_wait3A_2069, %dma_wait3A_2070] : memref<16x32x128xf32, #tpu.memory_space<vmem>> -> memref<1x8x128xf32, #tpu.memory_space<vmem>>
      %dma_wait3A_2072 = tpu.memref_squeeze %dma_wait3A_2071 : memref<1x8x128xf32, #tpu.memory_space<vmem>> -> memref<8x128xf32, #tpu.memory_space<vmem>>
      %dma_wait3A_2073 = arith.constant 0 : i32
      %dma_wait3A_2074 = arith.constant 0 : i32
      %dma_wait3A_2075 = tpu.memref_slice %arg4[%dma_wait3A_2073, %dma_wait3A_2074] : memref<32x1000000xf32, #tpu.memory_space<hbm>> -> memref<8x128xf32, #tpu.memory_space<hbm>>
      tpu.wait_dma2 semaphore(%arg19 : memref<!tpu.dma_semaphore, #tpu.memory_space<semaphore_mem>>) src(%dma_wait3A_2075 : memref<8x128xf32, #tpu.memory_space<hbm>>) dst(%dma_wait3A_2072 : memref<8x128xf32, #tpu.memory_space<vmem>>)
      %slice3A_2076 = vector.extract_strided_slice %rem3A_1215 {offsets = [9], sizes = [1], strides = [1]} : vector<16xi32> to vector<1xi32>
      %squeeze3A_2077 = vector.extract %slice3A_2076[0] : i32 from vector<1xi32>
      %broadcast_in_dim3A_2078 = vector.broadcast %squeeze3A_2077 : i32 to vector<16xi32>
      %broadcast_in_dim3A_2079 = arith.constant 9 : i32
      %broadcast_in_dim3A_2080 = vector.broadcast %broadcast_in_dim3A_2079 : i32 to vector<16xi32>
      %mul3A_2081 = arith.constant 16 : i32
      %mul3A_2082 = arith.muli %scan3A_1211, %mul3A_2081 : i32
      %add3A_2083 = arith.constant 9 : i32
      %add3A_2084 = arith.addi %mul3A_2082, %add3A_2083 : i32
      %broadcast_in_dim3A_2085 = vector.broadcast %add3A_2084 : i32 to vector<16xi32>
      %gather3A_2086 = tpu.vector_load_idx %arg8[%broadcast_in_dim3A_2080, %iota3A, %broadcast_in_dim3A_2078] : memref<16x32x128xf32, #tpu.memory_space<vmem>>[vector<16xi32>, vector<16xi32>, vector<16xi32>], vector<16xf32>,
      %gather3A_2087 = tpu.vector_load_idx %arg8[%broadcast_in_dim3A_2080, %add3A_5, %broadcast_in_dim3A_2078] : memref<16x32x128xf32, #tpu.memory_space<vmem>>[vector<16xi32>, vector<16xi32>, vector<16xi32>], vector<16xf32>,
      %gather3A_2088 = tpu.vector_load_idx %arg7[%iota3A, %broadcast_in_dim3A_2085] : memref<32x512xf32, #tpu.memory_space<vmem>>[vector<16xi32>, vector<16xi32>], vector<16xf32>,
      %gather3A_2089 = tpu.vector_load_idx %arg7[%add3A_5, %broadcast_in_dim3A_2085] : memref<32x512xf32, #tpu.memory_space<vmem>>[vector<16xi32>, vector<16xi32>], vector<16xf32>,
      %sub3A_2090 = arith.subf %gather3A_2088, %gather3A_2086 : vector<16xf32>
      %sub3A_2091 = arith.subf %gather3A_2089, %gather3A_2087 : vector<16xf32>
      %mul3A_2092 = arith.mulf %sub3A_2090, %sub3A_2090 : vector<16xf32>
      %add3A_2093 = arith.addf %add3A_2010, %mul3A_2092 : vector<16xf32>
      %mul3A_2094 = arith.mulf %sub3A_2091, %sub3A_2091 : vector<16xf32>
      %add3A_2095 = arith.addf %add3A_2093, %mul3A_2094 : vector<16xf32>
      %lt3A_2096 = arith.constant 31 : i32
      %lt3A_2097 = arith.cmpi slt, %scan3A_1211, %lt3A_2096 : i32
      %convert_element_type3A_2098 = arith.extui %lt3A_2097 : i1 to i32
      %cond3A_2099 = arith.constant 0 : i32
      %cond3A_2100 = arith.cmpi ne, %convert_element_type3A_2098, %cond3A_2099 : i32
      scf.if %cond3A_2100 {
        %slice3A_2611 = vector.extract_strided_slice %get3A_1254 {offsets = [9], sizes = [1], strides = [1]} : vector<16xi32> to vector<1xi32>
        %squeeze3A_2612 = vector.extract %slice3A_2611[0] : i32 from vector<1xi32>
        %shift_right_arithmetic3A_2613 = arith.constant 7 : i32
        %shift_right_arithmetic3A_2614 = arith.shrsi %squeeze3A_2612, %shift_right_arithmetic3A_2613 : i32
        %shift_left3A_2615 = arith.constant 7 : i32
        %shift_left3A_2616 = arith.shli %shift_right_arithmetic3A_2614, %shift_left3A_2615 : i32
        %multiple_of3A_2617 = tpu.assume_multiple %shift_left3A_2616, 128 : i32
        %dma_start3A_2618 = arith.constant 9 : i32
        %dma_start3A_2619 = arith.constant 0 : i32
        %dma_start3A_2620 = arith.constant 0 : i32
        %dma_start3A_2621 = tpu.memref_slice %arg8[%dma_start3A_2618, %dma_start3A_2619, %dma_start3A_2620] : memref<16x32x128xf32, #tpu.memory_space<vmem>> -> memref<1x8x128xf32, #tpu.memory_space<vmem>>
        %dma_start3A_2622 = tpu.memref_squeeze %dma_start3A_2621 : memref<1x8x128xf32, #tpu.memory_space<vmem>> -> memref<8x128xf32, #tpu.memory_space<vmem>>
        %dma_start3A_2623 = arith.constant 0 : i32
        %dma_start3A_2624 = tpu.memref_slice %arg4[%dma_start3A_2623, %multiple_of3A_2617] : memref<32x1000000xf32, #tpu.memory_space<hbm>> -> memref<8x128xf32, #tpu.memory_space<hbm>>
        %dma_start3A_2625 = arith.constant 0 : i32
        %dma_start3A_2626 = arith.constant 0 : i32
        %dma_start3A_2627 = tpu.memref_slice %arg8[%dma_start3A_2618, %dma_start3A_2625, %dma_start3A_2626] : memref<16x32x128xf32, #tpu.memory_space<vmem>> -> memref<1x8x128xf32, #tpu.memory_space<vmem>>
        %dma_start3A_2628 = tpu.memref_squeeze %dma_start3A_2627 : memref<1x8x128xf32, #tpu.memory_space<vmem>> -> memref<8x128xf32, #tpu.memory_space<vmem>>
        %dma_start3A_2629 = arith.constant 0 : i32
        %dma_start3A_2630 = tpu.memref_slice %arg4[%dma_start3A_2629, %multiple_of3A_2617] : memref<32x1000000xf32, #tpu.memory_space<hbm>> -> memref<8x128xf32, #tpu.memory_space<hbm>>
        tpu.enqueue_dma source(%dma_start3A_2630 : memref<8x128xf32, #tpu.memory_space<hbm>>) target(%dma_start3A_2628 : memref<8x128xf32, #tpu.memory_space<vmem>>) target_semaphore(%arg19 : memref<!tpu.dma_semaphore, #tpu.memory_space<semaphore_mem>>)
        %dma_start3A_2631 = arith.constant 9 : i32
        %dma_start3A_2632 = arith.constant 8 : i32
        %dma_start3A_2633 = arith.constant 0 : i32
        %dma_start3A_2634 = tpu.memref_slice %arg8[%dma_start3A_2631, %dma_start3A_2632, %dma_start3A_2633] : memref<16x32x128xf32, #tpu.memory_space<vmem>> -> memref<1x8x128xf32, #tpu.memory_space<vmem>>
        %dma_start3A_2635 = tpu.memref_squeeze %dma_start3A_2634 : memref<1x8x128xf32, #tpu.memory_space<vmem>> -> memref<8x128xf32, #tpu.memory_space<vmem>>
        %dma_start3A_2636 = arith.constant 8 : i32
        %dma_start3A_2637 = tpu.memref_slice %arg4[%dma_start3A_2636, %multiple_of3A_2617] : memref<32x1000000xf32, #tpu.memory_space<hbm>> -> memref<8x128xf32, #tpu.memory_space<hbm>>
        %dma_start3A_2638 = arith.constant 8 : i32
        %dma_start3A_2639 = arith.constant 0 : i32
        %dma_start3A_2640 = tpu.memref_slice %arg8[%dma_start3A_2631, %dma_start3A_2638, %dma_start3A_2639] : memref<16x32x128xf32, #tpu.memory_space<vmem>> -> memref<1x8x128xf32, #tpu.memory_space<vmem>>
        %dma_start3A_2641 = tpu.memref_squeeze %dma_start3A_2640 : memref<1x8x128xf32, #tpu.memory_space<vmem>> -> memref<8x128xf32, #tpu.memory_space<vmem>>
        %dma_start3A_2642 = arith.constant 8 : i32
        %dma_start3A_2643 = tpu.memref_slice %arg4[%dma_start3A_2642, %multiple_of3A_2617] : memref<32x1000000xf32, #tpu.memory_space<hbm>> -> memref<8x128xf32, #tpu.memory_space<hbm>>
        tpu.enqueue_dma source(%dma_start3A_2643 : memref<8x128xf32, #tpu.memory_space<hbm>>) target(%dma_start3A_2641 : memref<8x128xf32, #tpu.memory_space<vmem>>) target_semaphore(%arg19 : memref<!tpu.dma_semaphore, #tpu.memory_space<semaphore_mem>>)
        %dma_start3A_2644 = arith.constant 9 : i32
        %dma_start3A_2645 = arith.constant 16 : i32
        %dma_start3A_2646 = arith.constant 0 : i32
        %dma_start3A_2647 = tpu.memref_slice %arg8[%dma_start3A_2644, %dma_start3A_2645, %dma_start3A_2646] : memref<16x32x128xf32, #tpu.memory_space<vmem>> -> memref<1x8x128xf32, #tpu.memory_space<vmem>>
        %dma_start3A_2648 = tpu.memref_squeeze %dma_start3A_2647 : memref<1x8x128xf32, #tpu.memory_space<vmem>> -> memref<8x128xf32, #tpu.memory_space<vmem>>
        %dma_start3A_2649 = arith.constant 16 : i32
        %dma_start3A_2650 = tpu.memref_slice %arg4[%dma_start3A_2649, %multiple_of3A_2617] : memref<32x1000000xf32, #tpu.memory_space<hbm>> -> memref<8x128xf32, #tpu.memory_space<hbm>>
        %dma_start3A_2651 = arith.constant 16 : i32
        %dma_start3A_2652 = arith.constant 0 : i32
        %dma_start3A_2653 = tpu.memref_slice %arg8[%dma_start3A_2644, %dma_start3A_2651, %dma_start3A_2652] : memref<16x32x128xf32, #tpu.memory_space<vmem>> -> memref<1x8x128xf32, #tpu.memory_space<vmem>>
        %dma_start3A_2654 = tpu.memref_squeeze %dma_start3A_2653 : memref<1x8x128xf32, #tpu.memory_space<vmem>> -> memref<8x128xf32, #tpu.memory_space<vmem>>
        %dma_start3A_2655 = arith.constant 16 : i32
        %dma_start3A_2656 = tpu.memref_slice %arg4[%dma_start3A_2655, %multiple_of3A_2617] : memref<32x1000000xf32, #tpu.memory_space<hbm>> -> memref<8x128xf32, #tpu.memory_space<hbm>>
        tpu.enqueue_dma source(%dma_start3A_2656 : memref<8x128xf32, #tpu.memory_space<hbm>>) target(%dma_start3A_2654 : memref<8x128xf32, #tpu.memory_space<vmem>>) target_semaphore(%arg19 : memref<!tpu.dma_semaphore, #tpu.memory_space<semaphore_mem>>)
        %dma_start3A_2657 = arith.constant 9 : i32
        %dma_start3A_2658 = arith.constant 24 : i32
        %dma_start3A_2659 = arith.constant 0 : i32
        %dma_start3A_2660 = tpu.memref_slice %arg8[%dma_start3A_2657, %dma_start3A_2658, %dma_start3A_2659] : memref<16x32x128xf32, #tpu.memory_space<vmem>> -> memref<1x8x128xf32, #tpu.memory_space<vmem>>
        %dma_start3A_2661 = tpu.memref_squeeze %dma_start3A_2660 : memref<1x8x128xf32, #tpu.memory_space<vmem>> -> memref<8x128xf32, #tpu.memory_space<vmem>>
        %dma_start3A_2662 = arith.constant 24 : i32
        %dma_start3A_2663 = tpu.memref_slice %arg4[%dma_start3A_2662, %multiple_of3A_2617] : memref<32x1000000xf32, #tpu.memory_space<hbm>> -> memref<8x128xf32, #tpu.memory_space<hbm>>
        %dma_start3A_2664 = arith.constant 24 : i32
        %dma_start3A_2665 = arith.constant 0 : i32
        %dma_start3A_2666 = tpu.memref_slice %arg8[%dma_start3A_2657, %dma_start3A_2664, %dma_start3A_2665] : memref<16x32x128xf32, #tpu.memory_space<vmem>> -> memref<1x8x128xf32, #tpu.memory_space<vmem>>
        %dma_start3A_2667 = tpu.memref_squeeze %dma_start3A_2666 : memref<1x8x128xf32, #tpu.memory_space<vmem>> -> memref<8x128xf32, #tpu.memory_space<vmem>>
        %dma_start3A_2668 = arith.constant 24 : i32
        %dma_start3A_2669 = tpu.memref_slice %arg4[%dma_start3A_2668, %multiple_of3A_2617] : memref<32x1000000xf32, #tpu.memory_space<hbm>> -> memref<8x128xf32, #tpu.memory_space<hbm>>
        tpu.enqueue_dma source(%dma_start3A_2669 : memref<8x128xf32, #tpu.memory_space<hbm>>) target(%dma_start3A_2667 : memref<8x128xf32, #tpu.memory_space<vmem>>) target_semaphore(%arg19 : memref<!tpu.dma_semaphore, #tpu.memory_space<semaphore_mem>>)
      } else {
      }
      %dma_wait3A_2101 = arith.constant 10 : i32
      %dma_wait3A_2102 = arith.constant 0 : i32
      %dma_wait3A_2103 = arith.constant 0 : i32
      %dma_wait3A_2104 = tpu.memref_slice %arg8[%dma_wait3A_2101, %dma_wait3A_2102, %dma_wait3A_2103] : memref<16x32x128xf32, #tpu.memory_space<vmem>> -> memref<1x8x128xf32, #tpu.memory_space<vmem>>
      %dma_wait3A_2105 = tpu.memref_squeeze %dma_wait3A_2104 : memref<1x8x128xf32, #tpu.memory_space<vmem>> -> memref<8x128xf32, #tpu.memory_space<vmem>>
      %dma_wait3A_2106 = arith.constant 0 : i32
      %dma_wait3A_2107 = arith.constant 0 : i32
      %dma_wait3A_2108 = tpu.memref_slice %arg4[%dma_wait3A_2106, %dma_wait3A_2107] : memref<32x1000000xf32, #tpu.memory_space<hbm>> -> memref<8x128xf32, #tpu.memory_space<hbm>>
      %dma_wait3A_2109 = arith.constant 0 : i32
      %dma_wait3A_2110 = arith.constant 0 : i32
      %dma_wait3A_2111 = tpu.memref_slice %arg8[%dma_wait3A_2101, %dma_wait3A_2109, %dma_wait3A_2110] : memref<16x32x128xf32, #tpu.memory_space<vmem>> -> memref<1x8x128xf32, #tpu.memory_space<vmem>>
      %dma_wait3A_2112 = tpu.memref_squeeze %dma_wait3A_2111 : memref<1x8x128xf32, #tpu.memory_space<vmem>> -> memref<8x128xf32, #tpu.memory_space<vmem>>
      %dma_wait3A_2113 = arith.constant 0 : i32
      %dma_wait3A_2114 = arith.constant 0 : i32
      %dma_wait3A_2115 = tpu.memref_slice %arg4[%dma_wait3A_2113, %dma_wait3A_2114] : memref<32x1000000xf32, #tpu.memory_space<hbm>> -> memref<8x128xf32, #tpu.memory_space<hbm>>
      tpu.wait_dma2 semaphore(%arg20 : memref<!tpu.dma_semaphore, #tpu.memory_space<semaphore_mem>>) src(%dma_wait3A_2115 : memref<8x128xf32, #tpu.memory_space<hbm>>) dst(%dma_wait3A_2112 : memref<8x128xf32, #tpu.memory_space<vmem>>)
      %dma_wait3A_2116 = arith.constant 10 : i32
      %dma_wait3A_2117 = arith.constant 0 : i32
      %dma_wait3A_2118 = arith.constant 0 : i32
      %dma_wait3A_2119 = tpu.memref_slice %arg8[%dma_wait3A_2116, %dma_wait3A_2117, %dma_wait3A_2118] : memref<16x32x128xf32, #tpu.memory_space<vmem>> -> memref<1x8x128xf32, #tpu.memory_space<vmem>>
      %dma_wait3A_2120 = tpu.memref_squeeze %dma_wait3A_2119 : memref<1x8x128xf32, #tpu.memory_space<vmem>> -> memref<8x128xf32, #tpu.memory_space<vmem>>
      %dma_wait3A_2121 = arith.constant 0 : i32
      %dma_wait3A_2122 = arith.constant 0 : i32
      %dma_wait3A_2123 = tpu.memref_slice %arg4[%dma_wait3A_2121, %dma_wait3A_2122] : memref<32x1000000xf32, #tpu.memory_space<hbm>> -> memref<8x128xf32, #tpu.memory_space<hbm>>
      %dma_wait3A_2124 = arith.constant 0 : i32
      %dma_wait3A_2125 = arith.constant 0 : i32
      %dma_wait3A_2126 = tpu.memref_slice %arg8[%dma_wait3A_2116, %dma_wait3A_2124, %dma_wait3A_2125] : memref<16x32x128xf32, #tpu.memory_space<vmem>> -> memref<1x8x128xf32, #tpu.memory_space<vmem>>
      %dma_wait3A_2127 = tpu.memref_squeeze %dma_wait3A_2126 : memref<1x8x128xf32, #tpu.memory_space<vmem>> -> memref<8x128xf32, #tpu.memory_space<vmem>>
      %dma_wait3A_2128 = arith.constant 0 : i32
      %dma_wait3A_2129 = arith.constant 0 : i32
      %dma_wait3A_2130 = tpu.memref_slice %arg4[%dma_wait3A_2128, %dma_wait3A_2129] : memref<32x1000000xf32, #tpu.memory_space<hbm>> -> memref<8x128xf32, #tpu.memory_space<hbm>>
      tpu.wait_dma2 semaphore(%arg20 : memref<!tpu.dma_semaphore, #tpu.memory_space<semaphore_mem>>) src(%dma_wait3A_2130 : memref<8x128xf32, #tpu.memory_space<hbm>>) dst(%dma_wait3A_2127 : memref<8x128xf32, #tpu.memory_space<vmem>>)
      %dma_wait3A_2131 = arith.constant 10 : i32
      %dma_wait3A_2132 = arith.constant 0 : i32
      %dma_wait3A_2133 = arith.constant 0 : i32
      %dma_wait3A_2134 = tpu.memref_slice %arg8[%dma_wait3A_2131, %dma_wait3A_2132, %dma_wait3A_2133] : memref<16x32x128xf32, #tpu.memory_space<vmem>> -> memref<1x8x128xf32, #tpu.memory_space<vmem>>
      %dma_wait3A_2135 = tpu.memref_squeeze %dma_wait3A_2134 : memref<1x8x128xf32, #tpu.memory_space<vmem>> -> memref<8x128xf32, #tpu.memory_space<vmem>>
      %dma_wait3A_2136 = arith.constant 0 : i32
      %dma_wait3A_2137 = arith.constant 0 : i32
      %dma_wait3A_2138 = tpu.memref_slice %arg4[%dma_wait3A_2136, %dma_wait3A_2137] : memref<32x1000000xf32, #tpu.memory_space<hbm>> -> memref<8x128xf32, #tpu.memory_space<hbm>>
      %dma_wait3A_2139 = arith.constant 0 : i32
      %dma_wait3A_2140 = arith.constant 0 : i32
      %dma_wait3A_2141 = tpu.memref_slice %arg8[%dma_wait3A_2131, %dma_wait3A_2139, %dma_wait3A_2140] : memref<16x32x128xf32, #tpu.memory_space<vmem>> -> memref<1x8x128xf32, #tpu.memory_space<vmem>>
      %dma_wait3A_2142 = tpu.memref_squeeze %dma_wait3A_2141 : memref<1x8x128xf32, #tpu.memory_space<vmem>> -> memref<8x128xf32, #tpu.memory_space<vmem>>
      %dma_wait3A_2143 = arith.constant 0 : i32
      %dma_wait3A_2144 = arith.constant 0 : i32
      %dma_wait3A_2145 = tpu.memref_slice %arg4[%dma_wait3A_2143, %dma_wait3A_2144] : memref<32x1000000xf32, #tpu.memory_space<hbm>> -> memref<8x128xf32, #tpu.memory_space<hbm>>
      tpu.wait_dma2 semaphore(%arg20 : memref<!tpu.dma_semaphore, #tpu.memory_space<semaphore_mem>>) src(%dma_wait3A_2145 : memref<8x128xf32, #tpu.memory_space<hbm>>) dst(%dma_wait3A_2142 : memref<8x128xf32, #tpu.memory_space<vmem>>)
      %dma_wait3A_2146 = arith.constant 10 : i32
      %dma_wait3A_2147 = arith.constant 0 : i32
      %dma_wait3A_2148 = arith.constant 0 : i32
      %dma_wait3A_2149 = tpu.memref_slice %arg8[%dma_wait3A_2146, %dma_wait3A_2147, %dma_wait3A_2148] : memref<16x32x128xf32, #tpu.memory_space<vmem>> -> memref<1x8x128xf32, #tpu.memory_space<vmem>>
      %dma_wait3A_2150 = tpu.memref_squeeze %dma_wait3A_2149 : memref<1x8x128xf32, #tpu.memory_space<vmem>> -> memref<8x128xf32, #tpu.memory_space<vmem>>
      %dma_wait3A_2151 = arith.constant 0 : i32
      %dma_wait3A_2152 = arith.constant 0 : i32
      %dma_wait3A_2153 = tpu.memref_slice %arg4[%dma_wait3A_2151, %dma_wait3A_2152] : memref<32x1000000xf32, #tpu.memory_space<hbm>> -> memref<8x128xf32, #tpu.memory_space<hbm>>
      %dma_wait3A_2154 = arith.constant 0 : i32
      %dma_wait3A_2155 = arith.constant 0 : i32
      %dma_wait3A_2156 = tpu.memref_slice %arg8[%dma_wait3A_2146, %dma_wait3A_2154, %dma_wait3A_2155] : memref<16x32x128xf32, #tpu.memory_space<vmem>> -> memref<1x8x128xf32, #tpu.memory_space<vmem>>
      %dma_wait3A_2157 = tpu.memref_squeeze %dma_wait3A_2156 : memref<1x8x128xf32, #tpu.memory_space<vmem>> -> memref<8x128xf32, #tpu.memory_space<vmem>>
      %dma_wait3A_2158 = arith.constant 0 : i32
      %dma_wait3A_2159 = arith.constant 0 : i32
      %dma_wait3A_2160 = tpu.memref_slice %arg4[%dma_wait3A_2158, %dma_wait3A_2159] : memref<32x1000000xf32, #tpu.memory_space<hbm>> -> memref<8x128xf32, #tpu.memory_space<hbm>>
      tpu.wait_dma2 semaphore(%arg20 : memref<!tpu.dma_semaphore, #tpu.memory_space<semaphore_mem>>) src(%dma_wait3A_2160 : memref<8x128xf32, #tpu.memory_space<hbm>>) dst(%dma_wait3A_2157 : memref<8x128xf32, #tpu.memory_space<vmem>>)
      %slice3A_2161 = vector.extract_strided_slice %rem3A_1215 {offsets = [10], sizes = [1], strides = [1]} : vector<16xi32> to vector<1xi32>
      %squeeze3A_2162 = vector.extract %slice3A_2161[0] : i32 from vector<1xi32>
      %broadcast_in_dim3A_2163 = vector.broadcast %squeeze3A_2162 : i32 to vector<16xi32>
      %broadcast_in_dim3A_2164 = arith.constant 10 : i32
      %broadcast_in_dim3A_2165 = vector.broadcast %broadcast_in_dim3A_2164 : i32 to vector<16xi32>
      %mul3A_2166 = arith.constant 16 : i32
      %mul3A_2167 = arith.muli %scan3A_1211, %mul3A_2166 : i32
      %add3A_2168 = arith.constant 10 : i32
      %add3A_2169 = arith.addi %mul3A_2167, %add3A_2168 : i32
      %broadcast_in_dim3A_2170 = vector.broadcast %add3A_2169 : i32 to vector<16xi32>
      %gather3A_2171 = tpu.vector_load_idx %arg8[%broadcast_in_dim3A_2165, %iota3A, %broadcast_in_dim3A_2163] : memref<16x32x128xf32, #tpu.memory_space<vmem>>[vector<16xi32>, vector<16xi32>, vector<16xi32>], vector<16xf32>,
      %gather3A_2172 = tpu.vector_load_idx %arg8[%broadcast_in_dim3A_2165, %add3A_5, %broadcast_in_dim3A_2163] : memref<16x32x128xf32, #tpu.memory_space<vmem>>[vector<16xi32>, vector<16xi32>, vector<16xi32>], vector<16xf32>,
      %gather3A_2173 = tpu.vector_load_idx %arg7[%iota3A, %broadcast_in_dim3A_2170] : memref<32x512xf32, #tpu.memory_space<vmem>>[vector<16xi32>, vector<16xi32>], vector<16xf32>,
      %gather3A_2174 = tpu.vector_load_idx %arg7[%add3A_5, %broadcast_in_dim3A_2170] : memref<32x512xf32, #tpu.memory_space<vmem>>[vector<16xi32>, vector<16xi32>], vector<16xf32>,
      %sub3A_2175 = arith.subf %gather3A_2173, %gather3A_2171 : vector<16xf32>
      %sub3A_2176 = arith.subf %gather3A_2174, %gather3A_2172 : vector<16xf32>
      %mul3A_2177 = arith.mulf %sub3A_2175, %sub3A_2175 : vector<16xf32>
      %add3A_2178 = arith.addf %add3A_2095, %mul3A_2177 : vector<16xf32>
      %mul3A_2179 = arith.mulf %sub3A_2176, %sub3A_2176 : vector<16xf32>
      %add3A_2180 = arith.addf %add3A_2178, %mul3A_2179 : vector<16xf32>
      %lt3A_2181 = arith.constant 31 : i32
      %lt3A_2182 = arith.cmpi slt, %scan3A_1211, %lt3A_2181 : i32
      %convert_element_type3A_2183 = arith.extui %lt3A_2182 : i1 to i32
      %cond3A_2184 = arith.constant 0 : i32
      %cond3A_2185 = arith.cmpi ne, %convert_element_type3A_2183, %cond3A_2184 : i32
      scf.if %cond3A_2185 {
        %slice3A_2611 = vector.extract_strided_slice %get3A_1254 {offsets = [10], sizes = [1], strides = [1]} : vector<16xi32> to vector<1xi32>
        %squeeze3A_2612 = vector.extract %slice3A_2611[0] : i32 from vector<1xi32>
        %shift_right_arithmetic3A_2613 = arith.constant 7 : i32
        %shift_right_arithmetic3A_2614 = arith.shrsi %squeeze3A_2612, %shift_right_arithmetic3A_2613 : i32
        %shift_left3A_2615 = arith.constant 7 : i32
        %shift_left3A_2616 = arith.shli %shift_right_arithmetic3A_2614, %shift_left3A_2615 : i32
        %multiple_of3A_2617 = tpu.assume_multiple %shift_left3A_2616, 128 : i32
        %dma_start3A_2618 = arith.constant 10 : i32
        %dma_start3A_2619 = arith.constant 0 : i32
        %dma_start3A_2620 = arith.constant 0 : i32
        %dma_start3A_2621 = tpu.memref_slice %arg8[%dma_start3A_2618, %dma_start3A_2619, %dma_start3A_2620] : memref<16x32x128xf32, #tpu.memory_space<vmem>> -> memref<1x8x128xf32, #tpu.memory_space<vmem>>
        %dma_start3A_2622 = tpu.memref_squeeze %dma_start3A_2621 : memref<1x8x128xf32, #tpu.memory_space<vmem>> -> memref<8x128xf32, #tpu.memory_space<vmem>>
        %dma_start3A_2623 = arith.constant 0 : i32
        %dma_start3A_2624 = tpu.memref_slice %arg4[%dma_start3A_2623, %multiple_of3A_2617] : memref<32x1000000xf32, #tpu.memory_space<hbm>> -> memref<8x128xf32, #tpu.memory_space<hbm>>
        %dma_start3A_2625 = arith.constant 0 : i32
        %dma_start3A_2626 = arith.constant 0 : i32
        %dma_start3A_2627 = tpu.memref_slice %arg8[%dma_start3A_2618, %dma_start3A_2625, %dma_start3A_2626] : memref<16x32x128xf32, #tpu.memory_space<vmem>> -> memref<1x8x128xf32, #tpu.memory_space<vmem>>
        %dma_start3A_2628 = tpu.memref_squeeze %dma_start3A_2627 : memref<1x8x128xf32, #tpu.memory_space<vmem>> -> memref<8x128xf32, #tpu.memory_space<vmem>>
        %dma_start3A_2629 = arith.constant 0 : i32
        %dma_start3A_2630 = tpu.memref_slice %arg4[%dma_start3A_2629, %multiple_of3A_2617] : memref<32x1000000xf32, #tpu.memory_space<hbm>> -> memref<8x128xf32, #tpu.memory_space<hbm>>
        tpu.enqueue_dma source(%dma_start3A_2630 : memref<8x128xf32, #tpu.memory_space<hbm>>) target(%dma_start3A_2628 : memref<8x128xf32, #tpu.memory_space<vmem>>) target_semaphore(%arg20 : memref<!tpu.dma_semaphore, #tpu.memory_space<semaphore_mem>>)
        %dma_start3A_2631 = arith.constant 10 : i32
        %dma_start3A_2632 = arith.constant 8 : i32
        %dma_start3A_2633 = arith.constant 0 : i32
        %dma_start3A_2634 = tpu.memref_slice %arg8[%dma_start3A_2631, %dma_start3A_2632, %dma_start3A_2633] : memref<16x32x128xf32, #tpu.memory_space<vmem>> -> memref<1x8x128xf32, #tpu.memory_space<vmem>>
        %dma_start3A_2635 = tpu.memref_squeeze %dma_start3A_2634 : memref<1x8x128xf32, #tpu.memory_space<vmem>> -> memref<8x128xf32, #tpu.memory_space<vmem>>
        %dma_start3A_2636 = arith.constant 8 : i32
        %dma_start3A_2637 = tpu.memref_slice %arg4[%dma_start3A_2636, %multiple_of3A_2617] : memref<32x1000000xf32, #tpu.memory_space<hbm>> -> memref<8x128xf32, #tpu.memory_space<hbm>>
        %dma_start3A_2638 = arith.constant 8 : i32
        %dma_start3A_2639 = arith.constant 0 : i32
        %dma_start3A_2640 = tpu.memref_slice %arg8[%dma_start3A_2631, %dma_start3A_2638, %dma_start3A_2639] : memref<16x32x128xf32, #tpu.memory_space<vmem>> -> memref<1x8x128xf32, #tpu.memory_space<vmem>>
        %dma_start3A_2641 = tpu.memref_squeeze %dma_start3A_2640 : memref<1x8x128xf32, #tpu.memory_space<vmem>> -> memref<8x128xf32, #tpu.memory_space<vmem>>
        %dma_start3A_2642 = arith.constant 8 : i32
        %dma_start3A_2643 = tpu.memref_slice %arg4[%dma_start3A_2642, %multiple_of3A_2617] : memref<32x1000000xf32, #tpu.memory_space<hbm>> -> memref<8x128xf32, #tpu.memory_space<hbm>>
        tpu.enqueue_dma source(%dma_start3A_2643 : memref<8x128xf32, #tpu.memory_space<hbm>>) target(%dma_start3A_2641 : memref<8x128xf32, #tpu.memory_space<vmem>>) target_semaphore(%arg20 : memref<!tpu.dma_semaphore, #tpu.memory_space<semaphore_mem>>)
        %dma_start3A_2644 = arith.constant 10 : i32
        %dma_start3A_2645 = arith.constant 16 : i32
        %dma_start3A_2646 = arith.constant 0 : i32
        %dma_start3A_2647 = tpu.memref_slice %arg8[%dma_start3A_2644, %dma_start3A_2645, %dma_start3A_2646] : memref<16x32x128xf32, #tpu.memory_space<vmem>> -> memref<1x8x128xf32, #tpu.memory_space<vmem>>
        %dma_start3A_2648 = tpu.memref_squeeze %dma_start3A_2647 : memref<1x8x128xf32, #tpu.memory_space<vmem>> -> memref<8x128xf32, #tpu.memory_space<vmem>>
        %dma_start3A_2649 = arith.constant 16 : i32
        %dma_start3A_2650 = tpu.memref_slice %arg4[%dma_start3A_2649, %multiple_of3A_2617] : memref<32x1000000xf32, #tpu.memory_space<hbm>> -> memref<8x128xf32, #tpu.memory_space<hbm>>
        %dma_start3A_2651 = arith.constant 16 : i32
        %dma_start3A_2652 = arith.constant 0 : i32
        %dma_start3A_2653 = tpu.memref_slice %arg8[%dma_start3A_2644, %dma_start3A_2651, %dma_start3A_2652] : memref<16x32x128xf32, #tpu.memory_space<vmem>> -> memref<1x8x128xf32, #tpu.memory_space<vmem>>
        %dma_start3A_2654 = tpu.memref_squeeze %dma_start3A_2653 : memref<1x8x128xf32, #tpu.memory_space<vmem>> -> memref<8x128xf32, #tpu.memory_space<vmem>>
        %dma_start3A_2655 = arith.constant 16 : i32
        %dma_start3A_2656 = tpu.memref_slice %arg4[%dma_start3A_2655, %multiple_of3A_2617] : memref<32x1000000xf32, #tpu.memory_space<hbm>> -> memref<8x128xf32, #tpu.memory_space<hbm>>
        tpu.enqueue_dma source(%dma_start3A_2656 : memref<8x128xf32, #tpu.memory_space<hbm>>) target(%dma_start3A_2654 : memref<8x128xf32, #tpu.memory_space<vmem>>) target_semaphore(%arg20 : memref<!tpu.dma_semaphore, #tpu.memory_space<semaphore_mem>>)
        %dma_start3A_2657 = arith.constant 10 : i32
        %dma_start3A_2658 = arith.constant 24 : i32
        %dma_start3A_2659 = arith.constant 0 : i32
        %dma_start3A_2660 = tpu.memref_slice %arg8[%dma_start3A_2657, %dma_start3A_2658, %dma_start3A_2659] : memref<16x32x128xf32, #tpu.memory_space<vmem>> -> memref<1x8x128xf32, #tpu.memory_space<vmem>>
        %dma_start3A_2661 = tpu.memref_squeeze %dma_start3A_2660 : memref<1x8x128xf32, #tpu.memory_space<vmem>> -> memref<8x128xf32, #tpu.memory_space<vmem>>
        %dma_start3A_2662 = arith.constant 24 : i32
        %dma_start3A_2663 = tpu.memref_slice %arg4[%dma_start3A_2662, %multiple_of3A_2617] : memref<32x1000000xf32, #tpu.memory_space<hbm>> -> memref<8x128xf32, #tpu.memory_space<hbm>>
        %dma_start3A_2664 = arith.constant 24 : i32
        %dma_start3A_2665 = arith.constant 0 : i32
        %dma_start3A_2666 = tpu.memref_slice %arg8[%dma_start3A_2657, %dma_start3A_2664, %dma_start3A_2665] : memref<16x32x128xf32, #tpu.memory_space<vmem>> -> memref<1x8x128xf32, #tpu.memory_space<vmem>>
        %dma_start3A_2667 = tpu.memref_squeeze %dma_start3A_2666 : memref<1x8x128xf32, #tpu.memory_space<vmem>> -> memref<8x128xf32, #tpu.memory_space<vmem>>
        %dma_start3A_2668 = arith.constant 24 : i32
        %dma_start3A_2669 = tpu.memref_slice %arg4[%dma_start3A_2668, %multiple_of3A_2617] : memref<32x1000000xf32, #tpu.memory_space<hbm>> -> memref<8x128xf32, #tpu.memory_space<hbm>>
        tpu.enqueue_dma source(%dma_start3A_2669 : memref<8x128xf32, #tpu.memory_space<hbm>>) target(%dma_start3A_2667 : memref<8x128xf32, #tpu.memory_space<vmem>>) target_semaphore(%arg20 : memref<!tpu.dma_semaphore, #tpu.memory_space<semaphore_mem>>)
      } else {
      }
      %dma_wait3A_2186 = arith.constant 11 : i32
      %dma_wait3A_2187 = arith.constant 0 : i32
      %dma_wait3A_2188 = arith.constant 0 : i32
      %dma_wait3A_2189 = tpu.memref_slice %arg8[%dma_wait3A_2186, %dma_wait3A_2187, %dma_wait3A_2188] : memref<16x32x128xf32, #tpu.memory_space<vmem>> -> memref<1x8x128xf32, #tpu.memory_space<vmem>>
      %dma_wait3A_2190 = tpu.memref_squeeze %dma_wait3A_2189 : memref<1x8x128xf32, #tpu.memory_space<vmem>> -> memref<8x128xf32, #tpu.memory_space<vmem>>
      %dma_wait3A_2191 = arith.constant 0 : i32
      %dma_wait3A_2192 = arith.constant 0 : i32
      %dma_wait3A_2193 = tpu.memref_slice %arg4[%dma_wait3A_2191, %dma_wait3A_2192] : memref<32x1000000xf32, #tpu.memory_space<hbm>> -> memref<8x128xf32, #tpu.memory_space<hbm>>
      %dma_wait3A_2194 = arith.constant 0 : i32
      %dma_wait3A_2195 = arith.constant 0 : i32
      %dma_wait3A_2196 = tpu.memref_slice %arg8[%dma_wait3A_2186, %dma_wait3A_2194, %dma_wait3A_2195] : memref<16x32x128xf32, #tpu.memory_space<vmem>> -> memref<1x8x128xf32, #tpu.memory_space<vmem>>
      %dma_wait3A_2197 = tpu.memref_squeeze %dma_wait3A_2196 : memref<1x8x128xf32, #tpu.memory_space<vmem>> -> memref<8x128xf32, #tpu.memory_space<vmem>>
      %dma_wait3A_2198 = arith.constant 0 : i32
      %dma_wait3A_2199 = arith.constant 0 : i32
      %dma_wait3A_2200 = tpu.memref_slice %arg4[%dma_wait3A_2198, %dma_wait3A_2199] : memref<32x1000000xf32, #tpu.memory_space<hbm>> -> memref<8x128xf32, #tpu.memory_space<hbm>>
      tpu.wait_dma2 semaphore(%arg21 : memref<!tpu.dma_semaphore, #tpu.memory_space<semaphore_mem>>) src(%dma_wait3A_2200 : memref<8x128xf32, #tpu.memory_space<hbm>>) dst(%dma_wait3A_2197 : memref<8x128xf32, #tpu.memory_space<vmem>>)
      %dma_wait3A_2201 = arith.constant 11 : i32
      %dma_wait3A_2202 = arith.constant 0 : i32
      %dma_wait3A_2203 = arith.constant 0 : i32
      %dma_wait3A_2204 = tpu.memref_slice %arg8[%dma_wait3A_2201, %dma_wait3A_2202, %dma_wait3A_2203] : memref<16x32x128xf32, #tpu.memory_space<vmem>> -> memref<1x8x128xf32, #tpu.memory_space<vmem>>
      %dma_wait3A_2205 = tpu.memref_squeeze %dma_wait3A_2204 : memref<1x8x128xf32, #tpu.memory_space<vmem>> -> memref<8x128xf32, #tpu.memory_space<vmem>>
      %dma_wait3A_2206 = arith.constant 0 : i32
      %dma_wait3A_2207 = arith.constant 0 : i32
      %dma_wait3A_2208 = tpu.memref_slice %arg4[%dma_wait3A_2206, %dma_wait3A_2207] : memref<32x1000000xf32, #tpu.memory_space<hbm>> -> memref<8x128xf32, #tpu.memory_space<hbm>>
      %dma_wait3A_2209 = arith.constant 0 : i32
      %dma_wait3A_2210 = arith.constant 0 : i32
      %dma_wait3A_2211 = tpu.memref_slice %arg8[%dma_wait3A_2201, %dma_wait3A_2209, %dma_wait3A_2210] : memref<16x32x128xf32, #tpu.memory_space<vmem>> -> memref<1x8x128xf32, #tpu.memory_space<vmem>>
      %dma_wait3A_2212 = tpu.memref_squeeze %dma_wait3A_2211 : memref<1x8x128xf32, #tpu.memory_space<vmem>> -> memref<8x128xf32, #tpu.memory_space<vmem>>
      %dma_wait3A_2213 = arith.constant 0 : i32
      %dma_wait3A_2214 = arith.constant 0 : i32
      %dma_wait3A_2215 = tpu.memref_slice %arg4[%dma_wait3A_2213, %dma_wait3A_2214] : memref<32x1000000xf32, #tpu.memory_space<hbm>> -> memref<8x128xf32, #tpu.memory_space<hbm>>
      tpu.wait_dma2 semaphore(%arg21 : memref<!tpu.dma_semaphore, #tpu.memory_space<semaphore_mem>>) src(%dma_wait3A_2215 : memref<8x128xf32, #tpu.memory_space<hbm>>) dst(%dma_wait3A_2212 : memref<8x128xf32, #tpu.memory_space<vmem>>)
      %dma_wait3A_2216 = arith.constant 11 : i32
      %dma_wait3A_2217 = arith.constant 0 : i32
      %dma_wait3A_2218 = arith.constant 0 : i32
      %dma_wait3A_2219 = tpu.memref_slice %arg8[%dma_wait3A_2216, %dma_wait3A_2217, %dma_wait3A_2218] : memref<16x32x128xf32, #tpu.memory_space<vmem>> -> memref<1x8x128xf32, #tpu.memory_space<vmem>>
      %dma_wait3A_2220 = tpu.memref_squeeze %dma_wait3A_2219 : memref<1x8x128xf32, #tpu.memory_space<vmem>> -> memref<8x128xf32, #tpu.memory_space<vmem>>
      %dma_wait3A_2221 = arith.constant 0 : i32
      %dma_wait3A_2222 = arith.constant 0 : i32
      %dma_wait3A_2223 = tpu.memref_slice %arg4[%dma_wait3A_2221, %dma_wait3A_2222] : memref<32x1000000xf32, #tpu.memory_space<hbm>> -> memref<8x128xf32, #tpu.memory_space<hbm>>
      %dma_wait3A_2224 = arith.constant 0 : i32
      %dma_wait3A_2225 = arith.constant 0 : i32
      %dma_wait3A_2226 = tpu.memref_slice %arg8[%dma_wait3A_2216, %dma_wait3A_2224, %dma_wait3A_2225] : memref<16x32x128xf32, #tpu.memory_space<vmem>> -> memref<1x8x128xf32, #tpu.memory_space<vmem>>
      %dma_wait3A_2227 = tpu.memref_squeeze %dma_wait3A_2226 : memref<1x8x128xf32, #tpu.memory_space<vmem>> -> memref<8x128xf32, #tpu.memory_space<vmem>>
      %dma_wait3A_2228 = arith.constant 0 : i32
      %dma_wait3A_2229 = arith.constant 0 : i32
      %dma_wait3A_2230 = tpu.memref_slice %arg4[%dma_wait3A_2228, %dma_wait3A_2229] : memref<32x1000000xf32, #tpu.memory_space<hbm>> -> memref<8x128xf32, #tpu.memory_space<hbm>>
      tpu.wait_dma2 semaphore(%arg21 : memref<!tpu.dma_semaphore, #tpu.memory_space<semaphore_mem>>) src(%dma_wait3A_2230 : memref<8x128xf32, #tpu.memory_space<hbm>>) dst(%dma_wait3A_2227 : memref<8x128xf32, #tpu.memory_space<vmem>>)
      %dma_wait3A_2231 = arith.constant 11 : i32
      %dma_wait3A_2232 = arith.constant 0 : i32
      %dma_wait3A_2233 = arith.constant 0 : i32
      %dma_wait3A_2234 = tpu.memref_slice %arg8[%dma_wait3A_2231, %dma_wait3A_2232, %dma_wait3A_2233] : memref<16x32x128xf32, #tpu.memory_space<vmem>> -> memref<1x8x128xf32, #tpu.memory_space<vmem>>
      %dma_wait3A_2235 = tpu.memref_squeeze %dma_wait3A_2234 : memref<1x8x128xf32, #tpu.memory_space<vmem>> -> memref<8x128xf32, #tpu.memory_space<vmem>>
      %dma_wait3A_2236 = arith.constant 0 : i32
      %dma_wait3A_2237 = arith.constant 0 : i32
      %dma_wait3A_2238 = tpu.memref_slice %arg4[%dma_wait3A_2236, %dma_wait3A_2237] : memref<32x1000000xf32, #tpu.memory_space<hbm>> -> memref<8x128xf32, #tpu.memory_space<hbm>>
      %dma_wait3A_2239 = arith.constant 0 : i32
      %dma_wait3A_2240 = arith.constant 0 : i32
      %dma_wait3A_2241 = tpu.memref_slice %arg8[%dma_wait3A_2231, %dma_wait3A_2239, %dma_wait3A_2240] : memref<16x32x128xf32, #tpu.memory_space<vmem>> -> memref<1x8x128xf32, #tpu.memory_space<vmem>>
      %dma_wait3A_2242 = tpu.memref_squeeze %dma_wait3A_2241 : memref<1x8x128xf32, #tpu.memory_space<vmem>> -> memref<8x128xf32, #tpu.memory_space<vmem>>
      %dma_wait3A_2243 = arith.constant 0 : i32
      %dma_wait3A_2244 = arith.constant 0 : i32
      %dma_wait3A_2245 = tpu.memref_slice %arg4[%dma_wait3A_2243, %dma_wait3A_2244] : memref<32x1000000xf32, #tpu.memory_space<hbm>> -> memref<8x128xf32, #tpu.memory_space<hbm>>
      tpu.wait_dma2 semaphore(%arg21 : memref<!tpu.dma_semaphore, #tpu.memory_space<semaphore_mem>>) src(%dma_wait3A_2245 : memref<8x128xf32, #tpu.memory_space<hbm>>) dst(%dma_wait3A_2242 : memref<8x128xf32, #tpu.memory_space<vmem>>)
      %slice3A_2246 = vector.extract_strided_slice %rem3A_1215 {offsets = [11], sizes = [1], strides = [1]} : vector<16xi32> to vector<1xi32>
      %squeeze3A_2247 = vector.extract %slice3A_2246[0] : i32 from vector<1xi32>
      %broadcast_in_dim3A_2248 = vector.broadcast %squeeze3A_2247 : i32 to vector<16xi32>
      %broadcast_in_dim3A_2249 = arith.constant 11 : i32
      %broadcast_in_dim3A_2250 = vector.broadcast %broadcast_in_dim3A_2249 : i32 to vector<16xi32>
      %mul3A_2251 = arith.constant 16 : i32
      %mul3A_2252 = arith.muli %scan3A_1211, %mul3A_2251 : i32
      %add3A_2253 = arith.constant 11 : i32
      %add3A_2254 = arith.addi %mul3A_2252, %add3A_2253 : i32
      %broadcast_in_dim3A_2255 = vector.broadcast %add3A_2254 : i32 to vector<16xi32>
      %gather3A_2256 = tpu.vector_load_idx %arg8[%broadcast_in_dim3A_2250, %iota3A, %broadcast_in_dim3A_2248] : memref<16x32x128xf32, #tpu.memory_space<vmem>>[vector<16xi32>, vector<16xi32>, vector<16xi32>], vector<16xf32>,
      %gather3A_2257 = tpu.vector_load_idx %arg8[%broadcast_in_dim3A_2250, %add3A_5, %broadcast_in_dim3A_2248] : memref<16x32x128xf32, #tpu.memory_space<vmem>>[vector<16xi32>, vector<16xi32>, vector<16xi32>], vector<16xf32>,
      %gather3A_2258 = tpu.vector_load_idx %arg7[%iota3A, %broadcast_in_dim3A_2255] : memref<32x512xf32, #tpu.memory_space<vmem>>[vector<16xi32>, vector<16xi32>], vector<16xf32>,
      %gather3A_2259 = tpu.vector_load_idx %arg7[%add3A_5, %broadcast_in_dim3A_2255] : memref<32x512xf32, #tpu.memory_space<vmem>>[vector<16xi32>, vector<16xi32>], vector<16xf32>,
      %sub3A_2260 = arith.subf %gather3A_2258, %gather3A_2256 : vector<16xf32>
      %sub3A_2261 = arith.subf %gather3A_2259, %gather3A_2257 : vector<16xf32>
      %mul3A_2262 = arith.mulf %sub3A_2260, %sub3A_2260 : vector<16xf32>
      %add3A_2263 = arith.addf %add3A_2180, %mul3A_2262 : vector<16xf32>
      %mul3A_2264 = arith.mulf %sub3A_2261, %sub3A_2261 : vector<16xf32>
      %add3A_2265 = arith.addf %add3A_2263, %mul3A_2264 : vector<16xf32>
      %lt3A_2266 = arith.constant 31 : i32
      %lt3A_2267 = arith.cmpi slt, %scan3A_1211, %lt3A_2266 : i32
      %convert_element_type3A_2268 = arith.extui %lt3A_2267 : i1 to i32
      %cond3A_2269 = arith.constant 0 : i32
      %cond3A_2270 = arith.cmpi ne, %convert_element_type3A_2268, %cond3A_2269 : i32
      scf.if %cond3A_2270 {
        %slice3A_2611 = vector.extract_strided_slice %get3A_1254 {offsets = [11], sizes = [1], strides = [1]} : vector<16xi32> to vector<1xi32>
        %squeeze3A_2612 = vector.extract %slice3A_2611[0] : i32 from vector<1xi32>
        %shift_right_arithmetic3A_2613 = arith.constant 7 : i32
        %shift_right_arithmetic3A_2614 = arith.shrsi %squeeze3A_2612, %shift_right_arithmetic3A_2613 : i32
        %shift_left3A_2615 = arith.constant 7 : i32
        %shift_left3A_2616 = arith.shli %shift_right_arithmetic3A_2614, %shift_left3A_2615 : i32
        %multiple_of3A_2617 = tpu.assume_multiple %shift_left3A_2616, 128 : i32
        %dma_start3A_2618 = arith.constant 11 : i32
        %dma_start3A_2619 = arith.constant 0 : i32
        %dma_start3A_2620 = arith.constant 0 : i32
        %dma_start3A_2621 = tpu.memref_slice %arg8[%dma_start3A_2618, %dma_start3A_2619, %dma_start3A_2620] : memref<16x32x128xf32, #tpu.memory_space<vmem>> -> memref<1x8x128xf32, #tpu.memory_space<vmem>>
        %dma_start3A_2622 = tpu.memref_squeeze %dma_start3A_2621 : memref<1x8x128xf32, #tpu.memory_space<vmem>> -> memref<8x128xf32, #tpu.memory_space<vmem>>
        %dma_start3A_2623 = arith.constant 0 : i32
        %dma_start3A_2624 = tpu.memref_slice %arg4[%dma_start3A_2623, %multiple_of3A_2617] : memref<32x1000000xf32, #tpu.memory_space<hbm>> -> memref<8x128xf32, #tpu.memory_space<hbm>>
        %dma_start3A_2625 = arith.constant 0 : i32
        %dma_start3A_2626 = arith.constant 0 : i32
        %dma_start3A_2627 = tpu.memref_slice %arg8[%dma_start3A_2618, %dma_start3A_2625, %dma_start3A_2626] : memref<16x32x128xf32, #tpu.memory_space<vmem>> -> memref<1x8x128xf32, #tpu.memory_space<vmem>>
        %dma_start3A_2628 = tpu.memref_squeeze %dma_start3A_2627 : memref<1x8x128xf32, #tpu.memory_space<vmem>> -> memref<8x128xf32, #tpu.memory_space<vmem>>
        %dma_start3A_2629 = arith.constant 0 : i32
        %dma_start3A_2630 = tpu.memref_slice %arg4[%dma_start3A_2629, %multiple_of3A_2617] : memref<32x1000000xf32, #tpu.memory_space<hbm>> -> memref<8x128xf32, #tpu.memory_space<hbm>>
        tpu.enqueue_dma source(%dma_start3A_2630 : memref<8x128xf32, #tpu.memory_space<hbm>>) target(%dma_start3A_2628 : memref<8x128xf32, #tpu.memory_space<vmem>>) target_semaphore(%arg21 : memref<!tpu.dma_semaphore, #tpu.memory_space<semaphore_mem>>)
        %dma_start3A_2631 = arith.constant 11 : i32
        %dma_start3A_2632 = arith.constant 8 : i32
        %dma_start3A_2633 = arith.constant 0 : i32
        %dma_start3A_2634 = tpu.memref_slice %arg8[%dma_start3A_2631, %dma_start3A_2632, %dma_start3A_2633] : memref<16x32x128xf32, #tpu.memory_space<vmem>> -> memref<1x8x128xf32, #tpu.memory_space<vmem>>
        %dma_start3A_2635 = tpu.memref_squeeze %dma_start3A_2634 : memref<1x8x128xf32, #tpu.memory_space<vmem>> -> memref<8x128xf32, #tpu.memory_space<vmem>>
        %dma_start3A_2636 = arith.constant 8 : i32
        %dma_start3A_2637 = tpu.memref_slice %arg4[%dma_start3A_2636, %multiple_of3A_2617] : memref<32x1000000xf32, #tpu.memory_space<hbm>> -> memref<8x128xf32, #tpu.memory_space<hbm>>
        %dma_start3A_2638 = arith.constant 8 : i32
        %dma_start3A_2639 = arith.constant 0 : i32
        %dma_start3A_2640 = tpu.memref_slice %arg8[%dma_start3A_2631, %dma_start3A_2638, %dma_start3A_2639] : memref<16x32x128xf32, #tpu.memory_space<vmem>> -> memref<1x8x128xf32, #tpu.memory_space<vmem>>
        %dma_start3A_2641 = tpu.memref_squeeze %dma_start3A_2640 : memref<1x8x128xf32, #tpu.memory_space<vmem>> -> memref<8x128xf32, #tpu.memory_space<vmem>>
        %dma_start3A_2642 = arith.constant 8 : i32
        %dma_start3A_2643 = tpu.memref_slice %arg4[%dma_start3A_2642, %multiple_of3A_2617] : memref<32x1000000xf32, #tpu.memory_space<hbm>> -> memref<8x128xf32, #tpu.memory_space<hbm>>
        tpu.enqueue_dma source(%dma_start3A_2643 : memref<8x128xf32, #tpu.memory_space<hbm>>) target(%dma_start3A_2641 : memref<8x128xf32, #tpu.memory_space<vmem>>) target_semaphore(%arg21 : memref<!tpu.dma_semaphore, #tpu.memory_space<semaphore_mem>>)
        %dma_start3A_2644 = arith.constant 11 : i32
        %dma_start3A_2645 = arith.constant 16 : i32
        %dma_start3A_2646 = arith.constant 0 : i32
        %dma_start3A_2647 = tpu.memref_slice %arg8[%dma_start3A_2644, %dma_start3A_2645, %dma_start3A_2646] : memref<16x32x128xf32, #tpu.memory_space<vmem>> -> memref<1x8x128xf32, #tpu.memory_space<vmem>>
        %dma_start3A_2648 = tpu.memref_squeeze %dma_start3A_2647 : memref<1x8x128xf32, #tpu.memory_space<vmem>> -> memref<8x128xf32, #tpu.memory_space<vmem>>
        %dma_start3A_2649 = arith.constant 16 : i32
        %dma_start3A_2650 = tpu.memref_slice %arg4[%dma_start3A_2649, %multiple_of3A_2617] : memref<32x1000000xf32, #tpu.memory_space<hbm>> -> memref<8x128xf32, #tpu.memory_space<hbm>>
        %dma_start3A_2651 = arith.constant 16 : i32
        %dma_start3A_2652 = arith.constant 0 : i32
        %dma_start3A_2653 = tpu.memref_slice %arg8[%dma_start3A_2644, %dma_start3A_2651, %dma_start3A_2652] : memref<16x32x128xf32, #tpu.memory_space<vmem>> -> memref<1x8x128xf32, #tpu.memory_space<vmem>>
        %dma_start3A_2654 = tpu.memref_squeeze %dma_start3A_2653 : memref<1x8x128xf32, #tpu.memory_space<vmem>> -> memref<8x128xf32, #tpu.memory_space<vmem>>
        %dma_start3A_2655 = arith.constant 16 : i32
        %dma_start3A_2656 = tpu.memref_slice %arg4[%dma_start3A_2655, %multiple_of3A_2617] : memref<32x1000000xf32, #tpu.memory_space<hbm>> -> memref<8x128xf32, #tpu.memory_space<hbm>>
        tpu.enqueue_dma source(%dma_start3A_2656 : memref<8x128xf32, #tpu.memory_space<hbm>>) target(%dma_start3A_2654 : memref<8x128xf32, #tpu.memory_space<vmem>>) target_semaphore(%arg21 : memref<!tpu.dma_semaphore, #tpu.memory_space<semaphore_mem>>)
        %dma_start3A_2657 = arith.constant 11 : i32
        %dma_start3A_2658 = arith.constant 24 : i32
        %dma_start3A_2659 = arith.constant 0 : i32
        %dma_start3A_2660 = tpu.memref_slice %arg8[%dma_start3A_2657, %dma_start3A_2658, %dma_start3A_2659] : memref<16x32x128xf32, #tpu.memory_space<vmem>> -> memref<1x8x128xf32, #tpu.memory_space<vmem>>
        %dma_start3A_2661 = tpu.memref_squeeze %dma_start3A_2660 : memref<1x8x128xf32, #tpu.memory_space<vmem>> -> memref<8x128xf32, #tpu.memory_space<vmem>>
        %dma_start3A_2662 = arith.constant 24 : i32
        %dma_start3A_2663 = tpu.memref_slice %arg4[%dma_start3A_2662, %multiple_of3A_2617] : memref<32x1000000xf32, #tpu.memory_space<hbm>> -> memref<8x128xf32, #tpu.memory_space<hbm>>
        %dma_start3A_2664 = arith.constant 24 : i32
        %dma_start3A_2665 = arith.constant 0 : i32
        %dma_start3A_2666 = tpu.memref_slice %arg8[%dma_start3A_2657, %dma_start3A_2664, %dma_start3A_2665] : memref<16x32x128xf32, #tpu.memory_space<vmem>> -> memref<1x8x128xf32, #tpu.memory_space<vmem>>
        %dma_start3A_2667 = tpu.memref_squeeze %dma_start3A_2666 : memref<1x8x128xf32, #tpu.memory_space<vmem>> -> memref<8x128xf32, #tpu.memory_space<vmem>>
        %dma_start3A_2668 = arith.constant 24 : i32
        %dma_start3A_2669 = tpu.memref_slice %arg4[%dma_start3A_2668, %multiple_of3A_2617] : memref<32x1000000xf32, #tpu.memory_space<hbm>> -> memref<8x128xf32, #tpu.memory_space<hbm>>
        tpu.enqueue_dma source(%dma_start3A_2669 : memref<8x128xf32, #tpu.memory_space<hbm>>) target(%dma_start3A_2667 : memref<8x128xf32, #tpu.memory_space<vmem>>) target_semaphore(%arg21 : memref<!tpu.dma_semaphore, #tpu.memory_space<semaphore_mem>>)
      } else {
      }
      %dma_wait3A_2271 = arith.constant 12 : i32
      %dma_wait3A_2272 = arith.constant 0 : i32
      %dma_wait3A_2273 = arith.constant 0 : i32
      %dma_wait3A_2274 = tpu.memref_slice %arg8[%dma_wait3A_2271, %dma_wait3A_2272, %dma_wait3A_2273] : memref<16x32x128xf32, #tpu.memory_space<vmem>> -> memref<1x8x128xf32, #tpu.memory_space<vmem>>
      %dma_wait3A_2275 = tpu.memref_squeeze %dma_wait3A_2274 : memref<1x8x128xf32, #tpu.memory_space<vmem>> -> memref<8x128xf32, #tpu.memory_space<vmem>>
      %dma_wait3A_2276 = arith.constant 0 : i32
      %dma_wait3A_2277 = arith.constant 0 : i32
      %dma_wait3A_2278 = tpu.memref_slice %arg4[%dma_wait3A_2276, %dma_wait3A_2277] : memref<32x1000000xf32, #tpu.memory_space<hbm>> -> memref<8x128xf32, #tpu.memory_space<hbm>>
      %dma_wait3A_2279 = arith.constant 0 : i32
      %dma_wait3A_2280 = arith.constant 0 : i32
      %dma_wait3A_2281 = tpu.memref_slice %arg8[%dma_wait3A_2271, %dma_wait3A_2279, %dma_wait3A_2280] : memref<16x32x128xf32, #tpu.memory_space<vmem>> -> memref<1x8x128xf32, #tpu.memory_space<vmem>>
      %dma_wait3A_2282 = tpu.memref_squeeze %dma_wait3A_2281 : memref<1x8x128xf32, #tpu.memory_space<vmem>> -> memref<8x128xf32, #tpu.memory_space<vmem>>
      %dma_wait3A_2283 = arith.constant 0 : i32
      %dma_wait3A_2284 = arith.constant 0 : i32
      %dma_wait3A_2285 = tpu.memref_slice %arg4[%dma_wait3A_2283, %dma_wait3A_2284] : memref<32x1000000xf32, #tpu.memory_space<hbm>> -> memref<8x128xf32, #tpu.memory_space<hbm>>
      tpu.wait_dma2 semaphore(%arg22 : memref<!tpu.dma_semaphore, #tpu.memory_space<semaphore_mem>>) src(%dma_wait3A_2285 : memref<8x128xf32, #tpu.memory_space<hbm>>) dst(%dma_wait3A_2282 : memref<8x128xf32, #tpu.memory_space<vmem>>)
      %dma_wait3A_2286 = arith.constant 12 : i32
      %dma_wait3A_2287 = arith.constant 0 : i32
      %dma_wait3A_2288 = arith.constant 0 : i32
      %dma_wait3A_2289 = tpu.memref_slice %arg8[%dma_wait3A_2286, %dma_wait3A_2287, %dma_wait3A_2288] : memref<16x32x128xf32, #tpu.memory_space<vmem>> -> memref<1x8x128xf32, #tpu.memory_space<vmem>>
      %dma_wait3A_2290 = tpu.memref_squeeze %dma_wait3A_2289 : memref<1x8x128xf32, #tpu.memory_space<vmem>> -> memref<8x128xf32, #tpu.memory_space<vmem>>
      %dma_wait3A_2291 = arith.constant 0 : i32
      %dma_wait3A_2292 = arith.constant 0 : i32
      %dma_wait3A_2293 = tpu.memref_slice %arg4[%dma_wait3A_2291, %dma_wait3A_2292] : memref<32x1000000xf32, #tpu.memory_space<hbm>> -> memref<8x128xf32, #tpu.memory_space<hbm>>
      %dma_wait3A_2294 = arith.constant 0 : i32
      %dma_wait3A_2295 = arith.constant 0 : i32
      %dma_wait3A_2296 = tpu.memref_slice %arg8[%dma_wait3A_2286, %dma_wait3A_2294, %dma_wait3A_2295] : memref<16x32x128xf32, #tpu.memory_space<vmem>> -> memref<1x8x128xf32, #tpu.memory_space<vmem>>
      %dma_wait3A_2297 = tpu.memref_squeeze %dma_wait3A_2296 : memref<1x8x128xf32, #tpu.memory_space<vmem>> -> memref<8x128xf32, #tpu.memory_space<vmem>>
      %dma_wait3A_2298 = arith.constant 0 : i32
      %dma_wait3A_2299 = arith.constant 0 : i32
      %dma_wait3A_2300 = tpu.memref_slice %arg4[%dma_wait3A_2298, %dma_wait3A_2299] : memref<32x1000000xf32, #tpu.memory_space<hbm>> -> memref<8x128xf32, #tpu.memory_space<hbm>>
      tpu.wait_dma2 semaphore(%arg22 : memref<!tpu.dma_semaphore, #tpu.memory_space<semaphore_mem>>) src(%dma_wait3A_2300 : memref<8x128xf32, #tpu.memory_space<hbm>>) dst(%dma_wait3A_2297 : memref<8x128xf32, #tpu.memory_space<vmem>>)
      %dma_wait3A_2301 = arith.constant 12 : i32
      %dma_wait3A_2302 = arith.constant 0 : i32
      %dma_wait3A_2303 = arith.constant 0 : i32
      %dma_wait3A_2304 = tpu.memref_slice %arg8[%dma_wait3A_2301, %dma_wait3A_2302, %dma_wait3A_2303] : memref<16x32x128xf32, #tpu.memory_space<vmem>> -> memref<1x8x128xf32, #tpu.memory_space<vmem>>
      %dma_wait3A_2305 = tpu.memref_squeeze %dma_wait3A_2304 : memref<1x8x128xf32, #tpu.memory_space<vmem>> -> memref<8x128xf32, #tpu.memory_space<vmem>>
      %dma_wait3A_2306 = arith.constant 0 : i32
      %dma_wait3A_2307 = arith.constant 0 : i32
      %dma_wait3A_2308 = tpu.memref_slice %arg4[%dma_wait3A_2306, %dma_wait3A_2307] : memref<32x1000000xf32, #tpu.memory_space<hbm>> -> memref<8x128xf32, #tpu.memory_space<hbm>>
      %dma_wait3A_2309 = arith.constant 0 : i32
      %dma_wait3A_2310 = arith.constant 0 : i32
      %dma_wait3A_2311 = tpu.memref_slice %arg8[%dma_wait3A_2301, %dma_wait3A_2309, %dma_wait3A_2310] : memref<16x32x128xf32, #tpu.memory_space<vmem>> -> memref<1x8x128xf32, #tpu.memory_space<vmem>>
      %dma_wait3A_2312 = tpu.memref_squeeze %dma_wait3A_2311 : memref<1x8x128xf32, #tpu.memory_space<vmem>> -> memref<8x128xf32, #tpu.memory_space<vmem>>
      %dma_wait3A_2313 = arith.constant 0 : i32
      %dma_wait3A_2314 = arith.constant 0 : i32
      %dma_wait3A_2315 = tpu.memref_slice %arg4[%dma_wait3A_2313, %dma_wait3A_2314] : memref<32x1000000xf32, #tpu.memory_space<hbm>> -> memref<8x128xf32, #tpu.memory_space<hbm>>
      tpu.wait_dma2 semaphore(%arg22 : memref<!tpu.dma_semaphore, #tpu.memory_space<semaphore_mem>>) src(%dma_wait3A_2315 : memref<8x128xf32, #tpu.memory_space<hbm>>) dst(%dma_wait3A_2312 : memref<8x128xf32, #tpu.memory_space<vmem>>)
      %dma_wait3A_2316 = arith.constant 12 : i32
      %dma_wait3A_2317 = arith.constant 0 : i32
      %dma_wait3A_2318 = arith.constant 0 : i32
      %dma_wait3A_2319 = tpu.memref_slice %arg8[%dma_wait3A_2316, %dma_wait3A_2317, %dma_wait3A_2318] : memref<16x32x128xf32, #tpu.memory_space<vmem>> -> memref<1x8x128xf32, #tpu.memory_space<vmem>>
      %dma_wait3A_2320 = tpu.memref_squeeze %dma_wait3A_2319 : memref<1x8x128xf32, #tpu.memory_space<vmem>> -> memref<8x128xf32, #tpu.memory_space<vmem>>
      %dma_wait3A_2321 = arith.constant 0 : i32
      %dma_wait3A_2322 = arith.constant 0 : i32
      %dma_wait3A_2323 = tpu.memref_slice %arg4[%dma_wait3A_2321, %dma_wait3A_2322] : memref<32x1000000xf32, #tpu.memory_space<hbm>> -> memref<8x128xf32, #tpu.memory_space<hbm>>
      %dma_wait3A_2324 = arith.constant 0 : i32
      %dma_wait3A_2325 = arith.constant 0 : i32
      %dma_wait3A_2326 = tpu.memref_slice %arg8[%dma_wait3A_2316, %dma_wait3A_2324, %dma_wait3A_2325] : memref<16x32x128xf32, #tpu.memory_space<vmem>> -> memref<1x8x128xf32, #tpu.memory_space<vmem>>
      %dma_wait3A_2327 = tpu.memref_squeeze %dma_wait3A_2326 : memref<1x8x128xf32, #tpu.memory_space<vmem>> -> memref<8x128xf32, #tpu.memory_space<vmem>>
      %dma_wait3A_2328 = arith.constant 0 : i32
      %dma_wait3A_2329 = arith.constant 0 : i32
      %dma_wait3A_2330 = tpu.memref_slice %arg4[%dma_wait3A_2328, %dma_wait3A_2329] : memref<32x1000000xf32, #tpu.memory_space<hbm>> -> memref<8x128xf32, #tpu.memory_space<hbm>>
      tpu.wait_dma2 semaphore(%arg22 : memref<!tpu.dma_semaphore, #tpu.memory_space<semaphore_mem>>) src(%dma_wait3A_2330 : memref<8x128xf32, #tpu.memory_space<hbm>>) dst(%dma_wait3A_2327 : memref<8x128xf32, #tpu.memory_space<vmem>>)
      %slice3A_2331 = vector.extract_strided_slice %rem3A_1215 {offsets = [12], sizes = [1], strides = [1]} : vector<16xi32> to vector<1xi32>
      %squeeze3A_2332 = vector.extract %slice3A_2331[0] : i32 from vector<1xi32>
      %broadcast_in_dim3A_2333 = vector.broadcast %squeeze3A_2332 : i32 to vector<16xi32>
      %broadcast_in_dim3A_2334 = arith.constant 12 : i32
      %broadcast_in_dim3A_2335 = vector.broadcast %broadcast_in_dim3A_2334 : i32 to vector<16xi32>
      %mul3A_2336 = arith.constant 16 : i32
      %mul3A_2337 = arith.muli %scan3A_1211, %mul3A_2336 : i32
      %add3A_2338 = arith.constant 12 : i32
      %add3A_2339 = arith.addi %mul3A_2337, %add3A_2338 : i32
      %broadcast_in_dim3A_2340 = vector.broadcast %add3A_2339 : i32 to vector<16xi32>
      %gather3A_2341 = tpu.vector_load_idx %arg8[%broadcast_in_dim3A_2335, %iota3A, %broadcast_in_dim3A_2333] : memref<16x32x128xf32, #tpu.memory_space<vmem>>[vector<16xi32>, vector<16xi32>, vector<16xi32>], vector<16xf32>,
      %gather3A_2342 = tpu.vector_load_idx %arg8[%broadcast_in_dim3A_2335, %add3A_5, %broadcast_in_dim3A_2333] : memref<16x32x128xf32, #tpu.memory_space<vmem>>[vector<16xi32>, vector<16xi32>, vector<16xi32>], vector<16xf32>,
      %gather3A_2343 = tpu.vector_load_idx %arg7[%iota3A, %broadcast_in_dim3A_2340] : memref<32x512xf32, #tpu.memory_space<vmem>>[vector<16xi32>, vector<16xi32>], vector<16xf32>,
      %gather3A_2344 = tpu.vector_load_idx %arg7[%add3A_5, %broadcast_in_dim3A_2340] : memref<32x512xf32, #tpu.memory_space<vmem>>[vector<16xi32>, vector<16xi32>], vector<16xf32>,
      %sub3A_2345 = arith.subf %gather3A_2343, %gather3A_2341 : vector<16xf32>
      %sub3A_2346 = arith.subf %gather3A_2344, %gather3A_2342 : vector<16xf32>
      %mul3A_2347 = arith.mulf %sub3A_2345, %sub3A_2345 : vector<16xf32>
      %add3A_2348 = arith.addf %add3A_2265, %mul3A_2347 : vector<16xf32>
      %mul3A_2349 = arith.mulf %sub3A_2346, %sub3A_2346 : vector<16xf32>
      %add3A_2350 = arith.addf %add3A_2348, %mul3A_2349 : vector<16xf32>
      %lt3A_2351 = arith.constant 31 : i32
      %lt3A_2352 = arith.cmpi slt, %scan3A_1211, %lt3A_2351 : i32
      %convert_element_type3A_2353 = arith.extui %lt3A_2352 : i1 to i32
      %cond3A_2354 = arith.constant 0 : i32
      %cond3A_2355 = arith.cmpi ne, %convert_element_type3A_2353, %cond3A_2354 : i32
      scf.if %cond3A_2355 {
        %slice3A_2611 = vector.extract_strided_slice %get3A_1254 {offsets = [12], sizes = [1], strides = [1]} : vector<16xi32> to vector<1xi32>
        %squeeze3A_2612 = vector.extract %slice3A_2611[0] : i32 from vector<1xi32>
        %shift_right_arithmetic3A_2613 = arith.constant 7 : i32
        %shift_right_arithmetic3A_2614 = arith.shrsi %squeeze3A_2612, %shift_right_arithmetic3A_2613 : i32
        %shift_left3A_2615 = arith.constant 7 : i32
        %shift_left3A_2616 = arith.shli %shift_right_arithmetic3A_2614, %shift_left3A_2615 : i32
        %multiple_of3A_2617 = tpu.assume_multiple %shift_left3A_2616, 128 : i32
        %dma_start3A_2618 = arith.constant 12 : i32
        %dma_start3A_2619 = arith.constant 0 : i32
        %dma_start3A_2620 = arith.constant 0 : i32
        %dma_start3A_2621 = tpu.memref_slice %arg8[%dma_start3A_2618, %dma_start3A_2619, %dma_start3A_2620] : memref<16x32x128xf32, #tpu.memory_space<vmem>> -> memref<1x8x128xf32, #tpu.memory_space<vmem>>
        %dma_start3A_2622 = tpu.memref_squeeze %dma_start3A_2621 : memref<1x8x128xf32, #tpu.memory_space<vmem>> -> memref<8x128xf32, #tpu.memory_space<vmem>>
        %dma_start3A_2623 = arith.constant 0 : i32
        %dma_start3A_2624 = tpu.memref_slice %arg4[%dma_start3A_2623, %multiple_of3A_2617] : memref<32x1000000xf32, #tpu.memory_space<hbm>> -> memref<8x128xf32, #tpu.memory_space<hbm>>
        %dma_start3A_2625 = arith.constant 0 : i32
        %dma_start3A_2626 = arith.constant 0 : i32
        %dma_start3A_2627 = tpu.memref_slice %arg8[%dma_start3A_2618, %dma_start3A_2625, %dma_start3A_2626] : memref<16x32x128xf32, #tpu.memory_space<vmem>> -> memref<1x8x128xf32, #tpu.memory_space<vmem>>
        %dma_start3A_2628 = tpu.memref_squeeze %dma_start3A_2627 : memref<1x8x128xf32, #tpu.memory_space<vmem>> -> memref<8x128xf32, #tpu.memory_space<vmem>>
        %dma_start3A_2629 = arith.constant 0 : i32
        %dma_start3A_2630 = tpu.memref_slice %arg4[%dma_start3A_2629, %multiple_of3A_2617] : memref<32x1000000xf32, #tpu.memory_space<hbm>> -> memref<8x128xf32, #tpu.memory_space<hbm>>
        tpu.enqueue_dma source(%dma_start3A_2630 : memref<8x128xf32, #tpu.memory_space<hbm>>) target(%dma_start3A_2628 : memref<8x128xf32, #tpu.memory_space<vmem>>) target_semaphore(%arg22 : memref<!tpu.dma_semaphore, #tpu.memory_space<semaphore_mem>>)
        %dma_start3A_2631 = arith.constant 12 : i32
        %dma_start3A_2632 = arith.constant 8 : i32
        %dma_start3A_2633 = arith.constant 0 : i32
        %dma_start3A_2634 = tpu.memref_slice %arg8[%dma_start3A_2631, %dma_start3A_2632, %dma_start3A_2633] : memref<16x32x128xf32, #tpu.memory_space<vmem>> -> memref<1x8x128xf32, #tpu.memory_space<vmem>>
        %dma_start3A_2635 = tpu.memref_squeeze %dma_start3A_2634 : memref<1x8x128xf32, #tpu.memory_space<vmem>> -> memref<8x128xf32, #tpu.memory_space<vmem>>
        %dma_start3A_2636 = arith.constant 8 : i32
        %dma_start3A_2637 = tpu.memref_slice %arg4[%dma_start3A_2636, %multiple_of3A_2617] : memref<32x1000000xf32, #tpu.memory_space<hbm>> -> memref<8x128xf32, #tpu.memory_space<hbm>>
        %dma_start3A_2638 = arith.constant 8 : i32
        %dma_start3A_2639 = arith.constant 0 : i32
        %dma_start3A_2640 = tpu.memref_slice %arg8[%dma_start3A_2631, %dma_start3A_2638, %dma_start3A_2639] : memref<16x32x128xf32, #tpu.memory_space<vmem>> -> memref<1x8x128xf32, #tpu.memory_space<vmem>>
        %dma_start3A_2641 = tpu.memref_squeeze %dma_start3A_2640 : memref<1x8x128xf32, #tpu.memory_space<vmem>> -> memref<8x128xf32, #tpu.memory_space<vmem>>
        %dma_start3A_2642 = arith.constant 8 : i32
        %dma_start3A_2643 = tpu.memref_slice %arg4[%dma_start3A_2642, %multiple_of3A_2617] : memref<32x1000000xf32, #tpu.memory_space<hbm>> -> memref<8x128xf32, #tpu.memory_space<hbm>>
        tpu.enqueue_dma source(%dma_start3A_2643 : memref<8x128xf32, #tpu.memory_space<hbm>>) target(%dma_start3A_2641 : memref<8x128xf32, #tpu.memory_space<vmem>>) target_semaphore(%arg22 : memref<!tpu.dma_semaphore, #tpu.memory_space<semaphore_mem>>)
        %dma_start3A_2644 = arith.constant 12 : i32
        %dma_start3A_2645 = arith.constant 16 : i32
        %dma_start3A_2646 = arith.constant 0 : i32
        %dma_start3A_2647 = tpu.memref_slice %arg8[%dma_start3A_2644, %dma_start3A_2645, %dma_start3A_2646] : memref<16x32x128xf32, #tpu.memory_space<vmem>> -> memref<1x8x128xf32, #tpu.memory_space<vmem>>
        %dma_start3A_2648 = tpu.memref_squeeze %dma_start3A_2647 : memref<1x8x128xf32, #tpu.memory_space<vmem>> -> memref<8x128xf32, #tpu.memory_space<vmem>>
        %dma_start3A_2649 = arith.constant 16 : i32
        %dma_start3A_2650 = tpu.memref_slice %arg4[%dma_start3A_2649, %multiple_of3A_2617] : memref<32x1000000xf32, #tpu.memory_space<hbm>> -> memref<8x128xf32, #tpu.memory_space<hbm>>
        %dma_start3A_2651 = arith.constant 16 : i32
        %dma_start3A_2652 = arith.constant 0 : i32
        %dma_start3A_2653 = tpu.memref_slice %arg8[%dma_start3A_2644, %dma_start3A_2651, %dma_start3A_2652] : memref<16x32x128xf32, #tpu.memory_space<vmem>> -> memref<1x8x128xf32, #tpu.memory_space<vmem>>
        %dma_start3A_2654 = tpu.memref_squeeze %dma_start3A_2653 : memref<1x8x128xf32, #tpu.memory_space<vmem>> -> memref<8x128xf32, #tpu.memory_space<vmem>>
        %dma_start3A_2655 = arith.constant 16 : i32
        %dma_start3A_2656 = tpu.memref_slice %arg4[%dma_start3A_2655, %multiple_of3A_2617] : memref<32x1000000xf32, #tpu.memory_space<hbm>> -> memref<8x128xf32, #tpu.memory_space<hbm>>
        tpu.enqueue_dma source(%dma_start3A_2656 : memref<8x128xf32, #tpu.memory_space<hbm>>) target(%dma_start3A_2654 : memref<8x128xf32, #tpu.memory_space<vmem>>) target_semaphore(%arg22 : memref<!tpu.dma_semaphore, #tpu.memory_space<semaphore_mem>>)
        %dma_start3A_2657 = arith.constant 12 : i32
        %dma_start3A_2658 = arith.constant 24 : i32
        %dma_start3A_2659 = arith.constant 0 : i32
        %dma_start3A_2660 = tpu.memref_slice %arg8[%dma_start3A_2657, %dma_start3A_2658, %dma_start3A_2659] : memref<16x32x128xf32, #tpu.memory_space<vmem>> -> memref<1x8x128xf32, #tpu.memory_space<vmem>>
        %dma_start3A_2661 = tpu.memref_squeeze %dma_start3A_2660 : memref<1x8x128xf32, #tpu.memory_space<vmem>> -> memref<8x128xf32, #tpu.memory_space<vmem>>
        %dma_start3A_2662 = arith.constant 24 : i32
        %dma_start3A_2663 = tpu.memref_slice %arg4[%dma_start3A_2662, %multiple_of3A_2617] : memref<32x1000000xf32, #tpu.memory_space<hbm>> -> memref<8x128xf32, #tpu.memory_space<hbm>>
        %dma_start3A_2664 = arith.constant 24 : i32
        %dma_start3A_2665 = arith.constant 0 : i32
        %dma_start3A_2666 = tpu.memref_slice %arg8[%dma_start3A_2657, %dma_start3A_2664, %dma_start3A_2665] : memref<16x32x128xf32, #tpu.memory_space<vmem>> -> memref<1x8x128xf32, #tpu.memory_space<vmem>>
        %dma_start3A_2667 = tpu.memref_squeeze %dma_start3A_2666 : memref<1x8x128xf32, #tpu.memory_space<vmem>> -> memref<8x128xf32, #tpu.memory_space<vmem>>
        %dma_start3A_2668 = arith.constant 24 : i32
        %dma_start3A_2669 = tpu.memref_slice %arg4[%dma_start3A_2668, %multiple_of3A_2617] : memref<32x1000000xf32, #tpu.memory_space<hbm>> -> memref<8x128xf32, #tpu.memory_space<hbm>>
        tpu.enqueue_dma source(%dma_start3A_2669 : memref<8x128xf32, #tpu.memory_space<hbm>>) target(%dma_start3A_2667 : memref<8x128xf32, #tpu.memory_space<vmem>>) target_semaphore(%arg22 : memref<!tpu.dma_semaphore, #tpu.memory_space<semaphore_mem>>)
      } else {
      }
      %dma_wait3A_2356 = arith.constant 13 : i32
      %dma_wait3A_2357 = arith.constant 0 : i32
      %dma_wait3A_2358 = arith.constant 0 : i32
      %dma_wait3A_2359 = tpu.memref_slice %arg8[%dma_wait3A_2356, %dma_wait3A_2357, %dma_wait3A_2358] : memref<16x32x128xf32, #tpu.memory_space<vmem>> -> memref<1x8x128xf32, #tpu.memory_space<vmem>>
      %dma_wait3A_2360 = tpu.memref_squeeze %dma_wait3A_2359 : memref<1x8x128xf32, #tpu.memory_space<vmem>> -> memref<8x128xf32, #tpu.memory_space<vmem>>
      %dma_wait3A_2361 = arith.constant 0 : i32
      %dma_wait3A_2362 = arith.constant 0 : i32
      %dma_wait3A_2363 = tpu.memref_slice %arg4[%dma_wait3A_2361, %dma_wait3A_2362] : memref<32x1000000xf32, #tpu.memory_space<hbm>> -> memref<8x128xf32, #tpu.memory_space<hbm>>
      %dma_wait3A_2364 = arith.constant 0 : i32
      %dma_wait3A_2365 = arith.constant 0 : i32
      %dma_wait3A_2366 = tpu.memref_slice %arg8[%dma_wait3A_2356, %dma_wait3A_2364, %dma_wait3A_2365] : memref<16x32x128xf32, #tpu.memory_space<vmem>> -> memref<1x8x128xf32, #tpu.memory_space<vmem>>
      %dma_wait3A_2367 = tpu.memref_squeeze %dma_wait3A_2366 : memref<1x8x128xf32, #tpu.memory_space<vmem>> -> memref<8x128xf32, #tpu.memory_space<vmem>>
      %dma_wait3A_2368 = arith.constant 0 : i32
      %dma_wait3A_2369 = arith.constant 0 : i32
      %dma_wait3A_2370 = tpu.memref_slice %arg4[%dma_wait3A_2368, %dma_wait3A_2369] : memref<32x1000000xf32, #tpu.memory_space<hbm>> -> memref<8x128xf32, #tpu.memory_space<hbm>>
      tpu.wait_dma2 semaphore(%arg23 : memref<!tpu.dma_semaphore, #tpu.memory_space<semaphore_mem>>) src(%dma_wait3A_2370 : memref<8x128xf32, #tpu.memory_space<hbm>>) dst(%dma_wait3A_2367 : memref<8x128xf32, #tpu.memory_space<vmem>>)
      %dma_wait3A_2371 = arith.constant 13 : i32
      %dma_wait3A_2372 = arith.constant 0 : i32
      %dma_wait3A_2373 = arith.constant 0 : i32
      %dma_wait3A_2374 = tpu.memref_slice %arg8[%dma_wait3A_2371, %dma_wait3A_2372, %dma_wait3A_2373] : memref<16x32x128xf32, #tpu.memory_space<vmem>> -> memref<1x8x128xf32, #tpu.memory_space<vmem>>
      %dma_wait3A_2375 = tpu.memref_squeeze %dma_wait3A_2374 : memref<1x8x128xf32, #tpu.memory_space<vmem>> -> memref<8x128xf32, #tpu.memory_space<vmem>>
      %dma_wait3A_2376 = arith.constant 0 : i32
      %dma_wait3A_2377 = arith.constant 0 : i32
      %dma_wait3A_2378 = tpu.memref_slice %arg4[%dma_wait3A_2376, %dma_wait3A_2377] : memref<32x1000000xf32, #tpu.memory_space<hbm>> -> memref<8x128xf32, #tpu.memory_space<hbm>>
      %dma_wait3A_2379 = arith.constant 0 : i32
      %dma_wait3A_2380 = arith.constant 0 : i32
      %dma_wait3A_2381 = tpu.memref_slice %arg8[%dma_wait3A_2371, %dma_wait3A_2379, %dma_wait3A_2380] : memref<16x32x128xf32, #tpu.memory_space<vmem>> -> memref<1x8x128xf32, #tpu.memory_space<vmem>>
      %dma_wait3A_2382 = tpu.memref_squeeze %dma_wait3A_2381 : memref<1x8x128xf32, #tpu.memory_space<vmem>> -> memref<8x128xf32, #tpu.memory_space<vmem>>
      %dma_wait3A_2383 = arith.constant 0 : i32
      %dma_wait3A_2384 = arith.constant 0 : i32
      %dma_wait3A_2385 = tpu.memref_slice %arg4[%dma_wait3A_2383, %dma_wait3A_2384] : memref<32x1000000xf32, #tpu.memory_space<hbm>> -> memref<8x128xf32, #tpu.memory_space<hbm>>
      tpu.wait_dma2 semaphore(%arg23 : memref<!tpu.dma_semaphore, #tpu.memory_space<semaphore_mem>>) src(%dma_wait3A_2385 : memref<8x128xf32, #tpu.memory_space<hbm>>) dst(%dma_wait3A_2382 : memref<8x128xf32, #tpu.memory_space<vmem>>)
      %dma_wait3A_2386 = arith.constant 13 : i32
      %dma_wait3A_2387 = arith.constant 0 : i32
      %dma_wait3A_2388 = arith.constant 0 : i32
      %dma_wait3A_2389 = tpu.memref_slice %arg8[%dma_wait3A_2386, %dma_wait3A_2387, %dma_wait3A_2388] : memref<16x32x128xf32, #tpu.memory_space<vmem>> -> memref<1x8x128xf32, #tpu.memory_space<vmem>>
      %dma_wait3A_2390 = tpu.memref_squeeze %dma_wait3A_2389 : memref<1x8x128xf32, #tpu.memory_space<vmem>> -> memref<8x128xf32, #tpu.memory_space<vmem>>
      %dma_wait3A_2391 = arith.constant 0 : i32
      %dma_wait3A_2392 = arith.constant 0 : i32
      %dma_wait3A_2393 = tpu.memref_slice %arg4[%dma_wait3A_2391, %dma_wait3A_2392] : memref<32x1000000xf32, #tpu.memory_space<hbm>> -> memref<8x128xf32, #tpu.memory_space<hbm>>
      %dma_wait3A_2394 = arith.constant 0 : i32
      %dma_wait3A_2395 = arith.constant 0 : i32
      %dma_wait3A_2396 = tpu.memref_slice %arg8[%dma_wait3A_2386, %dma_wait3A_2394, %dma_wait3A_2395] : memref<16x32x128xf32, #tpu.memory_space<vmem>> -> memref<1x8x128xf32, #tpu.memory_space<vmem>>
      %dma_wait3A_2397 = tpu.memref_squeeze %dma_wait3A_2396 : memref<1x8x128xf32, #tpu.memory_space<vmem>> -> memref<8x128xf32, #tpu.memory_space<vmem>>
      %dma_wait3A_2398 = arith.constant 0 : i32
      %dma_wait3A_2399 = arith.constant 0 : i32
      %dma_wait3A_2400 = tpu.memref_slice %arg4[%dma_wait3A_2398, %dma_wait3A_2399] : memref<32x1000000xf32, #tpu.memory_space<hbm>> -> memref<8x128xf32, #tpu.memory_space<hbm>>
      tpu.wait_dma2 semaphore(%arg23 : memref<!tpu.dma_semaphore, #tpu.memory_space<semaphore_mem>>) src(%dma_wait3A_2400 : memref<8x128xf32, #tpu.memory_space<hbm>>) dst(%dma_wait3A_2397 : memref<8x128xf32, #tpu.memory_space<vmem>>)
      %dma_wait3A_2401 = arith.constant 13 : i32
      %dma_wait3A_2402 = arith.constant 0 : i32
      %dma_wait3A_2403 = arith.constant 0 : i32
      %dma_wait3A_2404 = tpu.memref_slice %arg8[%dma_wait3A_2401, %dma_wait3A_2402, %dma_wait3A_2403] : memref<16x32x128xf32, #tpu.memory_space<vmem>> -> memref<1x8x128xf32, #tpu.memory_space<vmem>>
      %dma_wait3A_2405 = tpu.memref_squeeze %dma_wait3A_2404 : memref<1x8x128xf32, #tpu.memory_space<vmem>> -> memref<8x128xf32, #tpu.memory_space<vmem>>
      %dma_wait3A_2406 = arith.constant 0 : i32
      %dma_wait3A_2407 = arith.constant 0 : i32
      %dma_wait3A_2408 = tpu.memref_slice %arg4[%dma_wait3A_2406, %dma_wait3A_2407] : memref<32x1000000xf32, #tpu.memory_space<hbm>> -> memref<8x128xf32, #tpu.memory_space<hbm>>
      %dma_wait3A_2409 = arith.constant 0 : i32
      %dma_wait3A_2410 = arith.constant 0 : i32
      %dma_wait3A_2411 = tpu.memref_slice %arg8[%dma_wait3A_2401, %dma_wait3A_2409, %dma_wait3A_2410] : memref<16x32x128xf32, #tpu.memory_space<vmem>> -> memref<1x8x128xf32, #tpu.memory_space<vmem>>
      %dma_wait3A_2412 = tpu.memref_squeeze %dma_wait3A_2411 : memref<1x8x128xf32, #tpu.memory_space<vmem>> -> memref<8x128xf32, #tpu.memory_space<vmem>>
      %dma_wait3A_2413 = arith.constant 0 : i32
      %dma_wait3A_2414 = arith.constant 0 : i32
      %dma_wait3A_2415 = tpu.memref_slice %arg4[%dma_wait3A_2413, %dma_wait3A_2414] : memref<32x1000000xf32, #tpu.memory_space<hbm>> -> memref<8x128xf32, #tpu.memory_space<hbm>>
      tpu.wait_dma2 semaphore(%arg23 : memref<!tpu.dma_semaphore, #tpu.memory_space<semaphore_mem>>) src(%dma_wait3A_2415 : memref<8x128xf32, #tpu.memory_space<hbm>>) dst(%dma_wait3A_2412 : memref<8x128xf32, #tpu.memory_space<vmem>>)
      %slice3A_2416 = vector.extract_strided_slice %rem3A_1215 {offsets = [13], sizes = [1], strides = [1]} : vector<16xi32> to vector<1xi32>
      %squeeze3A_2417 = vector.extract %slice3A_2416[0] : i32 from vector<1xi32>
      %broadcast_in_dim3A_2418 = vector.broadcast %squeeze3A_2417 : i32 to vector<16xi32>
      %broadcast_in_dim3A_2419 = arith.constant 13 : i32
      %broadcast_in_dim3A_2420 = vector.broadcast %broadcast_in_dim3A_2419 : i32 to vector<16xi32>
      %mul3A_2421 = arith.constant 16 : i32
      %mul3A_2422 = arith.muli %scan3A_1211, %mul3A_2421 : i32
      %add3A_2423 = arith.constant 13 : i32
      %add3A_2424 = arith.addi %mul3A_2422, %add3A_2423 : i32
      %broadcast_in_dim3A_2425 = vector.broadcast %add3A_2424 : i32 to vector<16xi32>
      %gather3A_2426 = tpu.vector_load_idx %arg8[%broadcast_in_dim3A_2420, %iota3A, %broadcast_in_dim3A_2418] : memref<16x32x128xf32, #tpu.memory_space<vmem>>[vector<16xi32>, vector<16xi32>, vector<16xi32>], vector<16xf32>,
      %gather3A_2427 = tpu.vector_load_idx %arg8[%broadcast_in_dim3A_2420, %add3A_5, %broadcast_in_dim3A_2418] : memref<16x32x128xf32, #tpu.memory_space<vmem>>[vector<16xi32>, vector<16xi32>, vector<16xi32>], vector<16xf32>,
      %gather3A_2428 = tpu.vector_load_idx %arg7[%iota3A, %broadcast_in_dim3A_2425] : memref<32x512xf32, #tpu.memory_space<vmem>>[vector<16xi32>, vector<16xi32>], vector<16xf32>,
      %gather3A_2429 = tpu.vector_load_idx %arg7[%add3A_5, %broadcast_in_dim3A_2425] : memref<32x512xf32, #tpu.memory_space<vmem>>[vector<16xi32>, vector<16xi32>], vector<16xf32>,
      %sub3A_2430 = arith.subf %gather3A_2428, %gather3A_2426 : vector<16xf32>
      %sub3A_2431 = arith.subf %gather3A_2429, %gather3A_2427 : vector<16xf32>
      %mul3A_2432 = arith.mulf %sub3A_2430, %sub3A_2430 : vector<16xf32>
      %add3A_2433 = arith.addf %add3A_2350, %mul3A_2432 : vector<16xf32>
      %mul3A_2434 = arith.mulf %sub3A_2431, %sub3A_2431 : vector<16xf32>
      %add3A_2435 = arith.addf %add3A_2433, %mul3A_2434 : vector<16xf32>
      %lt3A_2436 = arith.constant 31 : i32
      %lt3A_2437 = arith.cmpi slt, %scan3A_1211, %lt3A_2436 : i32
      %convert_element_type3A_2438 = arith.extui %lt3A_2437 : i1 to i32
      %cond3A_2439 = arith.constant 0 : i32
      %cond3A_2440 = arith.cmpi ne, %convert_element_type3A_2438, %cond3A_2439 : i32
      scf.if %cond3A_2440 {
        %slice3A_2611 = vector.extract_strided_slice %get3A_1254 {offsets = [13], sizes = [1], strides = [1]} : vector<16xi32> to vector<1xi32>
        %squeeze3A_2612 = vector.extract %slice3A_2611[0] : i32 from vector<1xi32>
        %shift_right_arithmetic3A_2613 = arith.constant 7 : i32
        %shift_right_arithmetic3A_2614 = arith.shrsi %squeeze3A_2612, %shift_right_arithmetic3A_2613 : i32
        %shift_left3A_2615 = arith.constant 7 : i32
        %shift_left3A_2616 = arith.shli %shift_right_arithmetic3A_2614, %shift_left3A_2615 : i32
        %multiple_of3A_2617 = tpu.assume_multiple %shift_left3A_2616, 128 : i32
        %dma_start3A_2618 = arith.constant 13 : i32
        %dma_start3A_2619 = arith.constant 0 : i32
        %dma_start3A_2620 = arith.constant 0 : i32
        %dma_start3A_2621 = tpu.memref_slice %arg8[%dma_start3A_2618, %dma_start3A_2619, %dma_start3A_2620] : memref<16x32x128xf32, #tpu.memory_space<vmem>> -> memref<1x8x128xf32, #tpu.memory_space<vmem>>
        %dma_start3A_2622 = tpu.memref_squeeze %dma_start3A_2621 : memref<1x8x128xf32, #tpu.memory_space<vmem>> -> memref<8x128xf32, #tpu.memory_space<vmem>>
        %dma_start3A_2623 = arith.constant 0 : i32
        %dma_start3A_2624 = tpu.memref_slice %arg4[%dma_start3A_2623, %multiple_of3A_2617] : memref<32x1000000xf32, #tpu.memory_space<hbm>> -> memref<8x128xf32, #tpu.memory_space<hbm>>
        %dma_start3A_2625 = arith.constant 0 : i32
        %dma_start3A_2626 = arith.constant 0 : i32
        %dma_start3A_2627 = tpu.memref_slice %arg8[%dma_start3A_2618, %dma_start3A_2625, %dma_start3A_2626] : memref<16x32x128xf32, #tpu.memory_space<vmem>> -> memref<1x8x128xf32, #tpu.memory_space<vmem>>
        %dma_start3A_2628 = tpu.memref_squeeze %dma_start3A_2627 : memref<1x8x128xf32, #tpu.memory_space<vmem>> -> memref<8x128xf32, #tpu.memory_space<vmem>>
        %dma_start3A_2629 = arith.constant 0 : i32
        %dma_start3A_2630 = tpu.memref_slice %arg4[%dma_start3A_2629, %multiple_of3A_2617] : memref<32x1000000xf32, #tpu.memory_space<hbm>> -> memref<8x128xf32, #tpu.memory_space<hbm>>
        tpu.enqueue_dma source(%dma_start3A_2630 : memref<8x128xf32, #tpu.memory_space<hbm>>) target(%dma_start3A_2628 : memref<8x128xf32, #tpu.memory_space<vmem>>) target_semaphore(%arg23 : memref<!tpu.dma_semaphore, #tpu.memory_space<semaphore_mem>>)
        %dma_start3A_2631 = arith.constant 13 : i32
        %dma_start3A_2632 = arith.constant 8 : i32
        %dma_start3A_2633 = arith.constant 0 : i32
        %dma_start3A_2634 = tpu.memref_slice %arg8[%dma_start3A_2631, %dma_start3A_2632, %dma_start3A_2633] : memref<16x32x128xf32, #tpu.memory_space<vmem>> -> memref<1x8x128xf32, #tpu.memory_space<vmem>>
        %dma_start3A_2635 = tpu.memref_squeeze %dma_start3A_2634 : memref<1x8x128xf32, #tpu.memory_space<vmem>> -> memref<8x128xf32, #tpu.memory_space<vmem>>
        %dma_start3A_2636 = arith.constant 8 : i32
        %dma_start3A_2637 = tpu.memref_slice %arg4[%dma_start3A_2636, %multiple_of3A_2617] : memref<32x1000000xf32, #tpu.memory_space<hbm>> -> memref<8x128xf32, #tpu.memory_space<hbm>>
        %dma_start3A_2638 = arith.constant 8 : i32
        %dma_start3A_2639 = arith.constant 0 : i32
        %dma_start3A_2640 = tpu.memref_slice %arg8[%dma_start3A_2631, %dma_start3A_2638, %dma_start3A_2639] : memref<16x32x128xf32, #tpu.memory_space<vmem>> -> memref<1x8x128xf32, #tpu.memory_space<vmem>>
        %dma_start3A_2641 = tpu.memref_squeeze %dma_start3A_2640 : memref<1x8x128xf32, #tpu.memory_space<vmem>> -> memref<8x128xf32, #tpu.memory_space<vmem>>
        %dma_start3A_2642 = arith.constant 8 : i32
        %dma_start3A_2643 = tpu.memref_slice %arg4[%dma_start3A_2642, %multiple_of3A_2617] : memref<32x1000000xf32, #tpu.memory_space<hbm>> -> memref<8x128xf32, #tpu.memory_space<hbm>>
        tpu.enqueue_dma source(%dma_start3A_2643 : memref<8x128xf32, #tpu.memory_space<hbm>>) target(%dma_start3A_2641 : memref<8x128xf32, #tpu.memory_space<vmem>>) target_semaphore(%arg23 : memref<!tpu.dma_semaphore, #tpu.memory_space<semaphore_mem>>)
        %dma_start3A_2644 = arith.constant 13 : i32
        %dma_start3A_2645 = arith.constant 16 : i32
        %dma_start3A_2646 = arith.constant 0 : i32
        %dma_start3A_2647 = tpu.memref_slice %arg8[%dma_start3A_2644, %dma_start3A_2645, %dma_start3A_2646] : memref<16x32x128xf32, #tpu.memory_space<vmem>> -> memref<1x8x128xf32, #tpu.memory_space<vmem>>
        %dma_start3A_2648 = tpu.memref_squeeze %dma_start3A_2647 : memref<1x8x128xf32, #tpu.memory_space<vmem>> -> memref<8x128xf32, #tpu.memory_space<vmem>>
        %dma_start3A_2649 = arith.constant 16 : i32
        %dma_start3A_2650 = tpu.memref_slice %arg4[%dma_start3A_2649, %multiple_of3A_2617] : memref<32x1000000xf32, #tpu.memory_space<hbm>> -> memref<8x128xf32, #tpu.memory_space<hbm>>
        %dma_start3A_2651 = arith.constant 16 : i32
        %dma_start3A_2652 = arith.constant 0 : i32
        %dma_start3A_2653 = tpu.memref_slice %arg8[%dma_start3A_2644, %dma_start3A_2651, %dma_start3A_2652] : memref<16x32x128xf32, #tpu.memory_space<vmem>> -> memref<1x8x128xf32, #tpu.memory_space<vmem>>
        %dma_start3A_2654 = tpu.memref_squeeze %dma_start3A_2653 : memref<1x8x128xf32, #tpu.memory_space<vmem>> -> memref<8x128xf32, #tpu.memory_space<vmem>>
        %dma_start3A_2655 = arith.constant 16 : i32
        %dma_start3A_2656 = tpu.memref_slice %arg4[%dma_start3A_2655, %multiple_of3A_2617] : memref<32x1000000xf32, #tpu.memory_space<hbm>> -> memref<8x128xf32, #tpu.memory_space<hbm>>
        tpu.enqueue_dma source(%dma_start3A_2656 : memref<8x128xf32, #tpu.memory_space<hbm>>) target(%dma_start3A_2654 : memref<8x128xf32, #tpu.memory_space<vmem>>) target_semaphore(%arg23 : memref<!tpu.dma_semaphore, #tpu.memory_space<semaphore_mem>>)
        %dma_start3A_2657 = arith.constant 13 : i32
        %dma_start3A_2658 = arith.constant 24 : i32
        %dma_start3A_2659 = arith.constant 0 : i32
        %dma_start3A_2660 = tpu.memref_slice %arg8[%dma_start3A_2657, %dma_start3A_2658, %dma_start3A_2659] : memref<16x32x128xf32, #tpu.memory_space<vmem>> -> memref<1x8x128xf32, #tpu.memory_space<vmem>>
        %dma_start3A_2661 = tpu.memref_squeeze %dma_start3A_2660 : memref<1x8x128xf32, #tpu.memory_space<vmem>> -> memref<8x128xf32, #tpu.memory_space<vmem>>
        %dma_start3A_2662 = arith.constant 24 : i32
        %dma_start3A_2663 = tpu.memref_slice %arg4[%dma_start3A_2662, %multiple_of3A_2617] : memref<32x1000000xf32, #tpu.memory_space<hbm>> -> memref<8x128xf32, #tpu.memory_space<hbm>>
        %dma_start3A_2664 = arith.constant 24 : i32
        %dma_start3A_2665 = arith.constant 0 : i32
        %dma_start3A_2666 = tpu.memref_slice %arg8[%dma_start3A_2657, %dma_start3A_2664, %dma_start3A_2665] : memref<16x32x128xf32, #tpu.memory_space<vmem>> -> memref<1x8x128xf32, #tpu.memory_space<vmem>>
        %dma_start3A_2667 = tpu.memref_squeeze %dma_start3A_2666 : memref<1x8x128xf32, #tpu.memory_space<vmem>> -> memref<8x128xf32, #tpu.memory_space<vmem>>
        %dma_start3A_2668 = arith.constant 24 : i32
        %dma_start3A_2669 = tpu.memref_slice %arg4[%dma_start3A_2668, %multiple_of3A_2617] : memref<32x1000000xf32, #tpu.memory_space<hbm>> -> memref<8x128xf32, #tpu.memory_space<hbm>>
        tpu.enqueue_dma source(%dma_start3A_2669 : memref<8x128xf32, #tpu.memory_space<hbm>>) target(%dma_start3A_2667 : memref<8x128xf32, #tpu.memory_space<vmem>>) target_semaphore(%arg23 : memref<!tpu.dma_semaphore, #tpu.memory_space<semaphore_mem>>)
      } else {
      }
      %dma_wait3A_2441 = arith.constant 14 : i32
      %dma_wait3A_2442 = arith.constant 0 : i32
      %dma_wait3A_2443 = arith.constant 0 : i32
      %dma_wait3A_2444 = tpu.memref_slice %arg8[%dma_wait3A_2441, %dma_wait3A_2442, %dma_wait3A_2443] : memref<16x32x128xf32, #tpu.memory_space<vmem>> -> memref<1x8x128xf32, #tpu.memory_space<vmem>>
      %dma_wait3A_2445 = tpu.memref_squeeze %dma_wait3A_2444 : memref<1x8x128xf32, #tpu.memory_space<vmem>> -> memref<8x128xf32, #tpu.memory_space<vmem>>
      %dma_wait3A_2446 = arith.constant 0 : i32
      %dma_wait3A_2447 = arith.constant 0 : i32
      %dma_wait3A_2448 = tpu.memref_slice %arg4[%dma_wait3A_2446, %dma_wait3A_2447] : memref<32x1000000xf32, #tpu.memory_space<hbm>> -> memref<8x128xf32, #tpu.memory_space<hbm>>
      %dma_wait3A_2449 = arith.constant 0 : i32
      %dma_wait3A_2450 = arith.constant 0 : i32
      %dma_wait3A_2451 = tpu.memref_slice %arg8[%dma_wait3A_2441, %dma_wait3A_2449, %dma_wait3A_2450] : memref<16x32x128xf32, #tpu.memory_space<vmem>> -> memref<1x8x128xf32, #tpu.memory_space<vmem>>
      %dma_wait3A_2452 = tpu.memref_squeeze %dma_wait3A_2451 : memref<1x8x128xf32, #tpu.memory_space<vmem>> -> memref<8x128xf32, #tpu.memory_space<vmem>>
      %dma_wait3A_2453 = arith.constant 0 : i32
      %dma_wait3A_2454 = arith.constant 0 : i32
      %dma_wait3A_2455 = tpu.memref_slice %arg4[%dma_wait3A_2453, %dma_wait3A_2454] : memref<32x1000000xf32, #tpu.memory_space<hbm>> -> memref<8x128xf32, #tpu.memory_space<hbm>>
      tpu.wait_dma2 semaphore(%arg24 : memref<!tpu.dma_semaphore, #tpu.memory_space<semaphore_mem>>) src(%dma_wait3A_2455 : memref<8x128xf32, #tpu.memory_space<hbm>>) dst(%dma_wait3A_2452 : memref<8x128xf32, #tpu.memory_space<vmem>>)
      %dma_wait3A_2456 = arith.constant 14 : i32
      %dma_wait3A_2457 = arith.constant 0 : i32
      %dma_wait3A_2458 = arith.constant 0 : i32
      %dma_wait3A_2459 = tpu.memref_slice %arg8[%dma_wait3A_2456, %dma_wait3A_2457, %dma_wait3A_2458] : memref<16x32x128xf32, #tpu.memory_space<vmem>> -> memref<1x8x128xf32, #tpu.memory_space<vmem>>
      %dma_wait3A_2460 = tpu.memref_squeeze %dma_wait3A_2459 : memref<1x8x128xf32, #tpu.memory_space<vmem>> -> memref<8x128xf32, #tpu.memory_space<vmem>>
      %dma_wait3A_2461 = arith.constant 0 : i32
      %dma_wait3A_2462 = arith.constant 0 : i32
      %dma_wait3A_2463 = tpu.memref_slice %arg4[%dma_wait3A_2461, %dma_wait3A_2462] : memref<32x1000000xf32, #tpu.memory_space<hbm>> -> memref<8x128xf32, #tpu.memory_space<hbm>>
      %dma_wait3A_2464 = arith.constant 0 : i32
      %dma_wait3A_2465 = arith.constant 0 : i32
      %dma_wait3A_2466 = tpu.memref_slice %arg8[%dma_wait3A_2456, %dma_wait3A_2464, %dma_wait3A_2465] : memref<16x32x128xf32, #tpu.memory_space<vmem>> -> memref<1x8x128xf32, #tpu.memory_space<vmem>>
      %dma_wait3A_2467 = tpu.memref_squeeze %dma_wait3A_2466 : memref<1x8x128xf32, #tpu.memory_space<vmem>> -> memref<8x128xf32, #tpu.memory_space<vmem>>
      %dma_wait3A_2468 = arith.constant 0 : i32
      %dma_wait3A_2469 = arith.constant 0 : i32
      %dma_wait3A_2470 = tpu.memref_slice %arg4[%dma_wait3A_2468, %dma_wait3A_2469] : memref<32x1000000xf32, #tpu.memory_space<hbm>> -> memref<8x128xf32, #tpu.memory_space<hbm>>
      tpu.wait_dma2 semaphore(%arg24 : memref<!tpu.dma_semaphore, #tpu.memory_space<semaphore_mem>>) src(%dma_wait3A_2470 : memref<8x128xf32, #tpu.memory_space<hbm>>) dst(%dma_wait3A_2467 : memref<8x128xf32, #tpu.memory_space<vmem>>)
      %dma_wait3A_2471 = arith.constant 14 : i32
      %dma_wait3A_2472 = arith.constant 0 : i32
      %dma_wait3A_2473 = arith.constant 0 : i32
      %dma_wait3A_2474 = tpu.memref_slice %arg8[%dma_wait3A_2471, %dma_wait3A_2472, %dma_wait3A_2473] : memref<16x32x128xf32, #tpu.memory_space<vmem>> -> memref<1x8x128xf32, #tpu.memory_space<vmem>>
      %dma_wait3A_2475 = tpu.memref_squeeze %dma_wait3A_2474 : memref<1x8x128xf32, #tpu.memory_space<vmem>> -> memref<8x128xf32, #tpu.memory_space<vmem>>
      %dma_wait3A_2476 = arith.constant 0 : i32
      %dma_wait3A_2477 = arith.constant 0 : i32
      %dma_wait3A_2478 = tpu.memref_slice %arg4[%dma_wait3A_2476, %dma_wait3A_2477] : memref<32x1000000xf32, #tpu.memory_space<hbm>> -> memref<8x128xf32, #tpu.memory_space<hbm>>
      %dma_wait3A_2479 = arith.constant 0 : i32
      %dma_wait3A_2480 = arith.constant 0 : i32
      %dma_wait3A_2481 = tpu.memref_slice %arg8[%dma_wait3A_2471, %dma_wait3A_2479, %dma_wait3A_2480] : memref<16x32x128xf32, #tpu.memory_space<vmem>> -> memref<1x8x128xf32, #tpu.memory_space<vmem>>
      %dma_wait3A_2482 = tpu.memref_squeeze %dma_wait3A_2481 : memref<1x8x128xf32, #tpu.memory_space<vmem>> -> memref<8x128xf32, #tpu.memory_space<vmem>>
      %dma_wait3A_2483 = arith.constant 0 : i32
      %dma_wait3A_2484 = arith.constant 0 : i32
      %dma_wait3A_2485 = tpu.memref_slice %arg4[%dma_wait3A_2483, %dma_wait3A_2484] : memref<32x1000000xf32, #tpu.memory_space<hbm>> -> memref<8x128xf32, #tpu.memory_space<hbm>>
      tpu.wait_dma2 semaphore(%arg24 : memref<!tpu.dma_semaphore, #tpu.memory_space<semaphore_mem>>) src(%dma_wait3A_2485 : memref<8x128xf32, #tpu.memory_space<hbm>>) dst(%dma_wait3A_2482 : memref<8x128xf32, #tpu.memory_space<vmem>>)
      %dma_wait3A_2486 = arith.constant 14 : i32
      %dma_wait3A_2487 = arith.constant 0 : i32
      %dma_wait3A_2488 = arith.constant 0 : i32
      %dma_wait3A_2489 = tpu.memref_slice %arg8[%dma_wait3A_2486, %dma_wait3A_2487, %dma_wait3A_2488] : memref<16x32x128xf32, #tpu.memory_space<vmem>> -> memref<1x8x128xf32, #tpu.memory_space<vmem>>
      %dma_wait3A_2490 = tpu.memref_squeeze %dma_wait3A_2489 : memref<1x8x128xf32, #tpu.memory_space<vmem>> -> memref<8x128xf32, #tpu.memory_space<vmem>>
      %dma_wait3A_2491 = arith.constant 0 : i32
      %dma_wait3A_2492 = arith.constant 0 : i32
      %dma_wait3A_2493 = tpu.memref_slice %arg4[%dma_wait3A_2491, %dma_wait3A_2492] : memref<32x1000000xf32, #tpu.memory_space<hbm>> -> memref<8x128xf32, #tpu.memory_space<hbm>>
      %dma_wait3A_2494 = arith.constant 0 : i32
      %dma_wait3A_2495 = arith.constant 0 : i32
      %dma_wait3A_2496 = tpu.memref_slice %arg8[%dma_wait3A_2486, %dma_wait3A_2494, %dma_wait3A_2495] : memref<16x32x128xf32, #tpu.memory_space<vmem>> -> memref<1x8x128xf32, #tpu.memory_space<vmem>>
      %dma_wait3A_2497 = tpu.memref_squeeze %dma_wait3A_2496 : memref<1x8x128xf32, #tpu.memory_space<vmem>> -> memref<8x128xf32, #tpu.memory_space<vmem>>
      %dma_wait3A_2498 = arith.constant 0 : i32
      %dma_wait3A_2499 = arith.constant 0 : i32
      %dma_wait3A_2500 = tpu.memref_slice %arg4[%dma_wait3A_2498, %dma_wait3A_2499] : memref<32x1000000xf32, #tpu.memory_space<hbm>> -> memref<8x128xf32, #tpu.memory_space<hbm>>
      tpu.wait_dma2 semaphore(%arg24 : memref<!tpu.dma_semaphore, #tpu.memory_space<semaphore_mem>>) src(%dma_wait3A_2500 : memref<8x128xf32, #tpu.memory_space<hbm>>) dst(%dma_wait3A_2497 : memref<8x128xf32, #tpu.memory_space<vmem>>)
      %slice3A_2501 = vector.extract_strided_slice %rem3A_1215 {offsets = [14], sizes = [1], strides = [1]} : vector<16xi32> to vector<1xi32>
      %squeeze3A_2502 = vector.extract %slice3A_2501[0] : i32 from vector<1xi32>
      %broadcast_in_dim3A_2503 = vector.broadcast %squeeze3A_2502 : i32 to vector<16xi32>
      %broadcast_in_dim3A_2504 = arith.constant 14 : i32
      %broadcast_in_dim3A_2505 = vector.broadcast %broadcast_in_dim3A_2504 : i32 to vector<16xi32>
      %mul3A_2506 = arith.constant 16 : i32
      %mul3A_2507 = arith.muli %scan3A_1211, %mul3A_2506 : i32
      %add3A_2508 = arith.constant 14 : i32
      %add3A_2509 = arith.addi %mul3A_2507, %add3A_2508 : i32
      %broadcast_in_dim3A_2510 = vector.broadcast %add3A_2509 : i32 to vector<16xi32>
      %gather3A_2511 = tpu.vector_load_idx %arg8[%broadcast_in_dim3A_2505, %iota3A, %broadcast_in_dim3A_2503] : memref<16x32x128xf32, #tpu.memory_space<vmem>>[vector<16xi32>, vector<16xi32>, vector<16xi32>], vector<16xf32>,
      %gather3A_2512 = tpu.vector_load_idx %arg8[%broadcast_in_dim3A_2505, %add3A_5, %broadcast_in_dim3A_2503] : memref<16x32x128xf32, #tpu.memory_space<vmem>>[vector<16xi32>, vector<16xi32>, vector<16xi32>], vector<16xf32>,
      %gather3A_2513 = tpu.vector_load_idx %arg7[%iota3A, %broadcast_in_dim3A_2510] : memref<32x512xf32, #tpu.memory_space<vmem>>[vector<16xi32>, vector<16xi32>], vector<16xf32>,
      %gather3A_2514 = tpu.vector_load_idx %arg7[%add3A_5, %broadcast_in_dim3A_2510] : memref<32x512xf32, #tpu.memory_space<vmem>>[vector<16xi32>, vector<16xi32>], vector<16xf32>,
      %sub3A_2515 = arith.subf %gather3A_2513, %gather3A_2511 : vector<16xf32>
      %sub3A_2516 = arith.subf %gather3A_2514, %gather3A_2512 : vector<16xf32>
      %mul3A_2517 = arith.mulf %sub3A_2515, %sub3A_2515 : vector<16xf32>
      %add3A_2518 = arith.addf %add3A_2435, %mul3A_2517 : vector<16xf32>
      %mul3A_2519 = arith.mulf %sub3A_2516, %sub3A_2516 : vector<16xf32>
      %add3A_2520 = arith.addf %add3A_2518, %mul3A_2519 : vector<16xf32>
      %lt3A_2521 = arith.constant 31 : i32
      %lt3A_2522 = arith.cmpi slt, %scan3A_1211, %lt3A_2521 : i32
      %convert_element_type3A_2523 = arith.extui %lt3A_2522 : i1 to i32
      %cond3A_2524 = arith.constant 0 : i32
      %cond3A_2525 = arith.cmpi ne, %convert_element_type3A_2523, %cond3A_2524 : i32
      scf.if %cond3A_2525 {
        %slice3A_2611 = vector.extract_strided_slice %get3A_1254 {offsets = [14], sizes = [1], strides = [1]} : vector<16xi32> to vector<1xi32>
        %squeeze3A_2612 = vector.extract %slice3A_2611[0] : i32 from vector<1xi32>
        %shift_right_arithmetic3A_2613 = arith.constant 7 : i32
        %shift_right_arithmetic3A_2614 = arith.shrsi %squeeze3A_2612, %shift_right_arithmetic3A_2613 : i32
        %shift_left3A_2615 = arith.constant 7 : i32
        %shift_left3A_2616 = arith.shli %shift_right_arithmetic3A_2614, %shift_left3A_2615 : i32
        %multiple_of3A_2617 = tpu.assume_multiple %shift_left3A_2616, 128 : i32
        %dma_start3A_2618 = arith.constant 14 : i32
        %dma_start3A_2619 = arith.constant 0 : i32
        %dma_start3A_2620 = arith.constant 0 : i32
        %dma_start3A_2621 = tpu.memref_slice %arg8[%dma_start3A_2618, %dma_start3A_2619, %dma_start3A_2620] : memref<16x32x128xf32, #tpu.memory_space<vmem>> -> memref<1x8x128xf32, #tpu.memory_space<vmem>>
        %dma_start3A_2622 = tpu.memref_squeeze %dma_start3A_2621 : memref<1x8x128xf32, #tpu.memory_space<vmem>> -> memref<8x128xf32, #tpu.memory_space<vmem>>
        %dma_start3A_2623 = arith.constant 0 : i32
        %dma_start3A_2624 = tpu.memref_slice %arg4[%dma_start3A_2623, %multiple_of3A_2617] : memref<32x1000000xf32, #tpu.memory_space<hbm>> -> memref<8x128xf32, #tpu.memory_space<hbm>>
        %dma_start3A_2625 = arith.constant 0 : i32
        %dma_start3A_2626 = arith.constant 0 : i32
        %dma_start3A_2627 = tpu.memref_slice %arg8[%dma_start3A_2618, %dma_start3A_2625, %dma_start3A_2626] : memref<16x32x128xf32, #tpu.memory_space<vmem>> -> memref<1x8x128xf32, #tpu.memory_space<vmem>>
        %dma_start3A_2628 = tpu.memref_squeeze %dma_start3A_2627 : memref<1x8x128xf32, #tpu.memory_space<vmem>> -> memref<8x128xf32, #tpu.memory_space<vmem>>
        %dma_start3A_2629 = arith.constant 0 : i32
        %dma_start3A_2630 = tpu.memref_slice %arg4[%dma_start3A_2629, %multiple_of3A_2617] : memref<32x1000000xf32, #tpu.memory_space<hbm>> -> memref<8x128xf32, #tpu.memory_space<hbm>>
        tpu.enqueue_dma source(%dma_start3A_2630 : memref<8x128xf32, #tpu.memory_space<hbm>>) target(%dma_start3A_2628 : memref<8x128xf32, #tpu.memory_space<vmem>>) target_semaphore(%arg24 : memref<!tpu.dma_semaphore, #tpu.memory_space<semaphore_mem>>)
        %dma_start3A_2631 = arith.constant 14 : i32
        %dma_start3A_2632 = arith.constant 8 : i32
        %dma_start3A_2633 = arith.constant 0 : i32
        %dma_start3A_2634 = tpu.memref_slice %arg8[%dma_start3A_2631, %dma_start3A_2632, %dma_start3A_2633] : memref<16x32x128xf32, #tpu.memory_space<vmem>> -> memref<1x8x128xf32, #tpu.memory_space<vmem>>
        %dma_start3A_2635 = tpu.memref_squeeze %dma_start3A_2634 : memref<1x8x128xf32, #tpu.memory_space<vmem>> -> memref<8x128xf32, #tpu.memory_space<vmem>>
        %dma_start3A_2636 = arith.constant 8 : i32
        %dma_start3A_2637 = tpu.memref_slice %arg4[%dma_start3A_2636, %multiple_of3A_2617] : memref<32x1000000xf32, #tpu.memory_space<hbm>> -> memref<8x128xf32, #tpu.memory_space<hbm>>
        %dma_start3A_2638 = arith.constant 8 : i32
        %dma_start3A_2639 = arith.constant 0 : i32
        %dma_start3A_2640 = tpu.memref_slice %arg8[%dma_start3A_2631, %dma_start3A_2638, %dma_start3A_2639] : memref<16x32x128xf32, #tpu.memory_space<vmem>> -> memref<1x8x128xf32, #tpu.memory_space<vmem>>
        %dma_start3A_2641 = tpu.memref_squeeze %dma_start3A_2640 : memref<1x8x128xf32, #tpu.memory_space<vmem>> -> memref<8x128xf32, #tpu.memory_space<vmem>>
        %dma_start3A_2642 = arith.constant 8 : i32
        %dma_start3A_2643 = tpu.memref_slice %arg4[%dma_start3A_2642, %multiple_of3A_2617] : memref<32x1000000xf32, #tpu.memory_space<hbm>> -> memref<8x128xf32, #tpu.memory_space<hbm>>
        tpu.enqueue_dma source(%dma_start3A_2643 : memref<8x128xf32, #tpu.memory_space<hbm>>) target(%dma_start3A_2641 : memref<8x128xf32, #tpu.memory_space<vmem>>) target_semaphore(%arg24 : memref<!tpu.dma_semaphore, #tpu.memory_space<semaphore_mem>>)
        %dma_start3A_2644 = arith.constant 14 : i32
        %dma_start3A_2645 = arith.constant 16 : i32
        %dma_start3A_2646 = arith.constant 0 : i32
        %dma_start3A_2647 = tpu.memref_slice %arg8[%dma_start3A_2644, %dma_start3A_2645, %dma_start3A_2646] : memref<16x32x128xf32, #tpu.memory_space<vmem>> -> memref<1x8x128xf32, #tpu.memory_space<vmem>>
        %dma_start3A_2648 = tpu.memref_squeeze %dma_start3A_2647 : memref<1x8x128xf32, #tpu.memory_space<vmem>> -> memref<8x128xf32, #tpu.memory_space<vmem>>
        %dma_start3A_2649 = arith.constant 16 : i32
        %dma_start3A_2650 = tpu.memref_slice %arg4[%dma_start3A_2649, %multiple_of3A_2617] : memref<32x1000000xf32, #tpu.memory_space<hbm>> -> memref<8x128xf32, #tpu.memory_space<hbm>>
        %dma_start3A_2651 = arith.constant 16 : i32
        %dma_start3A_2652 = arith.constant 0 : i32
        %dma_start3A_2653 = tpu.memref_slice %arg8[%dma_start3A_2644, %dma_start3A_2651, %dma_start3A_2652] : memref<16x32x128xf32, #tpu.memory_space<vmem>> -> memref<1x8x128xf32, #tpu.memory_space<vmem>>
        %dma_start3A_2654 = tpu.memref_squeeze %dma_start3A_2653 : memref<1x8x128xf32, #tpu.memory_space<vmem>> -> memref<8x128xf32, #tpu.memory_space<vmem>>
        %dma_start3A_2655 = arith.constant 16 : i32
        %dma_start3A_2656 = tpu.memref_slice %arg4[%dma_start3A_2655, %multiple_of3A_2617] : memref<32x1000000xf32, #tpu.memory_space<hbm>> -> memref<8x128xf32, #tpu.memory_space<hbm>>
        tpu.enqueue_dma source(%dma_start3A_2656 : memref<8x128xf32, #tpu.memory_space<hbm>>) target(%dma_start3A_2654 : memref<8x128xf32, #tpu.memory_space<vmem>>) target_semaphore(%arg24 : memref<!tpu.dma_semaphore, #tpu.memory_space<semaphore_mem>>)
        %dma_start3A_2657 = arith.constant 14 : i32
        %dma_start3A_2658 = arith.constant 24 : i32
        %dma_start3A_2659 = arith.constant 0 : i32
        %dma_start3A_2660 = tpu.memref_slice %arg8[%dma_start3A_2657, %dma_start3A_2658, %dma_start3A_2659] : memref<16x32x128xf32, #tpu.memory_space<vmem>> -> memref<1x8x128xf32, #tpu.memory_space<vmem>>
        %dma_start3A_2661 = tpu.memref_squeeze %dma_start3A_2660 : memref<1x8x128xf32, #tpu.memory_space<vmem>> -> memref<8x128xf32, #tpu.memory_space<vmem>>
        %dma_start3A_2662 = arith.constant 24 : i32
        %dma_start3A_2663 = tpu.memref_slice %arg4[%dma_start3A_2662, %multiple_of3A_2617] : memref<32x1000000xf32, #tpu.memory_space<hbm>> -> memref<8x128xf32, #tpu.memory_space<hbm>>
        %dma_start3A_2664 = arith.constant 24 : i32
        %dma_start3A_2665 = arith.constant 0 : i32
        %dma_start3A_2666 = tpu.memref_slice %arg8[%dma_start3A_2657, %dma_start3A_2664, %dma_start3A_2665] : memref<16x32x128xf32, #tpu.memory_space<vmem>> -> memref<1x8x128xf32, #tpu.memory_space<vmem>>
        %dma_start3A_2667 = tpu.memref_squeeze %dma_start3A_2666 : memref<1x8x128xf32, #tpu.memory_space<vmem>> -> memref<8x128xf32, #tpu.memory_space<vmem>>
        %dma_start3A_2668 = arith.constant 24 : i32
        %dma_start3A_2669 = tpu.memref_slice %arg4[%dma_start3A_2668, %multiple_of3A_2617] : memref<32x1000000xf32, #tpu.memory_space<hbm>> -> memref<8x128xf32, #tpu.memory_space<hbm>>
        tpu.enqueue_dma source(%dma_start3A_2669 : memref<8x128xf32, #tpu.memory_space<hbm>>) target(%dma_start3A_2667 : memref<8x128xf32, #tpu.memory_space<vmem>>) target_semaphore(%arg24 : memref<!tpu.dma_semaphore, #tpu.memory_space<semaphore_mem>>)
      } else {
      }
      %dma_wait3A_2526 = arith.constant 15 : i32
      %dma_wait3A_2527 = arith.constant 0 : i32
      %dma_wait3A_2528 = arith.constant 0 : i32
      %dma_wait3A_2529 = tpu.memref_slice %arg8[%dma_wait3A_2526, %dma_wait3A_2527, %dma_wait3A_2528] : memref<16x32x128xf32, #tpu.memory_space<vmem>> -> memref<1x8x128xf32, #tpu.memory_space<vmem>>
      %dma_wait3A_2530 = tpu.memref_squeeze %dma_wait3A_2529 : memref<1x8x128xf32, #tpu.memory_space<vmem>> -> memref<8x128xf32, #tpu.memory_space<vmem>>
      %dma_wait3A_2531 = arith.constant 0 : i32
      %dma_wait3A_2532 = arith.constant 0 : i32
      %dma_wait3A_2533 = tpu.memref_slice %arg4[%dma_wait3A_2531, %dma_wait3A_2532] : memref<32x1000000xf32, #tpu.memory_space<hbm>> -> memref<8x128xf32, #tpu.memory_space<hbm>>
      %dma_wait3A_2534 = arith.constant 0 : i32
      %dma_wait3A_2535 = arith.constant 0 : i32
      %dma_wait3A_2536 = tpu.memref_slice %arg8[%dma_wait3A_2526, %dma_wait3A_2534, %dma_wait3A_2535] : memref<16x32x128xf32, #tpu.memory_space<vmem>> -> memref<1x8x128xf32, #tpu.memory_space<vmem>>
      %dma_wait3A_2537 = tpu.memref_squeeze %dma_wait3A_2536 : memref<1x8x128xf32, #tpu.memory_space<vmem>> -> memref<8x128xf32, #tpu.memory_space<vmem>>
      %dma_wait3A_2538 = arith.constant 0 : i32
      %dma_wait3A_2539 = arith.constant 0 : i32
      %dma_wait3A_2540 = tpu.memref_slice %arg4[%dma_wait3A_2538, %dma_wait3A_2539] : memref<32x1000000xf32, #tpu.memory_space<hbm>> -> memref<8x128xf32, #tpu.memory_space<hbm>>
      tpu.wait_dma2 semaphore(%arg25 : memref<!tpu.dma_semaphore, #tpu.memory_space<semaphore_mem>>) src(%dma_wait3A_2540 : memref<8x128xf32, #tpu.memory_space<hbm>>) dst(%dma_wait3A_2537 : memref<8x128xf32, #tpu.memory_space<vmem>>)
      %dma_wait3A_2541 = arith.constant 15 : i32
      %dma_wait3A_2542 = arith.constant 0 : i32
      %dma_wait3A_2543 = arith.constant 0 : i32
      %dma_wait3A_2544 = tpu.memref_slice %arg8[%dma_wait3A_2541, %dma_wait3A_2542, %dma_wait3A_2543] : memref<16x32x128xf32, #tpu.memory_space<vmem>> -> memref<1x8x128xf32, #tpu.memory_space<vmem>>
      %dma_wait3A_2545 = tpu.memref_squeeze %dma_wait3A_2544 : memref<1x8x128xf32, #tpu.memory_space<vmem>> -> memref<8x128xf32, #tpu.memory_space<vmem>>
      %dma_wait3A_2546 = arith.constant 0 : i32
      %dma_wait3A_2547 = arith.constant 0 : i32
      %dma_wait3A_2548 = tpu.memref_slice %arg4[%dma_wait3A_2546, %dma_wait3A_2547] : memref<32x1000000xf32, #tpu.memory_space<hbm>> -> memref<8x128xf32, #tpu.memory_space<hbm>>
      %dma_wait3A_2549 = arith.constant 0 : i32
      %dma_wait3A_2550 = arith.constant 0 : i32
      %dma_wait3A_2551 = tpu.memref_slice %arg8[%dma_wait3A_2541, %dma_wait3A_2549, %dma_wait3A_2550] : memref<16x32x128xf32, #tpu.memory_space<vmem>> -> memref<1x8x128xf32, #tpu.memory_space<vmem>>
      %dma_wait3A_2552 = tpu.memref_squeeze %dma_wait3A_2551 : memref<1x8x128xf32, #tpu.memory_space<vmem>> -> memref<8x128xf32, #tpu.memory_space<vmem>>
      %dma_wait3A_2553 = arith.constant 0 : i32
      %dma_wait3A_2554 = arith.constant 0 : i32
      %dma_wait3A_2555 = tpu.memref_slice %arg4[%dma_wait3A_2553, %dma_wait3A_2554] : memref<32x1000000xf32, #tpu.memory_space<hbm>> -> memref<8x128xf32, #tpu.memory_space<hbm>>
      tpu.wait_dma2 semaphore(%arg25 : memref<!tpu.dma_semaphore, #tpu.memory_space<semaphore_mem>>) src(%dma_wait3A_2555 : memref<8x128xf32, #tpu.memory_space<hbm>>) dst(%dma_wait3A_2552 : memref<8x128xf32, #tpu.memory_space<vmem>>)
      %dma_wait3A_2556 = arith.constant 15 : i32
      %dma_wait3A_2557 = arith.constant 0 : i32
      %dma_wait3A_2558 = arith.constant 0 : i32
      %dma_wait3A_2559 = tpu.memref_slice %arg8[%dma_wait3A_2556, %dma_wait3A_2557, %dma_wait3A_2558] : memref<16x32x128xf32, #tpu.memory_space<vmem>> -> memref<1x8x128xf32, #tpu.memory_space<vmem>>
      %dma_wait3A_2560 = tpu.memref_squeeze %dma_wait3A_2559 : memref<1x8x128xf32, #tpu.memory_space<vmem>> -> memref<8x128xf32, #tpu.memory_space<vmem>>
      %dma_wait3A_2561 = arith.constant 0 : i32
      %dma_wait3A_2562 = arith.constant 0 : i32
      %dma_wait3A_2563 = tpu.memref_slice %arg4[%dma_wait3A_2561, %dma_wait3A_2562] : memref<32x1000000xf32, #tpu.memory_space<hbm>> -> memref<8x128xf32, #tpu.memory_space<hbm>>
      %dma_wait3A_2564 = arith.constant 0 : i32
      %dma_wait3A_2565 = arith.constant 0 : i32
      %dma_wait3A_2566 = tpu.memref_slice %arg8[%dma_wait3A_2556, %dma_wait3A_2564, %dma_wait3A_2565] : memref<16x32x128xf32, #tpu.memory_space<vmem>> -> memref<1x8x128xf32, #tpu.memory_space<vmem>>
      %dma_wait3A_2567 = tpu.memref_squeeze %dma_wait3A_2566 : memref<1x8x128xf32, #tpu.memory_space<vmem>> -> memref<8x128xf32, #tpu.memory_space<vmem>>
      %dma_wait3A_2568 = arith.constant 0 : i32
      %dma_wait3A_2569 = arith.constant 0 : i32
      %dma_wait3A_2570 = tpu.memref_slice %arg4[%dma_wait3A_2568, %dma_wait3A_2569] : memref<32x1000000xf32, #tpu.memory_space<hbm>> -> memref<8x128xf32, #tpu.memory_space<hbm>>
      tpu.wait_dma2 semaphore(%arg25 : memref<!tpu.dma_semaphore, #tpu.memory_space<semaphore_mem>>) src(%dma_wait3A_2570 : memref<8x128xf32, #tpu.memory_space<hbm>>) dst(%dma_wait3A_2567 : memref<8x128xf32, #tpu.memory_space<vmem>>)
      %dma_wait3A_2571 = arith.constant 15 : i32
      %dma_wait3A_2572 = arith.constant 0 : i32
      %dma_wait3A_2573 = arith.constant 0 : i32
      %dma_wait3A_2574 = tpu.memref_slice %arg8[%dma_wait3A_2571, %dma_wait3A_2572, %dma_wait3A_2573] : memref<16x32x128xf32, #tpu.memory_space<vmem>> -> memref<1x8x128xf32, #tpu.memory_space<vmem>>
      %dma_wait3A_2575 = tpu.memref_squeeze %dma_wait3A_2574 : memref<1x8x128xf32, #tpu.memory_space<vmem>> -> memref<8x128xf32, #tpu.memory_space<vmem>>
      %dma_wait3A_2576 = arith.constant 0 : i32
      %dma_wait3A_2577 = arith.constant 0 : i32
      %dma_wait3A_2578 = tpu.memref_slice %arg4[%dma_wait3A_2576, %dma_wait3A_2577] : memref<32x1000000xf32, #tpu.memory_space<hbm>> -> memref<8x128xf32, #tpu.memory_space<hbm>>
      %dma_wait3A_2579 = arith.constant 0 : i32
      %dma_wait3A_2580 = arith.constant 0 : i32
      %dma_wait3A_2581 = tpu.memref_slice %arg8[%dma_wait3A_2571, %dma_wait3A_2579, %dma_wait3A_2580] : memref<16x32x128xf32, #tpu.memory_space<vmem>> -> memref<1x8x128xf32, #tpu.memory_space<vmem>>
      %dma_wait3A_2582 = tpu.memref_squeeze %dma_wait3A_2581 : memref<1x8x128xf32, #tpu.memory_space<vmem>> -> memref<8x128xf32, #tpu.memory_space<vmem>>
      %dma_wait3A_2583 = arith.constant 0 : i32
      %dma_wait3A_2584 = arith.constant 0 : i32
      %dma_wait3A_2585 = tpu.memref_slice %arg4[%dma_wait3A_2583, %dma_wait3A_2584] : memref<32x1000000xf32, #tpu.memory_space<hbm>> -> memref<8x128xf32, #tpu.memory_space<hbm>>
      tpu.wait_dma2 semaphore(%arg25 : memref<!tpu.dma_semaphore, #tpu.memory_space<semaphore_mem>>) src(%dma_wait3A_2585 : memref<8x128xf32, #tpu.memory_space<hbm>>) dst(%dma_wait3A_2582 : memref<8x128xf32, #tpu.memory_space<vmem>>)
      %slice3A_2586 = vector.extract_strided_slice %rem3A_1215 {offsets = [15], sizes = [1], strides = [1]} : vector<16xi32> to vector<1xi32>
      %squeeze3A_2587 = vector.extract %slice3A_2586[0] : i32 from vector<1xi32>
      %broadcast_in_dim3A_2588 = vector.broadcast %squeeze3A_2587 : i32 to vector<16xi32>
      %broadcast_in_dim3A_2589 = arith.constant 15 : i32
      %broadcast_in_dim3A_2590 = vector.broadcast %broadcast_in_dim3A_2589 : i32 to vector<16xi32>
      %mul3A_2591 = arith.constant 16 : i32
      %mul3A_2592 = arith.muli %scan3A_1211, %mul3A_2591 : i32
      %add3A_2593 = arith.constant 15 : i32
      %add3A_2594 = arith.addi %mul3A_2592, %add3A_2593 : i32
      %broadcast_in_dim3A_2595 = vector.broadcast %add3A_2594 : i32 to vector<16xi32>
      %gather3A_2596 = tpu.vector_load_idx %arg8[%broadcast_in_dim3A_2590, %iota3A, %broadcast_in_dim3A_2588] : memref<16x32x128xf32, #tpu.memory_space<vmem>>[vector<16xi32>, vector<16xi32>, vector<16xi32>], vector<16xf32>,
      %gather3A_2597 = tpu.vector_load_idx %arg8[%broadcast_in_dim3A_2590, %add3A_5, %broadcast_in_dim3A_2588] : memref<16x32x128xf32, #tpu.memory_space<vmem>>[vector<16xi32>, vector<16xi32>, vector<16xi32>], vector<16xf32>,
      %gather3A_2598 = tpu.vector_load_idx %arg7[%iota3A, %broadcast_in_dim3A_2595] : memref<32x512xf32, #tpu.memory_space<vmem>>[vector<16xi32>, vector<16xi32>], vector<16xf32>,
      %gather3A_2599 = tpu.vector_load_idx %arg7[%add3A_5, %broadcast_in_dim3A_2595] : memref<32x512xf32, #tpu.memory_space<vmem>>[vector<16xi32>, vector<16xi32>], vector<16xf32>,
      %sub3A_2600 = arith.subf %gather3A_2598, %gather3A_2596 : vector<16xf32>
      %sub3A_2601 = arith.subf %gather3A_2599, %gather3A_2597 : vector<16xf32>
      %mul3A_2602 = arith.mulf %sub3A_2600, %sub3A_2600 : vector<16xf32>
      %add3A_2603 = arith.addf %add3A_2520, %mul3A_2602 : vector<16xf32>
      %mul3A_2604 = arith.mulf %sub3A_2601, %sub3A_2601 : vector<16xf32>
      %add3A_2605 = arith.addf %add3A_2603, %mul3A_2604 : vector<16xf32>
      %lt3A_2606 = arith.constant 31 : i32
      %lt3A_2607 = arith.cmpi slt, %scan3A_1211, %lt3A_2606 : i32
      %convert_element_type3A_2608 = arith.extui %lt3A_2607 : i1 to i32
      %cond3A_2609 = arith.constant 0 : i32
      %cond3A_2610 = arith.cmpi ne, %convert_element_type3A_2608, %cond3A_2609 : i32
      scf.if %cond3A_2610 {
        %slice3A_2611 = vector.extract_strided_slice %get3A_1254 {offsets = [15], sizes = [1], strides = [1]} : vector<16xi32> to vector<1xi32>
        %squeeze3A_2612 = vector.extract %slice3A_2611[0] : i32 from vector<1xi32>
        %shift_right_arithmetic3A_2613 = arith.constant 7 : i32
        %shift_right_arithmetic3A_2614 = arith.shrsi %squeeze3A_2612, %shift_right_arithmetic3A_2613 : i32
        %shift_left3A_2615 = arith.constant 7 : i32
        %shift_left3A_2616 = arith.shli %shift_right_arithmetic3A_2614, %shift_left3A_2615 : i32
        %multiple_of3A_2617 = tpu.assume_multiple %shift_left3A_2616, 128 : i32
        %dma_start3A_2618 = arith.constant 15 : i32
        %dma_start3A_2619 = arith.constant 0 : i32
        %dma_start3A_2620 = arith.constant 0 : i32
        %dma_start3A_2621 = tpu.memref_slice %arg8[%dma_start3A_2618, %dma_start3A_2619, %dma_start3A_2620] : memref<16x32x128xf32, #tpu.memory_space<vmem>> -> memref<1x8x128xf32, #tpu.memory_space<vmem>>
        %dma_start3A_2622 = tpu.memref_squeeze %dma_start3A_2621 : memref<1x8x128xf32, #tpu.memory_space<vmem>> -> memref<8x128xf32, #tpu.memory_space<vmem>>
        %dma_start3A_2623 = arith.constant 0 : i32
        %dma_start3A_2624 = tpu.memref_slice %arg4[%dma_start3A_2623, %multiple_of3A_2617] : memref<32x1000000xf32, #tpu.memory_space<hbm>> -> memref<8x128xf32, #tpu.memory_space<hbm>>
        %dma_start3A_2625 = arith.constant 0 : i32
        %dma_start3A_2626 = arith.constant 0 : i32
        %dma_start3A_2627 = tpu.memref_slice %arg8[%dma_start3A_2618, %dma_start3A_2625, %dma_start3A_2626] : memref<16x32x128xf32, #tpu.memory_space<vmem>> -> memref<1x8x128xf32, #tpu.memory_space<vmem>>
        %dma_start3A_2628 = tpu.memref_squeeze %dma_start3A_2627 : memref<1x8x128xf32, #tpu.memory_space<vmem>> -> memref<8x128xf32, #tpu.memory_space<vmem>>
        %dma_start3A_2629 = arith.constant 0 : i32
        %dma_start3A_2630 = tpu.memref_slice %arg4[%dma_start3A_2629, %multiple_of3A_2617] : memref<32x1000000xf32, #tpu.memory_space<hbm>> -> memref<8x128xf32, #tpu.memory_space<hbm>>
        tpu.enqueue_dma source(%dma_start3A_2630 : memref<8x128xf32, #tpu.memory_space<hbm>>) target(%dma_start3A_2628 : memref<8x128xf32, #tpu.memory_space<vmem>>) target_semaphore(%arg25 : memref<!tpu.dma_semaphore, #tpu.memory_space<semaphore_mem>>)
        %dma_start3A_2631 = arith.constant 15 : i32
        %dma_start3A_2632 = arith.constant 8 : i32
        %dma_start3A_2633 = arith.constant 0 : i32
        %dma_start3A_2634 = tpu.memref_slice %arg8[%dma_start3A_2631, %dma_start3A_2632, %dma_start3A_2633] : memref<16x32x128xf32, #tpu.memory_space<vmem>> -> memref<1x8x128xf32, #tpu.memory_space<vmem>>
        %dma_start3A_2635 = tpu.memref_squeeze %dma_start3A_2634 : memref<1x8x128xf32, #tpu.memory_space<vmem>> -> memref<8x128xf32, #tpu.memory_space<vmem>>
        %dma_start3A_2636 = arith.constant 8 : i32
        %dma_start3A_2637 = tpu.memref_slice %arg4[%dma_start3A_2636, %multiple_of3A_2617] : memref<32x1000000xf32, #tpu.memory_space<hbm>> -> memref<8x128xf32, #tpu.memory_space<hbm>>
        %dma_start3A_2638 = arith.constant 8 : i32
        %dma_start3A_2639 = arith.constant 0 : i32
        %dma_start3A_2640 = tpu.memref_slice %arg8[%dma_start3A_2631, %dma_start3A_2638, %dma_start3A_2639] : memref<16x32x128xf32, #tpu.memory_space<vmem>> -> memref<1x8x128xf32, #tpu.memory_space<vmem>>
        %dma_start3A_2641 = tpu.memref_squeeze %dma_start3A_2640 : memref<1x8x128xf32, #tpu.memory_space<vmem>> -> memref<8x128xf32, #tpu.memory_space<vmem>>
        %dma_start3A_2642 = arith.constant 8 : i32
        %dma_start3A_2643 = tpu.memref_slice %arg4[%dma_start3A_2642, %multiple_of3A_2617] : memref<32x1000000xf32, #tpu.memory_space<hbm>> -> memref<8x128xf32, #tpu.memory_space<hbm>>
        tpu.enqueue_dma source(%dma_start3A_2643 : memref<8x128xf32, #tpu.memory_space<hbm>>) target(%dma_start3A_2641 : memref<8x128xf32, #tpu.memory_space<vmem>>) target_semaphore(%arg25 : memref<!tpu.dma_semaphore, #tpu.memory_space<semaphore_mem>>)
        %dma_start3A_2644 = arith.constant 15 : i32
        %dma_start3A_2645 = arith.constant 16 : i32
        %dma_start3A_2646 = arith.constant 0 : i32
        %dma_start3A_2647 = tpu.memref_slice %arg8[%dma_start3A_2644, %dma_start3A_2645, %dma_start3A_2646] : memref<16x32x128xf32, #tpu.memory_space<vmem>> -> memref<1x8x128xf32, #tpu.memory_space<vmem>>
        %dma_start3A_2648 = tpu.memref_squeeze %dma_start3A_2647 : memref<1x8x128xf32, #tpu.memory_space<vmem>> -> memref<8x128xf32, #tpu.memory_space<vmem>>
        %dma_start3A_2649 = arith.constant 16 : i32
        %dma_start3A_2650 = tpu.memref_slice %arg4[%dma_start3A_2649, %multiple_of3A_2617] : memref<32x1000000xf32, #tpu.memory_space<hbm>> -> memref<8x128xf32, #tpu.memory_space<hbm>>
        %dma_start3A_2651 = arith.constant 16 : i32
        %dma_start3A_2652 = arith.constant 0 : i32
        %dma_start3A_2653 = tpu.memref_slice %arg8[%dma_start3A_2644, %dma_start3A_2651, %dma_start3A_2652] : memref<16x32x128xf32, #tpu.memory_space<vmem>> -> memref<1x8x128xf32, #tpu.memory_space<vmem>>
        %dma_start3A_2654 = tpu.memref_squeeze %dma_start3A_2653 : memref<1x8x128xf32, #tpu.memory_space<vmem>> -> memref<8x128xf32, #tpu.memory_space<vmem>>
        %dma_start3A_2655 = arith.constant 16 : i32
        %dma_start3A_2656 = tpu.memref_slice %arg4[%dma_start3A_2655, %multiple_of3A_2617] : memref<32x1000000xf32, #tpu.memory_space<hbm>> -> memref<8x128xf32, #tpu.memory_space<hbm>>
        tpu.enqueue_dma source(%dma_start3A_2656 : memref<8x128xf32, #tpu.memory_space<hbm>>) target(%dma_start3A_2654 : memref<8x128xf32, #tpu.memory_space<vmem>>) target_semaphore(%arg25 : memref<!tpu.dma_semaphore, #tpu.memory_space<semaphore_mem>>)
        %dma_start3A_2657 = arith.constant 15 : i32
        %dma_start3A_2658 = arith.constant 24 : i32
        %dma_start3A_2659 = arith.constant 0 : i32
        %dma_start3A_2660 = tpu.memref_slice %arg8[%dma_start3A_2657, %dma_start3A_2658, %dma_start3A_2659] : memref<16x32x128xf32, #tpu.memory_space<vmem>> -> memref<1x8x128xf32, #tpu.memory_space<vmem>>
        %dma_start3A_2661 = tpu.memref_squeeze %dma_start3A_2660 : memref<1x8x128xf32, #tpu.memory_space<vmem>> -> memref<8x128xf32, #tpu.memory_space<vmem>>
        %dma_start3A_2662 = arith.constant 24 : i32
        %dma_start3A_2663 = tpu.memref_slice %arg4[%dma_start3A_2662, %multiple_of3A_2617] : memref<32x1000000xf32, #tpu.memory_space<hbm>> -> memref<8x128xf32, #tpu.memory_space<hbm>>
        %dma_start3A_2664 = arith.constant 24 : i32
        %dma_start3A_2665 = arith.constant 0 : i32
        %dma_start3A_2666 = tpu.memref_slice %arg8[%dma_start3A_2657, %dma_start3A_2664, %dma_start3A_2665] : memref<16x32x128xf32, #tpu.memory_space<vmem>> -> memref<1x8x128xf32, #tpu.memory_space<vmem>>
        %dma_start3A_2667 = tpu.memref_squeeze %dma_start3A_2666 : memref<1x8x128xf32, #tpu.memory_space<vmem>> -> memref<8x128xf32, #tpu.memory_space<vmem>>
        %dma_start3A_2668 = arith.constant 24 : i32
        %dma_start3A_2669 = tpu.memref_slice %arg4[%dma_start3A_2668, %multiple_of3A_2617] : memref<32x1000000xf32, #tpu.memory_space<hbm>> -> memref<8x128xf32, #tpu.memory_space<hbm>>
        tpu.enqueue_dma source(%dma_start3A_2669 : memref<8x128xf32, #tpu.memory_space<hbm>>) target(%dma_start3A_2667 : memref<8x128xf32, #tpu.memory_space<vmem>>) target_semaphore(%arg25 : memref<!tpu.dma_semaphore, #tpu.memory_space<semaphore_mem>>)
      } else {
      }
      scf.yield %add3A_2605, %get3A_1254 : vector<16xf32>, vector<16xi32>
    }
    %scan3A_955 = arith.constant 32 : i32
    %swap3A = arith.constant 0 : i32
    %swap3A_956 = arith.index_cast %swap3A : i32 to index
    %swap3A_957 = arith.constant 16 : index
    %swap3A_958 = tpu.vector_load %arg9[%swap3A_956, %swap3A_957] {strides = array<i32>} : memref<8x128xf32, #tpu.memory_space<vmem>>, vector<16xf32>,
    tpu.vector_store %arg9[%swap3A_956, %swap3A_957], %broadcast_in_dim3A_6 {strides = array<i32>} : memref<8x128xf32, #tpu.memory_space<vmem>>, vector<16xf32>,
    %swap3A_959 = arith.constant 0 : i32
    %swap3A_960 = arith.index_cast %swap3A_959 : i32 to index
    %swap3A_961 = arith.constant 32 : index
    %swap3A_962 = tpu.vector_load %arg9[%swap3A_960, %swap3A_961] {strides = array<i32>} : memref<8x128xf32, #tpu.memory_space<vmem>>, vector<16xf32>,
    tpu.vector_store %arg9[%swap3A_960, %swap3A_961], %broadcast_in_dim3A_6 {strides = array<i32>} : memref<8x128xf32, #tpu.memory_space<vmem>>, vector<16xf32>,
    %swap3A_963 = arith.constant 0 : i32
    %swap3A_964 = arith.index_cast %swap3A_963 : i32 to index
    %swap3A_965 = arith.constant 48 : index
    %swap3A_966 = tpu.vector_load %arg9[%swap3A_964, %swap3A_965] {strides = array<i32>} : memref<8x128xf32, #tpu.memory_space<vmem>>, vector<16xf32>,
    tpu.vector_store %arg9[%swap3A_964, %swap3A_965], %broadcast_in_dim3A_6 {strides = array<i32>} : memref<8x128xf32, #tpu.memory_space<vmem>>, vector<16xf32>,
    %swap3A_967 = arith.constant 0 : i32
    %swap3A_968 = arith.index_cast %swap3A_967 : i32 to index
    %swap3A_969 = arith.constant 64 : index
    %swap3A_970 = tpu.vector_load %arg9[%swap3A_968, %swap3A_969] {strides = array<i32>} : memref<8x128xf32, #tpu.memory_space<vmem>>, vector<16xf32>,
    tpu.vector_store %arg9[%swap3A_968, %swap3A_969], %broadcast_in_dim3A_6 {strides = array<i32>} : memref<8x128xf32, #tpu.memory_space<vmem>>, vector<16xf32>,
    %swap3A_971 = arith.constant 0 : i32
    %swap3A_972 = arith.index_cast %swap3A_971 : i32 to index
    %swap3A_973 = arith.constant 80 : index
    %swap3A_974 = tpu.vector_load %arg9[%swap3A_972, %swap3A_973] {strides = array<i32>} : memref<8x128xf32, #tpu.memory_space<vmem>>, vector<16xf32>,
    tpu.vector_store %arg9[%swap3A_972, %swap3A_973], %broadcast_in_dim3A_6 {strides = array<i32>} : memref<8x128xf32, #tpu.memory_space<vmem>>, vector<16xf32>,
    %swap3A_975 = arith.constant 0 : i32
    %swap3A_976 = arith.index_cast %swap3A_975 : i32 to index
    %swap3A_977 = arith.constant 96 : index
    %swap3A_978 = tpu.vector_load %arg9[%swap3A_976, %swap3A_977] {strides = array<i32>} : memref<8x128xf32, #tpu.memory_space<vmem>>, vector<16xf32>,
    tpu.vector_store %arg9[%swap3A_976, %swap3A_977], %broadcast_in_dim3A_6 {strides = array<i32>} : memref<8x128xf32, #tpu.memory_space<vmem>>, vector<16xf32>,
    %swap3A_979 = arith.constant 0 : i32
    %swap3A_980 = arith.index_cast %swap3A_979 : i32 to index
    %swap3A_981 = arith.constant 112 : index
    %swap3A_982 = tpu.vector_load %arg9[%swap3A_980, %swap3A_981] {strides = array<i32>} : memref<8x128xf32, #tpu.memory_space<vmem>>, vector<16xf32>,
    tpu.vector_store %arg9[%swap3A_980, %swap3A_981], %broadcast_in_dim3A_6 {strides = array<i32>} : memref<8x128xf32, #tpu.memory_space<vmem>>, vector<16xf32>,
    %swap3A_983 = arith.constant 1 : i32
    %swap3A_984 = arith.index_cast %swap3A_983 : i32 to index
    %swap3A_985 = arith.constant 0 : index
    %swap3A_986 = tpu.vector_load %arg9[%swap3A_984, %swap3A_985] {strides = array<i32>} : memref<8x128xf32, #tpu.memory_space<vmem>>, vector<16xf32>,
    tpu.vector_store %arg9[%swap3A_984, %swap3A_985], %broadcast_in_dim3A_6 {strides = array<i32>} : memref<8x128xf32, #tpu.memory_space<vmem>>, vector<16xf32>,
    %swap3A_987 = arith.constant 1 : i32
    %swap3A_988 = arith.index_cast %swap3A_987 : i32 to index
    %swap3A_989 = arith.constant 16 : index
    %swap3A_990 = tpu.vector_load %arg9[%swap3A_988, %swap3A_989] {strides = array<i32>} : memref<8x128xf32, #tpu.memory_space<vmem>>, vector<16xf32>,
    tpu.vector_store %arg9[%swap3A_988, %swap3A_989], %broadcast_in_dim3A_6 {strides = array<i32>} : memref<8x128xf32, #tpu.memory_space<vmem>>, vector<16xf32>,
    %swap3A_991 = arith.constant 1 : i32
    %swap3A_992 = arith.index_cast %swap3A_991 : i32 to index
    %swap3A_993 = arith.constant 32 : index
    %swap3A_994 = tpu.vector_load %arg9[%swap3A_992, %swap3A_993] {strides = array<i32>} : memref<8x128xf32, #tpu.memory_space<vmem>>, vector<16xf32>,
    tpu.vector_store %arg9[%swap3A_992, %swap3A_993], %broadcast_in_dim3A_6 {strides = array<i32>} : memref<8x128xf32, #tpu.memory_space<vmem>>, vector<16xf32>,
    %swap3A_995 = arith.constant 1 : i32
    %swap3A_996 = arith.index_cast %swap3A_995 : i32 to index
    %swap3A_997 = arith.constant 48 : index
    %swap3A_998 = tpu.vector_load %arg9[%swap3A_996, %swap3A_997] {strides = array<i32>} : memref<8x128xf32, #tpu.memory_space<vmem>>, vector<16xf32>,
    tpu.vector_store %arg9[%swap3A_996, %swap3A_997], %broadcast_in_dim3A_6 {strides = array<i32>} : memref<8x128xf32, #tpu.memory_space<vmem>>, vector<16xf32>,
    %swap3A_999 = arith.constant 1 : i32
    %swap3A_1000 = arith.index_cast %swap3A_999 : i32 to index
    %swap3A_1001 = arith.constant 64 : index
    %swap3A_1002 = tpu.vector_load %arg9[%swap3A_1000, %swap3A_1001] {strides = array<i32>} : memref<8x128xf32, #tpu.memory_space<vmem>>, vector<16xf32>,
    tpu.vector_store %arg9[%swap3A_1000, %swap3A_1001], %broadcast_in_dim3A_6 {strides = array<i32>} : memref<8x128xf32, #tpu.memory_space<vmem>>, vector<16xf32>,
    %swap3A_1003 = arith.constant 1 : i32
    %swap3A_1004 = arith.index_cast %swap3A_1003 : i32 to index
    %swap3A_1005 = arith.constant 80 : index
    %swap3A_1006 = tpu.vector_load %arg9[%swap3A_1004, %swap3A_1005] {strides = array<i32>} : memref<8x128xf32, #tpu.memory_space<vmem>>, vector<16xf32>,
    tpu.vector_store %arg9[%swap3A_1004, %swap3A_1005], %broadcast_in_dim3A_6 {strides = array<i32>} : memref<8x128xf32, #tpu.memory_space<vmem>>, vector<16xf32>,
    %swap3A_1007 = arith.constant 1 : i32
    %swap3A_1008 = arith.index_cast %swap3A_1007 : i32 to index
    %swap3A_1009 = arith.constant 96 : index
    %swap3A_1010 = tpu.vector_load %arg9[%swap3A_1008, %swap3A_1009] {strides = array<i32>} : memref<8x128xf32, #tpu.memory_space<vmem>>, vector<16xf32>,
    tpu.vector_store %arg9[%swap3A_1008, %swap3A_1009], %broadcast_in_dim3A_6 {strides = array<i32>} : memref<8x128xf32, #tpu.memory_space<vmem>>, vector<16xf32>,
    %swap3A_1011 = arith.constant 1 : i32
    %swap3A_1012 = arith.index_cast %swap3A_1011 : i32 to index
    %swap3A_1013 = arith.constant 112 : index
    %swap3A_1014 = tpu.vector_load %arg9[%swap3A_1012, %swap3A_1013] {strides = array<i32>} : memref<8x128xf32, #tpu.memory_space<vmem>>, vector<16xf32>,
    tpu.vector_store %arg9[%swap3A_1012, %swap3A_1013], %broadcast_in_dim3A_6 {strides = array<i32>} : memref<8x128xf32, #tpu.memory_space<vmem>>, vector<16xf32>,
    %swap3A_1015 = arith.constant 2 : i32
    %swap3A_1016 = arith.index_cast %swap3A_1015 : i32 to index
    %swap3A_1017 = arith.constant 0 : index
    %swap3A_1018 = tpu.vector_load %arg9[%swap3A_1016, %swap3A_1017] {strides = array<i32>} : memref<8x128xf32, #tpu.memory_space<vmem>>, vector<16xf32>,
    tpu.vector_store %arg9[%swap3A_1016, %swap3A_1017], %broadcast_in_dim3A_6 {strides = array<i32>} : memref<8x128xf32, #tpu.memory_space<vmem>>, vector<16xf32>,
    %swap3A_1019 = arith.constant 2 : i32
    %swap3A_1020 = arith.index_cast %swap3A_1019 : i32 to index
    %swap3A_1021 = arith.constant 16 : index
    %swap3A_1022 = tpu.vector_load %arg9[%swap3A_1020, %swap3A_1021] {strides = array<i32>} : memref<8x128xf32, #tpu.memory_space<vmem>>, vector<16xf32>,
    tpu.vector_store %arg9[%swap3A_1020, %swap3A_1021], %broadcast_in_dim3A_6 {strides = array<i32>} : memref<8x128xf32, #tpu.memory_space<vmem>>, vector<16xf32>,
    %swap3A_1023 = arith.constant 2 : i32
    %swap3A_1024 = arith.index_cast %swap3A_1023 : i32 to index
    %swap3A_1025 = arith.constant 32 : index
    %swap3A_1026 = tpu.vector_load %arg9[%swap3A_1024, %swap3A_1025] {strides = array<i32>} : memref<8x128xf32, #tpu.memory_space<vmem>>, vector<16xf32>,
    tpu.vector_store %arg9[%swap3A_1024, %swap3A_1025], %broadcast_in_dim3A_6 {strides = array<i32>} : memref<8x128xf32, #tpu.memory_space<vmem>>, vector<16xf32>,
    %swap3A_1027 = arith.constant 2 : i32
    %swap3A_1028 = arith.index_cast %swap3A_1027 : i32 to index
    %swap3A_1029 = arith.constant 48 : index
    %swap3A_1030 = tpu.vector_load %arg9[%swap3A_1028, %swap3A_1029] {strides = array<i32>} : memref<8x128xf32, #tpu.memory_space<vmem>>, vector<16xf32>,
    tpu.vector_store %arg9[%swap3A_1028, %swap3A_1029], %broadcast_in_dim3A_6 {strides = array<i32>} : memref<8x128xf32, #tpu.memory_space<vmem>>, vector<16xf32>,
    %swap3A_1031 = arith.constant 2 : i32
    %swap3A_1032 = arith.index_cast %swap3A_1031 : i32 to index
    %swap3A_1033 = arith.constant 64 : index
    %swap3A_1034 = tpu.vector_load %arg9[%swap3A_1032, %swap3A_1033] {strides = array<i32>} : memref<8x128xf32, #tpu.memory_space<vmem>>, vector<16xf32>,
    tpu.vector_store %arg9[%swap3A_1032, %swap3A_1033], %broadcast_in_dim3A_6 {strides = array<i32>} : memref<8x128xf32, #tpu.memory_space<vmem>>, vector<16xf32>,
    %swap3A_1035 = arith.constant 2 : i32
    %swap3A_1036 = arith.index_cast %swap3A_1035 : i32 to index
    %swap3A_1037 = arith.constant 80 : index
    %swap3A_1038 = tpu.vector_load %arg9[%swap3A_1036, %swap3A_1037] {strides = array<i32>} : memref<8x128xf32, #tpu.memory_space<vmem>>, vector<16xf32>,
    tpu.vector_store %arg9[%swap3A_1036, %swap3A_1037], %broadcast_in_dim3A_6 {strides = array<i32>} : memref<8x128xf32, #tpu.memory_space<vmem>>, vector<16xf32>,
    %swap3A_1039 = arith.constant 2 : i32
    %swap3A_1040 = arith.index_cast %swap3A_1039 : i32 to index
    %swap3A_1041 = arith.constant 96 : index
    %swap3A_1042 = tpu.vector_load %arg9[%swap3A_1040, %swap3A_1041] {strides = array<i32>} : memref<8x128xf32, #tpu.memory_space<vmem>>, vector<16xf32>,
    tpu.vector_store %arg9[%swap3A_1040, %swap3A_1041], %broadcast_in_dim3A_6 {strides = array<i32>} : memref<8x128xf32, #tpu.memory_space<vmem>>, vector<16xf32>,
    %swap3A_1043 = arith.constant 2 : i32
    %swap3A_1044 = arith.index_cast %swap3A_1043 : i32 to index
    %swap3A_1045 = arith.constant 112 : index
    %swap3A_1046 = tpu.vector_load %arg9[%swap3A_1044, %swap3A_1045] {strides = array<i32>} : memref<8x128xf32, #tpu.memory_space<vmem>>, vector<16xf32>,
    tpu.vector_store %arg9[%swap3A_1044, %swap3A_1045], %broadcast_in_dim3A_6 {strides = array<i32>} : memref<8x128xf32, #tpu.memory_space<vmem>>, vector<16xf32>,
    %swap3A_1047 = arith.constant 3 : i32
    %swap3A_1048 = arith.index_cast %swap3A_1047 : i32 to index
    %swap3A_1049 = arith.constant 0 : index
    %swap3A_1050 = tpu.vector_load %arg9[%swap3A_1048, %swap3A_1049] {strides = array<i32>} : memref<8x128xf32, #tpu.memory_space<vmem>>, vector<16xf32>,
    tpu.vector_store %arg9[%swap3A_1048, %swap3A_1049], %broadcast_in_dim3A_6 {strides = array<i32>} : memref<8x128xf32, #tpu.memory_space<vmem>>, vector<16xf32>,
    %swap3A_1051 = arith.constant 3 : i32
    %swap3A_1052 = arith.index_cast %swap3A_1051 : i32 to index
    %swap3A_1053 = arith.constant 16 : index
    %swap3A_1054 = tpu.vector_load %arg9[%swap3A_1052, %swap3A_1053] {strides = array<i32>} : memref<8x128xf32, #tpu.memory_space<vmem>>, vector<16xf32>,
    tpu.vector_store %arg9[%swap3A_1052, %swap3A_1053], %broadcast_in_dim3A_6 {strides = array<i32>} : memref<8x128xf32, #tpu.memory_space<vmem>>, vector<16xf32>,
    %swap3A_1055 = arith.constant 3 : i32
    %swap3A_1056 = arith.index_cast %swap3A_1055 : i32 to index
    %swap3A_1057 = arith.constant 32 : index
    %swap3A_1058 = tpu.vector_load %arg9[%swap3A_1056, %swap3A_1057] {strides = array<i32>} : memref<8x128xf32, #tpu.memory_space<vmem>>, vector<16xf32>,
    tpu.vector_store %arg9[%swap3A_1056, %swap3A_1057], %broadcast_in_dim3A_6 {strides = array<i32>} : memref<8x128xf32, #tpu.memory_space<vmem>>, vector<16xf32>,
    %swap3A_1059 = arith.constant 3 : i32
    %swap3A_1060 = arith.index_cast %swap3A_1059 : i32 to index
    %swap3A_1061 = arith.constant 48 : index
    %swap3A_1062 = tpu.vector_load %arg9[%swap3A_1060, %swap3A_1061] {strides = array<i32>} : memref<8x128xf32, #tpu.memory_space<vmem>>, vector<16xf32>,
    tpu.vector_store %arg9[%swap3A_1060, %swap3A_1061], %broadcast_in_dim3A_6 {strides = array<i32>} : memref<8x128xf32, #tpu.memory_space<vmem>>, vector<16xf32>,
    %swap3A_1063 = arith.constant 3 : i32
    %swap3A_1064 = arith.index_cast %swap3A_1063 : i32 to index
    %swap3A_1065 = arith.constant 64 : index
    %swap3A_1066 = tpu.vector_load %arg9[%swap3A_1064, %swap3A_1065] {strides = array<i32>} : memref<8x128xf32, #tpu.memory_space<vmem>>, vector<16xf32>,
    tpu.vector_store %arg9[%swap3A_1064, %swap3A_1065], %broadcast_in_dim3A_6 {strides = array<i32>} : memref<8x128xf32, #tpu.memory_space<vmem>>, vector<16xf32>,
    %swap3A_1067 = arith.constant 3 : i32
    %swap3A_1068 = arith.index_cast %swap3A_1067 : i32 to index
    %swap3A_1069 = arith.constant 80 : index
    %swap3A_1070 = tpu.vector_load %arg9[%swap3A_1068, %swap3A_1069] {strides = array<i32>} : memref<8x128xf32, #tpu.memory_space<vmem>>, vector<16xf32>,
    tpu.vector_store %arg9[%swap3A_1068, %swap3A_1069], %broadcast_in_dim3A_6 {strides = array<i32>} : memref<8x128xf32, #tpu.memory_space<vmem>>, vector<16xf32>,
    %swap3A_1071 = arith.constant 3 : i32
    %swap3A_1072 = arith.index_cast %swap3A_1071 : i32 to index
    %swap3A_1073 = arith.constant 96 : index
    %swap3A_1074 = tpu.vector_load %arg9[%swap3A_1072, %swap3A_1073] {strides = array<i32>} : memref<8x128xf32, #tpu.memory_space<vmem>>, vector<16xf32>,
    tpu.vector_store %arg9[%swap3A_1072, %swap3A_1073], %broadcast_in_dim3A_6 {strides = array<i32>} : memref<8x128xf32, #tpu.memory_space<vmem>>, vector<16xf32>,
    %swap3A_1075 = arith.constant 3 : i32
    %swap3A_1076 = arith.index_cast %swap3A_1075 : i32 to index
    %swap3A_1077 = arith.constant 112 : index
    %swap3A_1078 = tpu.vector_load %arg9[%swap3A_1076, %swap3A_1077] {strides = array<i32>} : memref<8x128xf32, #tpu.memory_space<vmem>>, vector<16xf32>,
    tpu.vector_store %arg9[%swap3A_1076, %swap3A_1077], %broadcast_in_dim3A_6 {strides = array<i32>} : memref<8x128xf32, #tpu.memory_space<vmem>>, vector<16xf32>,
    %swap3A_1079 = arith.constant 4 : i32
    %swap3A_1080 = arith.index_cast %swap3A_1079 : i32 to index
    %swap3A_1081 = arith.constant 0 : index
    %swap3A_1082 = tpu.vector_load %arg9[%swap3A_1080, %swap3A_1081] {strides = array<i32>} : memref<8x128xf32, #tpu.memory_space<vmem>>, vector<16xf32>,
    tpu.vector_store %arg9[%swap3A_1080, %swap3A_1081], %broadcast_in_dim3A_6 {strides = array<i32>} : memref<8x128xf32, #tpu.memory_space<vmem>>, vector<16xf32>,
    %swap3A_1083 = arith.constant 4 : i32
    %swap3A_1084 = arith.index_cast %swap3A_1083 : i32 to index
    %swap3A_1085 = arith.constant 16 : index
    %swap3A_1086 = tpu.vector_load %arg9[%swap3A_1084, %swap3A_1085] {strides = array<i32>} : memref<8x128xf32, #tpu.memory_space<vmem>>, vector<16xf32>,
    tpu.vector_store %arg9[%swap3A_1084, %swap3A_1085], %broadcast_in_dim3A_6 {strides = array<i32>} : memref<8x128xf32, #tpu.memory_space<vmem>>, vector<16xf32>,
    %swap3A_1087 = arith.constant 4 : i32
    %swap3A_1088 = arith.index_cast %swap3A_1087 : i32 to index
    %swap3A_1089 = arith.constant 32 : index
    %swap3A_1090 = tpu.vector_load %arg9[%swap3A_1088, %swap3A_1089] {strides = array<i32>} : memref<8x128xf32, #tpu.memory_space<vmem>>, vector<16xf32>,
    tpu.vector_store %arg9[%swap3A_1088, %swap3A_1089], %broadcast_in_dim3A_6 {strides = array<i32>} : memref<8x128xf32, #tpu.memory_space<vmem>>, vector<16xf32>,
    %swap3A_1091 = arith.constant 4 : i32
    %swap3A_1092 = arith.index_cast %swap3A_1091 : i32 to index
    %swap3A_1093 = arith.constant 48 : index
    %swap3A_1094 = tpu.vector_load %arg9[%swap3A_1092, %swap3A_1093] {strides = array<i32>} : memref<8x128xf32, #tpu.memory_space<vmem>>, vector<16xf32>,
    tpu.vector_store %arg9[%swap3A_1092, %swap3A_1093], %broadcast_in_dim3A_6 {strides = array<i32>} : memref<8x128xf32, #tpu.memory_space<vmem>>, vector<16xf32>,
    %swap3A_1095 = arith.constant 4 : i32
    %swap3A_1096 = arith.index_cast %swap3A_1095 : i32 to index
    %swap3A_1097 = arith.constant 64 : index
    %swap3A_1098 = tpu.vector_load %arg9[%swap3A_1096, %swap3A_1097] {strides = array<i32>} : memref<8x128xf32, #tpu.memory_space<vmem>>, vector<16xf32>,
    tpu.vector_store %arg9[%swap3A_1096, %swap3A_1097], %broadcast_in_dim3A_6 {strides = array<i32>} : memref<8x128xf32, #tpu.memory_space<vmem>>, vector<16xf32>,
    %swap3A_1099 = arith.constant 4 : i32
    %swap3A_1100 = arith.index_cast %swap3A_1099 : i32 to index
    %swap3A_1101 = arith.constant 80 : index
    %swap3A_1102 = tpu.vector_load %arg9[%swap3A_1100, %swap3A_1101] {strides = array<i32>} : memref<8x128xf32, #tpu.memory_space<vmem>>, vector<16xf32>,
    tpu.vector_store %arg9[%swap3A_1100, %swap3A_1101], %broadcast_in_dim3A_6 {strides = array<i32>} : memref<8x128xf32, #tpu.memory_space<vmem>>, vector<16xf32>,
    %swap3A_1103 = arith.constant 4 : i32
    %swap3A_1104 = arith.index_cast %swap3A_1103 : i32 to index
    %swap3A_1105 = arith.constant 96 : index
    %swap3A_1106 = tpu.vector_load %arg9[%swap3A_1104, %swap3A_1105] {strides = array<i32>} : memref<8x128xf32, #tpu.memory_space<vmem>>, vector<16xf32>,
    tpu.vector_store %arg9[%swap3A_1104, %swap3A_1105], %broadcast_in_dim3A_6 {strides = array<i32>} : memref<8x128xf32, #tpu.memory_space<vmem>>, vector<16xf32>,
    %swap3A_1107 = arith.constant 4 : i32
    %swap3A_1108 = arith.index_cast %swap3A_1107 : i32 to index
    %swap3A_1109 = arith.constant 112 : index
    %swap3A_1110 = tpu.vector_load %arg9[%swap3A_1108, %swap3A_1109] {strides = array<i32>} : memref<8x128xf32, #tpu.memory_space<vmem>>, vector<16xf32>,
    tpu.vector_store %arg9[%swap3A_1108, %swap3A_1109], %broadcast_in_dim3A_6 {strides = array<i32>} : memref<8x128xf32, #tpu.memory_space<vmem>>, vector<16xf32>,
    %swap3A_1111 = arith.constant 5 : i32
    %swap3A_1112 = arith.index_cast %swap3A_1111 : i32 to index
    %swap3A_1113 = arith.constant 0 : index
    %swap3A_1114 = tpu.vector_load %arg9[%swap3A_1112, %swap3A_1113] {strides = array<i32>} : memref<8x128xf32, #tpu.memory_space<vmem>>, vector<16xf32>,
    tpu.vector_store %arg9[%swap3A_1112, %swap3A_1113], %broadcast_in_dim3A_6 {strides = array<i32>} : memref<8x128xf32, #tpu.memory_space<vmem>>, vector<16xf32>,
    %swap3A_1115 = arith.constant 5 : i32
    %swap3A_1116 = arith.index_cast %swap3A_1115 : i32 to index
    %swap3A_1117 = arith.constant 16 : index
    %swap3A_1118 = tpu.vector_load %arg9[%swap3A_1116, %swap3A_1117] {strides = array<i32>} : memref<8x128xf32, #tpu.memory_space<vmem>>, vector<16xf32>,
    tpu.vector_store %arg9[%swap3A_1116, %swap3A_1117], %broadcast_in_dim3A_6 {strides = array<i32>} : memref<8x128xf32, #tpu.memory_space<vmem>>, vector<16xf32>,
    %swap3A_1119 = arith.constant 5 : i32
    %swap3A_1120 = arith.index_cast %swap3A_1119 : i32 to index
    %swap3A_1121 = arith.constant 32 : index
    %swap3A_1122 = tpu.vector_load %arg9[%swap3A_1120, %swap3A_1121] {strides = array<i32>} : memref<8x128xf32, #tpu.memory_space<vmem>>, vector<16xf32>,
    tpu.vector_store %arg9[%swap3A_1120, %swap3A_1121], %broadcast_in_dim3A_6 {strides = array<i32>} : memref<8x128xf32, #tpu.memory_space<vmem>>, vector<16xf32>,
    %swap3A_1123 = arith.constant 5 : i32
    %swap3A_1124 = arith.index_cast %swap3A_1123 : i32 to index
    %swap3A_1125 = arith.constant 48 : index
    %swap3A_1126 = tpu.vector_load %arg9[%swap3A_1124, %swap3A_1125] {strides = array<i32>} : memref<8x128xf32, #tpu.memory_space<vmem>>, vector<16xf32>,
    tpu.vector_store %arg9[%swap3A_1124, %swap3A_1125], %broadcast_in_dim3A_6 {strides = array<i32>} : memref<8x128xf32, #tpu.memory_space<vmem>>, vector<16xf32>,
    %swap3A_1127 = arith.constant 5 : i32
    %swap3A_1128 = arith.index_cast %swap3A_1127 : i32 to index
    %swap3A_1129 = arith.constant 64 : index
    %swap3A_1130 = tpu.vector_load %arg9[%swap3A_1128, %swap3A_1129] {strides = array<i32>} : memref<8x128xf32, #tpu.memory_space<vmem>>, vector<16xf32>,
    tpu.vector_store %arg9[%swap3A_1128, %swap3A_1129], %broadcast_in_dim3A_6 {strides = array<i32>} : memref<8x128xf32, #tpu.memory_space<vmem>>, vector<16xf32>,
    %swap3A_1131 = arith.constant 5 : i32
    %swap3A_1132 = arith.index_cast %swap3A_1131 : i32 to index
    %swap3A_1133 = arith.constant 80 : index
    %swap3A_1134 = tpu.vector_load %arg9[%swap3A_1132, %swap3A_1133] {strides = array<i32>} : memref<8x128xf32, #tpu.memory_space<vmem>>, vector<16xf32>,
    tpu.vector_store %arg9[%swap3A_1132, %swap3A_1133], %broadcast_in_dim3A_6 {strides = array<i32>} : memref<8x128xf32, #tpu.memory_space<vmem>>, vector<16xf32>,
    %swap3A_1135 = arith.constant 5 : i32
    %swap3A_1136 = arith.index_cast %swap3A_1135 : i32 to index
    %swap3A_1137 = arith.constant 96 : index
    %swap3A_1138 = tpu.vector_load %arg9[%swap3A_1136, %swap3A_1137] {strides = array<i32>} : memref<8x128xf32, #tpu.memory_space<vmem>>, vector<16xf32>,
    tpu.vector_store %arg9[%swap3A_1136, %swap3A_1137], %broadcast_in_dim3A_6 {strides = array<i32>} : memref<8x128xf32, #tpu.memory_space<vmem>>, vector<16xf32>,
    %swap3A_1139 = arith.constant 5 : i32
    %swap3A_1140 = arith.index_cast %swap3A_1139 : i32 to index
    %swap3A_1141 = arith.constant 112 : index
    %swap3A_1142 = tpu.vector_load %arg9[%swap3A_1140, %swap3A_1141] {strides = array<i32>} : memref<8x128xf32, #tpu.memory_space<vmem>>, vector<16xf32>,
    tpu.vector_store %arg9[%swap3A_1140, %swap3A_1141], %broadcast_in_dim3A_6 {strides = array<i32>} : memref<8x128xf32, #tpu.memory_space<vmem>>, vector<16xf32>,
    %swap3A_1143 = arith.constant 6 : i32
    %swap3A_1144 = arith.index_cast %swap3A_1143 : i32 to index
    %swap3A_1145 = arith.constant 0 : index
    %swap3A_1146 = tpu.vector_load %arg9[%swap3A_1144, %swap3A_1145] {strides = array<i32>} : memref<8x128xf32, #tpu.memory_space<vmem>>, vector<16xf32>,
    tpu.vector_store %arg9[%swap3A_1144, %swap3A_1145], %broadcast_in_dim3A_6 {strides = array<i32>} : memref<8x128xf32, #tpu.memory_space<vmem>>, vector<16xf32>,
    %swap3A_1147 = arith.constant 6 : i32
    %swap3A_1148 = arith.index_cast %swap3A_1147 : i32 to index
    %swap3A_1149 = arith.constant 16 : index
    %swap3A_1150 = tpu.vector_load %arg9[%swap3A_1148, %swap3A_1149] {strides = array<i32>} : memref<8x128xf32, #tpu.memory_space<vmem>>, vector<16xf32>,
    tpu.vector_store %arg9[%swap3A_1148, %swap3A_1149], %broadcast_in_dim3A_6 {strides = array<i32>} : memref<8x128xf32, #tpu.memory_space<vmem>>, vector<16xf32>,
    %swap3A_1151 = arith.constant 6 : i32
    %swap3A_1152 = arith.index_cast %swap3A_1151 : i32 to index
    %swap3A_1153 = arith.constant 32 : index
    %swap3A_1154 = tpu.vector_load %arg9[%swap3A_1152, %swap3A_1153] {strides = array<i32>} : memref<8x128xf32, #tpu.memory_space<vmem>>, vector<16xf32>,
    tpu.vector_store %arg9[%swap3A_1152, %swap3A_1153], %broadcast_in_dim3A_6 {strides = array<i32>} : memref<8x128xf32, #tpu.memory_space<vmem>>, vector<16xf32>,
    %swap3A_1155 = arith.constant 6 : i32
    %swap3A_1156 = arith.index_cast %swap3A_1155 : i32 to index
    %swap3A_1157 = arith.constant 48 : index
    %swap3A_1158 = tpu.vector_load %arg9[%swap3A_1156, %swap3A_1157] {strides = array<i32>} : memref<8x128xf32, #tpu.memory_space<vmem>>, vector<16xf32>,
    tpu.vector_store %arg9[%swap3A_1156, %swap3A_1157], %broadcast_in_dim3A_6 {strides = array<i32>} : memref<8x128xf32, #tpu.memory_space<vmem>>, vector<16xf32>,
    %swap3A_1159 = arith.constant 6 : i32
    %swap3A_1160 = arith.index_cast %swap3A_1159 : i32 to index
    %swap3A_1161 = arith.constant 64 : index
    %swap3A_1162 = tpu.vector_load %arg9[%swap3A_1160, %swap3A_1161] {strides = array<i32>} : memref<8x128xf32, #tpu.memory_space<vmem>>, vector<16xf32>,
    tpu.vector_store %arg9[%swap3A_1160, %swap3A_1161], %broadcast_in_dim3A_6 {strides = array<i32>} : memref<8x128xf32, #tpu.memory_space<vmem>>, vector<16xf32>,
    %swap3A_1163 = arith.constant 6 : i32
    %swap3A_1164 = arith.index_cast %swap3A_1163 : i32 to index
    %swap3A_1165 = arith.constant 80 : index
    %swap3A_1166 = tpu.vector_load %arg9[%swap3A_1164, %swap3A_1165] {strides = array<i32>} : memref<8x128xf32, #tpu.memory_space<vmem>>, vector<16xf32>,
    tpu.vector_store %arg9[%swap3A_1164, %swap3A_1165], %broadcast_in_dim3A_6 {strides = array<i32>} : memref<8x128xf32, #tpu.memory_space<vmem>>, vector<16xf32>,
    %swap3A_1167 = arith.constant 6 : i32
    %swap3A_1168 = arith.index_cast %swap3A_1167 : i32 to index
    %swap3A_1169 = arith.constant 96 : index
    %swap3A_1170 = tpu.vector_load %arg9[%swap3A_1168, %swap3A_1169] {strides = array<i32>} : memref<8x128xf32, #tpu.memory_space<vmem>>, vector<16xf32>,
    tpu.vector_store %arg9[%swap3A_1168, %swap3A_1169], %broadcast_in_dim3A_6 {strides = array<i32>} : memref<8x128xf32, #tpu.memory_space<vmem>>, vector<16xf32>,
    %swap3A_1171 = arith.constant 6 : i32
    %swap3A_1172 = arith.index_cast %swap3A_1171 : i32 to index
    %swap3A_1173 = arith.constant 112 : index
    %swap3A_1174 = tpu.vector_load %arg9[%swap3A_1172, %swap3A_1173] {strides = array<i32>} : memref<8x128xf32, #tpu.memory_space<vmem>>, vector<16xf32>,
    tpu.vector_store %arg9[%swap3A_1172, %swap3A_1173], %broadcast_in_dim3A_6 {strides = array<i32>} : memref<8x128xf32, #tpu.memory_space<vmem>>, vector<16xf32>,
    %swap3A_1175 = arith.constant 7 : i32
    %swap3A_1176 = arith.index_cast %swap3A_1175 : i32 to index
    %swap3A_1177 = arith.constant 0 : index
    %swap3A_1178 = tpu.vector_load %arg9[%swap3A_1176, %swap3A_1177] {strides = array<i32>} : memref<8x128xf32, #tpu.memory_space<vmem>>, vector<16xf32>,
    tpu.vector_store %arg9[%swap3A_1176, %swap3A_1177], %broadcast_in_dim3A_6 {strides = array<i32>} : memref<8x128xf32, #tpu.memory_space<vmem>>, vector<16xf32>,
    %swap3A_1179 = arith.constant 7 : i32
    %swap3A_1180 = arith.index_cast %swap3A_1179 : i32 to index
    %swap3A_1181 = arith.constant 16 : index
    %swap3A_1182 = tpu.vector_load %arg9[%swap3A_1180, %swap3A_1181] {strides = array<i32>} : memref<8x128xf32, #tpu.memory_space<vmem>>, vector<16xf32>,
    tpu.vector_store %arg9[%swap3A_1180, %swap3A_1181], %broadcast_in_dim3A_6 {strides = array<i32>} : memref<8x128xf32, #tpu.memory_space<vmem>>, vector<16xf32>,
    %swap3A_1183 = arith.constant 7 : i32
    %swap3A_1184 = arith.index_cast %swap3A_1183 : i32 to index
    %swap3A_1185 = arith.constant 32 : index
    %swap3A_1186 = tpu.vector_load %arg9[%swap3A_1184, %swap3A_1185] {strides = array<i32>} : memref<8x128xf32, #tpu.memory_space<vmem>>, vector<16xf32>,
    tpu.vector_store %arg9[%swap3A_1184, %swap3A_1185], %broadcast_in_dim3A_6 {strides = array<i32>} : memref<8x128xf32, #tpu.memory_space<vmem>>, vector<16xf32>,
    %swap3A_1187 = arith.constant 7 : i32
    %swap3A_1188 = arith.index_cast %swap3A_1187 : i32 to index
    %swap3A_1189 = arith.constant 48 : index
    %swap3A_1190 = tpu.vector_load %arg9[%swap3A_1188, %swap3A_1189] {strides = array<i32>} : memref<8x128xf32, #tpu.memory_space<vmem>>, vector<16xf32>,
    tpu.vector_store %arg9[%swap3A_1188, %swap3A_1189], %broadcast_in_dim3A_6 {strides = array<i32>} : memref<8x128xf32, #tpu.memory_space<vmem>>, vector<16xf32>,
    %swap3A_1191 = arith.constant 7 : i32
    %swap3A_1192 = arith.index_cast %swap3A_1191 : i32 to index
    %swap3A_1193 = arith.constant 64 : index
    %swap3A_1194 = tpu.vector_load %arg9[%swap3A_1192, %swap3A_1193] {strides = array<i32>} : memref<8x128xf32, #tpu.memory_space<vmem>>, vector<16xf32>,
    tpu.vector_store %arg9[%swap3A_1192, %swap3A_1193], %broadcast_in_dim3A_6 {strides = array<i32>} : memref<8x128xf32, #tpu.memory_space<vmem>>, vector<16xf32>,
    %swap3A_1195 = arith.constant 7 : i32
    %swap3A_1196 = arith.index_cast %swap3A_1195 : i32 to index
    %swap3A_1197 = arith.constant 80 : index
    %swap3A_1198 = tpu.vector_load %arg9[%swap3A_1196, %swap3A_1197] {strides = array<i32>} : memref<8x128xf32, #tpu.memory_space<vmem>>, vector<16xf32>,
    tpu.vector_store %arg9[%swap3A_1196, %swap3A_1197], %broadcast_in_dim3A_6 {strides = array<i32>} : memref<8x128xf32, #tpu.memory_space<vmem>>, vector<16xf32>,
    %swap3A_1199 = arith.constant 7 : i32
    %swap3A_1200 = arith.index_cast %swap3A_1199 : i32 to index
    %swap3A_1201 = arith.constant 96 : index
    %swap3A_1202 = tpu.vector_load %arg9[%swap3A_1200, %swap3A_1201] {strides = array<i32>} : memref<8x128xf32, #tpu.memory_space<vmem>>, vector<16xf32>,
    tpu.vector_store %arg9[%swap3A_1200, %swap3A_1201], %broadcast_in_dim3A_6 {strides = array<i32>} : memref<8x128xf32, #tpu.memory_space<vmem>>, vector<16xf32>,
    %swap3A_1203 = arith.constant 7 : i32
    %swap3A_1204 = arith.index_cast %swap3A_1203 : i32 to index
    %swap3A_1205 = arith.constant 112 : index
    %swap3A_1206 = tpu.vector_load %arg9[%swap3A_1204, %swap3A_1205] {strides = array<i32>} : memref<8x128xf32, #tpu.memory_space<vmem>>, vector<16xf32>,
    tpu.vector_store %arg9[%swap3A_1204, %swap3A_1205], %broadcast_in_dim3A_6 {strides = array<i32>} : memref<8x128xf32, #tpu.memory_space<vmem>>, vector<16xf32>,
    %swap3A_1207 = arith.constant 0 : i32
    %swap3A_1208 = arith.index_cast %swap3A_1207 : i32 to index
    %swap3A_1209 = arith.constant 0 : index
    %swap3A_1210 = tpu.vector_load %arg9[%swap3A_1208, %swap3A_1209] {strides = array<i32>} : memref<8x128xf32, #tpu.memory_space<vmem>>, vector<16xf32>,
    tpu.vector_store %arg9[%swap3A_1208, %swap3A_1209], %scan3A_954#0 {strides = array<i32>} : memref<8x128xf32, #tpu.memory_space<vmem>>, vector<16xf32>,
    "tpu.region"() ({
      %run_scoped3A = tpu.sem_alloc : memref<!tpu.dma_semaphore, #tpu.memory_space<semaphore_mem>>
      %dma_start3A_1211 = arith.constant 0 : i32
      %dma_start3A_1212 = arith.constant 0 : i32
      %dma_start3A_1213 = tpu.memref_slice %arg5[%add3A, %dma_start3A_1211, %dma_start3A_1212] : memref<32x8x128xf32, #tpu.memory_space<hbm>> -> memref<1x8x128xf32, #tpu.memory_space<hbm>>
      %dma_start3A_1214 = tpu.memref_squeeze %dma_start3A_1213 : memref<1x8x128xf32, #tpu.memory_space<hbm>> -> memref<8x128xf32, #tpu.memory_space<hbm>>
      %dma_start3A_1215 = arith.constant 0 : i32
      %dma_start3A_1216 = arith.constant 0 : i32
      %dma_start3A_1217 = tpu.memref_slice %arg5[%add3A, %dma_start3A_1215, %dma_start3A_1216] : memref<32x8x128xf32, #tpu.memory_space<hbm>> -> memref<1x8x128xf32, #tpu.memory_space<hbm>>
      %dma_start3A_1218 = tpu.memref_squeeze %dma_start3A_1217 : memref<1x8x128xf32, #tpu.memory_space<hbm>> -> memref<8x128xf32, #tpu.memory_space<hbm>>
      tpu.enqueue_dma source(%arg9 : memref<8x128xf32, #tpu.memory_space<vmem>>) target(%dma_start3A_1218 : memref<8x128xf32, #tpu.memory_space<hbm>>) target_semaphore(%run_scoped3A : memref<!tpu.dma_semaphore, #tpu.memory_space<semaphore_mem>>)
      %dma_wait3A = arith.constant 0 : i32
      %dma_wait3A_1219 = arith.constant 0 : i32
      %dma_wait3A_1220 = tpu.memref_slice %arg5[%add3A, %dma_wait3A, %dma_wait3A_1219] : memref<32x8x128xf32, #tpu.memory_space<hbm>> -> memref<1x8x128xf32, #tpu.memory_space<hbm>>
      %dma_wait3A_1221 = tpu.memref_squeeze %dma_wait3A_1220 : memref<1x8x128xf32, #tpu.memory_space<hbm>> -> memref<8x128xf32, #tpu.memory_space<hbm>>
      %dma_wait3A_1222 = arith.constant 0 : i32
      %dma_wait3A_1223 = arith.constant 0 : i32
      %dma_wait3A_1224 = tpu.memref_slice %arg5[%add3A, %dma_wait3A_1222, %dma_wait3A_1223] : memref<32x8x128xf32, #tpu.memory_space<hbm>> -> memref<1x8x128xf32, #tpu.memory_space<hbm>>
      %dma_wait3A_1225 = tpu.memref_squeeze %dma_wait3A_1224 : memref<1x8x128xf32, #tpu.memory_space<hbm>> -> memref<8x128xf32, #tpu.memory_space<hbm>>
      tpu.wait_dma2 semaphore(%run_scoped3A : memref<!tpu.dma_semaphore, #tpu.memory_space<semaphore_mem>>) src(%arg9 : memref<8x128xf32, #tpu.memory_space<vmem>>) dst(%dma_wait3A_1225 : memref<8x128xf32, #tpu.memory_space<hbm>>)
      tpu.yield
    }) : () -> ()
    return
  }
}

</mosaic_0001>

<sc_bundles>
// kernel: kernel.3.cloned.1.call-start
scs
__scs_entry_jumppad:
0x0: {  	(pc) =	sbr.rel $0x88, $3  }
0x1: {  	(tag) =	ssettag $0x0;
	lr =	simm.s32 $0x1  }
0x2: {  	[smem:$0x3F9E] =	sst lr;
	_ =	strace $0xD0000000  }
0x3: {  	_ = 	snop  }
0x4: {  	_ = 	snop  }
0x5: {  	_ = 	snop  }
0x6: {  	_ = 	snop  }
0x7: {  	_ = 	snop  }
__scs_overlays_trampoline_lowered:
0x8: {  	[smem:$0x3FAD] =	sst s0  }
0x9: {  	[smem:$0x3FAE] =	sst s1  }
0xa: {  	[smem:$0x3FAF] =	sst s2  }
0xb: {  	[smem:$0x3FB0] =	sst s3  }
0xc: {  	[smem:$0x3FB1] =	sst s4  }
0xd: {  	[smem:$0x3FB2] =	sst s5  }
0xe: {  	[smem:$0x3FB3] =	sst s6  }
0xf: {  	[smem:$0x3FB4] =	sst s7  }
0x10: {  	[smem:$0x3FB5] =	sst s8  }
0x11: {  	[smem:$0x3FB6] =	sst s9;
	s0 =	simm.s32 @!p0 $0x0  }
0x12: {  	s1 =	sld [smem:$0x3F9C];
	s0 =	simm.s32 @p0 $0x1  }
0x13: {  	[smem:$0x3FB7] =	sst s0;
	s0 =	simm.s32 @!p1 $0x0  }
0x14: {  	s2 =	sld [smem:$0x3F9B];
	s0 =	simm.s32 @p1 $0x1  }
0x15: {  	[smem:$0x3FB8] =	sst s0;
	s0 =	simm.s32 @!p2 $0x0  }
0x16: {  	s3 =	sld [smem:$0x3FDB];
	s0 =	simm.s32 @p2 $0x1  }
0x17: {  	s4 =	simm.s32 $0x1BF5;
	[smem:$0x3FBA] =	sst s0  }
0x18: {  	s0 =	sld [smem:$0x3F9D];
	_ =	swait.ge [sflag:s4], $0x0  }
0x19: {  	s7 =	sld [smem:$0x3F9E]  }
0x1a: {  	s8 =	sadd.s32 $0xFFFFE003, lr  }
0x1b: {  	s9 =	sadd.s32 $0xFFFFFEF7, lr;
	s5 =	simm.s32 $0xFFFFFFFF;
	p2 =	slt.u32 s8, $0xFFFFF086  }
0x1c: {  	p1 =	slt.u32 s9, $0xF7A;
	s5 =	simm.s32 @!p2 $0x0  }
0x1d: {  	s5 =	simm.s32 @p1 $0x1;
	p0 =	seq.s32 s7, s2  }
0x1e: {  	s7 =	smul.u32 @!p0 $0xF7A, s2;
	p2 =	seq.s32 @!p0 s5, $0x0  }
0x1f: {  	s9 =	smul.u32 $0xF7A, s1;
	s8 =	simm.s32 @!p0 $0x1BF5;
	p2 =	por !p2, p0  }
0x20: {  	[sflag:s8] =	ssyncset.s32 @!p0 $0xFFFFF086;
	s6 =	sadd.s32 @!p0 s3, s7;
	s7 =	simm.s32 @!p0 $0x108  }
0x21: {  	s3 =	sadd.s32 s3, s9;
	s6 =	sadd.s32 @!p0 $0x88, s6;
	s7 =	simm.s32 @p2 $0x1082  }
0x22: {  	[simem:s7], [sflag:s8] =	dma.local @!p0 [hbm:s6], $0xF7A  }
0x23: {  	s9 =	sor.u32 $0xD0000000, s2;
	s6 =	simm.s32 $0x108;
	_ =	swait.ge @!p0 [sflag:s8], $0x0  }
0x24: {  	s3 =	sadd.s32 $0x88, s3;
	s6 =	simm.s32 @!p1 $0x1082;
	[sflag:s4] =	ssyncset.s32 $0xFFFFF086  }
0x25: {  	[simem:s6], [sflag:s4] =	dma.local [hbm:s3], $0xF7A  }
0x26: {  	[smem:$0x3F9E] =	sst s1;
	(tag) =	ssettag s2;
	_ =	strace s9  }
0x27: {  	s1 =	sld [smem:$0x3FAE]  }
0x28: {  	s2 =	sld [smem:$0x3FAF]  }
0x29: {  	s4 =	sld [smem:$0x3FB1]  }
0x2a: {  	p0 =	seq.s32 s5, $0x0;
	s5 =	sld [smem:$0x3FB2]  }
0x2b: {  	s6 =	sld [smem:$0x3FB3]  }
0x2c: {  	s7 =	sld [smem:$0x3FB4]  }
0x2d: {  	s3 =	simm.s32 $0x108;
	s8 =	sld [smem:$0x3FB5]  }
0x2e: {  	s3 =	simm.s32 @!p0 $0x1082;
	s9 =	sld [smem:$0x3FB6]  }
0x2f: {  	lr =	sadd.s32 s0, s3;
	s0 =	sld [smem:$0x3FAD]  }
0x30: {  	s3 =	sld [smem:$0x3FB0]  }
0x31: {  	[smem:$0x3FB9] =	sst s10  }
0x32: {  	s10 =	sld [smem:$0x3FB7];
	_ =	sdelay $0x3  }
0x33: {  	p0 =	seq.s32 s10, $0x1;
	s10 =	sld [smem:$0x3FB9];
	_ =	sdelay $0x3  }
0x34: {  	[smem:$0x3FB9] =	sst s10  }
0x35: {  	s10 =	sld [smem:$0x3FB8];
	_ =	sdelay $0x3  }
0x36: {  	p1 =	seq.s32 s10, $0x1;
	s10 =	sld [smem:$0x3FB9];
	_ =	sdelay $0x3  }
0x37: {  	[smem:$0x3FB9] =	sst s10  }
0x38: {  	s10 =	sld [smem:$0x3FBA]  }
0x39: {  	_ = 	snop;
	(pc) =	sbr.ind lr, $3  }
0x3a: {  	_ = 	snop  }
0x3b: {  	_ = 	snop  }
0x3c: {  	p2 =	seq.s32 s10, $0x1;
	s10 =	sld [smem:$0x3FB9]  }
0x3d: {  	_ =	shalt  }
0x3e: {  	_ =	shalt  }
0x3f: {  	_ =	shalt  }
0x40: {  	_ =	shalt  }
0x41: {  	_ =	shalt  }
0x42: {  	_ =	shalt  }
0x43: {  	_ =	shalt  }
0x44: {  	_ =	shalt  }
0x45: {  	_ =	shalt  }
0x46: {  	_ =	shalt  }
0x47: {  	_ =	shalt  }
0x48: {  	_ =	shalt  }
0x49: {  	_ =	shalt  }
0x4a: {  	_ =	shalt  }
0x4b: {  	_ =	shalt  }
0x4c: {  	_ =	shalt  }
0x4d: {  	_ =	shalt  }
0x4e: {  	_ =	shalt  }
0x4f: {  	_ =	shalt  }
0x50: {  	_ =	shalt  }
0x51: {  	_ =	shalt  }
0x52: {  	_ =	shalt  }
0x53: {  	_ =	shalt  }
0x54: {  	_ =	shalt  }
0x55: {  	_ =	shalt  }
0x56: {  	_ =	shalt  }
0x57: {  	_ =	shalt  }
0x58: {  	_ =	shalt  }
0x59: {  	_ =	shalt  }
0x5a: {  	_ =	shalt  }
0x5b: {  	_ =	shalt  }
0x5c: {  	_ =	shalt  }
0x5d: {  	_ =	shalt  }
0x5e: {  	_ =	shalt  }
0x5f: {  	_ =	shalt  }
0x60: {  	_ =	shalt  }
0x61: {  	_ =	shalt  }
0x62: {  	_ =	shalt  }
0x63: {  	_ =	shalt  }
0x64: {  	_ =	shalt  }
0x65: {  	_ =	shalt  }
0x66: {  	_ =	shalt  }
0x67: {  	_ =	shalt  }
0x68: {  	_ =	shalt  }
0x69: {  	_ =	shalt  }
0x6a: {  	_ =	shalt  }
0x6b: {  	_ =	shalt  }
0x6c: {  	_ =	shalt  }
0x6d: {  	_ =	shalt  }
0x6e: {  	_ =	shalt  }
0x6f: {  	_ =	shalt  }
0x70: {  	_ =	shalt  }
0x71: {  	_ =	shalt  }
0x72: {  	_ =	shalt  }
0x73: {  	_ =	shalt  }
0x74: {  	_ =	shalt  }
0x75: {  	_ =	shalt  }
0x76: {  	_ =	shalt  }
0x77: {  	_ =	shalt  }
0x78: {  	_ =	shalt  }
0x79: {  	_ =	shalt  }
0x7a: {  	_ =	shalt  }
0x7b: {  	_ =	shalt  }
0x7c: {  	_ =	shalt  }
0x7d: {  	_ =	shalt  }
0x7e: {  	_ =	shalt  }
0x7f: {  	_ =	shalt  }
0x80: {  	_ =	shalt  }
0x81: {  	_ =	shalt  }
0x82: {  	_ =	shalt  }
0x83: {  	_ =	shalt  }
0x84: {  	_ =	shalt  }
0x85: {  	_ =	shalt  }
0x86: {  	_ =	shalt  }
0x87: {  	_ =	shalt  }
.Lfunc_end0:
.L_simem_size_0:
called_computation_lowered:
.L_overlay_start_0:
0x88: {  	s2 =	sld [smem:$0x3FD9]  }
0x89: {  	s3 =	sld [smem:$0x3FFE];
	_ =	sdelay $0x1  }
0x8a: {  	s1 =	srdreg.scid  }
0x8b: {  	s0 =	sand.u32 $0x1, s1  }
0x8c: {  	s17 =	sshll.u32 s0, $0xA;
	s2 =	sadd.s32 s3, s2  }
0x8d: {  	s2 =	sadd.s32 s2, s17  }
0x8e: {  	[smem:$0x3FC5] =	sst s2  }
0x8f: {  	_ = 	snop  }
0x90: {  	s2 =	sld [smem:$0x3FC9]  }
0x91: {  	s18 =	sld [smem:$0x3FC8]  }
0x92: {  	s4 =	sld [smem:$0x3FC7];
	(tm) =	ssettm $0x1  }
0x93: {  	s5 =	sld [smem:$0x3FFB];
	_ =	sdelay $0x3  }
0x94: {  	_ =	strace s5  }
0x95: {  	s5 =	sld [smem:$0x3FFC];
	_ =	sdelay $0x3  }
0x96: {  	_ =	strace s5  }
0x97: {  	s5 =	sld [smem:$0x3FFD];
	_ =	sdelay $0x3  }
0x98: {  	_ =	strace s5  }
0x99: {  	_ =	strace $0x8FFFFFFF  }
0x9a: {  	s19 =	sld [smem:$0x3FDB];
	_ =	sdelay $0x1  }
0x9b: {  	s6 =	simm.s32 $_scs_section_size  }
0x9c: {  	s7 =	simm.s32 $_size__tile_overlayer_lowered;
	s8 =	simm.s32 $_tile_overlayer_lowered  }
0x9d: {  	s22 =	simm.s32 $0x1BFF;
	s21 =	sshll.u32 s8, $0x1;
	s5 =	sadd.s32 s6, s19  }
0x9e: {  	s9 =	simm.s32 $0x0;
	s20 =	sshll.u32 s7, $0x1;
	s7 =	sadd.s32 s21, s5  }
0x9f: {  	[timem:s9], [sflag:s22] =	dma.local [hbm:s7], s20  }
0xa0: {  	_ =	swait.ge [sflag:s22], s20  }
0xa1: {  	s6 =	ssub.s32 $0x0, s20;
	[sflag:s22] =	ssyncset.done $0x0  }
0xa2: {  	[sflag:s22] =	ssyncadd.s32 s6;
	_ =	sdelay $0x1  }
0xa3: {  	s23 =	simm.s32 $0x1B8B  }
0xa4: {  	_ =	swait.ge [sflag:s23], $0x1  }
0xa5: {  	[sflag:s23] =	ssyncset.done $0x0  }
0xa6: {  	s25 =	simm.s32 $0x1B8E;
	s24 =	sld [smem:$0x3FFE];
	[sflag:s23] =	ssyncadd.s32 $0xFFFFFFFF  }
0xa7: {  	s26 =	simm.s32 $execute0_lowered;
	[smem:$0x3FD2] =	sst s25  }
0xa8: {  	s7 =	sshll.u32 s26, $0x1;
	_ =	strace $0x80000046;
	[dreg:$0x1] =	wrdreg $0xFFFFFFFF  }
0xa9: {  	s28 =	simm.s32 $_size_execute0_lowered;
	s5 =	sadd.s32 s5, s7;
	[dreg:$0x0] =	wrdreg $0x0  }
0xaa: {  	s7 =	sshll.u32 s28, $0x1;
	[dreg:$0x2] =	wrdreg s5  }
0xab: {  	[dreg:$0x3] =	wrdreg s7  }
0xac: {  	[dreg:$0x4] =	wrdreg $0xC0  }
0xad: {  	_ =	task [dreg:s9], $0x5FFFF  }
0xae: {  	[dreg:$0x1] =	wrdreg $0xFFFFFFFF  }
0xaf: {  	[dreg:$0x0] =	wrdreg $0x60  }
0xb0: {  	[dreg:$0x2] =	wrdreg s2  }
0xb1: {  	[dreg:$0x3] =	wrdreg s18  }
0xb2: {  	[dreg:$0x4] =	wrdreg s4  }
0xb3: {  	[dreg:$0x5] =	wrdreg s24  }
0xb4: {  	[dreg:$0x6] =	wrdreg $0x9  }
0xb5: {  	_ =	task.clear_ibuf [dreg:s9], $0x7FFFF;
	_ =	strace $0x90000046  }
0xb6: {  	s29 =	simm.s32 $0x9;
	_ =	strace $0x80000048  }
0xb7: {  	_ =	swait.ge [sflag:s29], $0x1  }
0xb8: {  	[sflag:s29] =	ssyncadd.s32 $0xFFFFFFFF  }
0xb9: {  	_ =	strace $0x90000048  }
0xba: {  	_ =	sfence  }
0xbb: {  	s30 =	sld [smem:$0x0];
	_ =	sdelay $0x2  }
0xbc: {  	s31 =	sshll.u32 s1, $0xD;
	s1 =	sshrl.u32 s1, $0x2  }
0xbd: {  	s3 =	sand.u32 $0x4000, s31;
	s1 =	sadd.s32 s1, s30  }
0xbe: {  	s0 =	sor.u32 s3, s0;
	s1 =	sshll.u32 s1, $0x11  }
0xbf: {  	s0 =	sor.u32 s1, s0  }
0xc0: {  	s0 =	sadd.s32 $0x8F2B, s0  }
0xc1: {  	[sflag:s0] =	ssyncadd.remote.s32 $0x1  }
0xc2: {  	_ =	sfence.sel $0xFFFF  }
0xc3: {  	[dreg:$0x0] =	wrdreg $0xFFFFFFFF;
	(pc) =	sbr.abs _section_cstart, $3  }
0xc4: {  	[dreg:$0x1] =	wrdreg $0xFFFFFFFF  }
0xc5: {  	_ =	task.clear_ibuf [dreg:s9], $0x2FFFF;
	_ =	strace $0x9FFFFFFF  }
0xc6: {  	(tm) =	ssettm $0x7FFFFFFF  }
0xc7: {  	_ =	shalt  }
tec
execute0_lowered:
.L_overlay_start_1:
0x0: {  	(tag) =	ssettag $0x1  }
0x1: {  	v0 =	vlaneseq.u32;
	vm0 =	vcmask $0x300  }
0x2: {  	v1 =	vimm.s32 $0x3380;
	vm1 =	vcmask $0x704;
	vm15 =	vcmask $0xB08  }
0x3: {  	vm4 =	vcmask $0xF0C;
	vm5 =	vcmask $0x1310;
	vm6 =	vcmask $0x1714  }
0x4: {  	vm7 =	vcmask $0x1B18;
	vm8 =	vcmask $0x1F1C;
	vm9 =	vcmask $0x2320  }
0x5: {  	vm10 =	vcmask $0x2724;
	vm11 =	vcmask $0x2B28;
	vm12 =	vcmask $0x2F2C  }
0x6: {  	vm13 =	vcmask $0x3330;
	v5 =	vmul.u32 $0x80, v0;
	v0 =	vimm.s32 $0x1380  }
0x7: {  	vm14 =	vcmask $0x3734;
	v1 =	vsel vm0, $0x2000, v1;
	v0 =	vsel vm0, $0x0, v0  }
0x8: {  	v1 =	vsel vm1, $0x2080, v1;
	v6 =	vor.u32 $0x800, v5;
	v0 =	vsel vm1, $0x80, v0  }
0x9: {  	v1 =	vsel vm15, $0x2100, v1;
	v7 =	vor.u32 $0x1000, v5;
	v8 =	vor.u32 $0x1800, v5  }
0xa: {  	v58 =	vor.u32 $0x2000, v5;
	v59 =	vor.u32 $0x2800, v5;
	v54 =	vor.u32 $0x3000, v5  }
0xb: {  	s0 =	rddreg [dreg:$0x0];
	v60 =	vor.u32 $0x3800, v5;
	v52 =	vor.u32 $0x4000, v5;
	v51 =	vor.u32 $0x4800, v5  }
0xc: {  	s2 =	rddreg [dreg:$0x1];
	v48 =	vor.u32 $0x5000, v5;
	v53 =	vor.u32 $0x5800, v5;
	v0 =	vsel vm15, $0x100, v0  }
0xd: {  	s1 =	rddreg [dreg:$0x2];
	v32 =	vor.u32 $0x6000, v5;
	v43 =	vor.u32 $0x6800, v5;
	v0 =	vsel vm4, $0x180, v0  }
0xe: {  	s6 =	rddreg [dreg:$0x3];
	v19 =	vor.u32 $0x7000, v5;
	v61 =	vor.u32 $0x7800, v5;
	v0 =	vsel vm5, $0x200, v0  }
0xf: {  	s3 =	srdreg.scid;
	s8 =	stileid.u32;
	s11 =	simm.s32 $0x200;
	v33 =	vor.u32 $0x8000, v5;
	v21 =	vor.u32 $0x8800, v5;
	v0 =	vsel vm6, $0x280, v0  }
0x10: {  	s12 =	simm.s32 $0x4200;
	s10 =	simm.s32 $0x3;
	s13 =	simm.s32 $0x4;
	v22 =	vor.u32 $0x9000, v5;
	v1 =	vsel vm4, $0x2180, v1;
	v0 =	vsel vm7, $0x300, v0  }
0x11: {  	s14 =	simm.s32 $0x5;
	s18 =	simm.s32 $0x9;
	s19 =	simm.s32 $0xA;
	v23 =	vor.u32 $0x9800, v5;
	v1 =	vsel vm5, $0x2200, v1;
	v0 =	vsel vm8, $0x380, v0  }
0x12: {  	s20 =	simm.s32 $0xB;
	s4 =	sand.u32 $0x1, s3;
	s3 =	simm.s32 $0x0;
	v24 =	vor.u32 $0xA000, v5;
	v1 =	vsel vm6, $0x2280, v1;
	v0 =	vsel vm9, $0x1000, v0  }
0x13: {  	s21 =	simm.s32 $0xC;
	s22 =	simm.s32 $0xD;
	[smem:$0x7FF] =	sst s3;
	v25 =	vor.u32 $0xA800, v5;
	v1 =	vsel vm7, $0x2300, v1;
	v0 =	vsel vm10, $0x1080, v0  }
0x14: {  	s15 =	simm.s32 $0x6;
	s16 =	simm.s32 $0x7;
	_ =	strace $0x80000047;
	v26 =	vor.u32 $0xB000, v5;
	[tilespmem:$0x1FFB0] =	vst v5;
	v1 =	vsel vm8, $0x2380, v1;
	v0 =	vsel vm11, $0x1100, v0  }
0x15: {  	s17 =	simm.s32 $0x8;
	s23 =	simm.s32 $0xE;
	s24 =	simm.s32 $0xF;
	v27 =	vor.u32 $0xB800, v5;
	[tilespmem:$0x1FFC0] =	vst v6;
	v1 =	vsel vm9, $0x3000, v1;
	v0 =	vsel vm12, $0x1180, v0  }
0x16: {  	s25 =	simm.s32 $0x10;
	s8 =	sshll.u32 s8, $0x1;
	s5 =	ssub.s32 $0x2, s4;
	v10 =	vor.u32 $0xF800, v5;
	[tilespmem:$0x1FFD0] =	vst v7;
	v1 =	vsel vm10, $0x3080, v1;
	v0 =	vsel vm13, $0x1200, v0  }
0x17: {  	s28 =	simm.s32 $0x0;
	s4 =	sor.u32 s4, s8;
	s7 =	sshrl.u32 s5, $0x1;
	vm15 =	vcmask $0x3B38;
	[tilespmem:$0x1FFE0] =	vst v8;
	v1 =	vsel vm11, $0x3100, v1;
	v0 =	vsel vm14, $0x1280, v0  }
0x18: {  	s31 =	sshll.u32 s4, $0x6;
	s8 =	sshll.u32 s4, $0x9;
	s9 =	sshll.u32 s4, $0x7;
	[tilespmem:$0x1FFF0] =	vst v10;
	v1 =	vsel vm12, $0x3180, v1;
	v63 =	vsel vm15, $0x1300, v0;
	v0 =	vor.u32 $0xD800, v5  }
0x19: {  	v28 =	vor.u32 $0xC000, v5;
	s7 =	ssub.s32 s5, s7;
	s2 =	sadd.s32 s2, s31;
	s5 =	sadd.s32 s0, s8;
	v1 =	vsel vm13, $0x3200, v1;
	[tilespmem:$0x1FF80] =	vst v0;
	v0 =	vor.u32 $0xE000, v5  }
0x1a: {  	v29 =	vor.u32 $0xC800, v5;
	s6 =	sadd.s32 s6, s9;
	s8 =	simm.s32 $0x11;
	s9 =	simm.s32 $0x2;
	v1 =	vsel vm14, $0x3280, v1;
	[tilespmem:$0x1FF90] =	vst v0;
	v0 =	vor.u32 $0xE800, v5  }
0x1b: {  	v30 =	vor.u32 $0xD000, v5;
	v55 =	vor.u32 $0xF000, v5;
	[dreg:$0x5] =	wrdreg s2;
	s7 =	smax.u32 s7, $0x1;
	s2 =	simm.s32 $0x1;
	v3 =	vsel vm15, $0x3300, v1;
	[tilespmem:$0x1FFA0] =	vst v0  }
.LBB2_1:
0x1c: {  	s0 =	rddreg [dreg:$0x5]  }
0x1d: {  	[tilespmem:s3], [sflag:$0x11] =	stream.linear.gather [hbm4b:s0+s3], $0x200, $0x38;
	[tilespmem:$0x14600] =	vst v63  }
0x1e: {  	_ =	swait.ge [sflag:s8], $0x200  }
0x1f: {  	[sflag:s8] =	ssyncset.done $0x0  }
0x20: {  	s31 =	simm.s32 $0x1000;
	s4 =	simm.s32 $0x20000;
	[sflag:s8] =	ssyncadd.s32 $0xFFFFFE00  }
0x21: {  	[tilespmem:s11], [sflag:$0x11] =	stream.strided.gather [hbm4b:s5+s31], $0x4000, s4, s31, $0x38;
	[tilespmem:$0x14600] =	vst v63  }
0x22: {  	_ =	swait.ge [sflag:s8], $0x4000  }
0x23: {  	[sflag:s8] =	ssyncset.done $0x0  }
0x24: {  	[sflag:s8] =	ssyncadd.s32 $0xFFFFC000  }
0x25: {  	v35 =	vld [tilespmem:$0x0];
	_ =	sdelay $0x4  }
0x26: {  	(v2sf) =	vpush v35, $0x0;
	_ =	sdelay $0x9  }
0x27: {  	(v2sf) =	vpush v35, $0x1;
	_ =	sdelay $0x4  }
0x28: {  	s29 =	spop (v2sf)  }
0x29: {  	s29 =	sand.u32 $0xFFFFF80, s29  }
0x2a: {  	s29 =	sadd.s32 s1, s29  }
0x2b: {  	[tilespmem:s12], [sflag:$0x1] =	stream.linear.gather [hbm4b:s29+s3], $0x400, $0x38;
	[tilespmem:$0x14600] =	vst v63  }
0x2c: {  	s4 =	simm.s32 $0x4600;
	s30 =	sadd.s32 $0xF4280, s29  }
0x2d: {  	(v2sf) =	vpush v35, $0x2;
	[tilespmem:s4], [sflag:$0x1] =	stream.linear.gather [hbm4b:s30+s3], $0x400, $0x38;
	[tilespmem:$0x14600] =	vst v63  }
0x2e: {  	s26 =	simm.s32 $0x4A00;
	s30 =	sadd.s32 $0x1E8500, s29  }
0x2f: {  	[tilespmem:s26], [sflag:$0x1] =	stream.linear.gather [hbm4b:s30+s3], $0x400, $0x38;
	[tilespmem:$0x14600] =	vst v63  }
0x30: {  	s31 =	simm.s32 $0x4E00;
	s29 =	sadd.s32 $0x2DC780, s29  }
0x31: {  	[tilespmem:s31], [sflag:$0x1] =	stream.linear.gather [hbm4b:s29+s3], $0x400, $0x38;
	[tilespmem:$0x14600] =	vst v63  }
0x32: {  	s29 =	spop (v2sf)  }
0x33: {  	s29 =	sand.u32 $0xFFFFF80, s29  }
0x34: {  	s4 =	simm.s32 $0x5200;
	s29 =	sadd.s32 s1, s29  }
0x35: {  	[tilespmem:s4], [sflag:$0x2] =	stream.linear.gather [hbm4b:s29+s3], $0x400, $0x38;
	[tilespmem:$0x14600] =	vst v63  }
0x36: {  	s26 =	simm.s32 $0x5600;
	s30 =	sadd.s32 $0xF4280, s29  }
0x37: {  	(v2sf) =	vpush v35, $0x3;
	[tilespmem:s26], [sflag:$0x2] =	stream.linear.gather [hbm4b:s30+s3], $0x400, $0x38;
	[tilespmem:$0x14600] =	vst v63  }
0x38: {  	s31 =	simm.s32 $0x5A00;
	s30 =	sadd.s32 $0x1E8500, s29  }
0x39: {  	[tilespmem:s31], [sflag:$0x2] =	stream.linear.gather [hbm4b:s30+s3], $0x400, $0x38;
	[tilespmem:$0x14600] =	vst v63  }
0x3a: {  	s4 =	simm.s32 $0x5E00;
	s29 =	sadd.s32 $0x2DC780, s29  }
0x3b: {  	[tilespmem:s4], [sflag:$0x2] =	stream.linear.gather [hbm4b:s29+s3], $0x400, $0x38;
	[tilespmem:$0x14600] =	vst v63  }
0x3c: {  	s29 =	spop (v2sf)  }
0x3d: {  	s29 =	sand.u32 $0xFFFFF80, s29  }
0x3e: {  	s26 =	simm.s32 $0x6200;
	s29 =	sadd.s32 s1, s29  }
0x3f: {  	[tilespmem:s26], [sflag:$0x3] =	stream.linear.gather [hbm4b:s29+s3], $0x400, $0x38;
	[tilespmem:$0x14600] =	vst v63  }
0x40: {  	s31 =	simm.s32 $0x6600;
	s30 =	sadd.s32 $0xF4280, s29  }
0x41: {  	(v2sf) =	vpush v35, $0x4;
	[tilespmem:s31], [sflag:$0x3] =	stream.linear.gather [hbm4b:s30+s3], $0x400, $0x38;
	[tilespmem:$0x14600] =	vst v63  }
0x42: {  	s4 =	simm.s32 $0x6A00;
	s30 =	sadd.s32 $0x1E8500, s29  }
0x43: {  	[tilespmem:s4], [sflag:$0x3] =	stream.linear.gather [hbm4b:s30+s3], $0x400, $0x38;
	[tilespmem:$0x14600] =	vst v63  }
0x44: {  	s26 =	simm.s32 $0x6E00;
	s29 =	sadd.s32 $0x2DC780, s29  }
0x45: {  	[tilespmem:s26], [sflag:$0x3] =	stream.linear.gather [hbm4b:s29+s3], $0x400, $0x38;
	[tilespmem:$0x14600] =	vst v63  }
0x46: {  	s29 =	spop (v2sf)  }
0x47: {  	s29 =	sand.u32 $0xFFFFF80, s29  }
0x48: {  	s31 =	simm.s32 $0x7200;
	s29 =	sadd.s32 s1, s29  }
0x49: {  	[tilespmem:s31], [sflag:$0x4] =	stream.linear.gather [hbm4b:s29+s3], $0x400, $0x38;
	[tilespmem:$0x14600] =	vst v63  }
0x4a: {  	s4 =	simm.s32 $0x7600;
	s30 =	sadd.s32 $0xF4280, s29  }
0x4b: {  	(v2sf) =	vpush v35, $0x5;
	[tilespmem:s4], [sflag:$0x4] =	stream.linear.gather [hbm4b:s30+s3], $0x400, $0x38;
	[tilespmem:$0x14600] =	vst v63  }
0x4c: {  	s26 =	simm.s32 $0x7A00;
	s30 =	sadd.s32 $0x1E8500, s29  }
0x4d: {  	[tilespmem:s26], [sflag:$0x4] =	stream.linear.gather [hbm4b:s30+s3], $0x400, $0x38;
	[tilespmem:$0x14600] =	vst v63  }
0x4e: {  	s31 =	simm.s32 $0x7E00;
	s29 =	sadd.s32 $0x2DC780, s29  }
0x4f: {  	[tilespmem:s31], [sflag:$0x4] =	stream.linear.gather [hbm4b:s29+s3], $0x400, $0x38;
	[tilespmem:$0x14600] =	vst v63  }
0x50: {  	s29 =	spop (v2sf)  }
0x51: {  	s29 =	sand.u32 $0xFFFFF80, s29  }
0x52: {  	s4 =	simm.s32 $0x8200;
	s29 =	sadd.s32 s1, s29  }
0x53: {  	[tilespmem:s4], [sflag:$0x5] =	stream.linear.gather [hbm4b:s29+s3], $0x400, $0x38;
	[tilespmem:$0x14600] =	vst v63  }
0x54: {  	s26 =	simm.s32 $0x8600;
	s30 =	sadd.s32 $0xF4280, s29  }
0x55: {  	(v2sf) =	vpush v35, $0x6;
	[tilespmem:s26], [sflag:$0x5] =	stream.linear.gather [hbm4b:s30+s3], $0x400, $0x38;
	[tilespmem:$0x14600] =	vst v63  }
0x56: {  	s31 =	simm.s32 $0x8A00;
	s30 =	sadd.s32 $0x1E8500, s29  }
0x57: {  	[tilespmem:s31], [sflag:$0x5] =	stream.linear.gather [hbm4b:s30+s3], $0x400, $0x38;
	[tilespmem:$0x14600] =	vst v63  }
0x58: {  	s4 =	simm.s32 $0x8E00;
	s29 =	sadd.s32 $0x2DC780, s29  }
0x59: {  	[tilespmem:s4], [sflag:$0x5] =	stream.linear.gather [hbm4b:s29+s3], $0x400, $0x38;
	[tilespmem:$0x14600] =	vst v63  }
0x5a: {  	s29 =	spop (v2sf)  }
0x5b: {  	s29 =	sand.u32 $0xFFFFF80, s29  }
0x5c: {  	s26 =	simm.s32 $0x9200;
	s29 =	sadd.s32 s1, s29  }
0x5d: {  	[tilespmem:s26], [sflag:$0x6] =	stream.linear.gather [hbm4b:s29+s3], $0x400, $0x38;
	[tilespmem:$0x14600] =	vst v63  }
0x5e: {  	s31 =	simm.s32 $0x9600;
	s30 =	sadd.s32 $0xF4280, s29  }
0x5f: {  	(v2sf) =	vpush v35, $0x7;
	[tilespmem:s31], [sflag:$0x6] =	stream.linear.gather [hbm4b:s30+s3], $0x400, $0x38;
	[tilespmem:$0x14600] =	vst v63  }
0x60: {  	s4 =	simm.s32 $0x9A00;
	s30 =	sadd.s32 $0x1E8500, s29  }
0x61: {  	[tilespmem:s4], [sflag:$0x6] =	stream.linear.gather [hbm4b:s30+s3], $0x400, $0x38;
	[tilespmem:$0x14600] =	vst v63  }
0x62: {  	s26 =	simm.s32 $0x9E00;
	s29 =	sadd.s32 $0x2DC780, s29  }
0x63: {  	[tilespmem:s26], [sflag:$0x6] =	stream.linear.gather [hbm4b:s29+s3], $0x400, $0x38;
	[tilespmem:$0x14600] =	vst v63  }
0x64: {  	s29 =	spop (v2sf)  }
0x65: {  	s29 =	sand.u32 $0xFFFFF80, s29  }
0x66: {  	s31 =	simm.s32 $0xA200;
	s29 =	sadd.s32 s1, s29  }
0x67: {  	[tilespmem:s31], [sflag:$0x7] =	stream.linear.gather [hbm4b:s29+s3], $0x400, $0x38;
	[tilespmem:$0x14600] =	vst v63  }
0x68: {  	s4 =	simm.s32 $0xA600;
	s30 =	sadd.s32 $0xF4280, s29  }
0x69: {  	(v2sf) =	vpush v35, $0x8;
	[tilespmem:s4], [sflag:$0x7] =	stream.linear.gather [hbm4b:s30+s3], $0x400, $0x38;
	[tilespmem:$0x14600] =	vst v63  }
0x6a: {  	s26 =	simm.s32 $0xAA00;
	s30 =	sadd.s32 $0x1E8500, s29  }
0x6b: {  	[tilespmem:s26], [sflag:$0x7] =	stream.linear.gather [hbm4b:s30+s3], $0x400, $0x38;
	[tilespmem:$0x14600] =	vst v63  }
0x6c: {  	s31 =	simm.s32 $0xAE00;
	s29 =	sadd.s32 $0x2DC780, s29  }
0x6d: {  	[tilespmem:s31], [sflag:$0x7] =	stream.linear.gather [hbm4b:s29+s3], $0x400, $0x38;
	[tilespmem:$0x14600] =	vst v63  }
0x6e: {  	s29 =	spop (v2sf)  }
0x6f: {  	s29 =	sand.u32 $0xFFFFF80, s29  }
0x70: {  	s4 =	simm.s32 $0xB200;
	s29 =	sadd.s32 s1, s29  }
0x71: {  	[tilespmem:s4], [sflag:$0x8] =	stream.linear.gather [hbm4b:s29+s3], $0x400, $0x38;
	[tilespmem:$0x14600] =	vst v63  }
0x72: {  	s26 =	simm.s32 $0xB600;
	s30 =	sadd.s32 $0xF4280, s29  }
0x73: {  	(v2sf) =	vpush v35, $0x9;
	[tilespmem:s26], [sflag:$0x8] =	stream.linear.gather [hbm4b:s30+s3], $0x400, $0x38;
	[tilespmem:$0x14600] =	vst v63  }
0x74: {  	s31 =	simm.s32 $0xBA00;
	s30 =	sadd.s32 $0x1E8500, s29  }
0x75: {  	[tilespmem:s31], [sflag:$0x8] =	stream.linear.gather [hbm4b:s30+s3], $0x400, $0x38;
	[tilespmem:$0x14600] =	vst v63  }
0x76: {  	s4 =	simm.s32 $0xBE00;
	s29 =	sadd.s32 $0x2DC780, s29  }
0x77: {  	[tilespmem:s4], [sflag:$0x8] =	stream.linear.gather [hbm4b:s29+s3], $0x400, $0x38;
	[tilespmem:$0x14600] =	vst v63  }
0x78: {  	s29 =	spop (v2sf)  }
0x79: {  	s29 =	sand.u32 $0xFFFFF80, s29  }
0x7a: {  	s26 =	simm.s32 $0xC200;
	s29 =	sadd.s32 s1, s29  }
0x7b: {  	[tilespmem:s26], [sflag:$0x9] =	stream.linear.gather [hbm4b:s29+s3], $0x400, $0x38;
	[tilespmem:$0x14600] =	vst v63  }
0x7c: {  	s31 =	simm.s32 $0xC600;
	s30 =	sadd.s32 $0xF4280, s29  }
0x7d: {  	(v2sf) =	vpush v35, $0xA;
	[tilespmem:s31], [sflag:$0x9] =	stream.linear.gather [hbm4b:s30+s3], $0x400, $0x38;
	[tilespmem:$0x14600] =	vst v63  }
0x7e: {  	s4 =	simm.s32 $0xCA00;
	s30 =	sadd.s32 $0x1E8500, s29  }
0x7f: {  	[tilespmem:s4], [sflag:$0x9] =	stream.linear.gather [hbm4b:s30+s3], $0x400, $0x38;
	[tilespmem:$0x14600] =	vst v63  }
0x80: {  	s26 =	simm.s32 $0xCE00;
	s29 =	sadd.s32 $0x2DC780, s29  }
0x81: {  	[tilespmem:s26], [sflag:$0x9] =	stream.linear.gather [hbm4b:s29+s3], $0x400, $0x38;
	[tilespmem:$0x14600] =	vst v63  }
0x82: {  	s29 =	spop (v2sf)  }
0x83: {  	s29 =	sand.u32 $0xFFFFF80, s29  }
0x84: {  	s31 =	simm.s32 $0xD200;
	s29 =	sadd.s32 s1, s29  }
0x85: {  	[tilespmem:s31], [sflag:$0xA] =	stream.linear.gather [hbm4b:s29+s3], $0x400, $0x38;
	[tilespmem:$0x14600] =	vst v63  }
0x86: {  	s4 =	simm.s32 $0xD600;
	s30 =	sadd.s32 $0xF4280, s29  }
0x87: {  	(v2sf) =	vpush v35, $0xB;
	[tilespmem:s4], [sflag:$0xA] =	stream.linear.gather [hbm4b:s30+s3], $0x400, $0x38;
	[tilespmem:$0x14600] =	vst v63  }
0x88: {  	s26 =	simm.s32 $0xDA00;
	s30 =	sadd.s32 $0x1E8500, s29  }
0x89: {  	[tilespmem:s26], [sflag:$0xA] =	stream.linear.gather [hbm4b:s30+s3], $0x400, $0x38;
	[tilespmem:$0x14600] =	vst v63  }
0x8a: {  	s31 =	simm.s32 $0xDE00;
	s29 =	sadd.s32 $0x2DC780, s29  }
0x8b: {  	[tilespmem:s31], [sflag:$0xA] =	stream.linear.gather [hbm4b:s29+s3], $0x400, $0x38;
	[tilespmem:$0x14600] =	vst v63  }
0x8c: {  	s29 =	spop (v2sf)  }
0x8d: {  	s29 =	sand.u32 $0xFFFFF80, s29  }
0x8e: {  	s4 =	simm.s32 $0xE200;
	s29 =	sadd.s32 s1, s29  }
0x8f: {  	[tilespmem:s4], [sflag:$0xB] =	stream.linear.gather [hbm4b:s29+s3], $0x400, $0x38;
	[tilespmem:$0x14600] =	vst v63  }
0x90: {  	s26 =	simm.s32 $0xE600;
	s30 =	sadd.s32 $0xF4280, s29  }
0x91: {  	(v2sf) =	vpush v35, $0xC;
	[tilespmem:s26], [sflag:$0xB] =	stream.linear.gather [hbm4b:s30+s3], $0x400, $0x38;
	[tilespmem:$0x14600] =	vst v63  }
0x92: {  	s31 =	simm.s32 $0xEA00;
	s30 =	sadd.s32 $0x1E8500, s29  }
0x93: {  	[tilespmem:s31], [sflag:$0xB] =	stream.linear.gather [hbm4b:s30+s3], $0x400, $0x38;
	[tilespmem:$0x14600] =	vst v63  }
0x94: {  	s4 =	simm.s32 $0xEE00;
	s29 =	sadd.s32 $0x2DC780, s29  }
0x95: {  	[tilespmem:s4], [sflag:$0xB] =	stream.linear.gather [hbm4b:s29+s3], $0x400, $0x38;
	[tilespmem:$0x14600] =	vst v63  }
0x96: {  	s29 =	spop (v2sf)  }
0x97: {  	s29 =	sand.u32 $0xFFFFF80, s29  }
0x98: {  	s26 =	simm.s32 $0xF200;
	s29 =	sadd.s32 s1, s29  }
0x99: {  	[tilespmem:s26], [sflag:$0xC] =	stream.linear.gather [hbm4b:s29+s3], $0x400, $0x38;
	[tilespmem:$0x14600] =	vst v63  }
0x9a: {  	s31 =	simm.s32 $0xF600;
	s30 =	sadd.s32 $0xF4280, s29  }
0x9b: {  	(v2sf) =	vpush v35, $0xD;
	[tilespmem:s31], [sflag:$0xC] =	stream.linear.gather [hbm4b:s30+s3], $0x400, $0x38;
	[tilespmem:$0x14600] =	vst v63  }
0x9c: {  	s4 =	simm.s32 $0xFA00;
	s30 =	sadd.s32 $0x1E8500, s29  }
0x9d: {  	[tilespmem:s4], [sflag:$0xC] =	stream.linear.gather [hbm4b:s30+s3], $0x400, $0x38;
	[tilespmem:$0x14600] =	vst v63  }
0x9e: {  	s26 =	simm.s32 $0xFE00;
	s29 =	sadd.s32 $0x2DC780, s29  }
0x9f: {  	[tilespmem:s26], [sflag:$0xC] =	stream.linear.gather [hbm4b:s29+s3], $0x400, $0x38;
	[tilespmem:$0x14600] =	vst v63  }
0xa0: {  	s29 =	spop (v2sf)  }
0xa1: {  	s29 =	sand.u32 $0xFFFFF80, s29  }
0xa2: {  	s31 =	simm.s32 $0x10200;
	s29 =	sadd.s32 s1, s29  }
0xa3: {  	(v2sf) =	vpush v35, $0xE;
	[tilespmem:s31], [sflag:$0xD] =	stream.linear.gather [hbm4b:s29+s3], $0x400, $0x38;
	[tilespmem:$0x14600] =	vst v63  }
0xa4: {  	s4 =	simm.s32 $0x10600;
	s30 =	sadd.s32 $0xF4280, s29  }
0xa5: {  	[tilespmem:s4], [sflag:$0xD] =	stream.linear.gather [hbm4b:s30+s3], $0x400, $0x38;
	[tilespmem:$0x14600] =	vst v63  }
0xa6: {  	s26 =	simm.s32 $0x10A00;
	s30 =	sadd.s32 $0x1E8500, s29  }
0xa7: {  	[tilespmem:s26], [sflag:$0xD] =	stream.linear.gather [hbm4b:s30+s3], $0x400, $0x38;
	[tilespmem:$0x14600] =	vst v63  }
0xa8: {  	s31 =	simm.s32 $0x10E00;
	s29 =	sadd.s32 $0x2DC780, s29  }
0xa9: {  	[tilespmem:s31], [sflag:$0xD] =	stream.linear.gather [hbm4b:s29+s3], $0x400, $0x38;
	[tilespmem:$0x14600] =	vst v63  }
0xaa: {  	s29 =	spop (v2sf)  }
0xab: {  	s29 =	sand.u32 $0xFFFFF80, s29  }
0xac: {  	s4 =	simm.s32 $0x11200;
	s29 =	sadd.s32 s1, s29  }
0xad: {  	[tilespmem:s4], [sflag:$0xE] =	stream.linear.gather [hbm4b:s29+s3], $0x400, $0x38;
	[tilespmem:$0x14600] =	vst v63  }
0xae: {  	s26 =	simm.s32 $0x11600;
	(v2sf) =	vpush v35, $0xF;
	s30 =	sadd.s32 $0xF4280, s29  }
0xaf: {  	[tilespmem:s26], [sflag:$0xE] =	stream.linear.gather [hbm4b:s30+s3], $0x400, $0x38;
	[tilespmem:$0x14600] =	vst v63  }
0xb0: {  	s31 =	simm.s32 $0x11A00;
	s30 =	sadd.s32 $0x1E8500, s29  }
0xb1: {  	[tilespmem:s31], [sflag:$0xE] =	stream.linear.gather [hbm4b:s30+s3], $0x400, $0x38;
	[tilespmem:$0x14600] =	vst v63  }
0xb2: {  	s4 =	simm.s32 $0x11E00;
	s29 =	sadd.s32 $0x2DC780, s29;
	s30 =	spop (v2sf)  }
0xb3: {  	[tilespmem:s4], [sflag:$0xE] =	stream.linear.gather [hbm4b:s29+s3], $0x400, $0x38;
	[tilespmem:$0x14600] =	vst v63  }
0xb4: {  	s29 =	sand.u32 $0xFFFFF80, s30  }
0xb5: {  	s26 =	simm.s32 $0x12200;
	s29 =	sadd.s32 s1, s29  }
0xb6: {  	[tilespmem:s26], [sflag:$0xF] =	stream.linear.gather [hbm4b:s29+s3], $0x400, $0x38;
	[tilespmem:$0x14600] =	vst v63  }
0xb7: {  	s31 =	simm.s32 $0x12600;
	s30 =	sadd.s32 $0xF4280, s29  }
0xb8: {  	[tilespmem:s31], [sflag:$0xF] =	stream.linear.gather [hbm4b:s30+s3], $0x400, $0x38;
	[tilespmem:$0x14600] =	vst v63  }
0xb9: {  	s4 =	simm.s32 $0x12A00;
	s30 =	sadd.s32 $0x1E8500, s29  }
0xba: {  	[tilespmem:s4], [sflag:$0xF] =	stream.linear.gather [hbm4b:s30+s3], $0x400, $0x38;
	[tilespmem:$0x14600] =	vst v63  }
0xbb: {  	s26 =	simm.s32 $0x12E00;
	s29 =	sadd.s32 $0x2DC780, s29  }
0xbc: {  	[tilespmem:s26], [sflag:$0xF] =	stream.linear.gather [hbm4b:s29+s3], $0x400, $0x38;
	[tilespmem:$0x14600] =	vst v63  }
0xbd: {  	s29 =	spop (v2sf)  }
0xbe: {  	s29 =	sand.u32 $0xFFFFF80, s29  }
0xbf: {  	s31 =	simm.s32 $0x13200;
	s29 =	sadd.s32 s1, s29  }
0xc0: {  	[tilespmem:s31], [sflag:$0x10] =	stream.linear.gather [hbm4b:s29+s3], $0x400, $0x38;
	[tilespmem:$0x14600] =	vst v63  }
0xc1: {  	s4 =	simm.s32 $0x13600;
	s30 =	sadd.s32 $0xF4280, s29  }
0xc2: {  	[tilespmem:s4], [sflag:$0x10] =	stream.linear.gather [hbm4b:s30+s3], $0x400, $0x38;
	[tilespmem:$0x14600] =	vst v63  }
0xc3: {  	s26 =	simm.s32 $0x13A00;
	s30 =	sadd.s32 $0x1E8500, s29  }
0xc4: {  	[tilespmem:s26], [sflag:$0x10] =	stream.linear.gather [hbm4b:s30+s3], $0x400, $0x38;
	[tilespmem:$0x14600] =	vst v63  }
0xc5: {  	s31 =	simm.s32 $0x13E00;
	s29 =	sadd.s32 $0x2DC780, s29  }
0xc6: {  	[tilespmem:s31], [sflag:$0x10] =	stream.linear.gather [hbm4b:s29+s3], $0x400, $0x38;
	[tilespmem:$0x14600] =	vst v63  }
0xc7: {  	v37 =	vimm.f32 $0.0e+00;
	s30 =	simm.s32 $0xF;
	s29 =	simm.s32 $0x1  }
.LBB2_2:
0xc8: {  	v0 =	vshra.s32 v35, $0x1F  }
0xc9: {  	v0 =	vshrl.u32 v0, $0x19  }
0xca: {  	s31 =	smin.u32 s29, $0x1F;
	v0 =	vadd.s32 v0, v35  }
0xcb: {  	s31 =	sshll.u32 s31, $0x4;
	v0 =	vand.u32 $0xFFFFFF80, v0  }
0xcc: {  	v36 =	vsub.s32 v35, v0;
	v35 =	vld [tilespmem:s31+$0x0];
	_ =	swait.ge [sflag:s2], $0x400  }
0xcd: {  	[sflag:s2] =	ssyncset.done $0x0  }
0xce: {  	[sflag:s2] =	ssyncadd.s32 $0xFFFFFC00  }
0xcf: {  	_ =	swait.ge [sflag:s2], $0x400  }
0xd0: {  	[sflag:s2] =	ssyncset.done $0x0  }
0xd1: {  	[sflag:s2] =	ssyncadd.s32 $0xFFFFFC00  }
0xd2: {  	_ =	swait.ge [sflag:s2], $0x400  }
0xd3: {  	[sflag:s2] =	ssyncset.done $0x0  }
0xd4: {  	[sflag:s2] =	ssyncadd.s32 $0xFFFFFC00  }
0xd5: {  	p0 =	seq.s32 s30, $0x1FF;
	_ =	swait.ge [sflag:s2], $0x400  }
0xd6: {  	(v2sf) =	vpush @!p0 v35, $0x0;
	_ =	sdelay $0x2  }
0xd7: {  	v5 =	vld [tilespmem:$0x1FFB0];
	_ =	sdelay $0x2  }
0xd8: {  	v0 =	vbroadcast v36, $0x0  }
0xd9: {  	s0 =	sadd.s32 $0xFFFFFFF1, s30  }
0xda: {  	v1 =	vmov s0;
	v5 =	vadd.s32 v5, v0;
	v0 =	vadd.s32 v6, v0  }
0xdb: {  	v4 =	vshll.u32 v1, $0x3  }
0xdc: {  	v1 =	vand.u32 $0x70, v1;
	v4 =	vand.u32 $0xC00, v4  }
0xdd: {  	v1 =	vor.u32 v1, v4;
	[sflag:s2] =	ssyncset.done $0x0  }
0xde: {  	v4 =	vor.u32 v63, v1;
	[sflag:s2] =	ssyncadd.s32 $0xFFFFFC00  }
0xdf: {  	v1 =	vor.u32 v3, v1;
	v0 =	vld.idx.msk [tilespmem:v0+s12+$0x0], $0xffff;
	_ =	sdelay $0x1  }
0xe0: {  	s31 =	spop @!p0 (v2sf)  }
0xe1: {  	v2 =	vld.idx.msk [tilespmem:v5+s12+$0x0], $0xffff;
	s31 =	sand.u32 @!p0 $0xFFFFF80, s31  }
0xe2: {  	s26 =	simm.s32 @!p0 $0x4200;
	v38 =	vld.idx.msk [tilespmem:v4+s11+$0x0], $0xffff;
	s0 =	sadd.s32 @!p0 s1, s31;
	s31 =	simm.s32 @!p0 $0x0  }
0xe3: {  	[tilespmem:$0x1FE00] =	vst v0;
	v0 =	vld.idx.msk [tilespmem:v1+s11+$0x0], $0xffff;
	[tilespmem:s26], [sflag:$0x1] =	stream.linear.gather @!p0 [hbm4b:s0+s31], $0x400, $0x38  }
0xe4: {  	s4 =	simm.s32 @!p0 $0x4600;
	s26 =	sadd.s32 @!p0 $0xF4280, s0  }
0xe5: {  	[tilespmem:s4], [sflag:$0x1] =	stream.linear.gather @!p0 [hbm4b:s26+s31], $0x400, $0x38;
	[tilespmem:$0x14600] =	vst v63  }
0xe6: {  	[tilespmem:$0x1FDF0] =	vst v2;
	s4 =	sadd.s32 @!p0 $0x1E8500, s0;
	s26 =	simm.s32 @!p0 $0x4A00  }
0xe7: {  	[tilespmem:s26], [sflag:$0x1] =	stream.linear.gather @!p0 [hbm4b:s4+s31], $0x400, $0x38;
	[tilespmem:$0x14600] =	vst v63  }
0xe8: {  	[tilespmem:$0x1FE10] =	vst v0;
	s0 =	sadd.s32 @!p0 $0x2DC780, s0;
	s4 =	simm.s32 @!p0 $0x4E00  }
0xe9: {  	[tilespmem:s4], [sflag:$0x1] =	stream.linear.gather @!p0 [hbm4b:s0+s31], $0x400, $0x38;
	[tilespmem:$0x14600] =	vst v63  }
0xea: {  	_ =	swait.ge [sflag:s9], $0x400  }
0xeb: {  	[sflag:s9] =	ssyncset.done $0x0  }
0xec: {  	[sflag:s9] =	ssyncadd.s32 $0xFFFFFC00  }
0xed: {  	_ =	swait.ge [sflag:s9], $0x400  }
0xee: {  	[sflag:s9] =	ssyncset.done $0x0  }
0xef: {  	[sflag:s9] =	ssyncadd.s32 $0xFFFFFC00  }
0xf0: {  	_ =	swait.ge [sflag:s9], $0x400  }
0xf1: {  	[sflag:s9] =	ssyncset.done $0x0  }
0xf2: {  	[sflag:s9] =	ssyncadd.s32 $0xFFFFFC00  }
0xf3: {  	_ =	swait.ge [sflag:s9], $0x400  }
0xf4: {  	(v2sf) =	vpush @!p0 v35, $0x1  }
0xf5: {  	v0 =	vbroadcast v36, $0x1;
	_ =	sdelay $0x1  }
0xf6: {  	v5 =	vadd.s32 v7, v0;
	v0 =	vadd.s32 v8, v0;
	s4 =	sadd.s32 $0xFFFFFFF2, s30  }
0xf7: {  	v1 =	vmov s4  }
0xf8: {  	v4 =	vshll.u32 v1, $0x3  }
0xf9: {  	v1 =	vand.u32 $0x71, v1;
	v4 =	vand.u32 $0xC00, v4;
	[sflag:s9] =	ssyncset.done $0x0  }
0xfa: {  	v1 =	vor.u32 v1, v4;
	[sflag:s9] =	ssyncadd.s32 $0xFFFFFC00  }
0xfb: {  	v4 =	vor.u32 v63, v1;
	v0 =	vld.idx.msk [tilespmem:v0+s12+$0x0], $0xffff;
	_ =	sdelay $0x4  }
0xfc: {  	v1 =	vor.u32 v3, v1;
	[tilespmem:$0x1FE40] =	vst v0;
	v0 =	vld.idx.msk [tilespmem:v4+s11+$0x0], $0xffff;
	_ =	sdelay $0x1  }
0xfd: {  	s0 =	spop @!p0 (v2sf)  }
0xfe: {  	v2 =	vld.idx.msk [tilespmem:v5+s12+$0x0], $0xffff;
	s0 =	sand.u32 @!p0 $0xFFFFF80, s0  }
0xff: {  	s4 =	simm.s32 @!p0 $0x5200;
	s0 =	sadd.s32 @!p0 s1, s0  }
0x100: {  	[tilespmem:$0x1FE30] =	vst v0;
	v0 =	vld.idx.msk [tilespmem:v1+s11+$0x0], $0xffff;
	[tilespmem:s4], [sflag:$0x2] =	stream.linear.gather @!p0 [hbm4b:s0+s31], $0x400, $0x38  }
0x101: {  	s26 =	simm.s32 @!p0 $0x5600;
	s4 =	sadd.s32 @!p0 $0xF4280, s0  }
0x102: {  	[tilespmem:s26], [sflag:$0x2] =	stream.linear.gather @!p0 [hbm4b:s4+s31], $0x400, $0x38;
	[tilespmem:$0x14600] =	vst v63  }
0x103: {  	[tilespmem:$0x1FE20] =	vst v2;
	s4 =	sadd.s32 @!p0 $0x1E8500, s0;
	s26 =	simm.s32 @!p0 $0x5A00  }
0x104: {  	[tilespmem:s26], [sflag:$0x2] =	stream.linear.gather @!p0 [hbm4b:s4+s31], $0x400, $0x38;
	[tilespmem:$0x14600] =	vst v63  }
0x105: {  	[tilespmem:$0x1FE50] =	vst v0;
	s0 =	sadd.s32 @!p0 $0x2DC780, s0;
	s4 =	simm.s32 @!p0 $0x5E00  }
0x106: {  	[tilespmem:s4], [sflag:$0x2] =	stream.linear.gather @!p0 [hbm4b:s0+s31], $0x400, $0x38;
	[tilespmem:$0x14600] =	vst v63  }
0x107: {  	_ =	swait.ge [sflag:s10], $0x400  }
0x108: {  	[sflag:s10] =	ssyncset.done $0x0  }
0x109: {  	[sflag:s10] =	ssyncadd.s32 $0xFFFFFC00  }
0x10a: {  	_ =	swait.ge [sflag:s10], $0x400  }
0x10b: {  	[sflag:s10] =	ssyncset.done $0x0  }
0x10c: {  	[sflag:s10] =	ssyncadd.s32 $0xFFFFFC00  }
0x10d: {  	_ =	swait.ge [sflag:s10], $0x400  }
0x10e: {  	[sflag:s10] =	ssyncset.done $0x0  }
0x10f: {  	[sflag:s10] =	ssyncadd.s32 $0xFFFFFC00  }
0x110: {  	_ =	swait.ge [sflag:s10], $0x400  }
0x111: {  	(v2sf) =	vpush @!p0 v35, $0x2  }
0x112: {  	v0 =	vbroadcast v36, $0x2;
	_ =	sdelay $0x1  }
0x113: {  	v5 =	vadd.s32 v58, v0;
	v0 =	vadd.s32 v59, v0;
	s26 =	sadd.s32 $0xFFFFFFF3, s30  }
0x114: {  	v1 =	vmov s26  }
0x115: {  	v4 =	vshll.u32 v1, $0x3  }
0x116: {  	v1 =	vand.u32 $0x72, v1;
	v4 =	vand.u32 $0xC00, v4;
	[sflag:s10] =	ssyncset.done $0x0  }
0x117: {  	v1 =	vor.u32 v1, v4;
	[sflag:s10] =	ssyncadd.s32 $0xFFFFFC00  }
0x118: {  	v4 =	vor.u32 v63, v1;
	v0 =	vld.idx.msk [tilespmem:v0+s12+$0x0], $0xffff;
	_ =	sdelay $0x4  }
0x119: {  	v1 =	vor.u32 v3, v1;
	[tilespmem:$0x1FE80] =	vst v0;
	v0 =	vld.idx.msk [tilespmem:v4+s11+$0x0], $0xffff;
	_ =	sdelay $0x1  }
0x11a: {  	s0 =	spop @!p0 (v2sf)  }
0x11b: {  	v2 =	vld.idx.msk [tilespmem:v5+s12+$0x0], $0xffff;
	s0 =	sand.u32 @!p0 $0xFFFFF80, s0  }
0x11c: {  	s4 =	simm.s32 @!p0 $0x6200;
	s0 =	sadd.s32 @!p0 s1, s0  }
0x11d: {  	[tilespmem:$0x1FE70] =	vst v0;
	v0 =	vld.idx.msk [tilespmem:v1+s11+$0x0], $0xffff;
	[tilespmem:s4], [sflag:$0x3] =	stream.linear.gather @!p0 [hbm4b:s0+s31], $0x400, $0x38  }
0x11e: {  	s26 =	simm.s32 @!p0 $0x6600;
	s4 =	sadd.s32 @!p0 $0xF4280, s0  }
0x11f: {  	[tilespmem:s26], [sflag:$0x3] =	stream.linear.gather @!p0 [hbm4b:s4+s31], $0x400, $0x38;
	[tilespmem:$0x14600] =	vst v63  }
0x120: {  	[tilespmem:$0x1FE60] =	vst v2;
	s4 =	sadd.s32 @!p0 $0x1E8500, s0;
	s26 =	simm.s32 @!p0 $0x6A00  }
0x121: {  	[tilespmem:s26], [sflag:$0x3] =	stream.linear.gather @!p0 [hbm4b:s4+s31], $0x400, $0x38;
	[tilespmem:$0x14600] =	vst v63  }
0x122: {  	[tilespmem:$0x1FE90] =	vst v0;
	s0 =	sadd.s32 @!p0 $0x2DC780, s0;
	s4 =	simm.s32 @!p0 $0x6E00  }
0x123: {  	[tilespmem:s4], [sflag:$0x3] =	stream.linear.gather @!p0 [hbm4b:s0+s31], $0x400, $0x38;
	[tilespmem:$0x14600] =	vst v63  }
0x124: {  	_ =	swait.ge [sflag:s13], $0x400  }
0x125: {  	[sflag:s13] =	ssyncset.done $0x0  }
0x126: {  	[sflag:s13] =	ssyncadd.s32 $0xFFFFFC00  }
0x127: {  	_ =	swait.ge [sflag:s13], $0x400  }
0x128: {  	[sflag:s13] =	ssyncset.done $0x0  }
0x129: {  	[sflag:s13] =	ssyncadd.s32 $0xFFFFFC00  }
0x12a: {  	_ =	swait.ge [sflag:s13], $0x400  }
0x12b: {  	[sflag:s13] =	ssyncset.done $0x0  }
0x12c: {  	[sflag:s13] =	ssyncadd.s32 $0xFFFFFC00  }
0x12d: {  	_ =	swait.ge [sflag:s13], $0x400  }
0x12e: {  	(v2sf) =	vpush @!p0 v35, $0x3;
	_ =	sdelay $0x6  }
0x12f: {  	s4 =	sadd.s32 $0xFFFFFFF4, s30  }
0x130: {  	v0 =	vbroadcast v36, $0x3;
	v1 =	vmov s4  }
0x131: {  	v4 =	vshll.u32 v1, $0x3  }
0x132: {  	v5 =	vadd.s32 v54, v0;
	v1 =	vand.u32 $0x73, v1;
	v4 =	vand.u32 $0xC00, v4  }
0x133: {  	v0 =	vadd.s32 v60, v0;
	v1 =	vor.u32 v1, v4  }
0x134: {  	v4 =	vor.u32 v63, v1  }
0x135: {  	v1 =	vor.u32 v3, v1;
	[sflag:s13] =	ssyncset.done $0x0  }
0x136: {  	[sflag:s13] =	ssyncadd.s32 $0xFFFFFC00  }
0x137: {  	v2 =	vld.idx.msk [tilespmem:v5+s12+$0x0], $0xffff;
	s0 =	spop @!p0 (v2sf)  }
0x138: {  	v0 =	vld.idx.msk [tilespmem:v0+s12+$0x0], $0xffff;
	s0 =	sand.u32 @!p0 $0xFFFFF80, s0  }
0x139: {  	s4 =	simm.s32 @!p0 $0x7200;
	v39 =	vld.idx.msk [tilespmem:v4+s11+$0x0], $0xffff;
	s0 =	sadd.s32 @!p0 s1, s0  }
0x13a: {  	v40 =	vld.idx.msk [tilespmem:v1+s11+$0x0], $0xffff;
	[tilespmem:s4], [sflag:$0x4] =	stream.linear.gather @!p0 [hbm4b:s0+s31], $0x400, $0x38  }
0x13b: {  	s26 =	simm.s32 @!p0 $0x7600;
	s4 =	sadd.s32 @!p0 $0xF4280, s0  }
0x13c: {  	[tilespmem:s26], [sflag:$0x4] =	stream.linear.gather @!p0 [hbm4b:s4+s31], $0x400, $0x38;
	[tilespmem:$0x14600] =	vst v63  }
0x13d: {  	[tilespmem:$0x1FEA0] =	vst v2;
	s4 =	sadd.s32 @!p0 $0x1E8500, s0;
	s26 =	simm.s32 @!p0 $0x7A00  }
0x13e: {  	[tilespmem:s26], [sflag:$0x4] =	stream.linear.gather @!p0 [hbm4b:s4+s31], $0x400, $0x38;
	[tilespmem:$0x14600] =	vst v63  }
0x13f: {  	[tilespmem:$0x1FEB0] =	vst v0;
	s0 =	sadd.s32 @!p0 $0x2DC780, s0;
	s4 =	simm.s32 @!p0 $0x7E00  }
0x140: {  	[tilespmem:s4], [sflag:$0x4] =	stream.linear.gather @!p0 [hbm4b:s0+s31], $0x400, $0x38;
	[tilespmem:$0x14600] =	vst v63  }
0x141: {  	_ =	swait.ge [sflag:s14], $0x400  }
0x142: {  	[sflag:s14] =	ssyncset.done $0x0  }
0x143: {  	[sflag:s14] =	ssyncadd.s32 $0xFFFFFC00  }
0x144: {  	_ =	swait.ge [sflag:s14], $0x400  }
0x145: {  	[sflag:s14] =	ssyncset.done $0x0  }
0x146: {  	[sflag:s14] =	ssyncadd.s32 $0xFFFFFC00  }
0x147: {  	_ =	swait.ge [sflag:s14], $0x400  }
0x148: {  	[sflag:s14] =	ssyncset.done $0x0  }
0x149: {  	[sflag:s14] =	ssyncadd.s32 $0xFFFFFC00  }
0x14a: {  	_ =	swait.ge [sflag:s14], $0x400  }
0x14b: {  	(v2sf) =	vpush @!p0 v35, $0x4  }
0x14c: {  	v0 =	vbroadcast v36, $0x4;
	_ =	sdelay $0x1  }
0x14d: {  	v5 =	vadd.s32 v52, v0;
	v0 =	vadd.s32 v51, v0;
	s26 =	sadd.s32 $0xFFFFFFF5, s30  }
0x14e: {  	v1 =	vmov s26  }
0x14f: {  	v4 =	vshll.u32 v1, $0x3  }
0x150: {  	v1 =	vand.u32 $0x74, v1;
	v4 =	vand.u32 $0xC00, v4;
	[sflag:s14] =	ssyncset.done $0x0  }
0x151: {  	v1 =	vor.u32 v1, v4;
	[sflag:s14] =	ssyncadd.s32 $0xFFFFFC00  }
0x152: {  	v4 =	vor.u32 v63, v1;
	v0 =	vld.idx.msk [tilespmem:v0+s12+$0x0], $0xffff;
	_ =	sdelay $0x4  }
0x153: {  	v1 =	vor.u32 v3, v1;
	[tilespmem:$0x1FEE0] =	vst v0;
	v0 =	vld.idx.msk [tilespmem:v4+s11+$0x0], $0xffff;
	_ =	sdelay $0x1  }
0x154: {  	s0 =	spop @!p0 (v2sf)  }
0x155: {  	v2 =	vld.idx.msk [tilespmem:v5+s12+$0x0], $0xffff;
	s0 =	sand.u32 @!p0 $0xFFFFF80, s0  }
0x156: {  	s4 =	simm.s32 @!p0 $0x8200;
	s0 =	sadd.s32 @!p0 s1, s0  }
0x157: {  	[tilespmem:$0x1FED0] =	vst v0;
	v0 =	vld.idx.msk [tilespmem:v1+s11+$0x0], $0xffff;
	[tilespmem:s4], [sflag:$0x5] =	stream.linear.gather @!p0 [hbm4b:s0+s31], $0x400, $0x38  }
0x158: {  	s26 =	simm.s32 @!p0 $0x8600;
	s4 =	sadd.s32 @!p0 $0xF4280, s0  }
0x159: {  	[tilespmem:s26], [sflag:$0x5] =	stream.linear.gather @!p0 [hbm4b:s4+s31], $0x400, $0x38;
	[tilespmem:$0x14600] =	vst v63  }
0x15a: {  	[tilespmem:$0x1FEC0] =	vst v2;
	s4 =	sadd.s32 @!p0 $0x1E8500, s0;
	s26 =	simm.s32 @!p0 $0x8A00  }
0x15b: {  	[tilespmem:s26], [sflag:$0x5] =	stream.linear.gather @!p0 [hbm4b:s4+s31], $0x400, $0x38;
	[tilespmem:$0x14600] =	vst v63  }
0x15c: {  	[tilespmem:$0x1FEF0] =	vst v0;
	s0 =	sadd.s32 @!p0 $0x2DC780, s0;
	s4 =	simm.s32 @!p0 $0x8E00  }
0x15d: {  	[tilespmem:s4], [sflag:$0x5] =	stream.linear.gather @!p0 [hbm4b:s0+s31], $0x400, $0x38;
	[tilespmem:$0x14600] =	vst v63  }
0x15e: {  	_ =	swait.ge [sflag:s15], $0x400  }
0x15f: {  	[sflag:s15] =	ssyncset.done $0x0  }
0x160: {  	[sflag:s15] =	ssyncadd.s32 $0xFFFFFC00  }
0x161: {  	_ =	swait.ge [sflag:s15], $0x400  }
0x162: {  	[sflag:s15] =	ssyncset.done $0x0  }
0x163: {  	[sflag:s15] =	ssyncadd.s32 $0xFFFFFC00  }
0x164: {  	_ =	swait.ge [sflag:s15], $0x400  }
0x165: {  	[sflag:s15] =	ssyncset.done $0x0  }
0x166: {  	[sflag:s15] =	ssyncadd.s32 $0xFFFFFC00  }
0x167: {  	_ =	swait.ge [sflag:s15], $0x400  }
0x168: {  	(v2sf) =	vpush @!p0 v35, $0x5  }
0x169: {  	v0 =	vbroadcast v36, $0x5;
	_ =	sdelay $0x1  }
0x16a: {  	v5 =	vadd.s32 v48, v0;
	v0 =	vadd.s32 v53, v0;
	s4 =	sadd.s32 $0xFFFFFFF6, s30  }
0x16b: {  	v1 =	vmov s4  }
0x16c: {  	v4 =	vshll.u32 v1, $0x3  }
0x16d: {  	v1 =	vand.u32 $0x75, v1;
	v4 =	vand.u32 $0xC00, v4;
	[sflag:s15] =	ssyncset.done $0x0  }
0x16e: {  	v1 =	vor.u32 v1, v4;
	[sflag:s15] =	ssyncadd.s32 $0xFFFFFC00  }
0x16f: {  	v4 =	vor.u32 v63, v1;
	v0 =	vld.idx.msk [tilespmem:v0+s12+$0x0], $0xffff;
	_ =	sdelay $0x4  }
0x170: {  	v1 =	vor.u32 v3, v1;
	[tilespmem:$0x1FF20] =	vst v0;
	v0 =	vld.idx.msk [tilespmem:v4+s11+$0x0], $0xffff;
	_ =	sdelay $0x1  }
0x171: {  	s0 =	spop @!p0 (v2sf)  }
0x172: {  	v2 =	vld.idx.msk [tilespmem:v5+s12+$0x0], $0xffff;
	s0 =	sand.u32 @!p0 $0xFFFFF80, s0  }
0x173: {  	s4 =	simm.s32 @!p0 $0x9200;
	s0 =	sadd.s32 @!p0 s1, s0  }
0x174: {  	[tilespmem:$0x1FF10] =	vst v0;
	v0 =	vld.idx.msk [tilespmem:v1+s11+$0x0], $0xffff;
	[tilespmem:s4], [sflag:$0x6] =	stream.linear.gather @!p0 [hbm4b:s0+s31], $0x400, $0x38  }
0x175: {  	s26 =	simm.s32 @!p0 $0x9600;
	s4 =	sadd.s32 @!p0 $0xF4280, s0  }
0x176: {  	[tilespmem:s26], [sflag:$0x6] =	stream.linear.gather @!p0 [hbm4b:s4+s31], $0x400, $0x38;
	[tilespmem:$0x14600] =	vst v63  }
0x177: {  	[tilespmem:$0x1FF00] =	vst v2;
	s4 =	sadd.s32 @!p0 $0x1E8500, s0;
	s26 =	simm.s32 @!p0 $0x9A00  }
0x178: {  	[tilespmem:s26], [sflag:$0x6] =	stream.linear.gather @!p0 [hbm4b:s4+s31], $0x400, $0x38;
	[tilespmem:$0x14600] =	vst v63  }
0x179: {  	[tilespmem:$0x1FF30] =	vst v0;
	s0 =	sadd.s32 @!p0 $0x2DC780, s0;
	s4 =	simm.s32 @!p0 $0x9E00  }
0x17a: {  	[tilespmem:s4], [sflag:$0x6] =	stream.linear.gather @!p0 [hbm4b:s0+s31], $0x400, $0x38;
	[tilespmem:$0x14600] =	vst v63  }
0x17b: {  	_ =	swait.ge [sflag:s16], $0x400  }
0x17c: {  	[sflag:s16] =	ssyncset.done $0x0  }
0x17d: {  	[sflag:s16] =	ssyncadd.s32 $0xFFFFFC00  }
0x17e: {  	_ =	swait.ge [sflag:s16], $0x400  }
0x17f: {  	[sflag:s16] =	ssyncset.done $0x0  }
0x180: {  	[sflag:s16] =	ssyncadd.s32 $0xFFFFFC00  }
0x181: {  	_ =	swait.ge [sflag:s16], $0x400  }
0x182: {  	[sflag:s16] =	ssyncset.done $0x0  }
0x183: {  	[sflag:s16] =	ssyncadd.s32 $0xFFFFFC00  }
0x184: {  	_ =	swait.ge [sflag:s16], $0x400  }
0x185: {  	(v2sf) =	vpush @!p0 v35, $0x6;
	_ =	sdelay $0x4  }
0x186: {  	v0 =	vbroadcast v36, $0x6;
	_ =	sdelay $0x1  }
0x187: {  	v5 =	vadd.s32 v32, v0;
	v0 =	vadd.s32 v43, v0;
	s26 =	sadd.s32 $0xFFFFFFF7, s30  }
0x188: {  	v1 =	vmov s26  }
0x189: {  	v4 =	vshll.u32 v1, $0x3  }
0x18a: {  	v1 =	vand.u32 $0x76, v1;
	v4 =	vand.u32 $0xC00, v4;
	[sflag:s16] =	ssyncset.done $0x0  }
0x18b: {  	v1 =	vor.u32 v1, v4;
	[sflag:s16] =	ssyncadd.s32 $0xFFFFFC00  }
0x18c: {  	v4 =	vor.u32 v63, v1;
	v0 =	vld.idx.msk [tilespmem:v0+s12+$0x0], $0xffff  }
0x18d: {  	v6 =	vor.u32 v3, v1;
	v1 =	vld.idx.msk [tilespmem:v5+s12+$0x0], $0xffff;
	_ =	sdelay $0x1  }
0x18e: {  	s0 =	spop @!p0 (v2sf)  }
0x18f: {  	s0 =	sand.u32 @!p0 $0xFFFFF80, s0  }
0x190: {  	s4 =	simm.s32 @!p0 $0xA200;
	[tilespmem:$0x1FF50] =	vst v0;
	v0 =	vld.idx.msk [tilespmem:v4+s11+$0x0], $0xffff;
	s0 =	sadd.s32 @!p0 s1, s0  }
0x191: {  	[tilespmem:$0x1FF40] =	vst v1;
	v1 =	vld.idx.msk [tilespmem:v6+s11+$0x0], $0xffff;
	[tilespmem:s4], [sflag:$0x7] =	stream.linear.gather @!p0 [hbm4b:s0+s31], $0x400, $0x38  }
0x192: {  	s26 =	simm.s32 @!p0 $0xA600;
	s4 =	sadd.s32 @!p0 $0xF4280, s0  }
0x193: {  	[tilespmem:s26], [sflag:$0x7] =	stream.linear.gather @!p0 [hbm4b:s4+s31], $0x400, $0x38;
	[tilespmem:$0x14600] =	vst v63  }
0x194: {  	s4 =	sadd.s32 @!p0 $0x1E8500, s0;
	s26 =	simm.s32 @!p0 $0xAA00  }
0x195: {  	[tilespmem:s26], [sflag:$0x7] =	stream.linear.gather @!p0 [hbm4b:s4+s31], $0x400, $0x38;
	[tilespmem:$0x14600] =	vst v63  }
0x196: {  	[tilespmem:$0x1FF60] =	vst v1;
	s0 =	sadd.s32 @!p0 $0x2DC780, s0;
	s4 =	simm.s32 @!p0 $0xAE00  }
0x197: {  	[tilespmem:s4], [sflag:$0x7] =	stream.linear.gather @!p0 [hbm4b:s0+s31], $0x400, $0x38;
	[tilespmem:$0x14600] =	vst v63  }
0x198: {  	_ =	swait.ge [sflag:s17], $0x400  }
0x199: {  	[sflag:s17] =	ssyncset.done $0x0  }
0x19a: {  	[sflag:s17] =	ssyncadd.s32 $0xFFFFFC00  }
0x19b: {  	_ =	swait.ge [sflag:s17], $0x400  }
0x19c: {  	[sflag:s17] =	ssyncset.done $0x0  }
0x19d: {  	[sflag:s17] =	ssyncadd.s32 $0xFFFFFC00  }
0x19e: {  	_ =	swait.ge [sflag:s17], $0x400  }
0x19f: {  	[sflag:s17] =	ssyncset.done $0x0  }
0x1a0: {  	[sflag:s17] =	ssyncadd.s32 $0xFFFFFC00  }
0x1a1: {  	_ =	swait.ge [sflag:s17], $0x400  }
0x1a2: {  	(v2sf) =	vpush @!p0 v35, $0x7;
	_ =	sdelay $0x6  }
0x1a3: {  	s4 =	sadd.s32 $0xFFFFFFF8, s30  }
0x1a4: {  	v4 =	vbroadcast v36, $0x7;
	v5 =	vmov s4  }
0x1a5: {  	v6 =	vshll.u32 v5, $0x3  }
0x1a6: {  	v7 =	vadd.s32 v19, v4;
	v5 =	vand.u32 $0x77, v5;
	v6 =	vand.u32 $0xC00, v6  }
0x1a7: {  	v4 =	vadd.s32 v61, v4;
	v5 =	vor.u32 v5, v6  }
0x1a8: {  	v8 =	vor.u32 v63, v5  }
0x1a9: {  	v5 =	vor.u32 v3, v5;
	[sflag:s17] =	ssyncset.done $0x0  }
0x1aa: {  	[sflag:s17] =	ssyncadd.s32 $0xFFFFFC00  }
0x1ab: {  	v6 =	vld.idx.msk [tilespmem:v7+s12+$0x0], $0xffff;
	s0 =	spop @!p0 (v2sf)  }
0x1ac: {  	v1 =	vld.idx.msk [tilespmem:v4+s12+$0x0], $0xffff;
	s0 =	sand.u32 @!p0 $0xFFFFF80, s0  }
0x1ad: {  	s4 =	simm.s32 @!p0 $0xB200;
	v4 =	vld.idx.msk [tilespmem:v8+s11+$0x0], $0xffff;
	s0 =	sadd.s32 @!p0 s1, s0  }
0x1ae: {  	v62 =	vld.idx.msk [tilespmem:v5+s11+$0x0], $0xffff;
	[tilespmem:s4], [sflag:$0x8] =	stream.linear.gather @!p0 [hbm4b:s0+s31], $0x400, $0x38  }
0x1af: {  	s26 =	simm.s32 @!p0 $0xB600;
	s4 =	sadd.s32 @!p0 $0xF4280, s0  }
0x1b0: {  	[tilespmem:s26], [sflag:$0x8] =	stream.linear.gather @!p0 [hbm4b:s4+s31], $0x400, $0x38;
	[tilespmem:$0x14600] =	vst v63  }
0x1b1: {  	s4 =	sadd.s32 @!p0 $0x1E8500, s0;
	s26 =	simm.s32 @!p0 $0xBA00  }
0x1b2: {  	[tilespmem:s26], [sflag:$0x8] =	stream.linear.gather @!p0 [hbm4b:s4+s31], $0x400, $0x38;
	[tilespmem:$0x14600] =	vst v63  }
0x1b3: {  	[tilespmem:$0x1FF70] =	vst v1;
	s0 =	sadd.s32 @!p0 $0x2DC780, s0;
	s4 =	simm.s32 @!p0 $0xBE00  }
0x1b4: {  	[tilespmem:s4], [sflag:$0x8] =	stream.linear.gather @!p0 [hbm4b:s0+s31], $0x400, $0x38;
	[tilespmem:$0x14600] =	vst v63  }
0x1b5: {  	_ =	swait.ge [sflag:s18], $0x400  }
0x1b6: {  	[sflag:s18] =	ssyncset.done $0x0  }
0x1b7: {  	[sflag:s18] =	ssyncadd.s32 $0xFFFFFC00  }
0x1b8: {  	_ =	swait.ge [sflag:s18], $0x400  }
0x1b9: {  	[sflag:s18] =	ssyncset.done $0x0  }
0x1ba: {  	[sflag:s18] =	ssyncadd.s32 $0xFFFFFC00  }
0x1bb: {  	_ =	swait.ge [sflag:s18], $0x400  }
0x1bc: {  	[sflag:s18] =	ssyncset.done $0x0  }
0x1bd: {  	[sflag:s18] =	ssyncadd.s32 $0xFFFFFC00  }
0x1be: {  	_ =	swait.ge [sflag:s18], $0x400  }
0x1bf: {  	(v2sf) =	vpush @!p0 v35, $0x8;
	_ =	sdelay $0x6  }
0x1c0: {  	s26 =	sadd.s32 $0xFFFFFFF9, s30  }
0x1c1: {  	v8 =	vbroadcast v36, $0x8;
	v9 =	vmov s26  }
0x1c2: {  	v10 =	vshll.u32 v9, $0x3  }
0x1c3: {  	v11 =	vadd.s32 v33, v8;
	v9 =	vand.u32 $0x78, v9;
	v10 =	vand.u32 $0xC00, v10  }
0x1c4: {  	v8 =	vadd.s32 v21, v8;
	v9 =	vor.u32 v9, v10  }
0x1c5: {  	v10 =	vor.u32 v63, v9  }
0x1c6: {  	v12 =	vor.u32 v3, v9;
	[sflag:s18] =	ssyncset.done $0x0  }
0x1c7: {  	[sflag:s18] =	ssyncadd.s32 $0xFFFFFC00  }
0x1c8: {  	v50 =	vld.idx.msk [tilespmem:v11+s12+$0x0], $0xffff;
	s0 =	spop @!p0 (v2sf)  }
0x1c9: {  	v57 =	vld.idx.msk [tilespmem:v8+s12+$0x0], $0xffff;
	s0 =	sand.u32 @!p0 $0xFFFFF80, s0  }
0x1ca: {  	s4 =	simm.s32 @!p0 $0xC200;
	v49 =	vld.idx.msk [tilespmem:v10+s11+$0x0], $0xffff;
	s0 =	sadd.s32 @!p0 s1, s0  }
0x1cb: {  	v56 =	vld.idx.msk [tilespmem:v12+s11+$0x0], $0xffff;
	[tilespmem:s4], [sflag:$0x9] =	stream.linear.gather @!p0 [hbm4b:s0+s31], $0x400, $0x38  }
0x1cc: {  	s26 =	simm.s32 @!p0 $0xC600;
	s4 =	sadd.s32 @!p0 $0xF4280, s0  }
0x1cd: {  	[tilespmem:s26], [sflag:$0x9] =	stream.linear.gather @!p0 [hbm4b:s4+s31], $0x400, $0x38;
	[tilespmem:$0x14600] =	vst v63  }
0x1ce: {  	s4 =	sadd.s32 @!p0 $0x1E8500, s0;
	s26 =	simm.s32 @!p0 $0xCA00  }
0x1cf: {  	[tilespmem:s26], [sflag:$0x9] =	stream.linear.gather @!p0 [hbm4b:s4+s31], $0x400, $0x38;
	[tilespmem:$0x14600] =	vst v63  }
0x1d0: {  	s0 =	sadd.s32 @!p0 $0x2DC780, s0;
	s4 =	simm.s32 @!p0 $0xCE00  }
0x1d1: {  	[tilespmem:s4], [sflag:$0x9] =	stream.linear.gather @!p0 [hbm4b:s0+s31], $0x400, $0x38;
	[tilespmem:$0x14600] =	vst v63  }
0x1d2: {  	_ =	swait.ge [sflag:s19], $0x400  }
0x1d3: {  	[sflag:s19] =	ssyncset.done $0x0  }
0x1d4: {  	[sflag:s19] =	ssyncadd.s32 $0xFFFFFC00  }
0x1d5: {  	_ =	swait.ge [sflag:s19], $0x400  }
0x1d6: {  	[sflag:s19] =	ssyncset.done $0x0  }
0x1d7: {  	[sflag:s19] =	ssyncadd.s32 $0xFFFFFC00  }
0x1d8: {  	_ =	swait.ge [sflag:s19], $0x400  }
0x1d9: {  	[sflag:s19] =	ssyncset.done $0x0  }
0x1da: {  	[sflag:s19] =	ssyncadd.s32 $0xFFFFFC00  }
0x1db: {  	_ =	swait.ge [sflag:s19], $0x400  }
0x1dc: {  	(v2sf) =	vpush @!p0 v35, $0x9;
	_ =	sdelay $0x6  }
0x1dd: {  	s4 =	sadd.s32 $0xFFFFFFFA, s30  }
0x1de: {  	v41 =	vbroadcast v36, $0x9;
	v13 =	vmov s4  }
0x1df: {  	v14 =	vshll.u32 v13, $0x3  }
0x1e0: {  	v15 =	vadd.s32 v22, v41;
	v13 =	vand.u32 $0x79, v13;
	v14 =	vand.u32 $0xC00, v14  }
0x1e1: {  	v12 =	vadd.s32 v23, v41;
	v13 =	vor.u32 v13, v14  }
0x1e2: {  	v16 =	vor.u32 v63, v13  }
0x1e3: {  	v13 =	vor.u32 v3, v13;
	[sflag:s19] =	ssyncset.done $0x0  }
0x1e4: {  	[sflag:s19] =	ssyncadd.s32 $0xFFFFFC00  }
0x1e5: {  	v45 =	vld.idx.msk [tilespmem:v15+s12+$0x0], $0xffff;
	s0 =	spop @!p0 (v2sf)  }
0x1e6: {  	v47 =	vld.idx.msk [tilespmem:v12+s12+$0x0], $0xffff;
	s0 =	sand.u32 @!p0 $0xFFFFF80, s0  }
0x1e7: {  	s4 =	simm.s32 @!p0 $0xD200;
	v44 =	vld.idx.msk [tilespmem:v16+s11+$0x0], $0xffff;
	s0 =	sadd.s32 @!p0 s1, s0  }
0x1e8: {  	v46 =	vld.idx.msk [tilespmem:v13+s11+$0x0], $0xffff;
	[tilespmem:s4], [sflag:$0xA] =	stream.linear.gather @!p0 [hbm4b:s0+s31], $0x400, $0x38  }
0x1e9: {  	s26 =	simm.s32 @!p0 $0xD600;
	s4 =	sadd.s32 @!p0 $0xF4280, s0  }
0x1ea: {  	[tilespmem:s26], [sflag:$0xA] =	stream.linear.gather @!p0 [hbm4b:s4+s31], $0x400, $0x38;
	[tilespmem:$0x14600] =	vst v63  }
0x1eb: {  	s4 =	sadd.s32 @!p0 $0x1E8500, s0;
	s26 =	simm.s32 @!p0 $0xDA00  }
0x1ec: {  	[tilespmem:s26], [sflag:$0xA] =	stream.linear.gather @!p0 [hbm4b:s4+s31], $0x400, $0x38;
	[tilespmem:$0x14600] =	vst v63  }
0x1ed: {  	s0 =	sadd.s32 @!p0 $0x2DC780, s0;
	s4 =	simm.s32 @!p0 $0xDE00  }
0x1ee: {  	[tilespmem:s4], [sflag:$0xA] =	stream.linear.gather @!p0 [hbm4b:s0+s31], $0x400, $0x38;
	[tilespmem:$0x14600] =	vst v63  }
0x1ef: {  	_ =	swait.ge [sflag:s20], $0x400  }
0x1f0: {  	[sflag:s20] =	ssyncset.done $0x0  }
0x1f1: {  	[sflag:s20] =	ssyncadd.s32 $0xFFFFFC00  }
0x1f2: {  	_ =	swait.ge [sflag:s20], $0x400  }
0x1f3: {  	[sflag:s20] =	ssyncset.done $0x0  }
0x1f4: {  	[sflag:s20] =	ssyncadd.s32 $0xFFFFFC00  }
0x1f5: {  	_ =	swait.ge [sflag:s20], $0x400  }
0x1f6: {  	[sflag:s20] =	ssyncset.done $0x0  }
0x1f7: {  	[sflag:s20] =	ssyncadd.s32 $0xFFFFFC00  }
0x1f8: {  	_ =	swait.ge [sflag:s20], $0x400  }
0x1f9: {  	(v2sf) =	vpush @!p0 v35, $0xA;
	_ =	sdelay $0x6  }
0x1fa: {  	s26 =	sadd.s32 $0xFFFFFFFB, s30  }
0x1fb: {  	v16 =	vbroadcast v36, $0xA;
	v17 =	vmov s26  }
0x1fc: {  	v18 =	vshll.u32 v17, $0x3  }
0x1fd: {  	v15 =	vmovc v19;
	v19 =	vadd.s32 v24, v16;
	v17 =	vand.u32 $0x7A, v17;
	v18 =	vand.u32 $0xC00, v18  }
0x1fe: {  	v16 =	vadd.s32 v25, v16;
	v17 =	vor.u32 v17, v18  }
0x1ff: {  	v18 =	vor.u32 v63, v17  }
0x200: {  	v20 =	vor.u32 v3, v17;
	[sflag:s20] =	ssyncset.done $0x0  }
0x201: {  	[sflag:s20] =	ssyncadd.s32 $0xFFFFFC00  }
0x202: {  	v17 =	vld.idx.msk [tilespmem:v19+s12+$0x0], $0xffff;
	s0 =	spop @!p0 (v2sf)  }
0x203: {  	v16 =	vld.idx.msk [tilespmem:v16+s12+$0x0], $0xffff;
	s0 =	sand.u32 @!p0 $0xFFFFF80, s0  }
0x204: {  	s4 =	simm.s32 @!p0 $0xE200;
	v19 =	vld.idx.msk [tilespmem:v18+s11+$0x0], $0xffff;
	s0 =	sadd.s32 @!p0 s1, s0  }
0x205: {  	v18 =	vld.idx.msk [tilespmem:v20+s11+$0x0], $0xffff;
	[tilespmem:s4], [sflag:$0xB] =	stream.linear.gather @!p0 [hbm4b:s0+s31], $0x400, $0x38  }
0x206: {  	s26 =	simm.s32 @!p0 $0xE600;
	s4 =	sadd.s32 @!p0 $0xF4280, s0  }
0x207: {  	[tilespmem:s26], [sflag:$0xB] =	stream.linear.gather @!p0 [hbm4b:s4+s31], $0x400, $0x38;
	[tilespmem:$0x14600] =	vst v63  }
0x208: {  	s4 =	sadd.s32 @!p0 $0x1E8500, s0;
	s26 =	simm.s32 @!p0 $0xEA00  }
0x209: {  	[tilespmem:s26], [sflag:$0xB] =	stream.linear.gather @!p0 [hbm4b:s4+s31], $0x400, $0x38;
	[tilespmem:$0x14600] =	vst v63  }
0x20a: {  	s0 =	sadd.s32 @!p0 $0x2DC780, s0;
	s4 =	simm.s32 @!p0 $0xEE00  }
0x20b: {  	[tilespmem:s4], [sflag:$0xB] =	stream.linear.gather @!p0 [hbm4b:s0+s31], $0x400, $0x38;
	[tilespmem:$0x14600] =	vst v63  }
0x20c: {  	_ =	swait.ge [sflag:s21], $0x400  }
0x20d: {  	[sflag:s21] =	ssyncset.done $0x0  }
0x20e: {  	[sflag:s21] =	ssyncadd.s32 $0xFFFFFC00  }
0x20f: {  	_ =	swait.ge [sflag:s21], $0x400  }
0x210: {  	[sflag:s21] =	ssyncset.done $0x0  }
0x211: {  	[sflag:s21] =	ssyncadd.s32 $0xFFFFFC00  }
0x212: {  	_ =	swait.ge [sflag:s21], $0x400  }
0x213: {  	[sflag:s21] =	ssyncset.done $0x0  }
0x214: {  	[sflag:s21] =	ssyncadd.s32 $0xFFFFFC00  }
0x215: {  	_ =	swait.ge [sflag:s21], $0x400  }
0x216: {  	(v2sf) =	vpush @!p0 v35, $0xB;
	_ =	sdelay $0x6  }
0x217: {  	s4 =	sadd.s32 $0xFFFFFFFC, s30  }
0x218: {  	v7 =	vmov v21;
	v20 =	vbroadcast v36, $0xB;
	v21 =	vmov s4  }
0x219: {  	v8 =	vmov v22;
	v22 =	vshll.u32 v21, $0x3  }
0x21a: {  	v5 =	vmovc v23;
	v23 =	vadd.s32 v26, v20;
	v21 =	vand.u32 $0x7B, v21;
	v22 =	vand.u32 $0xC00, v22  }
0x21b: {  	v20 =	vadd.s32 v27, v20;
	v21 =	vor.u32 v21, v22  }
0x21c: {  	v22 =	vor.u32 v63, v21  }
0x21d: {  	v14 =	vmov v24;
	v24 =	vor.u32 v3, v21;
	[sflag:s21] =	ssyncset.done $0x0  }
0x21e: {  	[sflag:s21] =	ssyncadd.s32 $0xFFFFFC00  }
0x21f: {  	v21 =	vld.idx.msk [tilespmem:v23+s12+$0x0], $0xffff;
	s0 =	spop @!p0 (v2sf)  }
0x220: {  	v20 =	vld.idx.msk [tilespmem:v20+s12+$0x0], $0xffff;
	s0 =	sand.u32 @!p0 $0xFFFFF80, s0  }
0x221: {  	s4 =	simm.s32 @!p0 $0xF200;
	v23 =	vld.idx.msk [tilespmem:v22+s11+$0x0], $0xffff;
	s0 =	sadd.s32 @!p0 s1, s0  }
0x222: {  	v22 =	vld.idx.msk [tilespmem:v24+s11+$0x0], $0xffff;
	[tilespmem:s4], [sflag:$0xC] =	stream.linear.gather @!p0 [hbm4b:s0+s31], $0x400, $0x38  }
0x223: {  	s26 =	simm.s32 @!p0 $0xF600;
	s4 =	sadd.s32 @!p0 $0xF4280, s0  }
0x224: {  	[tilespmem:s26], [sflag:$0xC] =	stream.linear.gather @!p0 [hbm4b:s4+s31], $0x400, $0x38;
	[tilespmem:$0x14600] =	vst v63  }
0x225: {  	s4 =	sadd.s32 @!p0 $0x1E8500, s0;
	s26 =	simm.s32 @!p0 $0xFA00  }
0x226: {  	[tilespmem:s26], [sflag:$0xC] =	stream.linear.gather @!p0 [hbm4b:s4+s31], $0x400, $0x38;
	[tilespmem:$0x14600] =	vst v63  }
0x227: {  	s0 =	sadd.s32 @!p0 $0x2DC780, s0;
	s4 =	simm.s32 @!p0 $0xFE00  }
0x228: {  	[tilespmem:s4], [sflag:$0xC] =	stream.linear.gather @!p0 [hbm4b:s0+s31], $0x400, $0x38;
	[tilespmem:$0x14600] =	vst v63  }
0x229: {  	_ =	swait.ge [sflag:s22], $0x400  }
0x22a: {  	[sflag:s22] =	ssyncset.done $0x0  }
0x22b: {  	[sflag:s22] =	ssyncadd.s32 $0xFFFFFC00  }
0x22c: {  	_ =	swait.ge [sflag:s22], $0x400  }
0x22d: {  	[sflag:s22] =	ssyncset.done $0x0  }
0x22e: {  	[sflag:s22] =	ssyncadd.s32 $0xFFFFFC00  }
0x22f: {  	_ =	swait.ge [sflag:s22], $0x400  }
0x230: {  	[sflag:s22] =	ssyncset.done $0x0  }
0x231: {  	[sflag:s22] =	ssyncadd.s32 $0xFFFFFC00  }
0x232: {  	_ =	swait.ge [sflag:s22], $0x400  }
0x233: {  	(v2sf) =	vpush @!p0 v35, $0xC;
	_ =	sdelay $0x6  }
0x234: {  	s26 =	sadd.s32 $0xFFFFFFFD, s30  }
0x235: {  	v11 =	vmov v25;
	v24 =	vbroadcast v36, $0xC;
	v25 =	vmov s26  }
0x236: {  	v10 =	vmov v26;
	v26 =	vshll.u32 v25, $0x3  }
0x237: {  	v13 =	vmovc v27;
	v27 =	vadd.s32 v28, v24;
	v25 =	vand.u32 $0x7C, v25;
	v26 =	vand.u32 $0xC00, v26  }
0x238: {  	v24 =	vadd.s32 v29, v24;
	v25 =	vor.u32 v25, v26  }
0x239: {  	v26 =	vor.u32 v63, v25  }
0x23a: {  	v12 =	vmov v28;
	v28 =	vor.u32 v3, v25;
	[sflag:s22] =	ssyncset.done $0x0  }
0x23b: {  	[sflag:s22] =	ssyncadd.s32 $0xFFFFFC00  }
0x23c: {  	v25 =	vld.idx.msk [tilespmem:v27+s12+$0x0], $0xffff;
	s0 =	spop @!p0 (v2sf)  }
0x23d: {  	v24 =	vld.idx.msk [tilespmem:v24+s12+$0x0], $0xffff;
	s0 =	sand.u32 @!p0 $0xFFFFF80, s0  }
0x23e: {  	s4 =	simm.s32 @!p0 $0x10200;
	v26 =	vld.idx.msk [tilespmem:v26+s11+$0x0], $0xffff;
	s0 =	sadd.s32 @!p0 s1, s0  }
0x23f: {  	v34 =	vld.idx.msk [tilespmem:v28+s11+$0x0], $0xffff;
	[tilespmem:s4], [sflag:$0xD] =	stream.linear.gather @!p0 [hbm4b:s0+s31], $0x400, $0x38  }
0x240: {  	s26 =	simm.s32 @!p0 $0x10600;
	s4 =	sadd.s32 @!p0 $0xF4280, s0  }
0x241: {  	[tilespmem:s26], [sflag:$0xD] =	stream.linear.gather @!p0 [hbm4b:s4+s31], $0x400, $0x38;
	[tilespmem:$0x14600] =	vst v63  }
0x242: {  	s4 =	sadd.s32 @!p0 $0x1E8500, s0;
	s26 =	simm.s32 @!p0 $0x10A00  }
0x243: {  	[tilespmem:s26], [sflag:$0xD] =	stream.linear.gather @!p0 [hbm4b:s4+s31], $0x400, $0x38;
	[tilespmem:$0x14600] =	vst v63  }
0x244: {  	s0 =	sadd.s32 @!p0 $0x2DC780, s0;
	s4 =	simm.s32 @!p0 $0x10E00  }
0x245: {  	[tilespmem:s4], [sflag:$0xD] =	stream.linear.gather @!p0 [hbm4b:s0+s31], $0x400, $0x38;
	[tilespmem:$0x14600] =	vst v63  }
0x246: {  	_ =	swait.ge [sflag:s23], $0x400  }
0x247: {  	[sflag:s23] =	ssyncset.done $0x0  }
0x248: {  	[sflag:s23] =	ssyncadd.s32 $0xFFFFFC00  }
0x249: {  	_ =	swait.ge [sflag:s23], $0x400  }
0x24a: {  	[sflag:s23] =	ssyncset.done $0x0  }
0x24b: {  	[sflag:s23] =	ssyncadd.s32 $0xFFFFFC00  }
0x24c: {  	_ =	swait.ge [sflag:s23], $0x400  }
0x24d: {  	[sflag:s23] =	ssyncset.done $0x0  }
0x24e: {  	[sflag:s23] =	ssyncadd.s32 $0xFFFFFC00  }
0x24f: {  	_ =	swait.ge [sflag:s23], $0x400  }
0x250: {  	(v2sf) =	vpush @!p0 v35, $0xD;
	_ =	sdelay $0x5  }
0x251: {  	v31 =	vld [tilespmem:$0x1FF80]  }
0x252: {  	s4 =	sadd.s32 $0xFFFFFFFE, s30  }
0x253: {  	v27 =	vbroadcast v36, $0xD;
	v28 =	vmov s4  }
0x254: {  	v9 =	vmov v29;
	v29 =	vshll.u32 v28, $0x3  }
0x255: {  	v2 =	vmovc v30;
	v30 =	vadd.s32 v30, v27;
	v28 =	vand.u32 $0x7D, v28;
	v29 =	vand.u32 $0xC00, v29  }
0x256: {  	v28 =	vor.u32 v28, v29;
	v27 =	vadd.s32 v31, v27  }
0x257: {  	v31 =	vor.u32 v63, v28  }
0x258: {  	[sflag:s23] =	ssyncset.done $0x0;
	v28 =	vor.u32 v3, v28  }
0x259: {  	[sflag:s23] =	ssyncadd.s32 $0xFFFFFC00  }
0x25a: {  	v29 =	vld.idx.msk [tilespmem:v30+s12+$0x0], $0xffff;
	s0 =	spop @!p0 (v2sf)  }
0x25b: {  	v27 =	vld.idx.msk [tilespmem:v27+s12+$0x0], $0xffff;
	s0 =	sand.u32 @!p0 $0xFFFFF80, s0  }
0x25c: {  	s4 =	simm.s32 @!p0 $0x11200;
	v30 =	vld.idx.msk [tilespmem:v31+s11+$0x0], $0xffff;
	s0 =	sadd.s32 @!p0 s1, s0  }
0x25d: {  	v28 =	vld.idx.msk [tilespmem:v28+s11+$0x0], $0xffff;
	[tilespmem:s4], [sflag:$0xE] =	stream.linear.gather @!p0 [hbm4b:s0+s31], $0x400, $0x38  }
0x25e: {  	s26 =	simm.s32 @!p0 $0x11600;
	s4 =	sadd.s32 @!p0 $0xF4280, s0  }
0x25f: {  	[tilespmem:s26], [sflag:$0xE] =	stream.linear.gather @!p0 [hbm4b:s4+s31], $0x400, $0x38;
	[tilespmem:$0x14600] =	vst v63  }
0x260: {  	s4 =	sadd.s32 @!p0 $0x1E8500, s0;
	s26 =	simm.s32 @!p0 $0x11A00  }
0x261: {  	[tilespmem:s26], [sflag:$0xE] =	stream.linear.gather @!p0 [hbm4b:s4+s31], $0x400, $0x38;
	[tilespmem:$0x14600] =	vst v63  }
0x262: {  	s0 =	sadd.s32 @!p0 $0x2DC780, s0;
	s4 =	simm.s32 @!p0 $0x11E00  }
0x263: {  	[tilespmem:s4], [sflag:$0xE] =	stream.linear.gather @!p0 [hbm4b:s0+s31], $0x400, $0x38;
	[tilespmem:$0x14600] =	vst v63  }
0x264: {  	_ =	swait.ge [sflag:s24], $0x400  }
0x265: {  	v31 =	vld [tilespmem:$0x1FDF0];
	_ =	sdelay $0x3  }
0x266: {  	v41 =	vld [tilespmem:$0x1FE10]  }
0x267: {  	v31 =	vsub.f32 v38, v31;
	v38 =	vld [tilespmem:$0x1FE00]  }
0x268: {  	[sflag:s24] =	ssyncset.done $0x0  }
0x269: {  	[sflag:s24] =	ssyncadd.s32 $0xFFFFFC00;
	v31 =	vmul.f32 v31, v31  }
0x26a: {  	_ =	swait.ge [sflag:s24], $0x400  }
0x26b: {  	v31 =	vadd.f32 v31, v37;
	v37 =	vld [tilespmem:$0x1FE20]  }
0x26c: {  	v38 =	vsub.f32 v41, v38;
	v41 =	vld [tilespmem:$0x1FE30]  }
0x26d: {  	[sflag:s24] =	ssyncset.done $0x0  }
0x26e: {  	[sflag:s24] =	ssyncadd.s32 $0xFFFFFC00;
	v38 =	vmul.f32 v38, v38  }
0x26f: {  	_ =	swait.ge [sflag:s24], $0x400  }
0x270: {  	v31 =	vadd.f32 v38, v31;
	v38 =	vld [tilespmem:$0x1FE40]  }
0x271: {  	v37 =	vsub.f32 v41, v37;
	v41 =	vld [tilespmem:$0x1FE50]  }
0x272: {  	[sflag:s24] =	ssyncset.done $0x0  }
0x273: {  	[sflag:s24] =	ssyncadd.s32 $0xFFFFFC00;
	v37 =	vmul.f32 v37, v37  }
0x274: {  	_ =	swait.ge [sflag:s24], $0x400  }
0x275: {  	v31 =	vadd.f32 v37, v31;
	v37 =	vld [tilespmem:$0x1FE60]  }
0x276: {  	v38 =	vsub.f32 v41, v38;
	v41 =	vld [tilespmem:$0x1FE70];
	_ =	sdelay $0x1  }
0x277: {  	v38 =	vmul.f32 v38, v38;
	_ =	sdelay $0x1  }
0x278: {  	v31 =	vadd.f32 v38, v31;
	v38 =	vld [tilespmem:$0x1FE80]  }
0x279: {  	v37 =	vsub.f32 v41, v37;
	v41 =	vld [tilespmem:$0x1FE90];
	_ =	sdelay $0x4  }
0x27a: {  	v37 =	vmul.f32 v37, v37;
	v38 =	vsub.f32 v41, v38  }
0x27b: {  	v41 =	vld [tilespmem:$0x1FEA0]  }
0x27c: {  	v31 =	vadd.f32 v37, v31;
	v42 =	vmul.f32 v38, v38;
	_ =	sdelay $0x1  }
0x27d: {  	v31 =	vadd.f32 v42, v31;
	v42 =	vld [tilespmem:$0x1FEB0];
	_ =	sdelay $0x1  }
0x27e: {  	v38 =	vsub.f32 v39, v41;
	_ =	sdelay $0x1  }
0x27f: {  	s26 =	sadd.s32 $0xFFFFFFFF, s30;
	v38 =	vmul.f32 v38, v38  }
0x280: {  	v1 =	vld [tilespmem:$0x1FED0];
	v37 =	vsub.f32 v40, v42;
	v40 =	vmov s26  }
0x281: {  	v41 =	vld [tilespmem:$0x1FF90];
	v31 =	vadd.f32 v38, v31;
	v38 =	vshll.u32 v40, $0x3  }
0x282: {  	v42 =	vld [tilespmem:$0x1FEC0];
	v40 =	vand.u32 $0x7E, v40;
	v38 =	vand.u32 $0xC00, v38  }
0x283: {  	v38 =	vor.u32 v40, v38;
	v40 =	vld [tilespmem:$0x1FFA0];
	_ =	sdelay $0x2  }
0x284: {  	v39 =	vbroadcast v36, $0xE  }
0x285: {  	v42 =	vsub.f32 v1, v42;
	v1 =	vld [tilespmem:$0x1FEF0]  }
0x286: {  	v41 =	vadd.s32 v41, v39;
	v37 =	vmul.f32 v37, v37;
	v39 =	vadd.s32 v40, v39;
	v40 =	vld [tilespmem:$0x1FEE0];
	_ =	sdelay $0x1  }
0x287: {  	v31 =	vadd.f32 v37, v31;
	v42 =	vmul.f32 v42, v42;
	_ =	sdelay $0x1  }
0x288: {  	v31 =	vadd.f32 v42, v31;
	v42 =	vld [tilespmem:$0x1FF10]  }
0x289: {  	v40 =	vsub.f32 v1, v40;
	v1 =	vld [tilespmem:$0x1FF00];
	_ =	sdelay $0x1  }
0x28a: {  	(v2sf) =	vpush @!p0 v35, $0xE;
	v40 =	vmul.f32 v40, v40;
	_ =	sdelay $0x1  }
0x28b: {  	v31 =	vadd.f32 v40, v31;
	v40 =	vld [tilespmem:$0x1FF30]  }
0x28c: {  	v42 =	vsub.f32 v42, v1;
	v1 =	vld [tilespmem:$0x1FF20];
	_ =	sdelay $0x4  }
0x28d: {  	v40 =	vsub.f32 v40, v1;
	v1 =	vld [tilespmem:$0x1FF40];
	_ =	sdelay $0x2  }
0x28e: {  	[sflag:s24] =	ssyncset.done $0x0;
	v37 =	vor.u32 v63, v38;
	v42 =	vmul.f32 v42, v42  }
0x28f: {  	[sflag:s24] =	ssyncadd.s32 $0xFFFFFC00;
	v38 =	vor.u32 v3, v38  }
0x290: {  	v41 =	vld.idx.msk [tilespmem:v41+s12+$0x0], $0xffff;
	v31 =	vadd.f32 v42, v31;
	v0 =	vsub.f32 v0, v1;
	v1 =	vmul.f32 v40, v40  }
0x291: {  	v40 =	vld [tilespmem:$0x1FF60]  }
0x292: {  	s0 =	spop @!p0 (v2sf);
	v1 =	vadd.f32 v1, v31;
	v31 =	vld [tilespmem:$0x1FF50]  }
0x293: {  	s0 =	sand.u32 @!p0 $0xFFFFF80, s0;
	v37 =	vld.idx.msk [tilespmem:v37+s11+$0x0], $0xffff  }
0x294: {  	s4 =	simm.s32 @!p0 $0x12200;
	s0 =	sadd.s32 @!p0 s1, s0;
	v38 =	vld.idx.msk [tilespmem:v38+s11+$0x0], $0xffff;
	v0 =	vmul.f32 v0, v0  }
0x295: {  	v39 =	vld.idx.msk [tilespmem:v39+s12+$0x0], $0xffff;
	[tilespmem:s4], [sflag:$0xF] =	stream.linear.gather @!p0 [hbm4b:s0+s31], $0x400, $0x38  }
0x296: {  	s26 =	simm.s32 @!p0 $0x12600;
	s4 =	sadd.s32 @!p0 $0xF4280, s0;
	v0 =	vadd.f32 v0, v1;
	v1 =	vsub.f32 v4, v6;
	v4 =	vld [tilespmem:$0x1FF70]  }
0x297: {  	[tilespmem:s26], [sflag:$0xF] =	stream.linear.gather @!p0 [hbm4b:s4+s31], $0x400, $0x38;
	v31 =	vsub.f32 v40, v31;
	[tilespmem:$0x14600] =	vst v63  }
0x298: {  	s4 =	sadd.s32 @!p0 $0x1E8500, s0;
	s26 =	simm.s32 @!p0 $0x12A00  }
0x299: {  	[tilespmem:s26], [sflag:$0xF] =	stream.linear.gather @!p0 [hbm4b:s4+s31], $0x400, $0x38;
	v6 =	vmul.f32 v31, v31;
	[tilespmem:$0x14600] =	vst v63  }
0x29a: {  	s0 =	sadd.s32 @!p0 $0x2DC780, s0;
	s4 =	simm.s32 @!p0 $0x12E00  }
0x29b: {  	[tilespmem:s4], [sflag:$0xF] =	stream.linear.gather @!p0 [hbm4b:s0+s31], $0x400, $0x38;
	v1 =	vmul.f32 v1, v1;
	v4 =	vsub.f32 v62, v4;
	v0 =	vadd.f32 v6, v0;
	[tilespmem:$0x14600] =	vst v63  }
0x29c: {  	_ =	swait.ge [sflag:s25], $0x400  }
0x29d: {  	[sflag:s25] =	ssyncset.done $0x0;
	v4 =	vmul.f32 v4, v4;
	v0 =	vadd.f32 v1, v0;
	v1 =	vsub.f32 v49, v50  }
0x29e: {  	[sflag:s25] =	ssyncadd.s32 $0xFFFFFC00  }
0x29f: {  	_ =	swait.ge [sflag:s25], $0x400;
	v0 =	vadd.f32 v4, v0;
	v4 =	vsub.f32 v56, v57;
	v1 =	vmul.f32 v1, v1  }
0x2a0: {  	[sflag:s25] =	ssyncset.done $0x0  }
0x2a1: {  	[sflag:s25] =	ssyncadd.s32 $0xFFFFFC00;
	v0 =	vadd.f32 v1, v0;
	v1 =	vsub.f32 v44, v45;
	v4 =	vmul.f32 v4, v4  }
0x2a2: {  	_ =	swait.ge [sflag:s25], $0x400  }
0x2a3: {  	[sflag:s25] =	ssyncset.done $0x0;
	v0 =	vadd.f32 v4, v0;
	v1 =	vmul.f32 v1, v1;
	v4 =	vsub.f32 v46, v47  }
0x2a4: {  	[sflag:s25] =	ssyncadd.s32 $0xFFFFFC00  }
0x2a5: {  	_ =	swait.ge [sflag:s25], $0x400;
	v0 =	vadd.f32 v1, v0;
	v1 =	vsub.f32 v19, v17;
	v4 =	vmul.f32 v4, v4  }
0x2a6: {  	(v2sf) =	vpush @!p0 v35, $0xF  }
0x2a7: {  	v0 =	vadd.f32 v4, v0;
	v4 =	vsub.f32 v18, v16;
	v1 =	vmul.f32 v1, v1;
	_ =	sdelay $0x1  }
0x2a8: {  	v0 =	vadd.f32 v1, v0;
	v1 =	vsub.f32 v23, v21;
	v4 =	vmul.f32 v4, v4  }
0x2a9: {  	v6 =	vmov s30  }
0x2aa: {  	v0 =	vadd.f32 v4, v0;
	v4 =	vsub.f32 v22, v20;
	v1 =	vmul.f32 v1, v1  }
0x2ab: {  	v23 =	vmovc v5;
	v5 =	vbroadcast v36, $0xF;
	v22 =	vmovc v8;
	v8 =	vsub.f32 v26, v25;
	v26 =	vmov v10;
	v10 =	vld [tilespmem:$0x1FFF0]  }
0x2ac: {  	v0 =	vadd.f32 v1, v0;
	v1 =	vmul.f32 v4, v4;
	v4 =	vshll.u32 v6, $0x3  }
0x2ad: {  	v6 =	vand.u32 $0x7F, v6;
	v4 =	vand.u32 $0xC00, v4  }
0x2ae: {  	v21 =	vmovc v7;
	v7 =	vadd.s32 v55, v5;
	v8 =	vmul.f32 v8, v8;
	v4 =	vor.u32 v6, v4  }
0x2af: {  	v0 =	vadd.f32 v1, v0;
	v6 =	vsub.f32 v34, v24;
	v1 =	vor.u32 v63, v4  }
0x2b0: {  	v5 =	vadd.s32 v10, v5;
	v4 =	vor.u32 v3, v4  }
0x2b1: {  	[sflag:s25] =	ssyncset.done $0x0;
	v0 =	vadd.f32 v8, v0;
	v8 =	vsub.f32 v30, v29;
	v6 =	vmul.f32 v6, v6  }
0x2b2: {  	[sflag:s25] =	ssyncadd.s32 $0xFFFFFC00  }
0x2b3: {  	v7 =	vld.idx.msk [tilespmem:v7+s12+$0x0], $0xffff;
	v0 =	vadd.f32 v6, v0;
	v6 =	vsub.f32 v28, v27;
	v8 =	vmul.f32 v8, v8  }
0x2b4: {  	v1 =	vld.idx.msk [tilespmem:v1+s11+$0x0], $0xffff  }
0x2b5: {  	s0 =	spop @!p0 (v2sf);
	v5 =	vld.idx.msk [tilespmem:v5+s12+$0x0], $0xffff;
	v0 =	vadd.f32 v8, v0;
	v8 =	vsub.f32 v37, v41;
	v6 =	vmul.f32 v6, v6  }
0x2b6: {  	s30 =	sadd.s32 @!p0 $0x10, s30;
	s0 =	sand.u32 @!p0 $0xFFFFF80, s0;
	v4 =	vld.idx.msk [tilespmem:v4+s11+$0x0], $0xffff  }
0x2b7: {  	s4 =	simm.s32 @!p0 $0x13200;
	p1 =	sne.s32 @!p0 s30, $0x20F;
	s0 =	sadd.s32 @!p0 s1, s0;
	v0 =	vadd.f32 v6, v0;
	v6 =	vsub.f32 v38, v39;
	v8 =	vmul.f32 v8, v8  }
0x2b8: {  	[tilespmem:s4], [sflag:$0x10] =	stream.linear.gather @!p0 [hbm4b:s0+s31], $0x400, $0x38;
	[tilespmem:$0x14600] =	vst v63  }
0x2b9: {  	s26 =	simm.s32 @!p0 $0x13600;
	p1 =	por p0, !p1;
	s4 =	sadd.s32 @!p0 $0xF4280, s0;
	v0 =	vadd.f32 v8, v0;
	v6 =	vmul.f32 v6, v6;
	v1 =	vsub.f32 v1, v7  }
0x2ba: {  	[tilespmem:s26], [sflag:$0x10] =	stream.linear.gather @!p0 [hbm4b:s4+s31], $0x400, $0x38;
	[tilespmem:$0x14600] =	vst v63  }
.Ltmp0:
0x2bb: {  	v4 =	vsub.f32 v4, v5;
	v0 =	vadd.f32 v6, v0;
	v1 =	vmul.f32 v1, v1;
	(pc) =	sbr.rel @!p1 .LBB2_2-.Ltmp0, $4  }
0x2bc: {  	s4 =	sadd.s32 @!p0 $0x1E8500, s0;
	s26 =	simm.s32 @!p0 $0x13A00  }
0x2bd: {  	v8 =	vld [tilespmem:$0x1FFE0];
	[tilespmem:s26], [sflag:$0x10] =	stream.linear.gather @!p0 [hbm4b:s4+s31], $0x400, $0x38;
	v0 =	vadd.f32 v1, v0;
	v1 =	vmul.f32 v4, v4  }
0x2be: {  	s29 =	sadd.s32 @!p0 $0x1, s29;
	v19 =	vmov v15;
	v25 =	vmov v11;
	v24 =	vmov v14;
	s0 =	sadd.s32 @!p0 $0x2DC780, s0;
	s4 =	simm.s32 @!p0 $0x13E00;
	v7 =	vld [tilespmem:$0x1FFD0]  }
0x2bf: {  	v30 =	vmovc v2;
	v29 =	vmovc v9;
	v28 =	vmov v12;
	v27 =	vmov v13;
	v6 =	vld [tilespmem:$0x1FFC0];
	[tilespmem:s4], [sflag:$0x10] =	stream.linear.gather @!p0 [hbm4b:s0+s31], $0x400, $0x38;
	v37 =	vadd.f32 v1, v0  }
0x2c0: {  	v0 =	vimm.f32 $0.0e+00  }
0x2c1: {  	[tilespmem:$0x14210] =	vst v0  }
0x2c2: {  	[tilespmem:$0x14220] =	vst v0  }
0x2c3: {  	[tilespmem:$0x14230] =	vst v0  }
0x2c4: {  	[tilespmem:$0x14240] =	vst v0  }
0x2c5: {  	[tilespmem:$0x14250] =	vst v0  }
0x2c6: {  	[tilespmem:$0x14260] =	vst v0  }
0x2c7: {  	[tilespmem:$0x14270] =	vst v0  }
0x2c8: {  	[tilespmem:$0x14280] =	vst v0  }
0x2c9: {  	[tilespmem:$0x14290] =	vst v0  }
0x2ca: {  	[tilespmem:$0x142A0] =	vst v0  }
0x2cb: {  	[tilespmem:$0x142B0] =	vst v0  }
0x2cc: {  	[tilespmem:$0x142C0] =	vst v0  }
0x2cd: {  	[tilespmem:$0x142D0] =	vst v0  }
0x2ce: {  	[tilespmem:$0x142E0] =	vst v0  }
0x2cf: {  	[tilespmem:$0x142F0] =	vst v0  }
0x2d0: {  	[tilespmem:$0x14300] =	vst v0  }
0x2d1: {  	[tilespmem:$0x14310] =	vst v0  }
0x2d2: {  	[tilespmem:$0x14320] =	vst v0  }
0x2d3: {  	[tilespmem:$0x14330] =	vst v0  }
0x2d4: {  	[tilespmem:$0x14340] =	vst v0  }
0x2d5: {  	[tilespmem:$0x14350] =	vst v0  }
0x2d6: {  	[tilespmem:$0x14360] =	vst v0  }
0x2d7: {  	[tilespmem:$0x14370] =	vst v0  }
0x2d8: {  	[tilespmem:$0x14380] =	vst v0  }
0x2d9: {  	[tilespmem:$0x14390] =	vst v0  }
0x2da: {  	[tilespmem:$0x143A0] =	vst v0  }
0x2db: {  	[tilespmem:$0x143B0] =	vst v0  }
0x2dc: {  	[tilespmem:$0x143C0] =	vst v0  }
0x2dd: {  	[tilespmem:$0x143D0] =	vst v0  }
0x2de: {  	[tilespmem:$0x143E0] =	vst v0  }
0x2df: {  	[tilespmem:$0x143F0] =	vst v0  }
0x2e0: {  	[tilespmem:$0x14400] =	vst v0  }
0x2e1: {  	[tilespmem:$0x14410] =	vst v0  }
0x2e2: {  	[tilespmem:$0x14420] =	vst v0  }
0x2e3: {  	[tilespmem:$0x14430] =	vst v0  }
0x2e4: {  	[tilespmem:$0x14440] =	vst v0  }
0x2e5: {  	[tilespmem:$0x14450] =	vst v0  }
0x2e6: {  	[tilespmem:$0x14460] =	vst v0  }
0x2e7: {  	[tilespmem:$0x14470] =	vst v0  }
0x2e8: {  	[tilespmem:$0x14480] =	vst v0  }
0x2e9: {  	[tilespmem:$0x14490] =	vst v0  }
0x2ea: {  	[tilespmem:$0x144A0] =	vst v0  }
0x2eb: {  	[tilespmem:$0x144B0] =	vst v0  }
0x2ec: {  	[tilespmem:$0x144C0] =	vst v0  }
0x2ed: {  	[tilespmem:$0x144D0] =	vst v0  }
0x2ee: {  	[tilespmem:$0x144E0] =	vst v0  }
0x2ef: {  	[tilespmem:$0x144F0] =	vst v0  }
0x2f0: {  	[tilespmem:$0x14500] =	vst v0  }
0x2f1: {  	[tilespmem:$0x14510] =	vst v0  }
0x2f2: {  	[tilespmem:$0x14520] =	vst v0  }
0x2f3: {  	[tilespmem:$0x14530] =	vst v0  }
0x2f4: {  	[tilespmem:$0x14540] =	vst v0  }
0x2f5: {  	[tilespmem:$0x14550] =	vst v0  }
0x2f6: {  	[tilespmem:$0x14560] =	vst v0  }
0x2f7: {  	[tilespmem:$0x14570] =	vst v0  }
0x2f8: {  	[tilespmem:$0x14580] =	vst v0  }
0x2f9: {  	[tilespmem:$0x14590] =	vst v0  }
0x2fa: {  	[tilespmem:$0x145A0] =	vst v0  }
0x2fb: {  	[tilespmem:$0x145B0] =	vst v0  }
0x2fc: {  	[tilespmem:$0x145C0] =	vst v0  }
0x2fd: {  	[tilespmem:$0x145D0] =	vst v0  }
0x2fe: {  	s28 =	sadd.s32 $0x1, s28;
	[tilespmem:$0x145E0] =	vst v0  }
0x2ff: {  	[tilespmem:$0x145F0] =	vst v0;
	p0 =	sne.s32 s28, s7  }
.Ltmp1:
0x300: {  	s0 =	simm.s32 $0x14200;
	[tilespmem:$0x14200] =	vst v37;
	(pc) =	sbr.rel @p0 .LBB2_1-.Ltmp1, $4  }
0x301: {  	[hbm4b:s6+s3] =	stream.linear.scatter [tilespmem:s0], [sflag:$0x11], $0x400, $0x38;
	[tilespmem:$0x14600] =	vst v63  }
0x302: {  	_ =	swait.ge [sflag:s8], $0x400  }
0x303: {  	[sflag:s8] =	ssyncset.done $0x0  }
0x304: {  	[sflag:s8] =	ssyncadd.s32 $0xFFFFFC00  }
0x305: {  	_ =	sfence.sel $0x180000  }
0x306: {  	[bflag:$0x0] =	sbarrier.arrive $0xFFFF  }
0x307: {  	_ =	strace $0x90000047  }
0x308: {  	s0 =	stileid.u32;
	[bflag:$0x2] =	sbarrier.arrive $0xFFFF  }
0x309: {  	p0 =	sne.s32 s0, $0x0;
	s0 =	rddreg [dreg:$0x4]  }
0x30a: {  	s0 =	sadd.s32 @!p0 $0x100000, s0  }
0x30b: {  	[sflag:s0] =	ssyncadd.tile.s32 @!p0 $0x1;
	_ =	shalt  }
.Lfunc_end2:
_tile_overlayer_lowered:
.L_overlay_start_2:
0x30c: {  	(tag) =	ssettag $0x2  }
0x30d: {  	s0 =	rddreg [dreg:$0x0];
	s2 =	stileid.u32  }
0x30e: {  	s1 =	rddreg [dreg:$0x1];
	p0 =	sne.s32 s2, $0x0  }
0x30f: {  	s3 =	rddreg [dreg:$0x2];
	[bflag:$0x3] =	sbarrier.arrive $0xFFFF;
	s2 =	simm.s32 @!p0 $0x1C11  }
0x310: {  	[timem:s3], [sflag:s2] =	dma.local @!p0 [hbm:s0], s1  }
0x311: {  	s0 =	simm.s32 @!p0 $0x11  }
0x312: {  	_ =	swait.ge @!p0 [sflag:s0], s1  }
0x313: {  	s1 =	ssub.s32 @!p0 $0x0, s1;
	[sflag:s0] =	ssyncset.done @!p0 $0x0  }
0x314: {  	[sflag:s0] =	ssyncadd.s32 @!p0 s1  }
0x315: {  	[bflag:$0x3] =	sbarrier.arrive $0xFFFF  }
0x316: {  	_ =	shalt  }

</sc_bundles>
